<compile_context>
chip_gen: v7x
topology: tpu7x:2x2x1
jax: 0.10.2.dev20260603
libtpu: 0.0.44.dev20260713+nightly
codegen_flags: <defaults>
</compile_context>

<pallas_src>
import functools

import jax
import jax.numpy as jnp
from jax import lax
from jax.experimental import pallas as pl
from jax.experimental.pallas import tpu as pltpu
from jax.experimental.pallas import tpu_sc as plsc

HEADS = 32
BUCKET_SIZE = 64
MAX_BUCKETS = 64
DIM = 256
TEMPERATURE = 0.7

BH = 64
BH_BLOCK = 4
LANES = 16
WORKERS = 32
BH_PER_WORKER = BH // WORKERS


def _tc_body(q_ref, k_ref, w_ref, o_ref):
    for b in range(BH_BLOCK):
        qs = jnp.sum(q_ref[b].reshape(MAX_BUCKETS, BUCKET_SIZE, 128), axis=1)
        ks = jnp.sum(k_ref[b].reshape(MAX_BUCKETS, BUCKET_SIZE, 128), axis=1)
        w = w_ref[0, b]
        r = jnp.dot(qs, w[:128, :], preferred_element_type=jnp.float32)
        r = r + jnp.dot(ks, w[128:, :], preferred_element_type=jnp.float32)
        r = jnp.maximum(r, 0.0)
        o_ref[b] = r.T


def _tc_logits(q, k, linear):
    return pl.pallas_call(
        _tc_body,
        grid=(BH // BH_BLOCK,),
        in_specs=[
            pl.BlockSpec((BH_BLOCK, 4096, 128), lambda i: (i, 0, 0)),
            pl.BlockSpec((BH_BLOCK, 4096, 128), lambda i: (i, 0, 0)),
            pl.BlockSpec((1, BH_BLOCK, DIM, MAX_BUCKETS),
                         lambda i: (0, i % (HEADS // BH_BLOCK), 0, 0)),
        ],
        out_specs=pl.BlockSpec((BH_BLOCK, MAX_BUCKETS, MAX_BUCKETS),
                               lambda i: (i, 0, 0)),
        out_shape=jax.ShapeDtypeStruct((BH, MAX_BUCKETS, MAX_BUCKETS),
                                       jnp.float32),
    )(q, k, linear)


PER_W = BH_PER_WORKER * MAX_BUCKETS * MAX_BUCKETS


def _sc_route_body(rt_hbm, out_hbm, rt_v, out_v):
    wid = lax.axis_index("s") * 2 + lax.axis_index("c")
    base = wid * PER_W
    pltpu.sync_copy(rt_hbm.at[pl.ds(base, PER_W)], rt_v)

    inv_t = jnp.float32(1.0 / TEMPERATURE)

    def _chunk(rc, _):
        off = (rc // 4) * MAX_BUCKETS * MAX_BUCKETS + (rc % 4) * LANES
        m = rt_v[pl.ds(off, LANES)]
        idx = jnp.zeros((LANES,), jnp.int32)
        for j in range(1, MAX_BUCKETS):
            v = rt_v[pl.ds(off + j * MAX_BUCKETS, LANES)]
            gt = v > m
            m = jnp.where(gt, v, m)
            idx = jnp.where(gt, j, idx)
        s = jnp.zeros((LANES,), jnp.float32)
        for j in range(MAX_BUCKETS):
            v = rt_v[pl.ds(off + j * MAX_BUCKETS, LANES)]
            s = s + jnp.exp((v - m) * inv_t)
        val = 1.0 / s
        for j in range(MAX_BUCKETS):
            out_v[pl.ds(off + j * MAX_BUCKETS, LANES)] = jnp.where(
                idx == j, val, 0.0)
        return 0

    lax.fori_loop(0, 2 * 4, _chunk, 0)

    pltpu.sync_copy(out_v, out_hbm.at[pl.ds(base, PER_W)])


@functools.cache
def _sc_route():
    return pl.kernel(
        _sc_route_body,
        out_type=jax.ShapeDtypeStruct((BH * MAX_BUCKETS * MAX_BUCKETS,),
                                      jnp.float32),
        mesh=plsc.VectorSubcoreMesh(
            core_axis_name="c", subcore_axis_name="s",
            num_cores=2, num_subcores=16),
        scratch_types=[
            pltpu.VMEM((PER_W,), jnp.float32),
            pltpu.VMEM((PER_W,), jnp.float32),
        ],
    )


def _tr_body(i_ref, o_ref):
    for b in range(i_ref.shape[0]):
        o_ref[b] = i_ref[b].T


def _tc_untranspose(out_t):
    blk = 16
    return pl.pallas_call(
        _tr_body,
        grid=(BH // blk,),
        in_specs=[pl.BlockSpec((blk, MAX_BUCKETS, MAX_BUCKETS),
                               lambda i: (i, 0, 0))],
        out_specs=pl.BlockSpec((blk, MAX_BUCKETS, MAX_BUCKETS),
                               lambda i: (i, 0, 0)),
        out_shape=jax.ShapeDtypeStruct((BH, MAX_BUCKETS, MAX_BUCKETS),
                                       jnp.float32),
    )(out_t)


def kernel(q, k, linear, topk):
    rt = _tc_logits(q, k, linear)
    out_t = _sc_route()(rt.reshape(-1))
    return _tc_untranspose(out_t.reshape(BH, MAX_BUCKETS, MAX_BUCKETS))

# --- scband reference (transcript-rebuilt; emitter-appended) ---
"""Pipeline reference for scband-simple-sort-net-26465588478195 (READ-ONLY COPY).

The authoritative reference and input builder live on the scoring server;
editing this copy changes nothing except your own understanding.
"""

import jax, jax.numpy as jnp
import numpy as np

HEADS = 32
BUCKET_SIZE = 64
MAX_BUCKETS = 64
DIM = 256
TEMPERATURE = 0.7


def setup_inputs(seed: int = 0) -> dict:
    key = jax.random.key(seed)
    k1, k2, k3 = jax.random.split(key, 3)
    q = jax.random.normal(k1, (64, 4096, 128), dtype=jnp.float32)
    k = jax.random.normal(k2, (64, 4096, 128), dtype=jnp.float32)
    linear = jax.random.normal(k3, (1, HEADS, DIM, MAX_BUCKETS), dtype=jnp.float32)
    return {"q": q, "k": k, "linear": linear, "topk": 1}


def _differentiable_topk(x, kk, temperature):
    n, dim = x.shape[-2], x.shape[-1]
    topk_tensors = []
    for i in range(kk):
        sm = jax.nn.softmax(x / temperature, axis=-1)
        values, indices = jax.lax.top_k(sm, 1)
        oh = jax.nn.one_hot(indices[..., 0], dim, dtype=x.dtype)
        topk_tensors.append(oh * values)
        if i != kk - 1:
            x = jnp.where(oh > 0, float('-inf'), x)
    out = jnp.concatenate(topk_tensors, axis=-1)
    return out.reshape(x.shape[0], kk * n, dim)


def _forward(q, k, linear, topk):
    bh, t, _ = q.shape
    b = bh // HEADS
    buckets = t // BUCKET_SIZE
    b_q = q.reshape(bh, buckets, BUCKET_SIZE, -1)
    b_k = k.reshape(bh, buckets, BUCKET_SIZE, -1)
    x = jnp.concatenate((b_q.sum(axis=2), b_k.sum(axis=2)), axis=-1)
    W = jnp.broadcast_to(linear, (b, HEADS, DIM, MAX_BUCKETS)).reshape(b * HEADS, DIM, MAX_BUCKETS)
    R = jax.nn.relu(jnp.einsum('bnd,bdm->bnm', x, W))
    topk_arr = jnp.asarray(topk)
    R = R * (topk_arr - topk_arr + 1).astype(R.dtype)
    return _differentiable_topk(R, 1, TEMPERATURE)


def reference(q, k, linear, topk):
    return _forward(q, k, linear, topk)

if __name__ == "__main__":
    import jax
    _d = setup_inputs()
    print(jax.jit(kernel)(*tuple(_d.values())))

</pallas_src>

<mosaic_0001>
#map = affine_map<(d0, d1) -> (0)>
module attributes {stable_mosaic.version = 14 : i64} {
  func.func @_sc_route_body(%arg0: i32, %arg1: i32, %arg2: memref<262144xf32, #tpu.memory_space<hbm>>, %arg3: memref<262144xf32, #tpu.memory_space<hbm>>, %arg4: memref<8192xf32, #tpu.memory_space<vmem>>, %arg5: memref<8192xf32, #tpu.memory_space<vmem>>) attributes {dimension_semantics = [#tpu.dimension_semantics<core_parallel>, #tpu.dimension_semantics<subcore_parallel>], iteration_bounds = array<i64: 2, 16>, scalar_prefetch = 0 : i64, scratch_operands = 2 : i64, tpu.core_type = #tpu.core_type<sc_vector_subcore>, window_params = [{transform_indices = #map}, {transform_indices = #map}]} {
    %mul3A = arith.constant 2 : i32
    %mul3A_0 = arith.muli %arg1, %mul3A : i32
    %add3A = arith.addi %mul3A_0, %arg0 : i32
    %mul3A_1 = arith.constant 8192 : i32
    %mul3A_2 = arith.muli %add3A, %mul3A_1 : i32
    "tpu.region"() ({
      %run_scoped3A = tpu.sem_alloc : memref<!tpu.dma_semaphore, #tpu.memory_space<semaphore_mem>>
      %dma_start3A = tpu.memref_slice %arg2[%mul3A_2] : memref<262144xf32, #tpu.memory_space<hbm>> -> memref<8192xf32, #tpu.memory_space<hbm>>
      %dma_start3A_10 = tpu.memref_slice %arg2[%mul3A_2] : memref<262144xf32, #tpu.memory_space<hbm>> -> memref<8192xf32, #tpu.memory_space<hbm>>
      tpu.enqueue_dma source(%dma_start3A_10 : memref<8192xf32, #tpu.memory_space<hbm>>) target(%arg4 : memref<8192xf32, #tpu.memory_space<vmem>>) target_semaphore(%run_scoped3A : memref<!tpu.dma_semaphore, #tpu.memory_space<semaphore_mem>>)
      %dma_wait3A = tpu.memref_slice %arg2[%mul3A_2] : memref<262144xf32, #tpu.memory_space<hbm>> -> memref<8192xf32, #tpu.memory_space<hbm>>
      %dma_wait3A_11 = tpu.memref_slice %arg2[%mul3A_2] : memref<262144xf32, #tpu.memory_space<hbm>> -> memref<8192xf32, #tpu.memory_space<hbm>>
      tpu.wait_dma2 semaphore(%run_scoped3A : memref<!tpu.dma_semaphore, #tpu.memory_space<semaphore_mem>>) src(%dma_wait3A_11 : memref<8192xf32, #tpu.memory_space<hbm>>) dst(%arg4 : memref<8192xf32, #tpu.memory_space<vmem>>)
      tpu.yield
    }) : () -> ()
    %scan3A = arith.constant 1.42857146 : f32
    %scan3A_3 = arith.constant 0 : i32
    %scan3A_4 = arith.constant 0 : i32
    %scan3A_5 = arith.constant 8 : i32
    %scan3A_6 = arith.addi %scan3A_4, %scan3A_5 : i32
    %scan3A_7 = arith.constant 1 : i32
    %scan3A_8 = scf.for %scan3A_10 = %scan3A_4 to %scan3A_6 step %scan3A_7 iter_args(%scan3A_11 = %scan3A_3) -> (i32)  : i32 {
      %jit3A = arith.constant 4 : i32
      %div3A = arith.divsi %scan3A_10, %jit3A : i32
      %sign3A = arith.constant 0 : i32
      %sign3A_12 = arith.cmpi sgt, %scan3A_10, %sign3A : i32
      %sign3A_13 = arith.extui %sign3A_12 : i1 to i32
      %sign3A_14 = arith.constant 0 : i32
      %sign3A_15 = arith.cmpi slt, %scan3A_10, %sign3A_14 : i32
      %sign3A_16 = arith.extui %sign3A_15 : i1 to i32
      %sign3A_17 = arith.subi %sign3A_13, %sign3A_16 : i32
      %sign3A_18 = arith.constant 0 : i32
      %sign3A_19 = arith.cmpi sgt, %jit3A, %sign3A_18 : i32
      %sign3A_20 = arith.extui %sign3A_19 : i1 to i32
      %sign3A_21 = arith.constant 0 : i32
      %sign3A_22 = arith.cmpi slt, %jit3A, %sign3A_21 : i32
      %sign3A_23 = arith.extui %sign3A_22 : i1 to i32
      %sign3A_24 = arith.subi %sign3A_20, %sign3A_23 : i32
      %ne3A = arith.cmpi ne, %sign3A_17, %sign3A_24 : i32
      %rem3A = arith.remsi %scan3A_10, %jit3A : i32
      %ne3A_25 = arith.constant 0 : i32
      %ne3A_26 = arith.cmpi ne, %rem3A, %ne3A_25 : i32
      %and3A = arith.andi %ne3A, %ne3A_26 : i1
      %sub3A = arith.constant 1 : i32
      %sub3A_27 = arith.subi %div3A, %sub3A : i32
      %select_n3A = arith.select %and3A, %sub3A_27, %div3A : i32
      %mul3A_28 = arith.constant 64 : i32
      %mul3A_29 = arith.muli %select_n3A, %mul3A_28 : i32
      %mul3A_30 = arith.constant 64 : i32
      %mul3A_31 = arith.muli %mul3A_29, %mul3A_30 : i32
      %jit3A_32 = arith.constant 4 : i32
      %eq3A = arith.constant 0 : i32
      %eq3A_33 = arith.cmpi eq, %jit3A_32, %eq3A : i32
      %jit3A_34 = arith.constant 1 : i32
      %select_n3A_35 = arith.select %eq3A_33, %jit3A_34, %jit3A_32 : i32
      %rem3A_36 = arith.remsi %scan3A_10, %select_n3A_35 : i32
      %ne3A_37 = arith.constant 0 : i32
      %ne3A_38 = arith.cmpi ne, %rem3A_36, %ne3A_37 : i32
      %lt3A = arith.constant 0 : i32
      %lt3A_39 = arith.cmpi slt, %rem3A_36, %lt3A : i32
      %lt3A_40 = arith.constant 0 : i32
      %lt3A_41 = arith.cmpi slt, %select_n3A_35, %lt3A_40 : i32
      %ne3A_42 = arith.xori %lt3A_39, %lt3A_41 : i1
      %and3A_43 = arith.andi %ne3A_42, %ne3A_38 : i1
      %add3A_44 = arith.addi %rem3A_36, %select_n3A_35 : i32
      %select_n3A_45 = arith.select %and3A_43, %add3A_44, %rem3A_36 : i32
      %mul3A_46 = arith.constant 16 : i32
      %mul3A_47 = arith.muli %select_n3A_45, %mul3A_46 : i32
      %add3A_48 = arith.addi %mul3A_31, %mul3A_47 : i32
      %get3A = arith.index_cast %add3A_48 : i32 to index
      %get3A_49 = tpu.vector_load %arg4[%get3A] {strides = array<i32>} : memref<8192xf32, #tpu.memory_space<vmem>>, vector<16xf32>,
      %get3A_50 = vector.shape_cast %get3A_49 : vector<16xf32> to vector<16xf32>
      %broadcast_in_dim3A = arith.constant 0 : i32
      %broadcast_in_dim3A_51 = vector.broadcast %broadcast_in_dim3A : i32 to vector<16xi32>
      %add3A_52 = arith.constant 64 : i32
      %add3A_53 = arith.addi %add3A_48, %add3A_52 : i32
      %get3A_54 = arith.index_cast %add3A_53 : i32 to index
      %get3A_55 = tpu.vector_load %arg4[%get3A_54] {strides = array<i32>} : memref<8192xf32, #tpu.memory_space<vmem>>, vector<16xf32>,
      %get3A_56 = vector.shape_cast %get3A_55 : vector<16xf32> to vector<16xf32>
      %gt3A = arith.cmpf ogt, %get3A_56, %get3A_50 : vector<16xf32>
      %select_n3A_57 = arith.select %gt3A, %get3A_56, %get3A_50 : vector<16xi1>, vector<16xf32>
      %jit3A_58 = arith.constant 1 : i32
      %broadcast_in_dim3A_59 = vector.broadcast %jit3A_58 : i32 to vector<16xi32>
      %select_n3A_60 = arith.select %gt3A, %broadcast_in_dim3A_59, %broadcast_in_dim3A_51 : vector<16xi1>, vector<16xi32>
      %add3A_61 = arith.constant 128 : i32
      %add3A_62 = arith.addi %add3A_48, %add3A_61 : i32
      %get3A_63 = arith.index_cast %add3A_62 : i32 to index
      %get3A_64 = tpu.vector_load %arg4[%get3A_63] {strides = array<i32>} : memref<8192xf32, #tpu.memory_space<vmem>>, vector<16xf32>,
      %get3A_65 = vector.shape_cast %get3A_64 : vector<16xf32> to vector<16xf32>
      %gt3A_66 = arith.cmpf ogt, %get3A_65, %select_n3A_57 : vector<16xf32>
      %select_n3A_67 = arith.select %gt3A_66, %get3A_65, %select_n3A_57 : vector<16xi1>, vector<16xf32>
      %jit3A_68 = arith.constant 2 : i32
      %broadcast_in_dim3A_69 = vector.broadcast %jit3A_68 : i32 to vector<16xi32>
      %select_n3A_70 = arith.select %gt3A_66, %broadcast_in_dim3A_69, %select_n3A_60 : vector<16xi1>, vector<16xi32>
      %add3A_71 = arith.constant 192 : i32
      %add3A_72 = arith.addi %add3A_48, %add3A_71 : i32
      %get3A_73 = arith.index_cast %add3A_72 : i32 to index
      %get3A_74 = tpu.vector_load %arg4[%get3A_73] {strides = array<i32>} : memref<8192xf32, #tpu.memory_space<vmem>>, vector<16xf32>,
      %get3A_75 = vector.shape_cast %get3A_74 : vector<16xf32> to vector<16xf32>
      %gt3A_76 = arith.cmpf ogt, %get3A_75, %select_n3A_67 : vector<16xf32>
      %select_n3A_77 = arith.select %gt3A_76, %get3A_75, %select_n3A_67 : vector<16xi1>, vector<16xf32>
      %jit3A_78 = arith.constant 3 : i32
      %broadcast_in_dim3A_79 = vector.broadcast %jit3A_78 : i32 to vector<16xi32>
      %select_n3A_80 = arith.select %gt3A_76, %broadcast_in_dim3A_79, %select_n3A_70 : vector<16xi1>, vector<16xi32>
      %add3A_81 = arith.constant 256 : i32
      %add3A_82 = arith.addi %add3A_48, %add3A_81 : i32
      %get3A_83 = arith.index_cast %add3A_82 : i32 to index
      %get3A_84 = tpu.vector_load %arg4[%get3A_83] {strides = array<i32>} : memref<8192xf32, #tpu.memory_space<vmem>>, vector<16xf32>,
      %get3A_85 = vector.shape_cast %get3A_84 : vector<16xf32> to vector<16xf32>
      %gt3A_86 = arith.cmpf ogt, %get3A_85, %select_n3A_77 : vector<16xf32>
      %select_n3A_87 = arith.select %gt3A_86, %get3A_85, %select_n3A_77 : vector<16xi1>, vector<16xf32>
      %jit3A_88 = arith.constant 4 : i32
      %broadcast_in_dim3A_89 = vector.broadcast %jit3A_88 : i32 to vector<16xi32>
      %select_n3A_90 = arith.select %gt3A_86, %broadcast_in_dim3A_89, %select_n3A_80 : vector<16xi1>, vector<16xi32>
      %add3A_91 = arith.constant 320 : i32
      %add3A_92 = arith.addi %add3A_48, %add3A_91 : i32
      %get3A_93 = arith.index_cast %add3A_92 : i32 to index
      %get3A_94 = tpu.vector_load %arg4[%get3A_93] {strides = array<i32>} : memref<8192xf32, #tpu.memory_space<vmem>>, vector<16xf32>,
      %get3A_95 = vector.shape_cast %get3A_94 : vector<16xf32> to vector<16xf32>
      %gt3A_96 = arith.cmpf ogt, %get3A_95, %select_n3A_87 : vector<16xf32>
      %select_n3A_97 = arith.select %gt3A_96, %get3A_95, %select_n3A_87 : vector<16xi1>, vector<16xf32>
      %jit3A_98 = arith.constant 5 : i32
      %broadcast_in_dim3A_99 = vector.broadcast %jit3A_98 : i32 to vector<16xi32>
      %select_n3A_100 = arith.select %gt3A_96, %broadcast_in_dim3A_99, %select_n3A_90 : vector<16xi1>, vector<16xi32>
      %add3A_101 = arith.constant 384 : i32
      %add3A_102 = arith.addi %add3A_48, %add3A_101 : i32
      %get3A_103 = arith.index_cast %add3A_102 : i32 to index
      %get3A_104 = tpu.vector_load %arg4[%get3A_103] {strides = array<i32>} : memref<8192xf32, #tpu.memory_space<vmem>>, vector<16xf32>,
      %get3A_105 = vector.shape_cast %get3A_104 : vector<16xf32> to vector<16xf32>
      %gt3A_106 = arith.cmpf ogt, %get3A_105, %select_n3A_97 : vector<16xf32>
      %select_n3A_107 = arith.select %gt3A_106, %get3A_105, %select_n3A_97 : vector<16xi1>, vector<16xf32>
      %jit3A_108 = arith.constant 6 : i32
      %broadcast_in_dim3A_109 = vector.broadcast %jit3A_108 : i32 to vector<16xi32>
      %select_n3A_110 = arith.select %gt3A_106, %broadcast_in_dim3A_109, %select_n3A_100 : vector<16xi1>, vector<16xi32>
      %add3A_111 = arith.constant 448 : i32
      %add3A_112 = arith.addi %add3A_48, %add3A_111 : i32
      %get3A_113 = arith.index_cast %add3A_112 : i32 to index
      %get3A_114 = tpu.vector_load %arg4[%get3A_113] {strides = array<i32>} : memref<8192xf32, #tpu.memory_space<vmem>>, vector<16xf32>,
      %get3A_115 = vector.shape_cast %get3A_114 : vector<16xf32> to vector<16xf32>
      %gt3A_116 = arith.cmpf ogt, %get3A_115, %select_n3A_107 : vector<16xf32>
      %select_n3A_117 = arith.select %gt3A_116, %get3A_115, %select_n3A_107 : vector<16xi1>, vector<16xf32>
      %jit3A_118 = arith.constant 7 : i32
      %broadcast_in_dim3A_119 = vector.broadcast %jit3A_118 : i32 to vector<16xi32>
      %select_n3A_120 = arith.select %gt3A_116, %broadcast_in_dim3A_119, %select_n3A_110 : vector<16xi1>, vector<16xi32>
      %add3A_121 = arith.constant 512 : i32
      %add3A_122 = arith.addi %add3A_48, %add3A_121 : i32
      %get3A_123 = arith.index_cast %add3A_122 : i32 to index
      %get3A_124 = tpu.vector_load %arg4[%get3A_123] {strides = array<i32>} : memref<8192xf32, #tpu.memory_space<vmem>>, vector<16xf32>,
      %get3A_125 = vector.shape_cast %get3A_124 : vector<16xf32> to vector<16xf32>
      %gt3A_126 = arith.cmpf ogt, %get3A_125, %select_n3A_117 : vector<16xf32>
      %select_n3A_127 = arith.select %gt3A_126, %get3A_125, %select_n3A_117 : vector<16xi1>, vector<16xf32>
      %jit3A_128 = arith.constant 8 : i32
      %broadcast_in_dim3A_129 = vector.broadcast %jit3A_128 : i32 to vector<16xi32>
      %select_n3A_130 = arith.select %gt3A_126, %broadcast_in_dim3A_129, %select_n3A_120 : vector<16xi1>, vector<16xi32>
      %add3A_131 = arith.constant 576 : i32
      %add3A_132 = arith.addi %add3A_48, %add3A_131 : i32
      %get3A_133 = arith.index_cast %add3A_132 : i32 to index
      %get3A_134 = tpu.vector_load %arg4[%get3A_133] {strides = array<i32>} : memref<8192xf32, #tpu.memory_space<vmem>>, vector<16xf32>,
      %get3A_135 = vector.shape_cast %get3A_134 : vector<16xf32> to vector<16xf32>
      %gt3A_136 = arith.cmpf ogt, %get3A_135, %select_n3A_127 : vector<16xf32>
      %select_n3A_137 = arith.select %gt3A_136, %get3A_135, %select_n3A_127 : vector<16xi1>, vector<16xf32>
      %jit3A_138 = arith.constant 9 : i32
      %broadcast_in_dim3A_139 = vector.broadcast %jit3A_138 : i32 to vector<16xi32>
      %select_n3A_140 = arith.select %gt3A_136, %broadcast_in_dim3A_139, %select_n3A_130 : vector<16xi1>, vector<16xi32>
      %add3A_141 = arith.constant 640 : i32
      %add3A_142 = arith.addi %add3A_48, %add3A_141 : i32
      %get3A_143 = arith.index_cast %add3A_142 : i32 to index
      %get3A_144 = tpu.vector_load %arg4[%get3A_143] {strides = array<i32>} : memref<8192xf32, #tpu.memory_space<vmem>>, vector<16xf32>,
      %get3A_145 = vector.shape_cast %get3A_144 : vector<16xf32> to vector<16xf32>
      %gt3A_146 = arith.cmpf ogt, %get3A_145, %select_n3A_137 : vector<16xf32>
      %select_n3A_147 = arith.select %gt3A_146, %get3A_145, %select_n3A_137 : vector<16xi1>, vector<16xf32>
      %jit3A_148 = arith.constant 10 : i32
      %broadcast_in_dim3A_149 = vector.broadcast %jit3A_148 : i32 to vector<16xi32>
      %select_n3A_150 = arith.select %gt3A_146, %broadcast_in_dim3A_149, %select_n3A_140 : vector<16xi1>, vector<16xi32>
      %add3A_151 = arith.constant 704 : i32
      %add3A_152 = arith.addi %add3A_48, %add3A_151 : i32
      %get3A_153 = arith.index_cast %add3A_152 : i32 to index
      %get3A_154 = tpu.vector_load %arg4[%get3A_153] {strides = array<i32>} : memref<8192xf32, #tpu.memory_space<vmem>>, vector<16xf32>,
      %get3A_155 = vector.shape_cast %get3A_154 : vector<16xf32> to vector<16xf32>
      %gt3A_156 = arith.cmpf ogt, %get3A_155, %select_n3A_147 : vector<16xf32>
      %select_n3A_157 = arith.select %gt3A_156, %get3A_155, %select_n3A_147 : vector<16xi1>, vector<16xf32>
      %jit3A_158 = arith.constant 11 : i32
      %broadcast_in_dim3A_159 = vector.broadcast %jit3A_158 : i32 to vector<16xi32>
      %select_n3A_160 = arith.select %gt3A_156, %broadcast_in_dim3A_159, %select_n3A_150 : vector<16xi1>, vector<16xi32>
      %add3A_161 = arith.constant 768 : i32
      %add3A_162 = arith.addi %add3A_48, %add3A_161 : i32
      %get3A_163 = arith.index_cast %add3A_162 : i32 to index
      %get3A_164 = tpu.vector_load %arg4[%get3A_163] {strides = array<i32>} : memref<8192xf32, #tpu.memory_space<vmem>>, vector<16xf32>,
      %get3A_165 = vector.shape_cast %get3A_164 : vector<16xf32> to vector<16xf32>
      %gt3A_166 = arith.cmpf ogt, %get3A_165, %select_n3A_157 : vector<16xf32>
      %select_n3A_167 = arith.select %gt3A_166, %get3A_165, %select_n3A_157 : vector<16xi1>, vector<16xf32>
      %jit3A_168 = arith.constant 12 : i32
      %broadcast_in_dim3A_169 = vector.broadcast %jit3A_168 : i32 to vector<16xi32>
      %select_n3A_170 = arith.select %gt3A_166, %broadcast_in_dim3A_169, %select_n3A_160 : vector<16xi1>, vector<16xi32>
      %add3A_171 = arith.constant 832 : i32
      %add3A_172 = arith.addi %add3A_48, %add3A_171 : i32
      %get3A_173 = arith.index_cast %add3A_172 : i32 to index
      %get3A_174 = tpu.vector_load %arg4[%get3A_173] {strides = array<i32>} : memref<8192xf32, #tpu.memory_space<vmem>>, vector<16xf32>,
      %get3A_175 = vector.shape_cast %get3A_174 : vector<16xf32> to vector<16xf32>
      %gt3A_176 = arith.cmpf ogt, %get3A_175, %select_n3A_167 : vector<16xf32>
      %select_n3A_177 = arith.select %gt3A_176, %get3A_175, %select_n3A_167 : vector<16xi1>, vector<16xf32>
      %jit3A_178 = arith.constant 13 : i32
      %broadcast_in_dim3A_179 = vector.broadcast %jit3A_178 : i32 to vector<16xi32>
      %select_n3A_180 = arith.select %gt3A_176, %broadcast_in_dim3A_179, %select_n3A_170 : vector<16xi1>, vector<16xi32>
      %add3A_181 = arith.constant 896 : i32
      %add3A_182 = arith.addi %add3A_48, %add3A_181 : i32
      %get3A_183 = arith.index_cast %add3A_182 : i32 to index
      %get3A_184 = tpu.vector_load %arg4[%get3A_183] {strides = array<i32>} : memref<8192xf32, #tpu.memory_space<vmem>>, vector<16xf32>,
      %get3A_185 = vector.shape_cast %get3A_184 : vector<16xf32> to vector<16xf32>
      %gt3A_186 = arith.cmpf ogt, %get3A_185, %select_n3A_177 : vector<16xf32>
      %select_n3A_187 = arith.select %gt3A_186, %get3A_185, %select_n3A_177 : vector<16xi1>, vector<16xf32>
      %jit3A_188 = arith.constant 14 : i32
      %broadcast_in_dim3A_189 = vector.broadcast %jit3A_188 : i32 to vector<16xi32>
      %select_n3A_190 = arith.select %gt3A_186, %broadcast_in_dim3A_189, %select_n3A_180 : vector<16xi1>, vector<16xi32>
      %add3A_191 = arith.constant 960 : i32
      %add3A_192 = arith.addi %add3A_48, %add3A_191 : i32
      %get3A_193 = arith.index_cast %add3A_192 : i32 to index
      %get3A_194 = tpu.vector_load %arg4[%get3A_193] {strides = array<i32>} : memref<8192xf32, #tpu.memory_space<vmem>>, vector<16xf32>,
      %get3A_195 = vector.shape_cast %get3A_194 : vector<16xf32> to vector<16xf32>
      %gt3A_196 = arith.cmpf ogt, %get3A_195, %select_n3A_187 : vector<16xf32>
      %select_n3A_197 = arith.select %gt3A_196, %get3A_195, %select_n3A_187 : vector<16xi1>, vector<16xf32>
      %jit3A_198 = arith.constant 15 : i32
      %broadcast_in_dim3A_199 = vector.broadcast %jit3A_198 : i32 to vector<16xi32>
      %select_n3A_200 = arith.select %gt3A_196, %broadcast_in_dim3A_199, %select_n3A_190 : vector<16xi1>, vector<16xi32>
      %add3A_201 = arith.constant 1024 : i32
      %add3A_202 = arith.addi %add3A_48, %add3A_201 : i32
      %get3A_203 = arith.index_cast %add3A_202 : i32 to index
      %get3A_204 = tpu.vector_load %arg4[%get3A_203] {strides = array<i32>} : memref<8192xf32, #tpu.memory_space<vmem>>, vector<16xf32>,
      %get3A_205 = vector.shape_cast %get3A_204 : vector<16xf32> to vector<16xf32>
      %gt3A_206 = arith.cmpf ogt, %get3A_205, %select_n3A_197 : vector<16xf32>
      %select_n3A_207 = arith.select %gt3A_206, %get3A_205, %select_n3A_197 : vector<16xi1>, vector<16xf32>
      %jit3A_208 = arith.constant 16 : i32
      %broadcast_in_dim3A_209 = vector.broadcast %jit3A_208 : i32 to vector<16xi32>
      %select_n3A_210 = arith.select %gt3A_206, %broadcast_in_dim3A_209, %select_n3A_200 : vector<16xi1>, vector<16xi32>
      %add3A_211 = arith.constant 1088 : i32
      %add3A_212 = arith.addi %add3A_48, %add3A_211 : i32
      %get3A_213 = arith.index_cast %add3A_212 : i32 to index
      %get3A_214 = tpu.vector_load %arg4[%get3A_213] {strides = array<i32>} : memref<8192xf32, #tpu.memory_space<vmem>>, vector<16xf32>,
      %get3A_215 = vector.shape_cast %get3A_214 : vector<16xf32> to vector<16xf32>
      %gt3A_216 = arith.cmpf ogt, %get3A_215, %select_n3A_207 : vector<16xf32>
      %select_n3A_217 = arith.select %gt3A_216, %get3A_215, %select_n3A_207 : vector<16xi1>, vector<16xf32>
      %jit3A_218 = arith.constant 17 : i32
      %broadcast_in_dim3A_219 = vector.broadcast %jit3A_218 : i32 to vector<16xi32>
      %select_n3A_220 = arith.select %gt3A_216, %broadcast_in_dim3A_219, %select_n3A_210 : vector<16xi1>, vector<16xi32>
      %add3A_221 = arith.constant 1152 : i32
      %add3A_222 = arith.addi %add3A_48, %add3A_221 : i32
      %get3A_223 = arith.index_cast %add3A_222 : i32 to index
      %get3A_224 = tpu.vector_load %arg4[%get3A_223] {strides = array<i32>} : memref<8192xf32, #tpu.memory_space<vmem>>, vector<16xf32>,
      %get3A_225 = vector.shape_cast %get3A_224 : vector<16xf32> to vector<16xf32>
      %gt3A_226 = arith.cmpf ogt, %get3A_225, %select_n3A_217 : vector<16xf32>
      %select_n3A_227 = arith.select %gt3A_226, %get3A_225, %select_n3A_217 : vector<16xi1>, vector<16xf32>
      %jit3A_228 = arith.constant 18 : i32
      %broadcast_in_dim3A_229 = vector.broadcast %jit3A_228 : i32 to vector<16xi32>
      %select_n3A_230 = arith.select %gt3A_226, %broadcast_in_dim3A_229, %select_n3A_220 : vector<16xi1>, vector<16xi32>
      %add3A_231 = arith.constant 1216 : i32
      %add3A_232 = arith.addi %add3A_48, %add3A_231 : i32
      %get3A_233 = arith.index_cast %add3A_232 : i32 to index
      %get3A_234 = tpu.vector_load %arg4[%get3A_233] {strides = array<i32>} : memref<8192xf32, #tpu.memory_space<vmem>>, vector<16xf32>,
      %get3A_235 = vector.shape_cast %get3A_234 : vector<16xf32> to vector<16xf32>
      %gt3A_236 = arith.cmpf ogt, %get3A_235, %select_n3A_227 : vector<16xf32>
      %select_n3A_237 = arith.select %gt3A_236, %get3A_235, %select_n3A_227 : vector<16xi1>, vector<16xf32>
      %jit3A_238 = arith.constant 19 : i32
      %broadcast_in_dim3A_239 = vector.broadcast %jit3A_238 : i32 to vector<16xi32>
      %select_n3A_240 = arith.select %gt3A_236, %broadcast_in_dim3A_239, %select_n3A_230 : vector<16xi1>, vector<16xi32>
      %add3A_241 = arith.constant 1280 : i32
      %add3A_242 = arith.addi %add3A_48, %add3A_241 : i32
      %get3A_243 = arith.index_cast %add3A_242 : i32 to index
      %get3A_244 = tpu.vector_load %arg4[%get3A_243] {strides = array<i32>} : memref<8192xf32, #tpu.memory_space<vmem>>, vector<16xf32>,
      %get3A_245 = vector.shape_cast %get3A_244 : vector<16xf32> to vector<16xf32>
      %gt3A_246 = arith.cmpf ogt, %get3A_245, %select_n3A_237 : vector<16xf32>
      %select_n3A_247 = arith.select %gt3A_246, %get3A_245, %select_n3A_237 : vector<16xi1>, vector<16xf32>
      %jit3A_248 = arith.constant 20 : i32
      %broadcast_in_dim3A_249 = vector.broadcast %jit3A_248 : i32 to vector<16xi32>
      %select_n3A_250 = arith.select %gt3A_246, %broadcast_in_dim3A_249, %select_n3A_240 : vector<16xi1>, vector<16xi32>
      %add3A_251 = arith.constant 1344 : i32
      %add3A_252 = arith.addi %add3A_48, %add3A_251 : i32
      %get3A_253 = arith.index_cast %add3A_252 : i32 to index
      %get3A_254 = tpu.vector_load %arg4[%get3A_253] {strides = array<i32>} : memref<8192xf32, #tpu.memory_space<vmem>>, vector<16xf32>,
      %get3A_255 = vector.shape_cast %get3A_254 : vector<16xf32> to vector<16xf32>
      %gt3A_256 = arith.cmpf ogt, %get3A_255, %select_n3A_247 : vector<16xf32>
      %select_n3A_257 = arith.select %gt3A_256, %get3A_255, %select_n3A_247 : vector<16xi1>, vector<16xf32>
      %jit3A_258 = arith.constant 21 : i32
      %broadcast_in_dim3A_259 = vector.broadcast %jit3A_258 : i32 to vector<16xi32>
      %select_n3A_260 = arith.select %gt3A_256, %broadcast_in_dim3A_259, %select_n3A_250 : vector<16xi1>, vector<16xi32>
      %add3A_261 = arith.constant 1408 : i32
      %add3A_262 = arith.addi %add3A_48, %add3A_261 : i32
      %get3A_263 = arith.index_cast %add3A_262 : i32 to index
      %get3A_264 = tpu.vector_load %arg4[%get3A_263] {strides = array<i32>} : memref<8192xf32, #tpu.memory_space<vmem>>, vector<16xf32>,
      %get3A_265 = vector.shape_cast %get3A_264 : vector<16xf32> to vector<16xf32>
      %gt3A_266 = arith.cmpf ogt, %get3A_265, %select_n3A_257 : vector<16xf32>
      %select_n3A_267 = arith.select %gt3A_266, %get3A_265, %select_n3A_257 : vector<16xi1>, vector<16xf32>
      %jit3A_268 = arith.constant 22 : i32
      %broadcast_in_dim3A_269 = vector.broadcast %jit3A_268 : i32 to vector<16xi32>
      %select_n3A_270 = arith.select %gt3A_266, %broadcast_in_dim3A_269, %select_n3A_260 : vector<16xi1>, vector<16xi32>
      %add3A_271 = arith.constant 1472 : i32
      %add3A_272 = arith.addi %add3A_48, %add3A_271 : i32
      %get3A_273 = arith.index_cast %add3A_272 : i32 to index
      %get3A_274 = tpu.vector_load %arg4[%get3A_273] {strides = array<i32>} : memref<8192xf32, #tpu.memory_space<vmem>>, vector<16xf32>,
      %get3A_275 = vector.shape_cast %get3A_274 : vector<16xf32> to vector<16xf32>
      %gt3A_276 = arith.cmpf ogt, %get3A_275, %select_n3A_267 : vector<16xf32>
      %select_n3A_277 = arith.select %gt3A_276, %get3A_275, %select_n3A_267 : vector<16xi1>, vector<16xf32>
      %jit3A_278 = arith.constant 23 : i32
      %broadcast_in_dim3A_279 = vector.broadcast %jit3A_278 : i32 to vector<16xi32>
      %select_n3A_280 = arith.select %gt3A_276, %broadcast_in_dim3A_279, %select_n3A_270 : vector<16xi1>, vector<16xi32>
      %add3A_281 = arith.constant 1536 : i32
      %add3A_282 = arith.addi %add3A_48, %add3A_281 : i32
      %get3A_283 = arith.index_cast %add3A_282 : i32 to index
      %get3A_284 = tpu.vector_load %arg4[%get3A_283] {strides = array<i32>} : memref<8192xf32, #tpu.memory_space<vmem>>, vector<16xf32>,
      %get3A_285 = vector.shape_cast %get3A_284 : vector<16xf32> to vector<16xf32>
      %gt3A_286 = arith.cmpf ogt, %get3A_285, %select_n3A_277 : vector<16xf32>
      %select_n3A_287 = arith.select %gt3A_286, %get3A_285, %select_n3A_277 : vector<16xi1>, vector<16xf32>
      %jit3A_288 = arith.constant 24 : i32
      %broadcast_in_dim3A_289 = vector.broadcast %jit3A_288 : i32 to vector<16xi32>
      %select_n3A_290 = arith.select %gt3A_286, %broadcast_in_dim3A_289, %select_n3A_280 : vector<16xi1>, vector<16xi32>
      %add3A_291 = arith.constant 1600 : i32
      %add3A_292 = arith.addi %add3A_48, %add3A_291 : i32
      %get3A_293 = arith.index_cast %add3A_292 : i32 to index
      %get3A_294 = tpu.vector_load %arg4[%get3A_293] {strides = array<i32>} : memref<8192xf32, #tpu.memory_space<vmem>>, vector<16xf32>,
      %get3A_295 = vector.shape_cast %get3A_294 : vector<16xf32> to vector<16xf32>
      %gt3A_296 = arith.cmpf ogt, %get3A_295, %select_n3A_287 : vector<16xf32>
      %select_n3A_297 = arith.select %gt3A_296, %get3A_295, %select_n3A_287 : vector<16xi1>, vector<16xf32>
      %jit3A_298 = arith.constant 25 : i32
      %broadcast_in_dim3A_299 = vector.broadcast %jit3A_298 : i32 to vector<16xi32>
      %select_n3A_300 = arith.select %gt3A_296, %broadcast_in_dim3A_299, %select_n3A_290 : vector<16xi1>, vector<16xi32>
      %add3A_301 = arith.constant 1664 : i32
      %add3A_302 = arith.addi %add3A_48, %add3A_301 : i32
      %get3A_303 = arith.index_cast %add3A_302 : i32 to index
      %get3A_304 = tpu.vector_load %arg4[%get3A_303] {strides = array<i32>} : memref<8192xf32, #tpu.memory_space<vmem>>, vector<16xf32>,
      %get3A_305 = vector.shape_cast %get3A_304 : vector<16xf32> to vector<16xf32>
      %gt3A_306 = arith.cmpf ogt, %get3A_305, %select_n3A_297 : vector<16xf32>
      %select_n3A_307 = arith.select %gt3A_306, %get3A_305, %select_n3A_297 : vector<16xi1>, vector<16xf32>
      %jit3A_308 = arith.constant 26 : i32
      %broadcast_in_dim3A_309 = vector.broadcast %jit3A_308 : i32 to vector<16xi32>
      %select_n3A_310 = arith.select %gt3A_306, %broadcast_in_dim3A_309, %select_n3A_300 : vector<16xi1>, vector<16xi32>
      %add3A_311 = arith.constant 1728 : i32
      %add3A_312 = arith.addi %add3A_48, %add3A_311 : i32
      %get3A_313 = arith.index_cast %add3A_312 : i32 to index
      %get3A_314 = tpu.vector_load %arg4[%get3A_313] {strides = array<i32>} : memref<8192xf32, #tpu.memory_space<vmem>>, vector<16xf32>,
      %get3A_315 = vector.shape_cast %get3A_314 : vector<16xf32> to vector<16xf32>
      %gt3A_316 = arith.cmpf ogt, %get3A_315, %select_n3A_307 : vector<16xf32>
      %select_n3A_317 = arith.select %gt3A_316, %get3A_315, %select_n3A_307 : vector<16xi1>, vector<16xf32>
      %jit3A_318 = arith.constant 27 : i32
      %broadcast_in_dim3A_319 = vector.broadcast %jit3A_318 : i32 to vector<16xi32>
      %select_n3A_320 = arith.select %gt3A_316, %broadcast_in_dim3A_319, %select_n3A_310 : vector<16xi1>, vector<16xi32>
      %add3A_321 = arith.constant 1792 : i32
      %add3A_322 = arith.addi %add3A_48, %add3A_321 : i32
      %get3A_323 = arith.index_cast %add3A_322 : i32 to index
      %get3A_324 = tpu.vector_load %arg4[%get3A_323] {strides = array<i32>} : memref<8192xf32, #tpu.memory_space<vmem>>, vector<16xf32>,
      %get3A_325 = vector.shape_cast %get3A_324 : vector<16xf32> to vector<16xf32>
      %gt3A_326 = arith.cmpf ogt, %get3A_325, %select_n3A_317 : vector<16xf32>
      %select_n3A_327 = arith.select %gt3A_326, %get3A_325, %select_n3A_317 : vector<16xi1>, vector<16xf32>
      %jit3A_328 = arith.constant 28 : i32
      %broadcast_in_dim3A_329 = vector.broadcast %jit3A_328 : i32 to vector<16xi32>
      %select_n3A_330 = arith.select %gt3A_326, %broadcast_in_dim3A_329, %select_n3A_320 : vector<16xi1>, vector<16xi32>
      %add3A_331 = arith.constant 1856 : i32
      %add3A_332 = arith.addi %add3A_48, %add3A_331 : i32
      %get3A_333 = arith.index_cast %add3A_332 : i32 to index
      %get3A_334 = tpu.vector_load %arg4[%get3A_333] {strides = array<i32>} : memref<8192xf32, #tpu.memory_space<vmem>>, vector<16xf32>,
      %get3A_335 = vector.shape_cast %get3A_334 : vector<16xf32> to vector<16xf32>
      %gt3A_336 = arith.cmpf ogt, %get3A_335, %select_n3A_327 : vector<16xf32>
      %select_n3A_337 = arith.select %gt3A_336, %get3A_335, %select_n3A_327 : vector<16xi1>, vector<16xf32>
      %jit3A_338 = arith.constant 29 : i32
      %broadcast_in_dim3A_339 = vector.broadcast %jit3A_338 : i32 to vector<16xi32>
      %select_n3A_340 = arith.select %gt3A_336, %broadcast_in_dim3A_339, %select_n3A_330 : vector<16xi1>, vector<16xi32>
      %add3A_341 = arith.constant 1920 : i32
      %add3A_342 = arith.addi %add3A_48, %add3A_341 : i32
      %get3A_343 = arith.index_cast %add3A_342 : i32 to index
      %get3A_344 = tpu.vector_load %arg4[%get3A_343] {strides = array<i32>} : memref<8192xf32, #tpu.memory_space<vmem>>, vector<16xf32>,
      %get3A_345 = vector.shape_cast %get3A_344 : vector<16xf32> to vector<16xf32>
      %gt3A_346 = arith.cmpf ogt, %get3A_345, %select_n3A_337 : vector<16xf32>
      %select_n3A_347 = arith.select %gt3A_346, %get3A_345, %select_n3A_337 : vector<16xi1>, vector<16xf32>
      %jit3A_348 = arith.constant 30 : i32
      %broadcast_in_dim3A_349 = vector.broadcast %jit3A_348 : i32 to vector<16xi32>
      %select_n3A_350 = arith.select %gt3A_346, %broadcast_in_dim3A_349, %select_n3A_340 : vector<16xi1>, vector<16xi32>
      %add3A_351 = arith.constant 1984 : i32
      %add3A_352 = arith.addi %add3A_48, %add3A_351 : i32
      %get3A_353 = arith.index_cast %add3A_352 : i32 to index
      %get3A_354 = tpu.vector_load %arg4[%get3A_353] {strides = array<i32>} : memref<8192xf32, #tpu.memory_space<vmem>>, vector<16xf32>,
      %get3A_355 = vector.shape_cast %get3A_354 : vector<16xf32> to vector<16xf32>
      %gt3A_356 = arith.cmpf ogt, %get3A_355, %select_n3A_347 : vector<16xf32>
      %select_n3A_357 = arith.select %gt3A_356, %get3A_355, %select_n3A_347 : vector<16xi1>, vector<16xf32>
      %jit3A_358 = arith.constant 31 : i32
      %broadcast_in_dim3A_359 = vector.broadcast %jit3A_358 : i32 to vector<16xi32>
      %select_n3A_360 = arith.select %gt3A_356, %broadcast_in_dim3A_359, %select_n3A_350 : vector<16xi1>, vector<16xi32>
      %add3A_361 = arith.constant 2048 : i32
      %add3A_362 = arith.addi %add3A_48, %add3A_361 : i32
      %get3A_363 = arith.index_cast %add3A_362 : i32 to index
      %get3A_364 = tpu.vector_load %arg4[%get3A_363] {strides = array<i32>} : memref<8192xf32, #tpu.memory_space<vmem>>, vector<16xf32>,
      %get3A_365 = vector.shape_cast %get3A_364 : vector<16xf32> to vector<16xf32>
      %gt3A_366 = arith.cmpf ogt, %get3A_365, %select_n3A_357 : vector<16xf32>
      %select_n3A_367 = arith.select %gt3A_366, %get3A_365, %select_n3A_357 : vector<16xi1>, vector<16xf32>
      %jit3A_368 = arith.constant 32 : i32
      %broadcast_in_dim3A_369 = vector.broadcast %jit3A_368 : i32 to vector<16xi32>
      %select_n3A_370 = arith.select %gt3A_366, %broadcast_in_dim3A_369, %select_n3A_360 : vector<16xi1>, vector<16xi32>
      %add3A_371 = arith.constant 2112 : i32
      %add3A_372 = arith.addi %add3A_48, %add3A_371 : i32
      %get3A_373 = arith.index_cast %add3A_372 : i32 to index
      %get3A_374 = tpu.vector_load %arg4[%get3A_373] {strides = array<i32>} : memref<8192xf32, #tpu.memory_space<vmem>>, vector<16xf32>,
      %get3A_375 = vector.shape_cast %get3A_374 : vector<16xf32> to vector<16xf32>
      %gt3A_376 = arith.cmpf ogt, %get3A_375, %select_n3A_367 : vector<16xf32>
      %select_n3A_377 = arith.select %gt3A_376, %get3A_375, %select_n3A_367 : vector<16xi1>, vector<16xf32>
      %jit3A_378 = arith.constant 33 : i32
      %broadcast_in_dim3A_379 = vector.broadcast %jit3A_378 : i32 to vector<16xi32>
      %select_n3A_380 = arith.select %gt3A_376, %broadcast_in_dim3A_379, %select_n3A_370 : vector<16xi1>, vector<16xi32>
      %add3A_381 = arith.constant 2176 : i32
      %add3A_382 = arith.addi %add3A_48, %add3A_381 : i32
      %get3A_383 = arith.index_cast %add3A_382 : i32 to index
      %get3A_384 = tpu.vector_load %arg4[%get3A_383] {strides = array<i32>} : memref<8192xf32, #tpu.memory_space<vmem>>, vector<16xf32>,
      %get3A_385 = vector.shape_cast %get3A_384 : vector<16xf32> to vector<16xf32>
      %gt3A_386 = arith.cmpf ogt, %get3A_385, %select_n3A_377 : vector<16xf32>
      %select_n3A_387 = arith.select %gt3A_386, %get3A_385, %select_n3A_377 : vector<16xi1>, vector<16xf32>
      %jit3A_388 = arith.constant 34 : i32
      %broadcast_in_dim3A_389 = vector.broadcast %jit3A_388 : i32 to vector<16xi32>
      %select_n3A_390 = arith.select %gt3A_386, %broadcast_in_dim3A_389, %select_n3A_380 : vector<16xi1>, vector<16xi32>
      %add3A_391 = arith.constant 2240 : i32
      %add3A_392 = arith.addi %add3A_48, %add3A_391 : i32
      %get3A_393 = arith.index_cast %add3A_392 : i32 to index
      %get3A_394 = tpu.vector_load %arg4[%get3A_393] {strides = array<i32>} : memref<8192xf32, #tpu.memory_space<vmem>>, vector<16xf32>,
      %get3A_395 = vector.shape_cast %get3A_394 : vector<16xf32> to vector<16xf32>
      %gt3A_396 = arith.cmpf ogt, %get3A_395, %select_n3A_387 : vector<16xf32>
      %select_n3A_397 = arith.select %gt3A_396, %get3A_395, %select_n3A_387 : vector<16xi1>, vector<16xf32>
      %jit3A_398 = arith.constant 35 : i32
      %broadcast_in_dim3A_399 = vector.broadcast %jit3A_398 : i32 to vector<16xi32>
      %select_n3A_400 = arith.select %gt3A_396, %broadcast_in_dim3A_399, %select_n3A_390 : vector<16xi1>, vector<16xi32>
      %add3A_401 = arith.constant 2304 : i32
      %add3A_402 = arith.addi %add3A_48, %add3A_401 : i32
      %get3A_403 = arith.index_cast %add3A_402 : i32 to index
      %get3A_404 = tpu.vector_load %arg4[%get3A_403] {strides = array<i32>} : memref<8192xf32, #tpu.memory_space<vmem>>, vector<16xf32>,
      %get3A_405 = vector.shape_cast %get3A_404 : vector<16xf32> to vector<16xf32>
      %gt3A_406 = arith.cmpf ogt, %get3A_405, %select_n3A_397 : vector<16xf32>
      %select_n3A_407 = arith.select %gt3A_406, %get3A_405, %select_n3A_397 : vector<16xi1>, vector<16xf32>
      %jit3A_408 = arith.constant 36 : i32
      %broadcast_in_dim3A_409 = vector.broadcast %jit3A_408 : i32 to vector<16xi32>
      %select_n3A_410 = arith.select %gt3A_406, %broadcast_in_dim3A_409, %select_n3A_400 : vector<16xi1>, vector<16xi32>
      %add3A_411 = arith.constant 2368 : i32
      %add3A_412 = arith.addi %add3A_48, %add3A_411 : i32
      %get3A_413 = arith.index_cast %add3A_412 : i32 to index
      %get3A_414 = tpu.vector_load %arg4[%get3A_413] {strides = array<i32>} : memref<8192xf32, #tpu.memory_space<vmem>>, vector<16xf32>,
      %get3A_415 = vector.shape_cast %get3A_414 : vector<16xf32> to vector<16xf32>
      %gt3A_416 = arith.cmpf ogt, %get3A_415, %select_n3A_407 : vector<16xf32>
      %select_n3A_417 = arith.select %gt3A_416, %get3A_415, %select_n3A_407 : vector<16xi1>, vector<16xf32>
      %jit3A_418 = arith.constant 37 : i32
      %broadcast_in_dim3A_419 = vector.broadcast %jit3A_418 : i32 to vector<16xi32>
      %select_n3A_420 = arith.select %gt3A_416, %broadcast_in_dim3A_419, %select_n3A_410 : vector<16xi1>, vector<16xi32>
      %add3A_421 = arith.constant 2432 : i32
      %add3A_422 = arith.addi %add3A_48, %add3A_421 : i32
      %get3A_423 = arith.index_cast %add3A_422 : i32 to index
      %get3A_424 = tpu.vector_load %arg4[%get3A_423] {strides = array<i32>} : memref<8192xf32, #tpu.memory_space<vmem>>, vector<16xf32>,
      %get3A_425 = vector.shape_cast %get3A_424 : vector<16xf32> to vector<16xf32>
      %gt3A_426 = arith.cmpf ogt, %get3A_425, %select_n3A_417 : vector<16xf32>
      %select_n3A_427 = arith.select %gt3A_426, %get3A_425, %select_n3A_417 : vector<16xi1>, vector<16xf32>
      %jit3A_428 = arith.constant 38 : i32
      %broadcast_in_dim3A_429 = vector.broadcast %jit3A_428 : i32 to vector<16xi32>
      %select_n3A_430 = arith.select %gt3A_426, %broadcast_in_dim3A_429, %select_n3A_420 : vector<16xi1>, vector<16xi32>
      %add3A_431 = arith.constant 2496 : i32
      %add3A_432 = arith.addi %add3A_48, %add3A_431 : i32
      %get3A_433 = arith.index_cast %add3A_432 : i32 to index
      %get3A_434 = tpu.vector_load %arg4[%get3A_433] {strides = array<i32>} : memref<8192xf32, #tpu.memory_space<vmem>>, vector<16xf32>,
      %get3A_435 = vector.shape_cast %get3A_434 : vector<16xf32> to vector<16xf32>
      %gt3A_436 = arith.cmpf ogt, %get3A_435, %select_n3A_427 : vector<16xf32>
      %select_n3A_437 = arith.select %gt3A_436, %get3A_435, %select_n3A_427 : vector<16xi1>, vector<16xf32>
      %jit3A_438 = arith.constant 39 : i32
      %broadcast_in_dim3A_439 = vector.broadcast %jit3A_438 : i32 to vector<16xi32>
      %select_n3A_440 = arith.select %gt3A_436, %broadcast_in_dim3A_439, %select_n3A_430 : vector<16xi1>, vector<16xi32>
      %add3A_441 = arith.constant 2560 : i32
      %add3A_442 = arith.addi %add3A_48, %add3A_441 : i32
      %get3A_443 = arith.index_cast %add3A_442 : i32 to index
      %get3A_444 = tpu.vector_load %arg4[%get3A_443] {strides = array<i32>} : memref<8192xf32, #tpu.memory_space<vmem>>, vector<16xf32>,
      %get3A_445 = vector.shape_cast %get3A_444 : vector<16xf32> to vector<16xf32>
      %gt3A_446 = arith.cmpf ogt, %get3A_445, %select_n3A_437 : vector<16xf32>
      %select_n3A_447 = arith.select %gt3A_446, %get3A_445, %select_n3A_437 : vector<16xi1>, vector<16xf32>
      %jit3A_448 = arith.constant 40 : i32
      %broadcast_in_dim3A_449 = vector.broadcast %jit3A_448 : i32 to vector<16xi32>
      %select_n3A_450 = arith.select %gt3A_446, %broadcast_in_dim3A_449, %select_n3A_440 : vector<16xi1>, vector<16xi32>
      %add3A_451 = arith.constant 2624 : i32
      %add3A_452 = arith.addi %add3A_48, %add3A_451 : i32
      %get3A_453 = arith.index_cast %add3A_452 : i32 to index
      %get3A_454 = tpu.vector_load %arg4[%get3A_453] {strides = array<i32>} : memref<8192xf32, #tpu.memory_space<vmem>>, vector<16xf32>,
      %get3A_455 = vector.shape_cast %get3A_454 : vector<16xf32> to vector<16xf32>
      %gt3A_456 = arith.cmpf ogt, %get3A_455, %select_n3A_447 : vector<16xf32>
      %select_n3A_457 = arith.select %gt3A_456, %get3A_455, %select_n3A_447 : vector<16xi1>, vector<16xf32>
      %jit3A_458 = arith.constant 41 : i32
      %broadcast_in_dim3A_459 = vector.broadcast %jit3A_458 : i32 to vector<16xi32>
      %select_n3A_460 = arith.select %gt3A_456, %broadcast_in_dim3A_459, %select_n3A_450 : vector<16xi1>, vector<16xi32>
      %add3A_461 = arith.constant 2688 : i32
      %add3A_462 = arith.addi %add3A_48, %add3A_461 : i32
      %get3A_463 = arith.index_cast %add3A_462 : i32 to index
      %get3A_464 = tpu.vector_load %arg4[%get3A_463] {strides = array<i32>} : memref<8192xf32, #tpu.memory_space<vmem>>, vector<16xf32>,
      %get3A_465 = vector.shape_cast %get3A_464 : vector<16xf32> to vector<16xf32>
      %gt3A_466 = arith.cmpf ogt, %get3A_465, %select_n3A_457 : vector<16xf32>
      %select_n3A_467 = arith.select %gt3A_466, %get3A_465, %select_n3A_457 : vector<16xi1>, vector<16xf32>
      %jit3A_468 = arith.constant 42 : i32
      %broadcast_in_dim3A_469 = vector.broadcast %jit3A_468 : i32 to vector<16xi32>
      %select_n3A_470 = arith.select %gt3A_466, %broadcast_in_dim3A_469, %select_n3A_460 : vector<16xi1>, vector<16xi32>
      %add3A_471 = arith.constant 2752 : i32
      %add3A_472 = arith.addi %add3A_48, %add3A_471 : i32
      %get3A_473 = arith.index_cast %add3A_472 : i32 to index
      %get3A_474 = tpu.vector_load %arg4[%get3A_473] {strides = array<i32>} : memref<8192xf32, #tpu.memory_space<vmem>>, vector<16xf32>,
      %get3A_475 = vector.shape_cast %get3A_474 : vector<16xf32> to vector<16xf32>
      %gt3A_476 = arith.cmpf ogt, %get3A_475, %select_n3A_467 : vector<16xf32>
      %select_n3A_477 = arith.select %gt3A_476, %get3A_475, %select_n3A_467 : vector<16xi1>, vector<16xf32>
      %jit3A_478 = arith.constant 43 : i32
      %broadcast_in_dim3A_479 = vector.broadcast %jit3A_478 : i32 to vector<16xi32>
      %select_n3A_480 = arith.select %gt3A_476, %broadcast_in_dim3A_479, %select_n3A_470 : vector<16xi1>, vector<16xi32>
      %add3A_481 = arith.constant 2816 : i32
      %add3A_482 = arith.addi %add3A_48, %add3A_481 : i32
      %get3A_483 = arith.index_cast %add3A_482 : i32 to index
      %get3A_484 = tpu.vector_load %arg4[%get3A_483] {strides = array<i32>} : memref<8192xf32, #tpu.memory_space<vmem>>, vector<16xf32>,
      %get3A_485 = vector.shape_cast %get3A_484 : vector<16xf32> to vector<16xf32>
      %gt3A_486 = arith.cmpf ogt, %get3A_485, %select_n3A_477 : vector<16xf32>
      %select_n3A_487 = arith.select %gt3A_486, %get3A_485, %select_n3A_477 : vector<16xi1>, vector<16xf32>
      %jit3A_488 = arith.constant 44 : i32
      %broadcast_in_dim3A_489 = vector.broadcast %jit3A_488 : i32 to vector<16xi32>
      %select_n3A_490 = arith.select %gt3A_486, %broadcast_in_dim3A_489, %select_n3A_480 : vector<16xi1>, vector<16xi32>
      %add3A_491 = arith.constant 2880 : i32
      %add3A_492 = arith.addi %add3A_48, %add3A_491 : i32
      %get3A_493 = arith.index_cast %add3A_492 : i32 to index
      %get3A_494 = tpu.vector_load %arg4[%get3A_493] {strides = array<i32>} : memref<8192xf32, #tpu.memory_space<vmem>>, vector<16xf32>,
      %get3A_495 = vector.shape_cast %get3A_494 : vector<16xf32> to vector<16xf32>
      %gt3A_496 = arith.cmpf ogt, %get3A_495, %select_n3A_487 : vector<16xf32>
      %select_n3A_497 = arith.select %gt3A_496, %get3A_495, %select_n3A_487 : vector<16xi1>, vector<16xf32>
      %jit3A_498 = arith.constant 45 : i32
      %broadcast_in_dim3A_499 = vector.broadcast %jit3A_498 : i32 to vector<16xi32>
      %select_n3A_500 = arith.select %gt3A_496, %broadcast_in_dim3A_499, %select_n3A_490 : vector<16xi1>, vector<16xi32>
      %add3A_501 = arith.constant 2944 : i32
      %add3A_502 = arith.addi %add3A_48, %add3A_501 : i32
      %get3A_503 = arith.index_cast %add3A_502 : i32 to index
      %get3A_504 = tpu.vector_load %arg4[%get3A_503] {strides = array<i32>} : memref<8192xf32, #tpu.memory_space<vmem>>, vector<16xf32>,
      %get3A_505 = vector.shape_cast %get3A_504 : vector<16xf32> to vector<16xf32>
      %gt3A_506 = arith.cmpf ogt, %get3A_505, %select_n3A_497 : vector<16xf32>
      %select_n3A_507 = arith.select %gt3A_506, %get3A_505, %select_n3A_497 : vector<16xi1>, vector<16xf32>
      %jit3A_508 = arith.constant 46 : i32
      %broadcast_in_dim3A_509 = vector.broadcast %jit3A_508 : i32 to vector<16xi32>
      %select_n3A_510 = arith.select %gt3A_506, %broadcast_in_dim3A_509, %select_n3A_500 : vector<16xi1>, vector<16xi32>
      %add3A_511 = arith.constant 3008 : i32
      %add3A_512 = arith.addi %add3A_48, %add3A_511 : i32
      %get3A_513 = arith.index_cast %add3A_512 : i32 to index
      %get3A_514 = tpu.vector_load %arg4[%get3A_513] {strides = array<i32>} : memref<8192xf32, #tpu.memory_space<vmem>>, vector<16xf32>,
      %get3A_515 = vector.shape_cast %get3A_514 : vector<16xf32> to vector<16xf32>
      %gt3A_516 = arith.cmpf ogt, %get3A_515, %select_n3A_507 : vector<16xf32>
      %select_n3A_517 = arith.select %gt3A_516, %get3A_515, %select_n3A_507 : vector<16xi1>, vector<16xf32>
      %jit3A_518 = arith.constant 47 : i32
      %broadcast_in_dim3A_519 = vector.broadcast %jit3A_518 : i32 to vector<16xi32>
      %select_n3A_520 = arith.select %gt3A_516, %broadcast_in_dim3A_519, %select_n3A_510 : vector<16xi1>, vector<16xi32>
      %add3A_521 = arith.constant 3072 : i32
      %add3A_522 = arith.addi %add3A_48, %add3A_521 : i32
      %get3A_523 = arith.index_cast %add3A_522 : i32 to index
      %get3A_524 = tpu.vector_load %arg4[%get3A_523] {strides = array<i32>} : memref<8192xf32, #tpu.memory_space<vmem>>, vector<16xf32>,
      %get3A_525 = vector.shape_cast %get3A_524 : vector<16xf32> to vector<16xf32>
      %gt3A_526 = arith.cmpf ogt, %get3A_525, %select_n3A_517 : vector<16xf32>
      %select_n3A_527 = arith.select %gt3A_526, %get3A_525, %select_n3A_517 : vector<16xi1>, vector<16xf32>
      %jit3A_528 = arith.constant 48 : i32
      %broadcast_in_dim3A_529 = vector.broadcast %jit3A_528 : i32 to vector<16xi32>
      %select_n3A_530 = arith.select %gt3A_526, %broadcast_in_dim3A_529, %select_n3A_520 : vector<16xi1>, vector<16xi32>
      %add3A_531 = arith.constant 3136 : i32
      %add3A_532 = arith.addi %add3A_48, %add3A_531 : i32
      %get3A_533 = arith.index_cast %add3A_532 : i32 to index
      %get3A_534 = tpu.vector_load %arg4[%get3A_533] {strides = array<i32>} : memref<8192xf32, #tpu.memory_space<vmem>>, vector<16xf32>,
      %get3A_535 = vector.shape_cast %get3A_534 : vector<16xf32> to vector<16xf32>
      %gt3A_536 = arith.cmpf ogt, %get3A_535, %select_n3A_527 : vector<16xf32>
      %select_n3A_537 = arith.select %gt3A_536, %get3A_535, %select_n3A_527 : vector<16xi1>, vector<16xf32>
      %jit3A_538 = arith.constant 49 : i32
      %broadcast_in_dim3A_539 = vector.broadcast %jit3A_538 : i32 to vector<16xi32>
      %select_n3A_540 = arith.select %gt3A_536, %broadcast_in_dim3A_539, %select_n3A_530 : vector<16xi1>, vector<16xi32>
      %add3A_541 = arith.constant 3200 : i32
      %add3A_542 = arith.addi %add3A_48, %add3A_541 : i32
      %get3A_543 = arith.index_cast %add3A_542 : i32 to index
      %get3A_544 = tpu.vector_load %arg4[%get3A_543] {strides = array<i32>} : memref<8192xf32, #tpu.memory_space<vmem>>, vector<16xf32>,
      %get3A_545 = vector.shape_cast %get3A_544 : vector<16xf32> to vector<16xf32>
      %gt3A_546 = arith.cmpf ogt, %get3A_545, %select_n3A_537 : vector<16xf32>
      %select_n3A_547 = arith.select %gt3A_546, %get3A_545, %select_n3A_537 : vector<16xi1>, vector<16xf32>
      %jit3A_548 = arith.constant 50 : i32
      %broadcast_in_dim3A_549 = vector.broadcast %jit3A_548 : i32 to vector<16xi32>
      %select_n3A_550 = arith.select %gt3A_546, %broadcast_in_dim3A_549, %select_n3A_540 : vector<16xi1>, vector<16xi32>
      %add3A_551 = arith.constant 3264 : i32
      %add3A_552 = arith.addi %add3A_48, %add3A_551 : i32
      %get3A_553 = arith.index_cast %add3A_552 : i32 to index
      %get3A_554 = tpu.vector_load %arg4[%get3A_553] {strides = array<i32>} : memref<8192xf32, #tpu.memory_space<vmem>>, vector<16xf32>,
      %get3A_555 = vector.shape_cast %get3A_554 : vector<16xf32> to vector<16xf32>
      %gt3A_556 = arith.cmpf ogt, %get3A_555, %select_n3A_547 : vector<16xf32>
      %select_n3A_557 = arith.select %gt3A_556, %get3A_555, %select_n3A_547 : vector<16xi1>, vector<16xf32>
      %jit3A_558 = arith.constant 51 : i32
      %broadcast_in_dim3A_559 = vector.broadcast %jit3A_558 : i32 to vector<16xi32>
      %select_n3A_560 = arith.select %gt3A_556, %broadcast_in_dim3A_559, %select_n3A_550 : vector<16xi1>, vector<16xi32>
      %add3A_561 = arith.constant 3328 : i32
      %add3A_562 = arith.addi %add3A_48, %add3A_561 : i32
      %get3A_563 = arith.index_cast %add3A_562 : i32 to index
      %get3A_564 = tpu.vector_load %arg4[%get3A_563] {strides = array<i32>} : memref<8192xf32, #tpu.memory_space<vmem>>, vector<16xf32>,
      %get3A_565 = vector.shape_cast %get3A_564 : vector<16xf32> to vector<16xf32>
      %gt3A_566 = arith.cmpf ogt, %get3A_565, %select_n3A_557 : vector<16xf32>
      %select_n3A_567 = arith.select %gt3A_566, %get3A_565, %select_n3A_557 : vector<16xi1>, vector<16xf32>
      %jit3A_568 = arith.constant 52 : i32
      %broadcast_in_dim3A_569 = vector.broadcast %jit3A_568 : i32 to vector<16xi32>
      %select_n3A_570 = arith.select %gt3A_566, %broadcast_in_dim3A_569, %select_n3A_560 : vector<16xi1>, vector<16xi32>
      %add3A_571 = arith.constant 3392 : i32
      %add3A_572 = arith.addi %add3A_48, %add3A_571 : i32
      %get3A_573 = arith.index_cast %add3A_572 : i32 to index
      %get3A_574 = tpu.vector_load %arg4[%get3A_573] {strides = array<i32>} : memref<8192xf32, #tpu.memory_space<vmem>>, vector<16xf32>,
      %get3A_575 = vector.shape_cast %get3A_574 : vector<16xf32> to vector<16xf32>
      %gt3A_576 = arith.cmpf ogt, %get3A_575, %select_n3A_567 : vector<16xf32>
      %select_n3A_577 = arith.select %gt3A_576, %get3A_575, %select_n3A_567 : vector<16xi1>, vector<16xf32>
      %jit3A_578 = arith.constant 53 : i32
      %broadcast_in_dim3A_579 = vector.broadcast %jit3A_578 : i32 to vector<16xi32>
      %select_n3A_580 = arith.select %gt3A_576, %broadcast_in_dim3A_579, %select_n3A_570 : vector<16xi1>, vector<16xi32>
      %add3A_581 = arith.constant 3456 : i32
      %add3A_582 = arith.addi %add3A_48, %add3A_581 : i32
      %get3A_583 = arith.index_cast %add3A_582 : i32 to index
      %get3A_584 = tpu.vector_load %arg4[%get3A_583] {strides = array<i32>} : memref<8192xf32, #tpu.memory_space<vmem>>, vector<16xf32>,
      %get3A_585 = vector.shape_cast %get3A_584 : vector<16xf32> to vector<16xf32>
      %gt3A_586 = arith.cmpf ogt, %get3A_585, %select_n3A_577 : vector<16xf32>
      %select_n3A_587 = arith.select %gt3A_586, %get3A_585, %select_n3A_577 : vector<16xi1>, vector<16xf32>
      %jit3A_588 = arith.constant 54 : i32
      %broadcast_in_dim3A_589 = vector.broadcast %jit3A_588 : i32 to vector<16xi32>
      %select_n3A_590 = arith.select %gt3A_586, %broadcast_in_dim3A_589, %select_n3A_580 : vector<16xi1>, vector<16xi32>
      %add3A_591 = arith.constant 3520 : i32
      %add3A_592 = arith.addi %add3A_48, %add3A_591 : i32
      %get3A_593 = arith.index_cast %add3A_592 : i32 to index
      %get3A_594 = tpu.vector_load %arg4[%get3A_593] {strides = array<i32>} : memref<8192xf32, #tpu.memory_space<vmem>>, vector<16xf32>,
      %get3A_595 = vector.shape_cast %get3A_594 : vector<16xf32> to vector<16xf32>
      %gt3A_596 = arith.cmpf ogt, %get3A_595, %select_n3A_587 : vector<16xf32>
      %select_n3A_597 = arith.select %gt3A_596, %get3A_595, %select_n3A_587 : vector<16xi1>, vector<16xf32>
      %jit3A_598 = arith.constant 55 : i32
      %broadcast_in_dim3A_599 = vector.broadcast %jit3A_598 : i32 to vector<16xi32>
      %select_n3A_600 = arith.select %gt3A_596, %broadcast_in_dim3A_599, %select_n3A_590 : vector<16xi1>, vector<16xi32>
      %add3A_601 = arith.constant 3584 : i32
      %add3A_602 = arith.addi %add3A_48, %add3A_601 : i32
      %get3A_603 = arith.index_cast %add3A_602 : i32 to index
      %get3A_604 = tpu.vector_load %arg4[%get3A_603] {strides = array<i32>} : memref<8192xf32, #tpu.memory_space<vmem>>, vector<16xf32>,
      %get3A_605 = vector.shape_cast %get3A_604 : vector<16xf32> to vector<16xf32>
      %gt3A_606 = arith.cmpf ogt, %get3A_605, %select_n3A_597 : vector<16xf32>
      %select_n3A_607 = arith.select %gt3A_606, %get3A_605, %select_n3A_597 : vector<16xi1>, vector<16xf32>
      %jit3A_608 = arith.constant 56 : i32
      %broadcast_in_dim3A_609 = vector.broadcast %jit3A_608 : i32 to vector<16xi32>
      %select_n3A_610 = arith.select %gt3A_606, %broadcast_in_dim3A_609, %select_n3A_600 : vector<16xi1>, vector<16xi32>
      %add3A_611 = arith.constant 3648 : i32
      %add3A_612 = arith.addi %add3A_48, %add3A_611 : i32
      %get3A_613 = arith.index_cast %add3A_612 : i32 to index
      %get3A_614 = tpu.vector_load %arg4[%get3A_613] {strides = array<i32>} : memref<8192xf32, #tpu.memory_space<vmem>>, vector<16xf32>,
      %get3A_615 = vector.shape_cast %get3A_614 : vector<16xf32> to vector<16xf32>
      %gt3A_616 = arith.cmpf ogt, %get3A_615, %select_n3A_607 : vector<16xf32>
      %select_n3A_617 = arith.select %gt3A_616, %get3A_615, %select_n3A_607 : vector<16xi1>, vector<16xf32>
      %jit3A_618 = arith.constant 57 : i32
      %broadcast_in_dim3A_619 = vector.broadcast %jit3A_618 : i32 to vector<16xi32>
      %select_n3A_620 = arith.select %gt3A_616, %broadcast_in_dim3A_619, %select_n3A_610 : vector<16xi1>, vector<16xi32>
      %add3A_621 = arith.constant 3712 : i32
      %add3A_622 = arith.addi %add3A_48, %add3A_621 : i32
      %get3A_623 = arith.index_cast %add3A_622 : i32 to index
      %get3A_624 = tpu.vector_load %arg4[%get3A_623] {strides = array<i32>} : memref<8192xf32, #tpu.memory_space<vmem>>, vector<16xf32>,
      %get3A_625 = vector.shape_cast %get3A_624 : vector<16xf32> to vector<16xf32>
      %gt3A_626 = arith.cmpf ogt, %get3A_625, %select_n3A_617 : vector<16xf32>
      %select_n3A_627 = arith.select %gt3A_626, %get3A_625, %select_n3A_617 : vector<16xi1>, vector<16xf32>
      %jit3A_628 = arith.constant 58 : i32
      %broadcast_in_dim3A_629 = vector.broadcast %jit3A_628 : i32 to vector<16xi32>
      %select_n3A_630 = arith.select %gt3A_626, %broadcast_in_dim3A_629, %select_n3A_620 : vector<16xi1>, vector<16xi32>
      %add3A_631 = arith.constant 3776 : i32
      %add3A_632 = arith.addi %add3A_48, %add3A_631 : i32
      %get3A_633 = arith.index_cast %add3A_632 : i32 to index
      %get3A_634 = tpu.vector_load %arg4[%get3A_633] {strides = array<i32>} : memref<8192xf32, #tpu.memory_space<vmem>>, vector<16xf32>,
      %get3A_635 = vector.shape_cast %get3A_634 : vector<16xf32> to vector<16xf32>
      %gt3A_636 = arith.cmpf ogt, %get3A_635, %select_n3A_627 : vector<16xf32>
      %select_n3A_637 = arith.select %gt3A_636, %get3A_635, %select_n3A_627 : vector<16xi1>, vector<16xf32>
      %jit3A_638 = arith.constant 59 : i32
      %broadcast_in_dim3A_639 = vector.broadcast %jit3A_638 : i32 to vector<16xi32>
      %select_n3A_640 = arith.select %gt3A_636, %broadcast_in_dim3A_639, %select_n3A_630 : vector<16xi1>, vector<16xi32>
      %add3A_641 = arith.constant 3840 : i32
      %add3A_642 = arith.addi %add3A_48, %add3A_641 : i32
      %get3A_643 = arith.index_cast %add3A_642 : i32 to index
      %get3A_644 = tpu.vector_load %arg4[%get3A_643] {strides = array<i32>} : memref<8192xf32, #tpu.memory_space<vmem>>, vector<16xf32>,
      %get3A_645 = vector.shape_cast %get3A_644 : vector<16xf32> to vector<16xf32>
      %gt3A_646 = arith.cmpf ogt, %get3A_645, %select_n3A_637 : vector<16xf32>
      %select_n3A_647 = arith.select %gt3A_646, %get3A_645, %select_n3A_637 : vector<16xi1>, vector<16xf32>
      %jit3A_648 = arith.constant 60 : i32
      %broadcast_in_dim3A_649 = vector.broadcast %jit3A_648 : i32 to vector<16xi32>
      %select_n3A_650 = arith.select %gt3A_646, %broadcast_in_dim3A_649, %select_n3A_640 : vector<16xi1>, vector<16xi32>
      %add3A_651 = arith.constant 3904 : i32
      %add3A_652 = arith.addi %add3A_48, %add3A_651 : i32
      %get3A_653 = arith.index_cast %add3A_652 : i32 to index
      %get3A_654 = tpu.vector_load %arg4[%get3A_653] {strides = array<i32>} : memref<8192xf32, #tpu.memory_space<vmem>>, vector<16xf32>,
      %get3A_655 = vector.shape_cast %get3A_654 : vector<16xf32> to vector<16xf32>
      %gt3A_656 = arith.cmpf ogt, %get3A_655, %select_n3A_647 : vector<16xf32>
      %select_n3A_657 = arith.select %gt3A_656, %get3A_655, %select_n3A_647 : vector<16xi1>, vector<16xf32>
      %jit3A_658 = arith.constant 61 : i32
      %broadcast_in_dim3A_659 = vector.broadcast %jit3A_658 : i32 to vector<16xi32>
      %select_n3A_660 = arith.select %gt3A_656, %broadcast_in_dim3A_659, %select_n3A_650 : vector<16xi1>, vector<16xi32>
      %add3A_661 = arith.constant 3968 : i32
      %add3A_662 = arith.addi %add3A_48, %add3A_661 : i32
      %get3A_663 = arith.index_cast %add3A_662 : i32 to index
      %get3A_664 = tpu.vector_load %arg4[%get3A_663] {strides = array<i32>} : memref<8192xf32, #tpu.memory_space<vmem>>, vector<16xf32>,
      %get3A_665 = vector.shape_cast %get3A_664 : vector<16xf32> to vector<16xf32>
      %gt3A_666 = arith.cmpf ogt, %get3A_665, %select_n3A_657 : vector<16xf32>
      %select_n3A_667 = arith.select %gt3A_666, %get3A_665, %select_n3A_657 : vector<16xi1>, vector<16xf32>
      %jit3A_668 = arith.constant 62 : i32
      %broadcast_in_dim3A_669 = vector.broadcast %jit3A_668 : i32 to vector<16xi32>
      %select_n3A_670 = arith.select %gt3A_666, %broadcast_in_dim3A_669, %select_n3A_660 : vector<16xi1>, vector<16xi32>
      %add3A_671 = arith.constant 4032 : i32
      %add3A_672 = arith.addi %add3A_48, %add3A_671 : i32
      %get3A_673 = arith.index_cast %add3A_672 : i32 to index
      %get3A_674 = tpu.vector_load %arg4[%get3A_673] {strides = array<i32>} : memref<8192xf32, #tpu.memory_space<vmem>>, vector<16xf32>,
      %get3A_675 = vector.shape_cast %get3A_674 : vector<16xf32> to vector<16xf32>
      %gt3A_676 = arith.cmpf ogt, %get3A_675, %select_n3A_667 : vector<16xf32>
      %select_n3A_677 = arith.select %gt3A_676, %get3A_675, %select_n3A_667 : vector<16xi1>, vector<16xf32>
      %jit3A_678 = arith.constant 63 : i32
      %broadcast_in_dim3A_679 = vector.broadcast %jit3A_678 : i32 to vector<16xi32>
      %select_n3A_680 = arith.select %gt3A_676, %broadcast_in_dim3A_679, %select_n3A_670 : vector<16xi1>, vector<16xi32>
      %broadcast_in_dim3A_681 = arith.constant 0.000000e+00 : f32
      %broadcast_in_dim3A_682 = vector.broadcast %broadcast_in_dim3A_681 : f32 to vector<16xf32>
      %add3A_683 = arith.constant 0 : i32
      %add3A_684 = arith.addi %add3A_48, %add3A_683 : i32
      %get3A_685 = arith.index_cast %add3A_684 : i32 to index
      %get3A_686 = tpu.vector_load %arg4[%get3A_685] {strides = array<i32>} : memref<8192xf32, #tpu.memory_space<vmem>>, vector<16xf32>,
      %get3A_687 = vector.shape_cast %get3A_686 : vector<16xf32> to vector<16xf32>
      %sub3A_688 = arith.subf %get3A_687, %select_n3A_677 : vector<16xf32>
      %mul3A_689 = vector.broadcast %scan3A : f32 to vector<16xf32>
      %mul3A_690 = arith.mulf %sub3A_688, %mul3A_689 : vector<16xf32>
      %exp3A = math.exp %mul3A_690 : vector<16xf32>
      %add3A_691 = arith.addf %broadcast_in_dim3A_682, %exp3A : vector<16xf32>
      %add3A_692 = arith.constant 64 : i32
      %add3A_693 = arith.addi %add3A_48, %add3A_692 : i32
      %get3A_694 = arith.index_cast %add3A_693 : i32 to index
      %get3A_695 = tpu.vector_load %arg4[%get3A_694] {strides = array<i32>} : memref<8192xf32, #tpu.memory_space<vmem>>, vector<16xf32>,
      %get3A_696 = vector.shape_cast %get3A_695 : vector<16xf32> to vector<16xf32>
      %sub3A_697 = arith.subf %get3A_696, %select_n3A_677 : vector<16xf32>
      %mul3A_698 = vector.broadcast %scan3A : f32 to vector<16xf32>
      %mul3A_699 = arith.mulf %sub3A_697, %mul3A_698 : vector<16xf32>
      %exp3A_700 = math.exp %mul3A_699 : vector<16xf32>
      %add3A_701 = arith.addf %add3A_691, %exp3A_700 : vector<16xf32>
      %add3A_702 = arith.constant 128 : i32
      %add3A_703 = arith.addi %add3A_48, %add3A_702 : i32
      %get3A_704 = arith.index_cast %add3A_703 : i32 to index
      %get3A_705 = tpu.vector_load %arg4[%get3A_704] {strides = array<i32>} : memref<8192xf32, #tpu.memory_space<vmem>>, vector<16xf32>,
      %get3A_706 = vector.shape_cast %get3A_705 : vector<16xf32> to vector<16xf32>
      %sub3A_707 = arith.subf %get3A_706, %select_n3A_677 : vector<16xf32>
      %mul3A_708 = vector.broadcast %scan3A : f32 to vector<16xf32>
      %mul3A_709 = arith.mulf %sub3A_707, %mul3A_708 : vector<16xf32>
      %exp3A_710 = math.exp %mul3A_709 : vector<16xf32>
      %add3A_711 = arith.addf %add3A_701, %exp3A_710 : vector<16xf32>
      %add3A_712 = arith.constant 192 : i32
      %add3A_713 = arith.addi %add3A_48, %add3A_712 : i32
      %get3A_714 = arith.index_cast %add3A_713 : i32 to index
      %get3A_715 = tpu.vector_load %arg4[%get3A_714] {strides = array<i32>} : memref<8192xf32, #tpu.memory_space<vmem>>, vector<16xf32>,
      %get3A_716 = vector.shape_cast %get3A_715 : vector<16xf32> to vector<16xf32>
      %sub3A_717 = arith.subf %get3A_716, %select_n3A_677 : vector<16xf32>
      %mul3A_718 = vector.broadcast %scan3A : f32 to vector<16xf32>
      %mul3A_719 = arith.mulf %sub3A_717, %mul3A_718 : vector<16xf32>
      %exp3A_720 = math.exp %mul3A_719 : vector<16xf32>
      %add3A_721 = arith.addf %add3A_711, %exp3A_720 : vector<16xf32>
      %add3A_722 = arith.constant 256 : i32
      %add3A_723 = arith.addi %add3A_48, %add3A_722 : i32
      %get3A_724 = arith.index_cast %add3A_723 : i32 to index
      %get3A_725 = tpu.vector_load %arg4[%get3A_724] {strides = array<i32>} : memref<8192xf32, #tpu.memory_space<vmem>>, vector<16xf32>,
      %get3A_726 = vector.shape_cast %get3A_725 : vector<16xf32> to vector<16xf32>
      %sub3A_727 = arith.subf %get3A_726, %select_n3A_677 : vector<16xf32>
      %mul3A_728 = vector.broadcast %scan3A : f32 to vector<16xf32>
      %mul3A_729 = arith.mulf %sub3A_727, %mul3A_728 : vector<16xf32>
      %exp3A_730 = math.exp %mul3A_729 : vector<16xf32>
      %add3A_731 = arith.addf %add3A_721, %exp3A_730 : vector<16xf32>
      %add3A_732 = arith.constant 320 : i32
      %add3A_733 = arith.addi %add3A_48, %add3A_732 : i32
      %get3A_734 = arith.index_cast %add3A_733 : i32 to index
      %get3A_735 = tpu.vector_load %arg4[%get3A_734] {strides = array<i32>} : memref<8192xf32, #tpu.memory_space<vmem>>, vector<16xf32>,
      %get3A_736 = vector.shape_cast %get3A_735 : vector<16xf32> to vector<16xf32>
      %sub3A_737 = arith.subf %get3A_736, %select_n3A_677 : vector<16xf32>
      %mul3A_738 = vector.broadcast %scan3A : f32 to vector<16xf32>
      %mul3A_739 = arith.mulf %sub3A_737, %mul3A_738 : vector<16xf32>
      %exp3A_740 = math.exp %mul3A_739 : vector<16xf32>
      %add3A_741 = arith.addf %add3A_731, %exp3A_740 : vector<16xf32>
      %add3A_742 = arith.constant 384 : i32
      %add3A_743 = arith.addi %add3A_48, %add3A_742 : i32
      %get3A_744 = arith.index_cast %add3A_743 : i32 to index
      %get3A_745 = tpu.vector_load %arg4[%get3A_744] {strides = array<i32>} : memref<8192xf32, #tpu.memory_space<vmem>>, vector<16xf32>,
      %get3A_746 = vector.shape_cast %get3A_745 : vector<16xf32> to vector<16xf32>
      %sub3A_747 = arith.subf %get3A_746, %select_n3A_677 : vector<16xf32>
      %mul3A_748 = vector.broadcast %scan3A : f32 to vector<16xf32>
      %mul3A_749 = arith.mulf %sub3A_747, %mul3A_748 : vector<16xf32>
      %exp3A_750 = math.exp %mul3A_749 : vector<16xf32>
      %add3A_751 = arith.addf %add3A_741, %exp3A_750 : vector<16xf32>
      %add3A_752 = arith.constant 448 : i32
      %add3A_753 = arith.addi %add3A_48, %add3A_752 : i32
      %get3A_754 = arith.index_cast %add3A_753 : i32 to index
      %get3A_755 = tpu.vector_load %arg4[%get3A_754] {strides = array<i32>} : memref<8192xf32, #tpu.memory_space<vmem>>, vector<16xf32>,
      %get3A_756 = vector.shape_cast %get3A_755 : vector<16xf32> to vector<16xf32>
      %sub3A_757 = arith.subf %get3A_756, %select_n3A_677 : vector<16xf32>
      %mul3A_758 = vector.broadcast %scan3A : f32 to vector<16xf32>
      %mul3A_759 = arith.mulf %sub3A_757, %mul3A_758 : vector<16xf32>
      %exp3A_760 = math.exp %mul3A_759 : vector<16xf32>
      %add3A_761 = arith.addf %add3A_751, %exp3A_760 : vector<16xf32>
      %add3A_762 = arith.constant 512 : i32
      %add3A_763 = arith.addi %add3A_48, %add3A_762 : i32
      %get3A_764 = arith.index_cast %add3A_763 : i32 to index
      %get3A_765 = tpu.vector_load %arg4[%get3A_764] {strides = array<i32>} : memref<8192xf32, #tpu.memory_space<vmem>>, vector<16xf32>,
      %get3A_766 = vector.shape_cast %get3A_765 : vector<16xf32> to vector<16xf32>
      %sub3A_767 = arith.subf %get3A_766, %select_n3A_677 : vector<16xf32>
      %mul3A_768 = vector.broadcast %scan3A : f32 to vector<16xf32>
      %mul3A_769 = arith.mulf %sub3A_767, %mul3A_768 : vector<16xf32>
      %exp3A_770 = math.exp %mul3A_769 : vector<16xf32>
      %add3A_771 = arith.addf %add3A_761, %exp3A_770 : vector<16xf32>
      %add3A_772 = arith.constant 576 : i32
      %add3A_773 = arith.addi %add3A_48, %add3A_772 : i32
      %get3A_774 = arith.index_cast %add3A_773 : i32 to index
      %get3A_775 = tpu.vector_load %arg4[%get3A_774] {strides = array<i32>} : memref<8192xf32, #tpu.memory_space<vmem>>, vector<16xf32>,
      %get3A_776 = vector.shape_cast %get3A_775 : vector<16xf32> to vector<16xf32>
      %sub3A_777 = arith.subf %get3A_776, %select_n3A_677 : vector<16xf32>
      %mul3A_778 = vector.broadcast %scan3A : f32 to vector<16xf32>
      %mul3A_779 = arith.mulf %sub3A_777, %mul3A_778 : vector<16xf32>
      %exp3A_780 = math.exp %mul3A_779 : vector<16xf32>
      %add3A_781 = arith.addf %add3A_771, %exp3A_780 : vector<16xf32>
      %add3A_782 = arith.constant 640 : i32
      %add3A_783 = arith.addi %add3A_48, %add3A_782 : i32
      %get3A_784 = arith.index_cast %add3A_783 : i32 to index
      %get3A_785 = tpu.vector_load %arg4[%get3A_784] {strides = array<i32>} : memref<8192xf32, #tpu.memory_space<vmem>>, vector<16xf32>,
      %get3A_786 = vector.shape_cast %get3A_785 : vector<16xf32> to vector<16xf32>
      %sub3A_787 = arith.subf %get3A_786, %select_n3A_677 : vector<16xf32>
      %mul3A_788 = vector.broadcast %scan3A : f32 to vector<16xf32>
      %mul3A_789 = arith.mulf %sub3A_787, %mul3A_788 : vector<16xf32>
      %exp3A_790 = math.exp %mul3A_789 : vector<16xf32>
      %add3A_791 = arith.addf %add3A_781, %exp3A_790 : vector<16xf32>
      %add3A_792 = arith.constant 704 : i32
      %add3A_793 = arith.addi %add3A_48, %add3A_792 : i32
      %get3A_794 = arith.index_cast %add3A_793 : i32 to index
      %get3A_795 = tpu.vector_load %arg4[%get3A_794] {strides = array<i32>} : memref<8192xf32, #tpu.memory_space<vmem>>, vector<16xf32>,
      %get3A_796 = vector.shape_cast %get3A_795 : vector<16xf32> to vector<16xf32>
      %sub3A_797 = arith.subf %get3A_796, %select_n3A_677 : vector<16xf32>
      %mul3A_798 = vector.broadcast %scan3A : f32 to vector<16xf32>
      %mul3A_799 = arith.mulf %sub3A_797, %mul3A_798 : vector<16xf32>
      %exp3A_800 = math.exp %mul3A_799 : vector<16xf32>
      %add3A_801 = arith.addf %add3A_791, %exp3A_800 : vector<16xf32>
      %add3A_802 = arith.constant 768 : i32
      %add3A_803 = arith.addi %add3A_48, %add3A_802 : i32
      %get3A_804 = arith.index_cast %add3A_803 : i32 to index
      %get3A_805 = tpu.vector_load %arg4[%get3A_804] {strides = array<i32>} : memref<8192xf32, #tpu.memory_space<vmem>>, vector<16xf32>,
      %get3A_806 = vector.shape_cast %get3A_805 : vector<16xf32> to vector<16xf32>
      %sub3A_807 = arith.subf %get3A_806, %select_n3A_677 : vector<16xf32>
      %mul3A_808 = vector.broadcast %scan3A : f32 to vector<16xf32>
      %mul3A_809 = arith.mulf %sub3A_807, %mul3A_808 : vector<16xf32>
      %exp3A_810 = math.exp %mul3A_809 : vector<16xf32>
      %add3A_811 = arith.addf %add3A_801, %exp3A_810 : vector<16xf32>
      %add3A_812 = arith.constant 832 : i32
      %add3A_813 = arith.addi %add3A_48, %add3A_812 : i32
      %get3A_814 = arith.index_cast %add3A_813 : i32 to index
      %get3A_815 = tpu.vector_load %arg4[%get3A_814] {strides = array<i32>} : memref<8192xf32, #tpu.memory_space<vmem>>, vector<16xf32>,
      %get3A_816 = vector.shape_cast %get3A_815 : vector<16xf32> to vector<16xf32>
      %sub3A_817 = arith.subf %get3A_816, %select_n3A_677 : vector<16xf32>
      %mul3A_818 = vector.broadcast %scan3A : f32 to vector<16xf32>
      %mul3A_819 = arith.mulf %sub3A_817, %mul3A_818 : vector<16xf32>
      %exp3A_820 = math.exp %mul3A_819 : vector<16xf32>
      %add3A_821 = arith.addf %add3A_811, %exp3A_820 : vector<16xf32>
      %add3A_822 = arith.constant 896 : i32
      %add3A_823 = arith.addi %add3A_48, %add3A_822 : i32
      %get3A_824 = arith.index_cast %add3A_823 : i32 to index
      %get3A_825 = tpu.vector_load %arg4[%get3A_824] {strides = array<i32>} : memref<8192xf32, #tpu.memory_space<vmem>>, vector<16xf32>,
      %get3A_826 = vector.shape_cast %get3A_825 : vector<16xf32> to vector<16xf32>
      %sub3A_827 = arith.subf %get3A_826, %select_n3A_677 : vector<16xf32>
      %mul3A_828 = vector.broadcast %scan3A : f32 to vector<16xf32>
      %mul3A_829 = arith.mulf %sub3A_827, %mul3A_828 : vector<16xf32>
      %exp3A_830 = math.exp %mul3A_829 : vector<16xf32>
      %add3A_831 = arith.addf %add3A_821, %exp3A_830 : vector<16xf32>
      %add3A_832 = arith.constant 960 : i32
      %add3A_833 = arith.addi %add3A_48, %add3A_832 : i32
      %get3A_834 = arith.index_cast %add3A_833 : i32 to index
      %get3A_835 = tpu.vector_load %arg4[%get3A_834] {strides = array<i32>} : memref<8192xf32, #tpu.memory_space<vmem>>, vector<16xf32>,
      %get3A_836 = vector.shape_cast %get3A_835 : vector<16xf32> to vector<16xf32>
      %sub3A_837 = arith.subf %get3A_836, %select_n3A_677 : vector<16xf32>
      %mul3A_838 = vector.broadcast %scan3A : f32 to vector<16xf32>
      %mul3A_839 = arith.mulf %sub3A_837, %mul3A_838 : vector<16xf32>
      %exp3A_840 = math.exp %mul3A_839 : vector<16xf32>
      %add3A_841 = arith.addf %add3A_831, %exp3A_840 : vector<16xf32>
      %add3A_842 = arith.constant 1024 : i32
      %add3A_843 = arith.addi %add3A_48, %add3A_842 : i32
      %get3A_844 = arith.index_cast %add3A_843 : i32 to index
      %get3A_845 = tpu.vector_load %arg4[%get3A_844] {strides = array<i32>} : memref<8192xf32, #tpu.memory_space<vmem>>, vector<16xf32>,
      %get3A_846 = vector.shape_cast %get3A_845 : vector<16xf32> to vector<16xf32>
      %sub3A_847 = arith.subf %get3A_846, %select_n3A_677 : vector<16xf32>
      %mul3A_848 = vector.broadcast %scan3A : f32 to vector<16xf32>
      %mul3A_849 = arith.mulf %sub3A_847, %mul3A_848 : vector<16xf32>
      %exp3A_850 = math.exp %mul3A_849 : vector<16xf32>
      %add3A_851 = arith.addf %add3A_841, %exp3A_850 : vector<16xf32>
      %add3A_852 = arith.constant 1088 : i32
      %add3A_853 = arith.addi %add3A_48, %add3A_852 : i32
      %get3A_854 = arith.index_cast %add3A_853 : i32 to index
      %get3A_855 = tpu.vector_load %arg4[%get3A_854] {strides = array<i32>} : memref<8192xf32, #tpu.memory_space<vmem>>, vector<16xf32>,
      %get3A_856 = vector.shape_cast %get3A_855 : vector<16xf32> to vector<16xf32>
      %sub3A_857 = arith.subf %get3A_856, %select_n3A_677 : vector<16xf32>
      %mul3A_858 = vector.broadcast %scan3A : f32 to vector<16xf32>
      %mul3A_859 = arith.mulf %sub3A_857, %mul3A_858 : vector<16xf32>
      %exp3A_860 = math.exp %mul3A_859 : vector<16xf32>
      %add3A_861 = arith.addf %add3A_851, %exp3A_860 : vector<16xf32>
      %add3A_862 = arith.constant 1152 : i32
      %add3A_863 = arith.addi %add3A_48, %add3A_862 : i32
      %get3A_864 = arith.index_cast %add3A_863 : i32 to index
      %get3A_865 = tpu.vector_load %arg4[%get3A_864] {strides = array<i32>} : memref<8192xf32, #tpu.memory_space<vmem>>, vector<16xf32>,
      %get3A_866 = vector.shape_cast %get3A_865 : vector<16xf32> to vector<16xf32>
      %sub3A_867 = arith.subf %get3A_866, %select_n3A_677 : vector<16xf32>
      %mul3A_868 = vector.broadcast %scan3A : f32 to vector<16xf32>
      %mul3A_869 = arith.mulf %sub3A_867, %mul3A_868 : vector<16xf32>
      %exp3A_870 = math.exp %mul3A_869 : vector<16xf32>
      %add3A_871 = arith.addf %add3A_861, %exp3A_870 : vector<16xf32>
      %add3A_872 = arith.constant 1216 : i32
      %add3A_873 = arith.addi %add3A_48, %add3A_872 : i32
      %get3A_874 = arith.index_cast %add3A_873 : i32 to index
      %get3A_875 = tpu.vector_load %arg4[%get3A_874] {strides = array<i32>} : memref<8192xf32, #tpu.memory_space<vmem>>, vector<16xf32>,
      %get3A_876 = vector.shape_cast %get3A_875 : vector<16xf32> to vector<16xf32>
      %sub3A_877 = arith.subf %get3A_876, %select_n3A_677 : vector<16xf32>
      %mul3A_878 = vector.broadcast %scan3A : f32 to vector<16xf32>
      %mul3A_879 = arith.mulf %sub3A_877, %mul3A_878 : vector<16xf32>
      %exp3A_880 = math.exp %mul3A_879 : vector<16xf32>
      %add3A_881 = arith.addf %add3A_871, %exp3A_880 : vector<16xf32>
      %add3A_882 = arith.constant 1280 : i32
      %add3A_883 = arith.addi %add3A_48, %add3A_882 : i32
      %get3A_884 = arith.index_cast %add3A_883 : i32 to index
      %get3A_885 = tpu.vector_load %arg4[%get3A_884] {strides = array<i32>} : memref<8192xf32, #tpu.memory_space<vmem>>, vector<16xf32>,
      %get3A_886 = vector.shape_cast %get3A_885 : vector<16xf32> to vector<16xf32>
      %sub3A_887 = arith.subf %get3A_886, %select_n3A_677 : vector<16xf32>
      %mul3A_888 = vector.broadcast %scan3A : f32 to vector<16xf32>
      %mul3A_889 = arith.mulf %sub3A_887, %mul3A_888 : vector<16xf32>
      %exp3A_890 = math.exp %mul3A_889 : vector<16xf32>
      %add3A_891 = arith.addf %add3A_881, %exp3A_890 : vector<16xf32>
      %add3A_892 = arith.constant 1344 : i32
      %add3A_893 = arith.addi %add3A_48, %add3A_892 : i32
      %get3A_894 = arith.index_cast %add3A_893 : i32 to index
      %get3A_895 = tpu.vector_load %arg4[%get3A_894] {strides = array<i32>} : memref<8192xf32, #tpu.memory_space<vmem>>, vector<16xf32>,
      %get3A_896 = vector.shape_cast %get3A_895 : vector<16xf32> to vector<16xf32>
      %sub3A_897 = arith.subf %get3A_896, %select_n3A_677 : vector<16xf32>
      %mul3A_898 = vector.broadcast %scan3A : f32 to vector<16xf32>
      %mul3A_899 = arith.mulf %sub3A_897, %mul3A_898 : vector<16xf32>
      %exp3A_900 = math.exp %mul3A_899 : vector<16xf32>
      %add3A_901 = arith.addf %add3A_891, %exp3A_900 : vector<16xf32>
      %add3A_902 = arith.constant 1408 : i32
      %add3A_903 = arith.addi %add3A_48, %add3A_902 : i32
      %get3A_904 = arith.index_cast %add3A_903 : i32 to index
      %get3A_905 = tpu.vector_load %arg4[%get3A_904] {strides = array<i32>} : memref<8192xf32, #tpu.memory_space<vmem>>, vector<16xf32>,
      %get3A_906 = vector.shape_cast %get3A_905 : vector<16xf32> to vector<16xf32>
      %sub3A_907 = arith.subf %get3A_906, %select_n3A_677 : vector<16xf32>
      %mul3A_908 = vector.broadcast %scan3A : f32 to vector<16xf32>
      %mul3A_909 = arith.mulf %sub3A_907, %mul3A_908 : vector<16xf32>
      %exp3A_910 = math.exp %mul3A_909 : vector<16xf32>
      %add3A_911 = arith.addf %add3A_901, %exp3A_910 : vector<16xf32>
      %add3A_912 = arith.constant 1472 : i32
      %add3A_913 = arith.addi %add3A_48, %add3A_912 : i32
      %get3A_914 = arith.index_cast %add3A_913 : i32 to index
      %get3A_915 = tpu.vector_load %arg4[%get3A_914] {strides = array<i32>} : memref<8192xf32, #tpu.memory_space<vmem>>, vector<16xf32>,
      %get3A_916 = vector.shape_cast %get3A_915 : vector<16xf32> to vector<16xf32>
      %sub3A_917 = arith.subf %get3A_916, %select_n3A_677 : vector<16xf32>
      %mul3A_918 = vector.broadcast %scan3A : f32 to vector<16xf32>
      %mul3A_919 = arith.mulf %sub3A_917, %mul3A_918 : vector<16xf32>
      %exp3A_920 = math.exp %mul3A_919 : vector<16xf32>
      %add3A_921 = arith.addf %add3A_911, %exp3A_920 : vector<16xf32>
      %add3A_922 = arith.constant 1536 : i32
      %add3A_923 = arith.addi %add3A_48, %add3A_922 : i32
      %get3A_924 = arith.index_cast %add3A_923 : i32 to index
      %get3A_925 = tpu.vector_load %arg4[%get3A_924] {strides = array<i32>} : memref<8192xf32, #tpu.memory_space<vmem>>, vector<16xf32>,
      %get3A_926 = vector.shape_cast %get3A_925 : vector<16xf32> to vector<16xf32>
      %sub3A_927 = arith.subf %get3A_926, %select_n3A_677 : vector<16xf32>
      %mul3A_928 = vector.broadcast %scan3A : f32 to vector<16xf32>
      %mul3A_929 = arith.mulf %sub3A_927, %mul3A_928 : vector<16xf32>
      %exp3A_930 = math.exp %mul3A_929 : vector<16xf32>
      %add3A_931 = arith.addf %add3A_921, %exp3A_930 : vector<16xf32>
      %add3A_932 = arith.constant 1600 : i32
      %add3A_933 = arith.addi %add3A_48, %add3A_932 : i32
      %get3A_934 = arith.index_cast %add3A_933 : i32 to index
      %get3A_935 = tpu.vector_load %arg4[%get3A_934] {strides = array<i32>} : memref<8192xf32, #tpu.memory_space<vmem>>, vector<16xf32>,
      %get3A_936 = vector.shape_cast %get3A_935 : vector<16xf32> to vector<16xf32>
      %sub3A_937 = arith.subf %get3A_936, %select_n3A_677 : vector<16xf32>
      %mul3A_938 = vector.broadcast %scan3A : f32 to vector<16xf32>
      %mul3A_939 = arith.mulf %sub3A_937, %mul3A_938 : vector<16xf32>
      %exp3A_940 = math.exp %mul3A_939 : vector<16xf32>
      %add3A_941 = arith.addf %add3A_931, %exp3A_940 : vector<16xf32>
      %add3A_942 = arith.constant 1664 : i32
      %add3A_943 = arith.addi %add3A_48, %add3A_942 : i32
      %get3A_944 = arith.index_cast %add3A_943 : i32 to index
      %get3A_945 = tpu.vector_load %arg4[%get3A_944] {strides = array<i32>} : memref<8192xf32, #tpu.memory_space<vmem>>, vector<16xf32>,
      %get3A_946 = vector.shape_cast %get3A_945 : vector<16xf32> to vector<16xf32>
      %sub3A_947 = arith.subf %get3A_946, %select_n3A_677 : vector<16xf32>
      %mul3A_948 = vector.broadcast %scan3A : f32 to vector<16xf32>
      %mul3A_949 = arith.mulf %sub3A_947, %mul3A_948 : vector<16xf32>
      %exp3A_950 = math.exp %mul3A_949 : vector<16xf32>
      %add3A_951 = arith.addf %add3A_941, %exp3A_950 : vector<16xf32>
      %add3A_952 = arith.constant 1728 : i32
      %add3A_953 = arith.addi %add3A_48, %add3A_952 : i32
      %get3A_954 = arith.index_cast %add3A_953 : i32 to index
      %get3A_955 = tpu.vector_load %arg4[%get3A_954] {strides = array<i32>} : memref<8192xf32, #tpu.memory_space<vmem>>, vector<16xf32>,
      %get3A_956 = vector.shape_cast %get3A_955 : vector<16xf32> to vector<16xf32>
      %sub3A_957 = arith.subf %get3A_956, %select_n3A_677 : vector<16xf32>
      %mul3A_958 = vector.broadcast %scan3A : f32 to vector<16xf32>
      %mul3A_959 = arith.mulf %sub3A_957, %mul3A_958 : vector<16xf32>
      %exp3A_960 = math.exp %mul3A_959 : vector<16xf32>
      %add3A_961 = arith.addf %add3A_951, %exp3A_960 : vector<16xf32>
      %add3A_962 = arith.constant 1792 : i32
      %add3A_963 = arith.addi %add3A_48, %add3A_962 : i32
      %get3A_964 = arith.index_cast %add3A_963 : i32 to index
      %get3A_965 = tpu.vector_load %arg4[%get3A_964] {strides = array<i32>} : memref<8192xf32, #tpu.memory_space<vmem>>, vector<16xf32>,
      %get3A_966 = vector.shape_cast %get3A_965 : vector<16xf32> to vector<16xf32>
      %sub3A_967 = arith.subf %get3A_966, %select_n3A_677 : vector<16xf32>
      %mul3A_968 = vector.broadcast %scan3A : f32 to vector<16xf32>
      %mul3A_969 = arith.mulf %sub3A_967, %mul3A_968 : vector<16xf32>
      %exp3A_970 = math.exp %mul3A_969 : vector<16xf32>
      %add3A_971 = arith.addf %add3A_961, %exp3A_970 : vector<16xf32>
      %add3A_972 = arith.constant 1856 : i32
      %add3A_973 = arith.addi %add3A_48, %add3A_972 : i32
      %get3A_974 = arith.index_cast %add3A_973 : i32 to index
      %get3A_975 = tpu.vector_load %arg4[%get3A_974] {strides = array<i32>} : memref<8192xf32, #tpu.memory_space<vmem>>, vector<16xf32>,
      %get3A_976 = vector.shape_cast %get3A_975 : vector<16xf32> to vector<16xf32>
      %sub3A_977 = arith.subf %get3A_976, %select_n3A_677 : vector<16xf32>
      %mul3A_978 = vector.broadcast %scan3A : f32 to vector<16xf32>
      %mul3A_979 = arith.mulf %sub3A_977, %mul3A_978 : vector<16xf32>
      %exp3A_980 = math.exp %mul3A_979 : vector<16xf32>
      %add3A_981 = arith.addf %add3A_971, %exp3A_980 : vector<16xf32>
      %add3A_982 = arith.constant 1920 : i32
      %add3A_983 = arith.addi %add3A_48, %add3A_982 : i32
      %get3A_984 = arith.index_cast %add3A_983 : i32 to index
      %get3A_985 = tpu.vector_load %arg4[%get3A_984] {strides = array<i32>} : memref<8192xf32, #tpu.memory_space<vmem>>, vector<16xf32>,
      %get3A_986 = vector.shape_cast %get3A_985 : vector<16xf32> to vector<16xf32>
      %sub3A_987 = arith.subf %get3A_986, %select_n3A_677 : vector<16xf32>
      %mul3A_988 = vector.broadcast %scan3A : f32 to vector<16xf32>
      %mul3A_989 = arith.mulf %sub3A_987, %mul3A_988 : vector<16xf32>
      %exp3A_990 = math.exp %mul3A_989 : vector<16xf32>
      %add3A_991 = arith.addf %add3A_981, %exp3A_990 : vector<16xf32>
      %add3A_992 = arith.constant 1984 : i32
      %add3A_993 = arith.addi %add3A_48, %add3A_992 : i32
      %get3A_994 = arith.index_cast %add3A_993 : i32 to index
      %get3A_995 = tpu.vector_load %arg4[%get3A_994] {strides = array<i32>} : memref<8192xf32, #tpu.memory_space<vmem>>, vector<16xf32>,
      %get3A_996 = vector.shape_cast %get3A_995 : vector<16xf32> to vector<16xf32>
      %sub3A_997 = arith.subf %get3A_996, %select_n3A_677 : vector<16xf32>
      %mul3A_998 = vector.broadcast %scan3A : f32 to vector<16xf32>
      %mul3A_999 = arith.mulf %sub3A_997, %mul3A_998 : vector<16xf32>
      %exp3A_1000 = math.exp %mul3A_999 : vector<16xf32>
      %add3A_1001 = arith.addf %add3A_991, %exp3A_1000 : vector<16xf32>
      %add3A_1002 = arith.constant 2048 : i32
      %add3A_1003 = arith.addi %add3A_48, %add3A_1002 : i32
      %get3A_1004 = arith.index_cast %add3A_1003 : i32 to index
      %get3A_1005 = tpu.vector_load %arg4[%get3A_1004] {strides = array<i32>} : memref<8192xf32, #tpu.memory_space<vmem>>, vector<16xf32>,
      %get3A_1006 = vector.shape_cast %get3A_1005 : vector<16xf32> to vector<16xf32>
      %sub3A_1007 = arith.subf %get3A_1006, %select_n3A_677 : vector<16xf32>
      %mul3A_1008 = vector.broadcast %scan3A : f32 to vector<16xf32>
      %mul3A_1009 = arith.mulf %sub3A_1007, %mul3A_1008 : vector<16xf32>
      %exp3A_1010 = math.exp %mul3A_1009 : vector<16xf32>
      %add3A_1011 = arith.addf %add3A_1001, %exp3A_1010 : vector<16xf32>
      %add3A_1012 = arith.constant 2112 : i32
      %add3A_1013 = arith.addi %add3A_48, %add3A_1012 : i32
      %get3A_1014 = arith.index_cast %add3A_1013 : i32 to index
      %get3A_1015 = tpu.vector_load %arg4[%get3A_1014] {strides = array<i32>} : memref<8192xf32, #tpu.memory_space<vmem>>, vector<16xf32>,
      %get3A_1016 = vector.shape_cast %get3A_1015 : vector<16xf32> to vector<16xf32>
      %sub3A_1017 = arith.subf %get3A_1016, %select_n3A_677 : vector<16xf32>
      %mul3A_1018 = vector.broadcast %scan3A : f32 to vector<16xf32>
      %mul3A_1019 = arith.mulf %sub3A_1017, %mul3A_1018 : vector<16xf32>
      %exp3A_1020 = math.exp %mul3A_1019 : vector<16xf32>
      %add3A_1021 = arith.addf %add3A_1011, %exp3A_1020 : vector<16xf32>
      %add3A_1022 = arith.constant 2176 : i32
      %add3A_1023 = arith.addi %add3A_48, %add3A_1022 : i32
      %get3A_1024 = arith.index_cast %add3A_1023 : i32 to index
      %get3A_1025 = tpu.vector_load %arg4[%get3A_1024] {strides = array<i32>} : memref<8192xf32, #tpu.memory_space<vmem>>, vector<16xf32>,
      %get3A_1026 = vector.shape_cast %get3A_1025 : vector<16xf32> to vector<16xf32>
      %sub3A_1027 = arith.subf %get3A_1026, %select_n3A_677 : vector<16xf32>
      %mul3A_1028 = vector.broadcast %scan3A : f32 to vector<16xf32>
      %mul3A_1029 = arith.mulf %sub3A_1027, %mul3A_1028 : vector<16xf32>
      %exp3A_1030 = math.exp %mul3A_1029 : vector<16xf32>
      %add3A_1031 = arith.addf %add3A_1021, %exp3A_1030 : vector<16xf32>
      %add3A_1032 = arith.constant 2240 : i32
      %add3A_1033 = arith.addi %add3A_48, %add3A_1032 : i32
      %get3A_1034 = arith.index_cast %add3A_1033 : i32 to index
      %get3A_1035 = tpu.vector_load %arg4[%get3A_1034] {strides = array<i32>} : memref<8192xf32, #tpu.memory_space<vmem>>, vector<16xf32>,
      %get3A_1036 = vector.shape_cast %get3A_1035 : vector<16xf32> to vector<16xf32>
      %sub3A_1037 = arith.subf %get3A_1036, %select_n3A_677 : vector<16xf32>
      %mul3A_1038 = vector.broadcast %scan3A : f32 to vector<16xf32>
      %mul3A_1039 = arith.mulf %sub3A_1037, %mul3A_1038 : vector<16xf32>
      %exp3A_1040 = math.exp %mul3A_1039 : vector<16xf32>
      %add3A_1041 = arith.addf %add3A_1031, %exp3A_1040 : vector<16xf32>
      %add3A_1042 = arith.constant 2304 : i32
      %add3A_1043 = arith.addi %add3A_48, %add3A_1042 : i32
      %get3A_1044 = arith.index_cast %add3A_1043 : i32 to index
      %get3A_1045 = tpu.vector_load %arg4[%get3A_1044] {strides = array<i32>} : memref<8192xf32, #tpu.memory_space<vmem>>, vector<16xf32>,
      %get3A_1046 = vector.shape_cast %get3A_1045 : vector<16xf32> to vector<16xf32>
      %sub3A_1047 = arith.subf %get3A_1046, %select_n3A_677 : vector<16xf32>
      %mul3A_1048 = vector.broadcast %scan3A : f32 to vector<16xf32>
      %mul3A_1049 = arith.mulf %sub3A_1047, %mul3A_1048 : vector<16xf32>
      %exp3A_1050 = math.exp %mul3A_1049 : vector<16xf32>
      %add3A_1051 = arith.addf %add3A_1041, %exp3A_1050 : vector<16xf32>
      %add3A_1052 = arith.constant 2368 : i32
      %add3A_1053 = arith.addi %add3A_48, %add3A_1052 : i32
      %get3A_1054 = arith.index_cast %add3A_1053 : i32 to index
      %get3A_1055 = tpu.vector_load %arg4[%get3A_1054] {strides = array<i32>} : memref<8192xf32, #tpu.memory_space<vmem>>, vector<16xf32>,
      %get3A_1056 = vector.shape_cast %get3A_1055 : vector<16xf32> to vector<16xf32>
      %sub3A_1057 = arith.subf %get3A_1056, %select_n3A_677 : vector<16xf32>
      %mul3A_1058 = vector.broadcast %scan3A : f32 to vector<16xf32>
      %mul3A_1059 = arith.mulf %sub3A_1057, %mul3A_1058 : vector<16xf32>
      %exp3A_1060 = math.exp %mul3A_1059 : vector<16xf32>
      %add3A_1061 = arith.addf %add3A_1051, %exp3A_1060 : vector<16xf32>
      %add3A_1062 = arith.constant 2432 : i32
      %add3A_1063 = arith.addi %add3A_48, %add3A_1062 : i32
      %get3A_1064 = arith.index_cast %add3A_1063 : i32 to index
      %get3A_1065 = tpu.vector_load %arg4[%get3A_1064] {strides = array<i32>} : memref<8192xf32, #tpu.memory_space<vmem>>, vector<16xf32>,
      %get3A_1066 = vector.shape_cast %get3A_1065 : vector<16xf32> to vector<16xf32>
      %sub3A_1067 = arith.subf %get3A_1066, %select_n3A_677 : vector<16xf32>
      %mul3A_1068 = vector.broadcast %scan3A : f32 to vector<16xf32>
      %mul3A_1069 = arith.mulf %sub3A_1067, %mul3A_1068 : vector<16xf32>
      %exp3A_1070 = math.exp %mul3A_1069 : vector<16xf32>
      %add3A_1071 = arith.addf %add3A_1061, %exp3A_1070 : vector<16xf32>
      %add3A_1072 = arith.constant 2496 : i32
      %add3A_1073 = arith.addi %add3A_48, %add3A_1072 : i32
      %get3A_1074 = arith.index_cast %add3A_1073 : i32 to index
      %get3A_1075 = tpu.vector_load %arg4[%get3A_1074] {strides = array<i32>} : memref<8192xf32, #tpu.memory_space<vmem>>, vector<16xf32>,
      %get3A_1076 = vector.shape_cast %get3A_1075 : vector<16xf32> to vector<16xf32>
      %sub3A_1077 = arith.subf %get3A_1076, %select_n3A_677 : vector<16xf32>
      %mul3A_1078 = vector.broadcast %scan3A : f32 to vector<16xf32>
      %mul3A_1079 = arith.mulf %sub3A_1077, %mul3A_1078 : vector<16xf32>
      %exp3A_1080 = math.exp %mul3A_1079 : vector<16xf32>
      %add3A_1081 = arith.addf %add3A_1071, %exp3A_1080 : vector<16xf32>
      %add3A_1082 = arith.constant 2560 : i32
      %add3A_1083 = arith.addi %add3A_48, %add3A_1082 : i32
      %get3A_1084 = arith.index_cast %add3A_1083 : i32 to index
      %get3A_1085 = tpu.vector_load %arg4[%get3A_1084] {strides = array<i32>} : memref<8192xf32, #tpu.memory_space<vmem>>, vector<16xf32>,
      %get3A_1086 = vector.shape_cast %get3A_1085 : vector<16xf32> to vector<16xf32>
      %sub3A_1087 = arith.subf %get3A_1086, %select_n3A_677 : vector<16xf32>
      %mul3A_1088 = vector.broadcast %scan3A : f32 to vector<16xf32>
      %mul3A_1089 = arith.mulf %sub3A_1087, %mul3A_1088 : vector<16xf32>
      %exp3A_1090 = math.exp %mul3A_1089 : vector<16xf32>
      %add3A_1091 = arith.addf %add3A_1081, %exp3A_1090 : vector<16xf32>
      %add3A_1092 = arith.constant 2624 : i32
      %add3A_1093 = arith.addi %add3A_48, %add3A_1092 : i32
      %get3A_1094 = arith.index_cast %add3A_1093 : i32 to index
      %get3A_1095 = tpu.vector_load %arg4[%get3A_1094] {strides = array<i32>} : memref<8192xf32, #tpu.memory_space<vmem>>, vector<16xf32>,
      %get3A_1096 = vector.shape_cast %get3A_1095 : vector<16xf32> to vector<16xf32>
      %sub3A_1097 = arith.subf %get3A_1096, %select_n3A_677 : vector<16xf32>
      %mul3A_1098 = vector.broadcast %scan3A : f32 to vector<16xf32>
      %mul3A_1099 = arith.mulf %sub3A_1097, %mul3A_1098 : vector<16xf32>
      %exp3A_1100 = math.exp %mul3A_1099 : vector<16xf32>
      %add3A_1101 = arith.addf %add3A_1091, %exp3A_1100 : vector<16xf32>
      %add3A_1102 = arith.constant 2688 : i32
      %add3A_1103 = arith.addi %add3A_48, %add3A_1102 : i32
      %get3A_1104 = arith.index_cast %add3A_1103 : i32 to index
      %get3A_1105 = tpu.vector_load %arg4[%get3A_1104] {strides = array<i32>} : memref<8192xf32, #tpu.memory_space<vmem>>, vector<16xf32>,
      %get3A_1106 = vector.shape_cast %get3A_1105 : vector<16xf32> to vector<16xf32>
      %sub3A_1107 = arith.subf %get3A_1106, %select_n3A_677 : vector<16xf32>
      %mul3A_1108 = vector.broadcast %scan3A : f32 to vector<16xf32>
      %mul3A_1109 = arith.mulf %sub3A_1107, %mul3A_1108 : vector<16xf32>
      %exp3A_1110 = math.exp %mul3A_1109 : vector<16xf32>
      %add3A_1111 = arith.addf %add3A_1101, %exp3A_1110 : vector<16xf32>
      %add3A_1112 = arith.constant 2752 : i32
      %add3A_1113 = arith.addi %add3A_48, %add3A_1112 : i32
      %get3A_1114 = arith.index_cast %add3A_1113 : i32 to index
      %get3A_1115 = tpu.vector_load %arg4[%get3A_1114] {strides = array<i32>} : memref<8192xf32, #tpu.memory_space<vmem>>, vector<16xf32>,
      %get3A_1116 = vector.shape_cast %get3A_1115 : vector<16xf32> to vector<16xf32>
      %sub3A_1117 = arith.subf %get3A_1116, %select_n3A_677 : vector<16xf32>
      %mul3A_1118 = vector.broadcast %scan3A : f32 to vector<16xf32>
      %mul3A_1119 = arith.mulf %sub3A_1117, %mul3A_1118 : vector<16xf32>
      %exp3A_1120 = math.exp %mul3A_1119 : vector<16xf32>
      %add3A_1121 = arith.addf %add3A_1111, %exp3A_1120 : vector<16xf32>
      %add3A_1122 = arith.constant 2816 : i32
      %add3A_1123 = arith.addi %add3A_48, %add3A_1122 : i32
      %get3A_1124 = arith.index_cast %add3A_1123 : i32 to index
      %get3A_1125 = tpu.vector_load %arg4[%get3A_1124] {strides = array<i32>} : memref<8192xf32, #tpu.memory_space<vmem>>, vector<16xf32>,
      %get3A_1126 = vector.shape_cast %get3A_1125 : vector<16xf32> to vector<16xf32>
      %sub3A_1127 = arith.subf %get3A_1126, %select_n3A_677 : vector<16xf32>
      %mul3A_1128 = vector.broadcast %scan3A : f32 to vector<16xf32>
      %mul3A_1129 = arith.mulf %sub3A_1127, %mul3A_1128 : vector<16xf32>
      %exp3A_1130 = math.exp %mul3A_1129 : vector<16xf32>
      %add3A_1131 = arith.addf %add3A_1121, %exp3A_1130 : vector<16xf32>
      %add3A_1132 = arith.constant 2880 : i32
      %add3A_1133 = arith.addi %add3A_48, %add3A_1132 : i32
      %get3A_1134 = arith.index_cast %add3A_1133 : i32 to index
      %get3A_1135 = tpu.vector_load %arg4[%get3A_1134] {strides = array<i32>} : memref<8192xf32, #tpu.memory_space<vmem>>, vector<16xf32>,
      %get3A_1136 = vector.shape_cast %get3A_1135 : vector<16xf32> to vector<16xf32>
      %sub3A_1137 = arith.subf %get3A_1136, %select_n3A_677 : vector<16xf32>
      %mul3A_1138 = vector.broadcast %scan3A : f32 to vector<16xf32>
      %mul3A_1139 = arith.mulf %sub3A_1137, %mul3A_1138 : vector<16xf32>
      %exp3A_1140 = math.exp %mul3A_1139 : vector<16xf32>
      %add3A_1141 = arith.addf %add3A_1131, %exp3A_1140 : vector<16xf32>
      %add3A_1142 = arith.constant 2944 : i32
      %add3A_1143 = arith.addi %add3A_48, %add3A_1142 : i32
      %get3A_1144 = arith.index_cast %add3A_1143 : i32 to index
      %get3A_1145 = tpu.vector_load %arg4[%get3A_1144] {strides = array<i32>} : memref<8192xf32, #tpu.memory_space<vmem>>, vector<16xf32>,
      %get3A_1146 = vector.shape_cast %get3A_1145 : vector<16xf32> to vector<16xf32>
      %sub3A_1147 = arith.subf %get3A_1146, %select_n3A_677 : vector<16xf32>
      %mul3A_1148 = vector.broadcast %scan3A : f32 to vector<16xf32>
      %mul3A_1149 = arith.mulf %sub3A_1147, %mul3A_1148 : vector<16xf32>
      %exp3A_1150 = math.exp %mul3A_1149 : vector<16xf32>
      %add3A_1151 = arith.addf %add3A_1141, %exp3A_1150 : vector<16xf32>
      %add3A_1152 = arith.constant 3008 : i32
      %add3A_1153 = arith.addi %add3A_48, %add3A_1152 : i32
      %get3A_1154 = arith.index_cast %add3A_1153 : i32 to index
      %get3A_1155 = tpu.vector_load %arg4[%get3A_1154] {strides = array<i32>} : memref<8192xf32, #tpu.memory_space<vmem>>, vector<16xf32>,
      %get3A_1156 = vector.shape_cast %get3A_1155 : vector<16xf32> to vector<16xf32>
      %sub3A_1157 = arith.subf %get3A_1156, %select_n3A_677 : vector<16xf32>
      %mul3A_1158 = vector.broadcast %scan3A : f32 to vector<16xf32>
      %mul3A_1159 = arith.mulf %sub3A_1157, %mul3A_1158 : vector<16xf32>
      %exp3A_1160 = math.exp %mul3A_1159 : vector<16xf32>
      %add3A_1161 = arith.addf %add3A_1151, %exp3A_1160 : vector<16xf32>
      %add3A_1162 = arith.constant 3072 : i32
      %add3A_1163 = arith.addi %add3A_48, %add3A_1162 : i32
      %get3A_1164 = arith.index_cast %add3A_1163 : i32 to index
      %get3A_1165 = tpu.vector_load %arg4[%get3A_1164] {strides = array<i32>} : memref<8192xf32, #tpu.memory_space<vmem>>, vector<16xf32>,
      %get3A_1166 = vector.shape_cast %get3A_1165 : vector<16xf32> to vector<16xf32>
      %sub3A_1167 = arith.subf %get3A_1166, %select_n3A_677 : vector<16xf32>
      %mul3A_1168 = vector.broadcast %scan3A : f32 to vector<16xf32>
      %mul3A_1169 = arith.mulf %sub3A_1167, %mul3A_1168 : vector<16xf32>
      %exp3A_1170 = math.exp %mul3A_1169 : vector<16xf32>
      %add3A_1171 = arith.addf %add3A_1161, %exp3A_1170 : vector<16xf32>
      %add3A_1172 = arith.constant 3136 : i32
      %add3A_1173 = arith.addi %add3A_48, %add3A_1172 : i32
      %get3A_1174 = arith.index_cast %add3A_1173 : i32 to index
      %get3A_1175 = tpu.vector_load %arg4[%get3A_1174] {strides = array<i32>} : memref<8192xf32, #tpu.memory_space<vmem>>, vector<16xf32>,
      %get3A_1176 = vector.shape_cast %get3A_1175 : vector<16xf32> to vector<16xf32>
      %sub3A_1177 = arith.subf %get3A_1176, %select_n3A_677 : vector<16xf32>
      %mul3A_1178 = vector.broadcast %scan3A : f32 to vector<16xf32>
      %mul3A_1179 = arith.mulf %sub3A_1177, %mul3A_1178 : vector<16xf32>
      %exp3A_1180 = math.exp %mul3A_1179 : vector<16xf32>
      %add3A_1181 = arith.addf %add3A_1171, %exp3A_1180 : vector<16xf32>
      %add3A_1182 = arith.constant 3200 : i32
      %add3A_1183 = arith.addi %add3A_48, %add3A_1182 : i32
      %get3A_1184 = arith.index_cast %add3A_1183 : i32 to index
      %get3A_1185 = tpu.vector_load %arg4[%get3A_1184] {strides = array<i32>} : memref<8192xf32, #tpu.memory_space<vmem>>, vector<16xf32>,
      %get3A_1186 = vector.shape_cast %get3A_1185 : vector<16xf32> to vector<16xf32>
      %sub3A_1187 = arith.subf %get3A_1186, %select_n3A_677 : vector<16xf32>
      %mul3A_1188 = vector.broadcast %scan3A : f32 to vector<16xf32>
      %mul3A_1189 = arith.mulf %sub3A_1187, %mul3A_1188 : vector<16xf32>
      %exp3A_1190 = math.exp %mul3A_1189 : vector<16xf32>
      %add3A_1191 = arith.addf %add3A_1181, %exp3A_1190 : vector<16xf32>
      %add3A_1192 = arith.constant 3264 : i32
      %add3A_1193 = arith.addi %add3A_48, %add3A_1192 : i32
      %get3A_1194 = arith.index_cast %add3A_1193 : i32 to index
      %get3A_1195 = tpu.vector_load %arg4[%get3A_1194] {strides = array<i32>} : memref<8192xf32, #tpu.memory_space<vmem>>, vector<16xf32>,
      %get3A_1196 = vector.shape_cast %get3A_1195 : vector<16xf32> to vector<16xf32>
      %sub3A_1197 = arith.subf %get3A_1196, %select_n3A_677 : vector<16xf32>
      %mul3A_1198 = vector.broadcast %scan3A : f32 to vector<16xf32>
      %mul3A_1199 = arith.mulf %sub3A_1197, %mul3A_1198 : vector<16xf32>
      %exp3A_1200 = math.exp %mul3A_1199 : vector<16xf32>
      %add3A_1201 = arith.addf %add3A_1191, %exp3A_1200 : vector<16xf32>
      %add3A_1202 = arith.constant 3328 : i32
      %add3A_1203 = arith.addi %add3A_48, %add3A_1202 : i32
      %get3A_1204 = arith.index_cast %add3A_1203 : i32 to index
      %get3A_1205 = tpu.vector_load %arg4[%get3A_1204] {strides = array<i32>} : memref<8192xf32, #tpu.memory_space<vmem>>, vector<16xf32>,
      %get3A_1206 = vector.shape_cast %get3A_1205 : vector<16xf32> to vector<16xf32>
      %sub3A_1207 = arith.subf %get3A_1206, %select_n3A_677 : vector<16xf32>
      %mul3A_1208 = vector.broadcast %scan3A : f32 to vector<16xf32>
      %mul3A_1209 = arith.mulf %sub3A_1207, %mul3A_1208 : vector<16xf32>
      %exp3A_1210 = math.exp %mul3A_1209 : vector<16xf32>
      %add3A_1211 = arith.addf %add3A_1201, %exp3A_1210 : vector<16xf32>
      %add3A_1212 = arith.constant 3392 : i32
      %add3A_1213 = arith.addi %add3A_48, %add3A_1212 : i32
      %get3A_1214 = arith.index_cast %add3A_1213 : i32 to index
      %get3A_1215 = tpu.vector_load %arg4[%get3A_1214] {strides = array<i32>} : memref<8192xf32, #tpu.memory_space<vmem>>, vector<16xf32>,
      %get3A_1216 = vector.shape_cast %get3A_1215 : vector<16xf32> to vector<16xf32>
      %sub3A_1217 = arith.subf %get3A_1216, %select_n3A_677 : vector<16xf32>
      %mul3A_1218 = vector.broadcast %scan3A : f32 to vector<16xf32>
      %mul3A_1219 = arith.mulf %sub3A_1217, %mul3A_1218 : vector<16xf32>
      %exp3A_1220 = math.exp %mul3A_1219 : vector<16xf32>
      %add3A_1221 = arith.addf %add3A_1211, %exp3A_1220 : vector<16xf32>
      %add3A_1222 = arith.constant 3456 : i32
      %add3A_1223 = arith.addi %add3A_48, %add3A_1222 : i32
      %get3A_1224 = arith.index_cast %add3A_1223 : i32 to index
      %get3A_1225 = tpu.vector_load %arg4[%get3A_1224] {strides = array<i32>} : memref<8192xf32, #tpu.memory_space<vmem>>, vector<16xf32>,
      %get3A_1226 = vector.shape_cast %get3A_1225 : vector<16xf32> to vector<16xf32>
      %sub3A_1227 = arith.subf %get3A_1226, %select_n3A_677 : vector<16xf32>
      %mul3A_1228 = vector.broadcast %scan3A : f32 to vector<16xf32>
      %mul3A_1229 = arith.mulf %sub3A_1227, %mul3A_1228 : vector<16xf32>
      %exp3A_1230 = math.exp %mul3A_1229 : vector<16xf32>
      %add3A_1231 = arith.addf %add3A_1221, %exp3A_1230 : vector<16xf32>
      %add3A_1232 = arith.constant 3520 : i32
      %add3A_1233 = arith.addi %add3A_48, %add3A_1232 : i32
      %get3A_1234 = arith.index_cast %add3A_1233 : i32 to index
      %get3A_1235 = tpu.vector_load %arg4[%get3A_1234] {strides = array<i32>} : memref<8192xf32, #tpu.memory_space<vmem>>, vector<16xf32>,
      %get3A_1236 = vector.shape_cast %get3A_1235 : vector<16xf32> to vector<16xf32>
      %sub3A_1237 = arith.subf %get3A_1236, %select_n3A_677 : vector<16xf32>
      %mul3A_1238 = vector.broadcast %scan3A : f32 to vector<16xf32>
      %mul3A_1239 = arith.mulf %sub3A_1237, %mul3A_1238 : vector<16xf32>
      %exp3A_1240 = math.exp %mul3A_1239 : vector<16xf32>
      %add3A_1241 = arith.addf %add3A_1231, %exp3A_1240 : vector<16xf32>
      %add3A_1242 = arith.constant 3584 : i32
      %add3A_1243 = arith.addi %add3A_48, %add3A_1242 : i32
      %get3A_1244 = arith.index_cast %add3A_1243 : i32 to index
      %get3A_1245 = tpu.vector_load %arg4[%get3A_1244] {strides = array<i32>} : memref<8192xf32, #tpu.memory_space<vmem>>, vector<16xf32>,
      %get3A_1246 = vector.shape_cast %get3A_1245 : vector<16xf32> to vector<16xf32>
      %sub3A_1247 = arith.subf %get3A_1246, %select_n3A_677 : vector<16xf32>
      %mul3A_1248 = vector.broadcast %scan3A : f32 to vector<16xf32>
      %mul3A_1249 = arith.mulf %sub3A_1247, %mul3A_1248 : vector<16xf32>
      %exp3A_1250 = math.exp %mul3A_1249 : vector<16xf32>
      %add3A_1251 = arith.addf %add3A_1241, %exp3A_1250 : vector<16xf32>
      %add3A_1252 = arith.constant 3648 : i32
      %add3A_1253 = arith.addi %add3A_48, %add3A_1252 : i32
      %get3A_1254 = arith.index_cast %add3A_1253 : i32 to index
      %get3A_1255 = tpu.vector_load %arg4[%get3A_1254] {strides = array<i32>} : memref<8192xf32, #tpu.memory_space<vmem>>, vector<16xf32>,
      %get3A_1256 = vector.shape_cast %get3A_1255 : vector<16xf32> to vector<16xf32>
      %sub3A_1257 = arith.subf %get3A_1256, %select_n3A_677 : vector<16xf32>
      %mul3A_1258 = vector.broadcast %scan3A : f32 to vector<16xf32>
      %mul3A_1259 = arith.mulf %sub3A_1257, %mul3A_1258 : vector<16xf32>
      %exp3A_1260 = math.exp %mul3A_1259 : vector<16xf32>
      %add3A_1261 = arith.addf %add3A_1251, %exp3A_1260 : vector<16xf32>
      %add3A_1262 = arith.constant 3712 : i32
      %add3A_1263 = arith.addi %add3A_48, %add3A_1262 : i32
      %get3A_1264 = arith.index_cast %add3A_1263 : i32 to index
      %get3A_1265 = tpu.vector_load %arg4[%get3A_1264] {strides = array<i32>} : memref<8192xf32, #tpu.memory_space<vmem>>, vector<16xf32>,
      %get3A_1266 = vector.shape_cast %get3A_1265 : vector<16xf32> to vector<16xf32>
      %sub3A_1267 = arith.subf %get3A_1266, %select_n3A_677 : vector<16xf32>
      %mul3A_1268 = vector.broadcast %scan3A : f32 to vector<16xf32>
      %mul3A_1269 = arith.mulf %sub3A_1267, %mul3A_1268 : vector<16xf32>
      %exp3A_1270 = math.exp %mul3A_1269 : vector<16xf32>
      %add3A_1271 = arith.addf %add3A_1261, %exp3A_1270 : vector<16xf32>
      %add3A_1272 = arith.constant 3776 : i32
      %add3A_1273 = arith.addi %add3A_48, %add3A_1272 : i32
      %get3A_1274 = arith.index_cast %add3A_1273 : i32 to index
      %get3A_1275 = tpu.vector_load %arg4[%get3A_1274] {strides = array<i32>} : memref<8192xf32, #tpu.memory_space<vmem>>, vector<16xf32>,
      %get3A_1276 = vector.shape_cast %get3A_1275 : vector<16xf32> to vector<16xf32>
      %sub3A_1277 = arith.subf %get3A_1276, %select_n3A_677 : vector<16xf32>
      %mul3A_1278 = vector.broadcast %scan3A : f32 to vector<16xf32>
      %mul3A_1279 = arith.mulf %sub3A_1277, %mul3A_1278 : vector<16xf32>
      %exp3A_1280 = math.exp %mul3A_1279 : vector<16xf32>
      %add3A_1281 = arith.addf %add3A_1271, %exp3A_1280 : vector<16xf32>
      %add3A_1282 = arith.constant 3840 : i32
      %add3A_1283 = arith.addi %add3A_48, %add3A_1282 : i32
      %get3A_1284 = arith.index_cast %add3A_1283 : i32 to index
      %get3A_1285 = tpu.vector_load %arg4[%get3A_1284] {strides = array<i32>} : memref<8192xf32, #tpu.memory_space<vmem>>, vector<16xf32>,
      %get3A_1286 = vector.shape_cast %get3A_1285 : vector<16xf32> to vector<16xf32>
      %sub3A_1287 = arith.subf %get3A_1286, %select_n3A_677 : vector<16xf32>
      %mul3A_1288 = vector.broadcast %scan3A : f32 to vector<16xf32>
      %mul3A_1289 = arith.mulf %sub3A_1287, %mul3A_1288 : vector<16xf32>
      %exp3A_1290 = math.exp %mul3A_1289 : vector<16xf32>
      %add3A_1291 = arith.addf %add3A_1281, %exp3A_1290 : vector<16xf32>
      %add3A_1292 = arith.constant 3904 : i32
      %add3A_1293 = arith.addi %add3A_48, %add3A_1292 : i32
      %get3A_1294 = arith.index_cast %add3A_1293 : i32 to index
      %get3A_1295 = tpu.vector_load %arg4[%get3A_1294] {strides = array<i32>} : memref<8192xf32, #tpu.memory_space<vmem>>, vector<16xf32>,
      %get3A_1296 = vector.shape_cast %get3A_1295 : vector<16xf32> to vector<16xf32>
      %sub3A_1297 = arith.subf %get3A_1296, %select_n3A_677 : vector<16xf32>
      %mul3A_1298 = vector.broadcast %scan3A : f32 to vector<16xf32>
      %mul3A_1299 = arith.mulf %sub3A_1297, %mul3A_1298 : vector<16xf32>
      %exp3A_1300 = math.exp %mul3A_1299 : vector<16xf32>
      %add3A_1301 = arith.addf %add3A_1291, %exp3A_1300 : vector<16xf32>
      %add3A_1302 = arith.constant 3968 : i32
      %add3A_1303 = arith.addi %add3A_48, %add3A_1302 : i32
      %get3A_1304 = arith.index_cast %add3A_1303 : i32 to index
      %get3A_1305 = tpu.vector_load %arg4[%get3A_1304] {strides = array<i32>} : memref<8192xf32, #tpu.memory_space<vmem>>, vector<16xf32>,
      %get3A_1306 = vector.shape_cast %get3A_1305 : vector<16xf32> to vector<16xf32>
      %sub3A_1307 = arith.subf %get3A_1306, %select_n3A_677 : vector<16xf32>
      %mul3A_1308 = vector.broadcast %scan3A : f32 to vector<16xf32>
      %mul3A_1309 = arith.mulf %sub3A_1307, %mul3A_1308 : vector<16xf32>
      %exp3A_1310 = math.exp %mul3A_1309 : vector<16xf32>
      %add3A_1311 = arith.addf %add3A_1301, %exp3A_1310 : vector<16xf32>
      %add3A_1312 = arith.constant 4032 : i32
      %add3A_1313 = arith.addi %add3A_48, %add3A_1312 : i32
      %get3A_1314 = arith.index_cast %add3A_1313 : i32 to index
      %get3A_1315 = tpu.vector_load %arg4[%get3A_1314] {strides = array<i32>} : memref<8192xf32, #tpu.memory_space<vmem>>, vector<16xf32>,
      %get3A_1316 = vector.shape_cast %get3A_1315 : vector<16xf32> to vector<16xf32>
      %sub3A_1317 = arith.subf %get3A_1316, %select_n3A_677 : vector<16xf32>
      %mul3A_1318 = vector.broadcast %scan3A : f32 to vector<16xf32>
      %mul3A_1319 = arith.mulf %sub3A_1317, %mul3A_1318 : vector<16xf32>
      %exp3A_1320 = math.exp %mul3A_1319 : vector<16xf32>
      %add3A_1321 = arith.addf %add3A_1311, %exp3A_1320 : vector<16xf32>
      %div3A_1322 = arith.constant 1.000000e+00 : f32
      %div3A_1323 = vector.broadcast %div3A_1322 : f32 to vector<16xf32>
      %div3A_1324 = arith.divf %div3A_1323, %add3A_1321 : vector<16xf32>
      %eq3A_1325 = arith.constant 0 : i32
      %eq3A_1326 = vector.broadcast %eq3A_1325 : i32 to vector<16xi32>
      %eq3A_1327 = arith.cmpi eq, %select_n3A_680, %eq3A_1326 : vector<16xi32>
      %jit3A_1328 = arith.constant 0.000000e+00 : f32
      %broadcast_in_dim3A_1329 = vector.broadcast %jit3A_1328 : f32 to vector<16xf32>
      %select_n3A_1330 = arith.select %eq3A_1327, %div3A_1324, %broadcast_in_dim3A_1329 : vector<16xi1>, vector<16xf32>
      %add3A_1331 = arith.constant 0 : i32
      %add3A_1332 = arith.addi %add3A_48, %add3A_1331 : i32
      %swap3A = arith.index_cast %add3A_1332 : i32 to index
      %swap3A_1333 = tpu.vector_load %arg5[%swap3A] {strides = array<i32>} : memref<8192xf32, #tpu.memory_space<vmem>>, vector<16xf32>,
      %swap3A_1334 = vector.shape_cast %swap3A_1333 : vector<16xf32> to vector<16xf32>
      %swap3A_1335 = vector.shape_cast %select_n3A_1330 : vector<16xf32> to vector<16xf32>
      tpu.vector_store %arg5[%swap3A], %swap3A_1335 {strides = array<i32>} : memref<8192xf32, #tpu.memory_space<vmem>>, vector<16xf32>,
      %eq3A_1336 = arith.constant 1 : i32
      %eq3A_1337 = vector.broadcast %eq3A_1336 : i32 to vector<16xi32>
      %eq3A_1338 = arith.cmpi eq, %select_n3A_680, %eq3A_1337 : vector<16xi32>
      %jit3A_1339 = arith.constant 0.000000e+00 : f32
      %broadcast_in_dim3A_1340 = vector.broadcast %jit3A_1339 : f32 to vector<16xf32>
      %select_n3A_1341 = arith.select %eq3A_1338, %div3A_1324, %broadcast_in_dim3A_1340 : vector<16xi1>, vector<16xf32>
      %add3A_1342 = arith.constant 64 : i32
      %add3A_1343 = arith.addi %add3A_48, %add3A_1342 : i32
      %swap3A_1344 = arith.index_cast %add3A_1343 : i32 to index
      %swap3A_1345 = tpu.vector_load %arg5[%swap3A_1344] {strides = array<i32>} : memref<8192xf32, #tpu.memory_space<vmem>>, vector<16xf32>,
      %swap3A_1346 = vector.shape_cast %swap3A_1345 : vector<16xf32> to vector<16xf32>
      %swap3A_1347 = vector.shape_cast %select_n3A_1341 : vector<16xf32> to vector<16xf32>
      tpu.vector_store %arg5[%swap3A_1344], %swap3A_1347 {strides = array<i32>} : memref<8192xf32, #tpu.memory_space<vmem>>, vector<16xf32>,
      %eq3A_1348 = arith.constant 2 : i32
      %eq3A_1349 = vector.broadcast %eq3A_1348 : i32 to vector<16xi32>
      %eq3A_1350 = arith.cmpi eq, %select_n3A_680, %eq3A_1349 : vector<16xi32>
      %jit3A_1351 = arith.constant 0.000000e+00 : f32
      %broadcast_in_dim3A_1352 = vector.broadcast %jit3A_1351 : f32 to vector<16xf32>
      %select_n3A_1353 = arith.select %eq3A_1350, %div3A_1324, %broadcast_in_dim3A_1352 : vector<16xi1>, vector<16xf32>
      %add3A_1354 = arith.constant 128 : i32
      %add3A_1355 = arith.addi %add3A_48, %add3A_1354 : i32
      %swap3A_1356 = arith.index_cast %add3A_1355 : i32 to index
      %swap3A_1357 = tpu.vector_load %arg5[%swap3A_1356] {strides = array<i32>} : memref<8192xf32, #tpu.memory_space<vmem>>, vector<16xf32>,
      %swap3A_1358 = vector.shape_cast %swap3A_1357 : vector<16xf32> to vector<16xf32>
      %swap3A_1359 = vector.shape_cast %select_n3A_1353 : vector<16xf32> to vector<16xf32>
      tpu.vector_store %arg5[%swap3A_1356], %swap3A_1359 {strides = array<i32>} : memref<8192xf32, #tpu.memory_space<vmem>>, vector<16xf32>,
      %eq3A_1360 = arith.constant 3 : i32
      %eq3A_1361 = vector.broadcast %eq3A_1360 : i32 to vector<16xi32>
      %eq3A_1362 = arith.cmpi eq, %select_n3A_680, %eq3A_1361 : vector<16xi32>
      %jit3A_1363 = arith.constant 0.000000e+00 : f32
      %broadcast_in_dim3A_1364 = vector.broadcast %jit3A_1363 : f32 to vector<16xf32>
      %select_n3A_1365 = arith.select %eq3A_1362, %div3A_1324, %broadcast_in_dim3A_1364 : vector<16xi1>, vector<16xf32>
      %add3A_1366 = arith.constant 192 : i32
      %add3A_1367 = arith.addi %add3A_48, %add3A_1366 : i32
      %swap3A_1368 = arith.index_cast %add3A_1367 : i32 to index
      %swap3A_1369 = tpu.vector_load %arg5[%swap3A_1368] {strides = array<i32>} : memref<8192xf32, #tpu.memory_space<vmem>>, vector<16xf32>,
      %swap3A_1370 = vector.shape_cast %swap3A_1369 : vector<16xf32> to vector<16xf32>
      %swap3A_1371 = vector.shape_cast %select_n3A_1365 : vector<16xf32> to vector<16xf32>
      tpu.vector_store %arg5[%swap3A_1368], %swap3A_1371 {strides = array<i32>} : memref<8192xf32, #tpu.memory_space<vmem>>, vector<16xf32>,
      %eq3A_1372 = arith.constant 4 : i32
      %eq3A_1373 = vector.broadcast %eq3A_1372 : i32 to vector<16xi32>
      %eq3A_1374 = arith.cmpi eq, %select_n3A_680, %eq3A_1373 : vector<16xi32>
      %jit3A_1375 = arith.constant 0.000000e+00 : f32
      %broadcast_in_dim3A_1376 = vector.broadcast %jit3A_1375 : f32 to vector<16xf32>
      %select_n3A_1377 = arith.select %eq3A_1374, %div3A_1324, %broadcast_in_dim3A_1376 : vector<16xi1>, vector<16xf32>
      %add3A_1378 = arith.constant 256 : i32
      %add3A_1379 = arith.addi %add3A_48, %add3A_1378 : i32
      %swap3A_1380 = arith.index_cast %add3A_1379 : i32 to index
      %swap3A_1381 = tpu.vector_load %arg5[%swap3A_1380] {strides = array<i32>} : memref<8192xf32, #tpu.memory_space<vmem>>, vector<16xf32>,
      %swap3A_1382 = vector.shape_cast %swap3A_1381 : vector<16xf32> to vector<16xf32>
      %swap3A_1383 = vector.shape_cast %select_n3A_1377 : vector<16xf32> to vector<16xf32>
      tpu.vector_store %arg5[%swap3A_1380], %swap3A_1383 {strides = array<i32>} : memref<8192xf32, #tpu.memory_space<vmem>>, vector<16xf32>,
      %eq3A_1384 = arith.constant 5 : i32
      %eq3A_1385 = vector.broadcast %eq3A_1384 : i32 to vector<16xi32>
      %eq3A_1386 = arith.cmpi eq, %select_n3A_680, %eq3A_1385 : vector<16xi32>
      %jit3A_1387 = arith.constant 0.000000e+00 : f32
      %broadcast_in_dim3A_1388 = vector.broadcast %jit3A_1387 : f32 to vector<16xf32>
      %select_n3A_1389 = arith.select %eq3A_1386, %div3A_1324, %broadcast_in_dim3A_1388 : vector<16xi1>, vector<16xf32>
      %add3A_1390 = arith.constant 320 : i32
      %add3A_1391 = arith.addi %add3A_48, %add3A_1390 : i32
      %swap3A_1392 = arith.index_cast %add3A_1391 : i32 to index
      %swap3A_1393 = tpu.vector_load %arg5[%swap3A_1392] {strides = array<i32>} : memref<8192xf32, #tpu.memory_space<vmem>>, vector<16xf32>,
      %swap3A_1394 = vector.shape_cast %swap3A_1393 : vector<16xf32> to vector<16xf32>
      %swap3A_1395 = vector.shape_cast %select_n3A_1389 : vector<16xf32> to vector<16xf32>
      tpu.vector_store %arg5[%swap3A_1392], %swap3A_1395 {strides = array<i32>} : memref<8192xf32, #tpu.memory_space<vmem>>, vector<16xf32>,
      %eq3A_1396 = arith.constant 6 : i32
      %eq3A_1397 = vector.broadcast %eq3A_1396 : i32 to vector<16xi32>
      %eq3A_1398 = arith.cmpi eq, %select_n3A_680, %eq3A_1397 : vector<16xi32>
      %jit3A_1399 = arith.constant 0.000000e+00 : f32
      %broadcast_in_dim3A_1400 = vector.broadcast %jit3A_1399 : f32 to vector<16xf32>
      %select_n3A_1401 = arith.select %eq3A_1398, %div3A_1324, %broadcast_in_dim3A_1400 : vector<16xi1>, vector<16xf32>
      %add3A_1402 = arith.constant 384 : i32
      %add3A_1403 = arith.addi %add3A_48, %add3A_1402 : i32
      %swap3A_1404 = arith.index_cast %add3A_1403 : i32 to index
      %swap3A_1405 = tpu.vector_load %arg5[%swap3A_1404] {strides = array<i32>} : memref<8192xf32, #tpu.memory_space<vmem>>, vector<16xf32>,
      %swap3A_1406 = vector.shape_cast %swap3A_1405 : vector<16xf32> to vector<16xf32>
      %swap3A_1407 = vector.shape_cast %select_n3A_1401 : vector<16xf32> to vector<16xf32>
      tpu.vector_store %arg5[%swap3A_1404], %swap3A_1407 {strides = array<i32>} : memref<8192xf32, #tpu.memory_space<vmem>>, vector<16xf32>,
      %eq3A_1408 = arith.constant 7 : i32
      %eq3A_1409 = vector.broadcast %eq3A_1408 : i32 to vector<16xi32>
      %eq3A_1410 = arith.cmpi eq, %select_n3A_680, %eq3A_1409 : vector<16xi32>
      %jit3A_1411 = arith.constant 0.000000e+00 : f32
      %broadcast_in_dim3A_1412 = vector.broadcast %jit3A_1411 : f32 to vector<16xf32>
      %select_n3A_1413 = arith.select %eq3A_1410, %div3A_1324, %broadcast_in_dim3A_1412 : vector<16xi1>, vector<16xf32>
      %add3A_1414 = arith.constant 448 : i32
      %add3A_1415 = arith.addi %add3A_48, %add3A_1414 : i32
      %swap3A_1416 = arith.index_cast %add3A_1415 : i32 to index
      %swap3A_1417 = tpu.vector_load %arg5[%swap3A_1416] {strides = array<i32>} : memref<8192xf32, #tpu.memory_space<vmem>>, vector<16xf32>,
      %swap3A_1418 = vector.shape_cast %swap3A_1417 : vector<16xf32> to vector<16xf32>
      %swap3A_1419 = vector.shape_cast %select_n3A_1413 : vector<16xf32> to vector<16xf32>
      tpu.vector_store %arg5[%swap3A_1416], %swap3A_1419 {strides = array<i32>} : memref<8192xf32, #tpu.memory_space<vmem>>, vector<16xf32>,
      %eq3A_1420 = arith.constant 8 : i32
      %eq3A_1421 = vector.broadcast %eq3A_1420 : i32 to vector<16xi32>
      %eq3A_1422 = arith.cmpi eq, %select_n3A_680, %eq3A_1421 : vector<16xi32>
      %jit3A_1423 = arith.constant 0.000000e+00 : f32
      %broadcast_in_dim3A_1424 = vector.broadcast %jit3A_1423 : f32 to vector<16xf32>
      %select_n3A_1425 = arith.select %eq3A_1422, %div3A_1324, %broadcast_in_dim3A_1424 : vector<16xi1>, vector<16xf32>
      %add3A_1426 = arith.constant 512 : i32
      %add3A_1427 = arith.addi %add3A_48, %add3A_1426 : i32
      %swap3A_1428 = arith.index_cast %add3A_1427 : i32 to index
      %swap3A_1429 = tpu.vector_load %arg5[%swap3A_1428] {strides = array<i32>} : memref<8192xf32, #tpu.memory_space<vmem>>, vector<16xf32>,
      %swap3A_1430 = vector.shape_cast %swap3A_1429 : vector<16xf32> to vector<16xf32>
      %swap3A_1431 = vector.shape_cast %select_n3A_1425 : vector<16xf32> to vector<16xf32>
      tpu.vector_store %arg5[%swap3A_1428], %swap3A_1431 {strides = array<i32>} : memref<8192xf32, #tpu.memory_space<vmem>>, vector<16xf32>,
      %eq3A_1432 = arith.constant 9 : i32
      %eq3A_1433 = vector.broadcast %eq3A_1432 : i32 to vector<16xi32>
      %eq3A_1434 = arith.cmpi eq, %select_n3A_680, %eq3A_1433 : vector<16xi32>
      %jit3A_1435 = arith.constant 0.000000e+00 : f32
      %broadcast_in_dim3A_1436 = vector.broadcast %jit3A_1435 : f32 to vector<16xf32>
      %select_n3A_1437 = arith.select %eq3A_1434, %div3A_1324, %broadcast_in_dim3A_1436 : vector<16xi1>, vector<16xf32>
      %add3A_1438 = arith.constant 576 : i32
      %add3A_1439 = arith.addi %add3A_48, %add3A_1438 : i32
      %swap3A_1440 = arith.index_cast %add3A_1439 : i32 to index
      %swap3A_1441 = tpu.vector_load %arg5[%swap3A_1440] {strides = array<i32>} : memref<8192xf32, #tpu.memory_space<vmem>>, vector<16xf32>,
      %swap3A_1442 = vector.shape_cast %swap3A_1441 : vector<16xf32> to vector<16xf32>
      %swap3A_1443 = vector.shape_cast %select_n3A_1437 : vector<16xf32> to vector<16xf32>
      tpu.vector_store %arg5[%swap3A_1440], %swap3A_1443 {strides = array<i32>} : memref<8192xf32, #tpu.memory_space<vmem>>, vector<16xf32>,
      %eq3A_1444 = arith.constant 10 : i32
      %eq3A_1445 = vector.broadcast %eq3A_1444 : i32 to vector<16xi32>
      %eq3A_1446 = arith.cmpi eq, %select_n3A_680, %eq3A_1445 : vector<16xi32>
      %jit3A_1447 = arith.constant 0.000000e+00 : f32
      %broadcast_in_dim3A_1448 = vector.broadcast %jit3A_1447 : f32 to vector<16xf32>
      %select_n3A_1449 = arith.select %eq3A_1446, %div3A_1324, %broadcast_in_dim3A_1448 : vector<16xi1>, vector<16xf32>
      %add3A_1450 = arith.constant 640 : i32
      %add3A_1451 = arith.addi %add3A_48, %add3A_1450 : i32
      %swap3A_1452 = arith.index_cast %add3A_1451 : i32 to index
      %swap3A_1453 = tpu.vector_load %arg5[%swap3A_1452] {strides = array<i32>} : memref<8192xf32, #tpu.memory_space<vmem>>, vector<16xf32>,
      %swap3A_1454 = vector.shape_cast %swap3A_1453 : vector<16xf32> to vector<16xf32>
      %swap3A_1455 = vector.shape_cast %select_n3A_1449 : vector<16xf32> to vector<16xf32>
      tpu.vector_store %arg5[%swap3A_1452], %swap3A_1455 {strides = array<i32>} : memref<8192xf32, #tpu.memory_space<vmem>>, vector<16xf32>,
      %eq3A_1456 = arith.constant 11 : i32
      %eq3A_1457 = vector.broadcast %eq3A_1456 : i32 to vector<16xi32>
      %eq3A_1458 = arith.cmpi eq, %select_n3A_680, %eq3A_1457 : vector<16xi32>
      %jit3A_1459 = arith.constant 0.000000e+00 : f32
      %broadcast_in_dim3A_1460 = vector.broadcast %jit3A_1459 : f32 to vector<16xf32>
      %select_n3A_1461 = arith.select %eq3A_1458, %div3A_1324, %broadcast_in_dim3A_1460 : vector<16xi1>, vector<16xf32>
      %add3A_1462 = arith.constant 704 : i32
      %add3A_1463 = arith.addi %add3A_48, %add3A_1462 : i32
      %swap3A_1464 = arith.index_cast %add3A_1463 : i32 to index
      %swap3A_1465 = tpu.vector_load %arg5[%swap3A_1464] {strides = array<i32>} : memref<8192xf32, #tpu.memory_space<vmem>>, vector<16xf32>,
      %swap3A_1466 = vector.shape_cast %swap3A_1465 : vector<16xf32> to vector<16xf32>
      %swap3A_1467 = vector.shape_cast %select_n3A_1461 : vector<16xf32> to vector<16xf32>
      tpu.vector_store %arg5[%swap3A_1464], %swap3A_1467 {strides = array<i32>} : memref<8192xf32, #tpu.memory_space<vmem>>, vector<16xf32>,
      %eq3A_1468 = arith.constant 12 : i32
      %eq3A_1469 = vector.broadcast %eq3A_1468 : i32 to vector<16xi32>
      %eq3A_1470 = arith.cmpi eq, %select_n3A_680, %eq3A_1469 : vector<16xi32>
      %jit3A_1471 = arith.constant 0.000000e+00 : f32
      %broadcast_in_dim3A_1472 = vector.broadcast %jit3A_1471 : f32 to vector<16xf32>
      %select_n3A_1473 = arith.select %eq3A_1470, %div3A_1324, %broadcast_in_dim3A_1472 : vector<16xi1>, vector<16xf32>
      %add3A_1474 = arith.constant 768 : i32
      %add3A_1475 = arith.addi %add3A_48, %add3A_1474 : i32
      %swap3A_1476 = arith.index_cast %add3A_1475 : i32 to index
      %swap3A_1477 = tpu.vector_load %arg5[%swap3A_1476] {strides = array<i32>} : memref<8192xf32, #tpu.memory_space<vmem>>, vector<16xf32>,
      %swap3A_1478 = vector.shape_cast %swap3A_1477 : vector<16xf32> to vector<16xf32>
      %swap3A_1479 = vector.shape_cast %select_n3A_1473 : vector<16xf32> to vector<16xf32>
      tpu.vector_store %arg5[%swap3A_1476], %swap3A_1479 {strides = array<i32>} : memref<8192xf32, #tpu.memory_space<vmem>>, vector<16xf32>,
      %eq3A_1480 = arith.constant 13 : i32
      %eq3A_1481 = vector.broadcast %eq3A_1480 : i32 to vector<16xi32>
      %eq3A_1482 = arith.cmpi eq, %select_n3A_680, %eq3A_1481 : vector<16xi32>
      %jit3A_1483 = arith.constant 0.000000e+00 : f32
      %broadcast_in_dim3A_1484 = vector.broadcast %jit3A_1483 : f32 to vector<16xf32>
      %select_n3A_1485 = arith.select %eq3A_1482, %div3A_1324, %broadcast_in_dim3A_1484 : vector<16xi1>, vector<16xf32>
      %add3A_1486 = arith.constant 832 : i32
      %add3A_1487 = arith.addi %add3A_48, %add3A_1486 : i32
      %swap3A_1488 = arith.index_cast %add3A_1487 : i32 to index
      %swap3A_1489 = tpu.vector_load %arg5[%swap3A_1488] {strides = array<i32>} : memref<8192xf32, #tpu.memory_space<vmem>>, vector<16xf32>,
      %swap3A_1490 = vector.shape_cast %swap3A_1489 : vector<16xf32> to vector<16xf32>
      %swap3A_1491 = vector.shape_cast %select_n3A_1485 : vector<16xf32> to vector<16xf32>
      tpu.vector_store %arg5[%swap3A_1488], %swap3A_1491 {strides = array<i32>} : memref<8192xf32, #tpu.memory_space<vmem>>, vector<16xf32>,
      %eq3A_1492 = arith.constant 14 : i32
      %eq3A_1493 = vector.broadcast %eq3A_1492 : i32 to vector<16xi32>
      %eq3A_1494 = arith.cmpi eq, %select_n3A_680, %eq3A_1493 : vector<16xi32>
      %jit3A_1495 = arith.constant 0.000000e+00 : f32
      %broadcast_in_dim3A_1496 = vector.broadcast %jit3A_1495 : f32 to vector<16xf32>
      %select_n3A_1497 = arith.select %eq3A_1494, %div3A_1324, %broadcast_in_dim3A_1496 : vector<16xi1>, vector<16xf32>
      %add3A_1498 = arith.constant 896 : i32
      %add3A_1499 = arith.addi %add3A_48, %add3A_1498 : i32
      %swap3A_1500 = arith.index_cast %add3A_1499 : i32 to index
      %swap3A_1501 = tpu.vector_load %arg5[%swap3A_1500] {strides = array<i32>} : memref<8192xf32, #tpu.memory_space<vmem>>, vector<16xf32>,
      %swap3A_1502 = vector.shape_cast %swap3A_1501 : vector<16xf32> to vector<16xf32>
      %swap3A_1503 = vector.shape_cast %select_n3A_1497 : vector<16xf32> to vector<16xf32>
      tpu.vector_store %arg5[%swap3A_1500], %swap3A_1503 {strides = array<i32>} : memref<8192xf32, #tpu.memory_space<vmem>>, vector<16xf32>,
      %eq3A_1504 = arith.constant 15 : i32
      %eq3A_1505 = vector.broadcast %eq3A_1504 : i32 to vector<16xi32>
      %eq3A_1506 = arith.cmpi eq, %select_n3A_680, %eq3A_1505 : vector<16xi32>
      %jit3A_1507 = arith.constant 0.000000e+00 : f32
      %broadcast_in_dim3A_1508 = vector.broadcast %jit3A_1507 : f32 to vector<16xf32>
      %select_n3A_1509 = arith.select %eq3A_1506, %div3A_1324, %broadcast_in_dim3A_1508 : vector<16xi1>, vector<16xf32>
      %add3A_1510 = arith.constant 960 : i32
      %add3A_1511 = arith.addi %add3A_48, %add3A_1510 : i32
      %swap3A_1512 = arith.index_cast %add3A_1511 : i32 to index
      %swap3A_1513 = tpu.vector_load %arg5[%swap3A_1512] {strides = array<i32>} : memref<8192xf32, #tpu.memory_space<vmem>>, vector<16xf32>,
      %swap3A_1514 = vector.shape_cast %swap3A_1513 : vector<16xf32> to vector<16xf32>
      %swap3A_1515 = vector.shape_cast %select_n3A_1509 : vector<16xf32> to vector<16xf32>
      tpu.vector_store %arg5[%swap3A_1512], %swap3A_1515 {strides = array<i32>} : memref<8192xf32, #tpu.memory_space<vmem>>, vector<16xf32>,
      %eq3A_1516 = arith.constant 16 : i32
      %eq3A_1517 = vector.broadcast %eq3A_1516 : i32 to vector<16xi32>
      %eq3A_1518 = arith.cmpi eq, %select_n3A_680, %eq3A_1517 : vector<16xi32>
      %jit3A_1519 = arith.constant 0.000000e+00 : f32
      %broadcast_in_dim3A_1520 = vector.broadcast %jit3A_1519 : f32 to vector<16xf32>
      %select_n3A_1521 = arith.select %eq3A_1518, %div3A_1324, %broadcast_in_dim3A_1520 : vector<16xi1>, vector<16xf32>
      %add3A_1522 = arith.constant 1024 : i32
      %add3A_1523 = arith.addi %add3A_48, %add3A_1522 : i32
      %swap3A_1524 = arith.index_cast %add3A_1523 : i32 to index
      %swap3A_1525 = tpu.vector_load %arg5[%swap3A_1524] {strides = array<i32>} : memref<8192xf32, #tpu.memory_space<vmem>>, vector<16xf32>,
      %swap3A_1526 = vector.shape_cast %swap3A_1525 : vector<16xf32> to vector<16xf32>
      %swap3A_1527 = vector.shape_cast %select_n3A_1521 : vector<16xf32> to vector<16xf32>
      tpu.vector_store %arg5[%swap3A_1524], %swap3A_1527 {strides = array<i32>} : memref<8192xf32, #tpu.memory_space<vmem>>, vector<16xf32>,
      %eq3A_1528 = arith.constant 17 : i32
      %eq3A_1529 = vector.broadcast %eq3A_1528 : i32 to vector<16xi32>
      %eq3A_1530 = arith.cmpi eq, %select_n3A_680, %eq3A_1529 : vector<16xi32>
      %jit3A_1531 = arith.constant 0.000000e+00 : f32
      %broadcast_in_dim3A_1532 = vector.broadcast %jit3A_1531 : f32 to vector<16xf32>
      %select_n3A_1533 = arith.select %eq3A_1530, %div3A_1324, %broadcast_in_dim3A_1532 : vector<16xi1>, vector<16xf32>
      %add3A_1534 = arith.constant 1088 : i32
      %add3A_1535 = arith.addi %add3A_48, %add3A_1534 : i32
      %swap3A_1536 = arith.index_cast %add3A_1535 : i32 to index
      %swap3A_1537 = tpu.vector_load %arg5[%swap3A_1536] {strides = array<i32>} : memref<8192xf32, #tpu.memory_space<vmem>>, vector<16xf32>,
      %swap3A_1538 = vector.shape_cast %swap3A_1537 : vector<16xf32> to vector<16xf32>
      %swap3A_1539 = vector.shape_cast %select_n3A_1533 : vector<16xf32> to vector<16xf32>
      tpu.vector_store %arg5[%swap3A_1536], %swap3A_1539 {strides = array<i32>} : memref<8192xf32, #tpu.memory_space<vmem>>, vector<16xf32>,
      %eq3A_1540 = arith.constant 18 : i32
      %eq3A_1541 = vector.broadcast %eq3A_1540 : i32 to vector<16xi32>
      %eq3A_1542 = arith.cmpi eq, %select_n3A_680, %eq3A_1541 : vector<16xi32>
      %jit3A_1543 = arith.constant 0.000000e+00 : f32
      %broadcast_in_dim3A_1544 = vector.broadcast %jit3A_1543 : f32 to vector<16xf32>
      %select_n3A_1545 = arith.select %eq3A_1542, %div3A_1324, %broadcast_in_dim3A_1544 : vector<16xi1>, vector<16xf32>
      %add3A_1546 = arith.constant 1152 : i32
      %add3A_1547 = arith.addi %add3A_48, %add3A_1546 : i32
      %swap3A_1548 = arith.index_cast %add3A_1547 : i32 to index
      %swap3A_1549 = tpu.vector_load %arg5[%swap3A_1548] {strides = array<i32>} : memref<8192xf32, #tpu.memory_space<vmem>>, vector<16xf32>,
      %swap3A_1550 = vector.shape_cast %swap3A_1549 : vector<16xf32> to vector<16xf32>
      %swap3A_1551 = vector.shape_cast %select_n3A_1545 : vector<16xf32> to vector<16xf32>
      tpu.vector_store %arg5[%swap3A_1548], %swap3A_1551 {strides = array<i32>} : memref<8192xf32, #tpu.memory_space<vmem>>, vector<16xf32>,
      %eq3A_1552 = arith.constant 19 : i32
      %eq3A_1553 = vector.broadcast %eq3A_1552 : i32 to vector<16xi32>
      %eq3A_1554 = arith.cmpi eq, %select_n3A_680, %eq3A_1553 : vector<16xi32>
      %jit3A_1555 = arith.constant 0.000000e+00 : f32
      %broadcast_in_dim3A_1556 = vector.broadcast %jit3A_1555 : f32 to vector<16xf32>
      %select_n3A_1557 = arith.select %eq3A_1554, %div3A_1324, %broadcast_in_dim3A_1556 : vector<16xi1>, vector<16xf32>
      %add3A_1558 = arith.constant 1216 : i32
      %add3A_1559 = arith.addi %add3A_48, %add3A_1558 : i32
      %swap3A_1560 = arith.index_cast %add3A_1559 : i32 to index
      %swap3A_1561 = tpu.vector_load %arg5[%swap3A_1560] {strides = array<i32>} : memref<8192xf32, #tpu.memory_space<vmem>>, vector<16xf32>,
      %swap3A_1562 = vector.shape_cast %swap3A_1561 : vector<16xf32> to vector<16xf32>
      %swap3A_1563 = vector.shape_cast %select_n3A_1557 : vector<16xf32> to vector<16xf32>
      tpu.vector_store %arg5[%swap3A_1560], %swap3A_1563 {strides = array<i32>} : memref<8192xf32, #tpu.memory_space<vmem>>, vector<16xf32>,
      %eq3A_1564 = arith.constant 20 : i32
      %eq3A_1565 = vector.broadcast %eq3A_1564 : i32 to vector<16xi32>
      %eq3A_1566 = arith.cmpi eq, %select_n3A_680, %eq3A_1565 : vector<16xi32>
      %jit3A_1567 = arith.constant 0.000000e+00 : f32
      %broadcast_in_dim3A_1568 = vector.broadcast %jit3A_1567 : f32 to vector<16xf32>
      %select_n3A_1569 = arith.select %eq3A_1566, %div3A_1324, %broadcast_in_dim3A_1568 : vector<16xi1>, vector<16xf32>
      %add3A_1570 = arith.constant 1280 : i32
      %add3A_1571 = arith.addi %add3A_48, %add3A_1570 : i32
      %swap3A_1572 = arith.index_cast %add3A_1571 : i32 to index
      %swap3A_1573 = tpu.vector_load %arg5[%swap3A_1572] {strides = array<i32>} : memref<8192xf32, #tpu.memory_space<vmem>>, vector<16xf32>,
      %swap3A_1574 = vector.shape_cast %swap3A_1573 : vector<16xf32> to vector<16xf32>
      %swap3A_1575 = vector.shape_cast %select_n3A_1569 : vector<16xf32> to vector<16xf32>
      tpu.vector_store %arg5[%swap3A_1572], %swap3A_1575 {strides = array<i32>} : memref<8192xf32, #tpu.memory_space<vmem>>, vector<16xf32>,
      %eq3A_1576 = arith.constant 21 : i32
      %eq3A_1577 = vector.broadcast %eq3A_1576 : i32 to vector<16xi32>
      %eq3A_1578 = arith.cmpi eq, %select_n3A_680, %eq3A_1577 : vector<16xi32>
      %jit3A_1579 = arith.constant 0.000000e+00 : f32
      %broadcast_in_dim3A_1580 = vector.broadcast %jit3A_1579 : f32 to vector<16xf32>
      %select_n3A_1581 = arith.select %eq3A_1578, %div3A_1324, %broadcast_in_dim3A_1580 : vector<16xi1>, vector<16xf32>
      %add3A_1582 = arith.constant 1344 : i32
      %add3A_1583 = arith.addi %add3A_48, %add3A_1582 : i32
      %swap3A_1584 = arith.index_cast %add3A_1583 : i32 to index
      %swap3A_1585 = tpu.vector_load %arg5[%swap3A_1584] {strides = array<i32>} : memref<8192xf32, #tpu.memory_space<vmem>>, vector<16xf32>,
      %swap3A_1586 = vector.shape_cast %swap3A_1585 : vector<16xf32> to vector<16xf32>
      %swap3A_1587 = vector.shape_cast %select_n3A_1581 : vector<16xf32> to vector<16xf32>
      tpu.vector_store %arg5[%swap3A_1584], %swap3A_1587 {strides = array<i32>} : memref<8192xf32, #tpu.memory_space<vmem>>, vector<16xf32>,
      %eq3A_1588 = arith.constant 22 : i32
      %eq3A_1589 = vector.broadcast %eq3A_1588 : i32 to vector<16xi32>
      %eq3A_1590 = arith.cmpi eq, %select_n3A_680, %eq3A_1589 : vector<16xi32>
      %jit3A_1591 = arith.constant 0.000000e+00 : f32
      %broadcast_in_dim3A_1592 = vector.broadcast %jit3A_1591 : f32 to vector<16xf32>
      %select_n3A_1593 = arith.select %eq3A_1590, %div3A_1324, %broadcast_in_dim3A_1592 : vector<16xi1>, vector<16xf32>
      %add3A_1594 = arith.constant 1408 : i32
      %add3A_1595 = arith.addi %add3A_48, %add3A_1594 : i32
      %swap3A_1596 = arith.index_cast %add3A_1595 : i32 to index
      %swap3A_1597 = tpu.vector_load %arg5[%swap3A_1596] {strides = array<i32>} : memref<8192xf32, #tpu.memory_space<vmem>>, vector<16xf32>,
      %swap3A_1598 = vector.shape_cast %swap3A_1597 : vector<16xf32> to vector<16xf32>
      %swap3A_1599 = vector.shape_cast %select_n3A_1593 : vector<16xf32> to vector<16xf32>
      tpu.vector_store %arg5[%swap3A_1596], %swap3A_1599 {strides = array<i32>} : memref<8192xf32, #tpu.memory_space<vmem>>, vector<16xf32>,
      %eq3A_1600 = arith.constant 23 : i32
      %eq3A_1601 = vector.broadcast %eq3A_1600 : i32 to vector<16xi32>
      %eq3A_1602 = arith.cmpi eq, %select_n3A_680, %eq3A_1601 : vector<16xi32>
      %jit3A_1603 = arith.constant 0.000000e+00 : f32
      %broadcast_in_dim3A_1604 = vector.broadcast %jit3A_1603 : f32 to vector<16xf32>
      %select_n3A_1605 = arith.select %eq3A_1602, %div3A_1324, %broadcast_in_dim3A_1604 : vector<16xi1>, vector<16xf32>
      %add3A_1606 = arith.constant 1472 : i32
      %add3A_1607 = arith.addi %add3A_48, %add3A_1606 : i32
      %swap3A_1608 = arith.index_cast %add3A_1607 : i32 to index
      %swap3A_1609 = tpu.vector_load %arg5[%swap3A_1608] {strides = array<i32>} : memref<8192xf32, #tpu.memory_space<vmem>>, vector<16xf32>,
      %swap3A_1610 = vector.shape_cast %swap3A_1609 : vector<16xf32> to vector<16xf32>
      %swap3A_1611 = vector.shape_cast %select_n3A_1605 : vector<16xf32> to vector<16xf32>
      tpu.vector_store %arg5[%swap3A_1608], %swap3A_1611 {strides = array<i32>} : memref<8192xf32, #tpu.memory_space<vmem>>, vector<16xf32>,
      %eq3A_1612 = arith.constant 24 : i32
      %eq3A_1613 = vector.broadcast %eq3A_1612 : i32 to vector<16xi32>
      %eq3A_1614 = arith.cmpi eq, %select_n3A_680, %eq3A_1613 : vector<16xi32>
      %jit3A_1615 = arith.constant 0.000000e+00 : f32
      %broadcast_in_dim3A_1616 = vector.broadcast %jit3A_1615 : f32 to vector<16xf32>
      %select_n3A_1617 = arith.select %eq3A_1614, %div3A_1324, %broadcast_in_dim3A_1616 : vector<16xi1>, vector<16xf32>
      %add3A_1618 = arith.constant 1536 : i32
      %add3A_1619 = arith.addi %add3A_48, %add3A_1618 : i32
      %swap3A_1620 = arith.index_cast %add3A_1619 : i32 to index
      %swap3A_1621 = tpu.vector_load %arg5[%swap3A_1620] {strides = array<i32>} : memref<8192xf32, #tpu.memory_space<vmem>>, vector<16xf32>,
      %swap3A_1622 = vector.shape_cast %swap3A_1621 : vector<16xf32> to vector<16xf32>
      %swap3A_1623 = vector.shape_cast %select_n3A_1617 : vector<16xf32> to vector<16xf32>
      tpu.vector_store %arg5[%swap3A_1620], %swap3A_1623 {strides = array<i32>} : memref<8192xf32, #tpu.memory_space<vmem>>, vector<16xf32>,
      %eq3A_1624 = arith.constant 25 : i32
      %eq3A_1625 = vector.broadcast %eq3A_1624 : i32 to vector<16xi32>
      %eq3A_1626 = arith.cmpi eq, %select_n3A_680, %eq3A_1625 : vector<16xi32>
      %jit3A_1627 = arith.constant 0.000000e+00 : f32
      %broadcast_in_dim3A_1628 = vector.broadcast %jit3A_1627 : f32 to vector<16xf32>
      %select_n3A_1629 = arith.select %eq3A_1626, %div3A_1324, %broadcast_in_dim3A_1628 : vector<16xi1>, vector<16xf32>
      %add3A_1630 = arith.constant 1600 : i32
      %add3A_1631 = arith.addi %add3A_48, %add3A_1630 : i32
      %swap3A_1632 = arith.index_cast %add3A_1631 : i32 to index
      %swap3A_1633 = tpu.vector_load %arg5[%swap3A_1632] {strides = array<i32>} : memref<8192xf32, #tpu.memory_space<vmem>>, vector<16xf32>,
      %swap3A_1634 = vector.shape_cast %swap3A_1633 : vector<16xf32> to vector<16xf32>
      %swap3A_1635 = vector.shape_cast %select_n3A_1629 : vector<16xf32> to vector<16xf32>
      tpu.vector_store %arg5[%swap3A_1632], %swap3A_1635 {strides = array<i32>} : memref<8192xf32, #tpu.memory_space<vmem>>, vector<16xf32>,
      %eq3A_1636 = arith.constant 26 : i32
      %eq3A_1637 = vector.broadcast %eq3A_1636 : i32 to vector<16xi32>
      %eq3A_1638 = arith.cmpi eq, %select_n3A_680, %eq3A_1637 : vector<16xi32>
      %jit3A_1639 = arith.constant 0.000000e+00 : f32
      %broadcast_in_dim3A_1640 = vector.broadcast %jit3A_1639 : f32 to vector<16xf32>
      %select_n3A_1641 = arith.select %eq3A_1638, %div3A_1324, %broadcast_in_dim3A_1640 : vector<16xi1>, vector<16xf32>
      %add3A_1642 = arith.constant 1664 : i32
      %add3A_1643 = arith.addi %add3A_48, %add3A_1642 : i32
      %swap3A_1644 = arith.index_cast %add3A_1643 : i32 to index
      %swap3A_1645 = tpu.vector_load %arg5[%swap3A_1644] {strides = array<i32>} : memref<8192xf32, #tpu.memory_space<vmem>>, vector<16xf32>,
      %swap3A_1646 = vector.shape_cast %swap3A_1645 : vector<16xf32> to vector<16xf32>
      %swap3A_1647 = vector.shape_cast %select_n3A_1641 : vector<16xf32> to vector<16xf32>
      tpu.vector_store %arg5[%swap3A_1644], %swap3A_1647 {strides = array<i32>} : memref<8192xf32, #tpu.memory_space<vmem>>, vector<16xf32>,
      %eq3A_1648 = arith.constant 27 : i32
      %eq3A_1649 = vector.broadcast %eq3A_1648 : i32 to vector<16xi32>
      %eq3A_1650 = arith.cmpi eq, %select_n3A_680, %eq3A_1649 : vector<16xi32>
      %jit3A_1651 = arith.constant 0.000000e+00 : f32
      %broadcast_in_dim3A_1652 = vector.broadcast %jit3A_1651 : f32 to vector<16xf32>
      %select_n3A_1653 = arith.select %eq3A_1650, %div3A_1324, %broadcast_in_dim3A_1652 : vector<16xi1>, vector<16xf32>
      %add3A_1654 = arith.constant 1728 : i32
      %add3A_1655 = arith.addi %add3A_48, %add3A_1654 : i32
      %swap3A_1656 = arith.index_cast %add3A_1655 : i32 to index
      %swap3A_1657 = tpu.vector_load %arg5[%swap3A_1656] {strides = array<i32>} : memref<8192xf32, #tpu.memory_space<vmem>>, vector<16xf32>,
      %swap3A_1658 = vector.shape_cast %swap3A_1657 : vector<16xf32> to vector<16xf32>
      %swap3A_1659 = vector.shape_cast %select_n3A_1653 : vector<16xf32> to vector<16xf32>
      tpu.vector_store %arg5[%swap3A_1656], %swap3A_1659 {strides = array<i32>} : memref<8192xf32, #tpu.memory_space<vmem>>, vector<16xf32>,
      %eq3A_1660 = arith.constant 28 : i32
      %eq3A_1661 = vector.broadcast %eq3A_1660 : i32 to vector<16xi32>
      %eq3A_1662 = arith.cmpi eq, %select_n3A_680, %eq3A_1661 : vector<16xi32>
      %jit3A_1663 = arith.constant 0.000000e+00 : f32
      %broadcast_in_dim3A_1664 = vector.broadcast %jit3A_1663 : f32 to vector<16xf32>
      %select_n3A_1665 = arith.select %eq3A_1662, %div3A_1324, %broadcast_in_dim3A_1664 : vector<16xi1>, vector<16xf32>
      %add3A_1666 = arith.constant 1792 : i32
      %add3A_1667 = arith.addi %add3A_48, %add3A_1666 : i32
      %swap3A_1668 = arith.index_cast %add3A_1667 : i32 to index
      %swap3A_1669 = tpu.vector_load %arg5[%swap3A_1668] {strides = array<i32>} : memref<8192xf32, #tpu.memory_space<vmem>>, vector<16xf32>,
      %swap3A_1670 = vector.shape_cast %swap3A_1669 : vector<16xf32> to vector<16xf32>
      %swap3A_1671 = vector.shape_cast %select_n3A_1665 : vector<16xf32> to vector<16xf32>
      tpu.vector_store %arg5[%swap3A_1668], %swap3A_1671 {strides = array<i32>} : memref<8192xf32, #tpu.memory_space<vmem>>, vector<16xf32>,
      %eq3A_1672 = arith.constant 29 : i32
      %eq3A_1673 = vector.broadcast %eq3A_1672 : i32 to vector<16xi32>
      %eq3A_1674 = arith.cmpi eq, %select_n3A_680, %eq3A_1673 : vector<16xi32>
      %jit3A_1675 = arith.constant 0.000000e+00 : f32
      %broadcast_in_dim3A_1676 = vector.broadcast %jit3A_1675 : f32 to vector<16xf32>
      %select_n3A_1677 = arith.select %eq3A_1674, %div3A_1324, %broadcast_in_dim3A_1676 : vector<16xi1>, vector<16xf32>
      %add3A_1678 = arith.constant 1856 : i32
      %add3A_1679 = arith.addi %add3A_48, %add3A_1678 : i32
      %swap3A_1680 = arith.index_cast %add3A_1679 : i32 to index
      %swap3A_1681 = tpu.vector_load %arg5[%swap3A_1680] {strides = array<i32>} : memref<8192xf32, #tpu.memory_space<vmem>>, vector<16xf32>,
      %swap3A_1682 = vector.shape_cast %swap3A_1681 : vector<16xf32> to vector<16xf32>
      %swap3A_1683 = vector.shape_cast %select_n3A_1677 : vector<16xf32> to vector<16xf32>
      tpu.vector_store %arg5[%swap3A_1680], %swap3A_1683 {strides = array<i32>} : memref<8192xf32, #tpu.memory_space<vmem>>, vector<16xf32>,
      %eq3A_1684 = arith.constant 30 : i32
      %eq3A_1685 = vector.broadcast %eq3A_1684 : i32 to vector<16xi32>
      %eq3A_1686 = arith.cmpi eq, %select_n3A_680, %eq3A_1685 : vector<16xi32>
      %jit3A_1687 = arith.constant 0.000000e+00 : f32
      %broadcast_in_dim3A_1688 = vector.broadcast %jit3A_1687 : f32 to vector<16xf32>
      %select_n3A_1689 = arith.select %eq3A_1686, %div3A_1324, %broadcast_in_dim3A_1688 : vector<16xi1>, vector<16xf32>
      %add3A_1690 = arith.constant 1920 : i32
      %add3A_1691 = arith.addi %add3A_48, %add3A_1690 : i32
      %swap3A_1692 = arith.index_cast %add3A_1691 : i32 to index
      %swap3A_1693 = tpu.vector_load %arg5[%swap3A_1692] {strides = array<i32>} : memref<8192xf32, #tpu.memory_space<vmem>>, vector<16xf32>,
      %swap3A_1694 = vector.shape_cast %swap3A_1693 : vector<16xf32> to vector<16xf32>
      %swap3A_1695 = vector.shape_cast %select_n3A_1689 : vector<16xf32> to vector<16xf32>
      tpu.vector_store %arg5[%swap3A_1692], %swap3A_1695 {strides = array<i32>} : memref<8192xf32, #tpu.memory_space<vmem>>, vector<16xf32>,
      %eq3A_1696 = arith.constant 31 : i32
      %eq3A_1697 = vector.broadcast %eq3A_1696 : i32 to vector<16xi32>
      %eq3A_1698 = arith.cmpi eq, %select_n3A_680, %eq3A_1697 : vector<16xi32>
      %jit3A_1699 = arith.constant 0.000000e+00 : f32
      %broadcast_in_dim3A_1700 = vector.broadcast %jit3A_1699 : f32 to vector<16xf32>
      %select_n3A_1701 = arith.select %eq3A_1698, %div3A_1324, %broadcast_in_dim3A_1700 : vector<16xi1>, vector<16xf32>
      %add3A_1702 = arith.constant 1984 : i32
      %add3A_1703 = arith.addi %add3A_48, %add3A_1702 : i32
      %swap3A_1704 = arith.index_cast %add3A_1703 : i32 to index
      %swap3A_1705 = tpu.vector_load %arg5[%swap3A_1704] {strides = array<i32>} : memref<8192xf32, #tpu.memory_space<vmem>>, vector<16xf32>,
      %swap3A_1706 = vector.shape_cast %swap3A_1705 : vector<16xf32> to vector<16xf32>
      %swap3A_1707 = vector.shape_cast %select_n3A_1701 : vector<16xf32> to vector<16xf32>
      tpu.vector_store %arg5[%swap3A_1704], %swap3A_1707 {strides = array<i32>} : memref<8192xf32, #tpu.memory_space<vmem>>, vector<16xf32>,
      %eq3A_1708 = arith.constant 32 : i32
      %eq3A_1709 = vector.broadcast %eq3A_1708 : i32 to vector<16xi32>
      %eq3A_1710 = arith.cmpi eq, %select_n3A_680, %eq3A_1709 : vector<16xi32>
      %jit3A_1711 = arith.constant 0.000000e+00 : f32
      %broadcast_in_dim3A_1712 = vector.broadcast %jit3A_1711 : f32 to vector<16xf32>
      %select_n3A_1713 = arith.select %eq3A_1710, %div3A_1324, %broadcast_in_dim3A_1712 : vector<16xi1>, vector<16xf32>
      %add3A_1714 = arith.constant 2048 : i32
      %add3A_1715 = arith.addi %add3A_48, %add3A_1714 : i32
      %swap3A_1716 = arith.index_cast %add3A_1715 : i32 to index
      %swap3A_1717 = tpu.vector_load %arg5[%swap3A_1716] {strides = array<i32>} : memref<8192xf32, #tpu.memory_space<vmem>>, vector<16xf32>,
      %swap3A_1718 = vector.shape_cast %swap3A_1717 : vector<16xf32> to vector<16xf32>
      %swap3A_1719 = vector.shape_cast %select_n3A_1713 : vector<16xf32> to vector<16xf32>
      tpu.vector_store %arg5[%swap3A_1716], %swap3A_1719 {strides = array<i32>} : memref<8192xf32, #tpu.memory_space<vmem>>, vector<16xf32>,
      %eq3A_1720 = arith.constant 33 : i32
      %eq3A_1721 = vector.broadcast %eq3A_1720 : i32 to vector<16xi32>
      %eq3A_1722 = arith.cmpi eq, %select_n3A_680, %eq3A_1721 : vector<16xi32>
      %jit3A_1723 = arith.constant 0.000000e+00 : f32
      %broadcast_in_dim3A_1724 = vector.broadcast %jit3A_1723 : f32 to vector<16xf32>
      %select_n3A_1725 = arith.select %eq3A_1722, %div3A_1324, %broadcast_in_dim3A_1724 : vector<16xi1>, vector<16xf32>
      %add3A_1726 = arith.constant 2112 : i32
      %add3A_1727 = arith.addi %add3A_48, %add3A_1726 : i32
      %swap3A_1728 = arith.index_cast %add3A_1727 : i32 to index
      %swap3A_1729 = tpu.vector_load %arg5[%swap3A_1728] {strides = array<i32>} : memref<8192xf32, #tpu.memory_space<vmem>>, vector<16xf32>,
      %swap3A_1730 = vector.shape_cast %swap3A_1729 : vector<16xf32> to vector<16xf32>
      %swap3A_1731 = vector.shape_cast %select_n3A_1725 : vector<16xf32> to vector<16xf32>
      tpu.vector_store %arg5[%swap3A_1728], %swap3A_1731 {strides = array<i32>} : memref<8192xf32, #tpu.memory_space<vmem>>, vector<16xf32>,
      %eq3A_1732 = arith.constant 34 : i32
      %eq3A_1733 = vector.broadcast %eq3A_1732 : i32 to vector<16xi32>
      %eq3A_1734 = arith.cmpi eq, %select_n3A_680, %eq3A_1733 : vector<16xi32>
      %jit3A_1735 = arith.constant 0.000000e+00 : f32
      %broadcast_in_dim3A_1736 = vector.broadcast %jit3A_1735 : f32 to vector<16xf32>
      %select_n3A_1737 = arith.select %eq3A_1734, %div3A_1324, %broadcast_in_dim3A_1736 : vector<16xi1>, vector<16xf32>
      %add3A_1738 = arith.constant 2176 : i32
      %add3A_1739 = arith.addi %add3A_48, %add3A_1738 : i32
      %swap3A_1740 = arith.index_cast %add3A_1739 : i32 to index
      %swap3A_1741 = tpu.vector_load %arg5[%swap3A_1740] {strides = array<i32>} : memref<8192xf32, #tpu.memory_space<vmem>>, vector<16xf32>,
      %swap3A_1742 = vector.shape_cast %swap3A_1741 : vector<16xf32> to vector<16xf32>
      %swap3A_1743 = vector.shape_cast %select_n3A_1737 : vector<16xf32> to vector<16xf32>
      tpu.vector_store %arg5[%swap3A_1740], %swap3A_1743 {strides = array<i32>} : memref<8192xf32, #tpu.memory_space<vmem>>, vector<16xf32>,
      %eq3A_1744 = arith.constant 35 : i32
      %eq3A_1745 = vector.broadcast %eq3A_1744 : i32 to vector<16xi32>
      %eq3A_1746 = arith.cmpi eq, %select_n3A_680, %eq3A_1745 : vector<16xi32>
      %jit3A_1747 = arith.constant 0.000000e+00 : f32
      %broadcast_in_dim3A_1748 = vector.broadcast %jit3A_1747 : f32 to vector<16xf32>
      %select_n3A_1749 = arith.select %eq3A_1746, %div3A_1324, %broadcast_in_dim3A_1748 : vector<16xi1>, vector<16xf32>
      %add3A_1750 = arith.constant 2240 : i32
      %add3A_1751 = arith.addi %add3A_48, %add3A_1750 : i32
      %swap3A_1752 = arith.index_cast %add3A_1751 : i32 to index
      %swap3A_1753 = tpu.vector_load %arg5[%swap3A_1752] {strides = array<i32>} : memref<8192xf32, #tpu.memory_space<vmem>>, vector<16xf32>,
      %swap3A_1754 = vector.shape_cast %swap3A_1753 : vector<16xf32> to vector<16xf32>
      %swap3A_1755 = vector.shape_cast %select_n3A_1749 : vector<16xf32> to vector<16xf32>
      tpu.vector_store %arg5[%swap3A_1752], %swap3A_1755 {strides = array<i32>} : memref<8192xf32, #tpu.memory_space<vmem>>, vector<16xf32>,
      %eq3A_1756 = arith.constant 36 : i32
      %eq3A_1757 = vector.broadcast %eq3A_1756 : i32 to vector<16xi32>
      %eq3A_1758 = arith.cmpi eq, %select_n3A_680, %eq3A_1757 : vector<16xi32>
      %jit3A_1759 = arith.constant 0.000000e+00 : f32
      %broadcast_in_dim3A_1760 = vector.broadcast %jit3A_1759 : f32 to vector<16xf32>
      %select_n3A_1761 = arith.select %eq3A_1758, %div3A_1324, %broadcast_in_dim3A_1760 : vector<16xi1>, vector<16xf32>
      %add3A_1762 = arith.constant 2304 : i32
      %add3A_1763 = arith.addi %add3A_48, %add3A_1762 : i32
      %swap3A_1764 = arith.index_cast %add3A_1763 : i32 to index
      %swap3A_1765 = tpu.vector_load %arg5[%swap3A_1764] {strides = array<i32>} : memref<8192xf32, #tpu.memory_space<vmem>>, vector<16xf32>,
      %swap3A_1766 = vector.shape_cast %swap3A_1765 : vector<16xf32> to vector<16xf32>
      %swap3A_1767 = vector.shape_cast %select_n3A_1761 : vector<16xf32> to vector<16xf32>
      tpu.vector_store %arg5[%swap3A_1764], %swap3A_1767 {strides = array<i32>} : memref<8192xf32, #tpu.memory_space<vmem>>, vector<16xf32>,
      %eq3A_1768 = arith.constant 37 : i32
      %eq3A_1769 = vector.broadcast %eq3A_1768 : i32 to vector<16xi32>
      %eq3A_1770 = arith.cmpi eq, %select_n3A_680, %eq3A_1769 : vector<16xi32>
      %jit3A_1771 = arith.constant 0.000000e+00 : f32
      %broadcast_in_dim3A_1772 = vector.broadcast %jit3A_1771 : f32 to vector<16xf32>
      %select_n3A_1773 = arith.select %eq3A_1770, %div3A_1324, %broadcast_in_dim3A_1772 : vector<16xi1>, vector<16xf32>
      %add3A_1774 = arith.constant 2368 : i32
      %add3A_1775 = arith.addi %add3A_48, %add3A_1774 : i32
      %swap3A_1776 = arith.index_cast %add3A_1775 : i32 to index
      %swap3A_1777 = tpu.vector_load %arg5[%swap3A_1776] {strides = array<i32>} : memref<8192xf32, #tpu.memory_space<vmem>>, vector<16xf32>,
      %swap3A_1778 = vector.shape_cast %swap3A_1777 : vector<16xf32> to vector<16xf32>
      %swap3A_1779 = vector.shape_cast %select_n3A_1773 : vector<16xf32> to vector<16xf32>
      tpu.vector_store %arg5[%swap3A_1776], %swap3A_1779 {strides = array<i32>} : memref<8192xf32, #tpu.memory_space<vmem>>, vector<16xf32>,
      %eq3A_1780 = arith.constant 38 : i32
      %eq3A_1781 = vector.broadcast %eq3A_1780 : i32 to vector<16xi32>
      %eq3A_1782 = arith.cmpi eq, %select_n3A_680, %eq3A_1781 : vector<16xi32>
      %jit3A_1783 = arith.constant 0.000000e+00 : f32
      %broadcast_in_dim3A_1784 = vector.broadcast %jit3A_1783 : f32 to vector<16xf32>
      %select_n3A_1785 = arith.select %eq3A_1782, %div3A_1324, %broadcast_in_dim3A_1784 : vector<16xi1>, vector<16xf32>
      %add3A_1786 = arith.constant 2432 : i32
      %add3A_1787 = arith.addi %add3A_48, %add3A_1786 : i32
      %swap3A_1788 = arith.index_cast %add3A_1787 : i32 to index
      %swap3A_1789 = tpu.vector_load %arg5[%swap3A_1788] {strides = array<i32>} : memref<8192xf32, #tpu.memory_space<vmem>>, vector<16xf32>,
      %swap3A_1790 = vector.shape_cast %swap3A_1789 : vector<16xf32> to vector<16xf32>
      %swap3A_1791 = vector.shape_cast %select_n3A_1785 : vector<16xf32> to vector<16xf32>
      tpu.vector_store %arg5[%swap3A_1788], %swap3A_1791 {strides = array<i32>} : memref<8192xf32, #tpu.memory_space<vmem>>, vector<16xf32>,
      %eq3A_1792 = arith.constant 39 : i32
      %eq3A_1793 = vector.broadcast %eq3A_1792 : i32 to vector<16xi32>
      %eq3A_1794 = arith.cmpi eq, %select_n3A_680, %eq3A_1793 : vector<16xi32>
      %jit3A_1795 = arith.constant 0.000000e+00 : f32
      %broadcast_in_dim3A_1796 = vector.broadcast %jit3A_1795 : f32 to vector<16xf32>
      %select_n3A_1797 = arith.select %eq3A_1794, %div3A_1324, %broadcast_in_dim3A_1796 : vector<16xi1>, vector<16xf32>
      %add3A_1798 = arith.constant 2496 : i32
      %add3A_1799 = arith.addi %add3A_48, %add3A_1798 : i32
      %swap3A_1800 = arith.index_cast %add3A_1799 : i32 to index
      %swap3A_1801 = tpu.vector_load %arg5[%swap3A_1800] {strides = array<i32>} : memref<8192xf32, #tpu.memory_space<vmem>>, vector<16xf32>,
      %swap3A_1802 = vector.shape_cast %swap3A_1801 : vector<16xf32> to vector<16xf32>
      %swap3A_1803 = vector.shape_cast %select_n3A_1797 : vector<16xf32> to vector<16xf32>
      tpu.vector_store %arg5[%swap3A_1800], %swap3A_1803 {strides = array<i32>} : memref<8192xf32, #tpu.memory_space<vmem>>, vector<16xf32>,
      %eq3A_1804 = arith.constant 40 : i32
      %eq3A_1805 = vector.broadcast %eq3A_1804 : i32 to vector<16xi32>
      %eq3A_1806 = arith.cmpi eq, %select_n3A_680, %eq3A_1805 : vector<16xi32>
      %jit3A_1807 = arith.constant 0.000000e+00 : f32
      %broadcast_in_dim3A_1808 = vector.broadcast %jit3A_1807 : f32 to vector<16xf32>
      %select_n3A_1809 = arith.select %eq3A_1806, %div3A_1324, %broadcast_in_dim3A_1808 : vector<16xi1>, vector<16xf32>
      %add3A_1810 = arith.constant 2560 : i32
      %add3A_1811 = arith.addi %add3A_48, %add3A_1810 : i32
      %swap3A_1812 = arith.index_cast %add3A_1811 : i32 to index
      %swap3A_1813 = tpu.vector_load %arg5[%swap3A_1812] {strides = array<i32>} : memref<8192xf32, #tpu.memory_space<vmem>>, vector<16xf32>,
      %swap3A_1814 = vector.shape_cast %swap3A_1813 : vector<16xf32> to vector<16xf32>
      %swap3A_1815 = vector.shape_cast %select_n3A_1809 : vector<16xf32> to vector<16xf32>
      tpu.vector_store %arg5[%swap3A_1812], %swap3A_1815 {strides = array<i32>} : memref<8192xf32, #tpu.memory_space<vmem>>, vector<16xf32>,
      %eq3A_1816 = arith.constant 41 : i32
      %eq3A_1817 = vector.broadcast %eq3A_1816 : i32 to vector<16xi32>
      %eq3A_1818 = arith.cmpi eq, %select_n3A_680, %eq3A_1817 : vector<16xi32>
      %jit3A_1819 = arith.constant 0.000000e+00 : f32
      %broadcast_in_dim3A_1820 = vector.broadcast %jit3A_1819 : f32 to vector<16xf32>
      %select_n3A_1821 = arith.select %eq3A_1818, %div3A_1324, %broadcast_in_dim3A_1820 : vector<16xi1>, vector<16xf32>
      %add3A_1822 = arith.constant 2624 : i32
      %add3A_1823 = arith.addi %add3A_48, %add3A_1822 : i32
      %swap3A_1824 = arith.index_cast %add3A_1823 : i32 to index
      %swap3A_1825 = tpu.vector_load %arg5[%swap3A_1824] {strides = array<i32>} : memref<8192xf32, #tpu.memory_space<vmem>>, vector<16xf32>,
      %swap3A_1826 = vector.shape_cast %swap3A_1825 : vector<16xf32> to vector<16xf32>
      %swap3A_1827 = vector.shape_cast %select_n3A_1821 : vector<16xf32> to vector<16xf32>
      tpu.vector_store %arg5[%swap3A_1824], %swap3A_1827 {strides = array<i32>} : memref<8192xf32, #tpu.memory_space<vmem>>, vector<16xf32>,
      %eq3A_1828 = arith.constant 42 : i32
      %eq3A_1829 = vector.broadcast %eq3A_1828 : i32 to vector<16xi32>
      %eq3A_1830 = arith.cmpi eq, %select_n3A_680, %eq3A_1829 : vector<16xi32>
      %jit3A_1831 = arith.constant 0.000000e+00 : f32
      %broadcast_in_dim3A_1832 = vector.broadcast %jit3A_1831 : f32 to vector<16xf32>
      %select_n3A_1833 = arith.select %eq3A_1830, %div3A_1324, %broadcast_in_dim3A_1832 : vector<16xi1>, vector<16xf32>
      %add3A_1834 = arith.constant 2688 : i32
      %add3A_1835 = arith.addi %add3A_48, %add3A_1834 : i32
      %swap3A_1836 = arith.index_cast %add3A_1835 : i32 to index
      %swap3A_1837 = tpu.vector_load %arg5[%swap3A_1836] {strides = array<i32>} : memref<8192xf32, #tpu.memory_space<vmem>>, vector<16xf32>,
      %swap3A_1838 = vector.shape_cast %swap3A_1837 : vector<16xf32> to vector<16xf32>
      %swap3A_1839 = vector.shape_cast %select_n3A_1833 : vector<16xf32> to vector<16xf32>
      tpu.vector_store %arg5[%swap3A_1836], %swap3A_1839 {strides = array<i32>} : memref<8192xf32, #tpu.memory_space<vmem>>, vector<16xf32>,
      %eq3A_1840 = arith.constant 43 : i32
      %eq3A_1841 = vector.broadcast %eq3A_1840 : i32 to vector<16xi32>
      %eq3A_1842 = arith.cmpi eq, %select_n3A_680, %eq3A_1841 : vector<16xi32>
      %jit3A_1843 = arith.constant 0.000000e+00 : f32
      %broadcast_in_dim3A_1844 = vector.broadcast %jit3A_1843 : f32 to vector<16xf32>
      %select_n3A_1845 = arith.select %eq3A_1842, %div3A_1324, %broadcast_in_dim3A_1844 : vector<16xi1>, vector<16xf32>
      %add3A_1846 = arith.constant 2752 : i32
      %add3A_1847 = arith.addi %add3A_48, %add3A_1846 : i32
      %swap3A_1848 = arith.index_cast %add3A_1847 : i32 to index
      %swap3A_1849 = tpu.vector_load %arg5[%swap3A_1848] {strides = array<i32>} : memref<8192xf32, #tpu.memory_space<vmem>>, vector<16xf32>,
      %swap3A_1850 = vector.shape_cast %swap3A_1849 : vector<16xf32> to vector<16xf32>
      %swap3A_1851 = vector.shape_cast %select_n3A_1845 : vector<16xf32> to vector<16xf32>
      tpu.vector_store %arg5[%swap3A_1848], %swap3A_1851 {strides = array<i32>} : memref<8192xf32, #tpu.memory_space<vmem>>, vector<16xf32>,
      %eq3A_1852 = arith.constant 44 : i32
      %eq3A_1853 = vector.broadcast %eq3A_1852 : i32 to vector<16xi32>
      %eq3A_1854 = arith.cmpi eq, %select_n3A_680, %eq3A_1853 : vector<16xi32>
      %jit3A_1855 = arith.constant 0.000000e+00 : f32
      %broadcast_in_dim3A_1856 = vector.broadcast %jit3A_1855 : f32 to vector<16xf32>
      %select_n3A_1857 = arith.select %eq3A_1854, %div3A_1324, %broadcast_in_dim3A_1856 : vector<16xi1>, vector<16xf32>
      %add3A_1858 = arith.constant 2816 : i32
      %add3A_1859 = arith.addi %add3A_48, %add3A_1858 : i32
      %swap3A_1860 = arith.index_cast %add3A_1859 : i32 to index
      %swap3A_1861 = tpu.vector_load %arg5[%swap3A_1860] {strides = array<i32>} : memref<8192xf32, #tpu.memory_space<vmem>>, vector<16xf32>,
      %swap3A_1862 = vector.shape_cast %swap3A_1861 : vector<16xf32> to vector<16xf32>
      %swap3A_1863 = vector.shape_cast %select_n3A_1857 : vector<16xf32> to vector<16xf32>
      tpu.vector_store %arg5[%swap3A_1860], %swap3A_1863 {strides = array<i32>} : memref<8192xf32, #tpu.memory_space<vmem>>, vector<16xf32>,
      %eq3A_1864 = arith.constant 45 : i32
      %eq3A_1865 = vector.broadcast %eq3A_1864 : i32 to vector<16xi32>
      %eq3A_1866 = arith.cmpi eq, %select_n3A_680, %eq3A_1865 : vector<16xi32>
      %jit3A_1867 = arith.constant 0.000000e+00 : f32
      %broadcast_in_dim3A_1868 = vector.broadcast %jit3A_1867 : f32 to vector<16xf32>
      %select_n3A_1869 = arith.select %eq3A_1866, %div3A_1324, %broadcast_in_dim3A_1868 : vector<16xi1>, vector<16xf32>
      %add3A_1870 = arith.constant 2880 : i32
      %add3A_1871 = arith.addi %add3A_48, %add3A_1870 : i32
      %swap3A_1872 = arith.index_cast %add3A_1871 : i32 to index
      %swap3A_1873 = tpu.vector_load %arg5[%swap3A_1872] {strides = array<i32>} : memref<8192xf32, #tpu.memory_space<vmem>>, vector<16xf32>,
      %swap3A_1874 = vector.shape_cast %swap3A_1873 : vector<16xf32> to vector<16xf32>
      %swap3A_1875 = vector.shape_cast %select_n3A_1869 : vector<16xf32> to vector<16xf32>
      tpu.vector_store %arg5[%swap3A_1872], %swap3A_1875 {strides = array<i32>} : memref<8192xf32, #tpu.memory_space<vmem>>, vector<16xf32>,
      %eq3A_1876 = arith.constant 46 : i32
      %eq3A_1877 = vector.broadcast %eq3A_1876 : i32 to vector<16xi32>
      %eq3A_1878 = arith.cmpi eq, %select_n3A_680, %eq3A_1877 : vector<16xi32>
      %jit3A_1879 = arith.constant 0.000000e+00 : f32
      %broadcast_in_dim3A_1880 = vector.broadcast %jit3A_1879 : f32 to vector<16xf32>
      %select_n3A_1881 = arith.select %eq3A_1878, %div3A_1324, %broadcast_in_dim3A_1880 : vector<16xi1>, vector<16xf32>
      %add3A_1882 = arith.constant 2944 : i32
      %add3A_1883 = arith.addi %add3A_48, %add3A_1882 : i32
      %swap3A_1884 = arith.index_cast %add3A_1883 : i32 to index
      %swap3A_1885 = tpu.vector_load %arg5[%swap3A_1884] {strides = array<i32>} : memref<8192xf32, #tpu.memory_space<vmem>>, vector<16xf32>,
      %swap3A_1886 = vector.shape_cast %swap3A_1885 : vector<16xf32> to vector<16xf32>
      %swap3A_1887 = vector.shape_cast %select_n3A_1881 : vector<16xf32> to vector<16xf32>
      tpu.vector_store %arg5[%swap3A_1884], %swap3A_1887 {strides = array<i32>} : memref<8192xf32, #tpu.memory_space<vmem>>, vector<16xf32>,
      %eq3A_1888 = arith.constant 47 : i32
      %eq3A_1889 = vector.broadcast %eq3A_1888 : i32 to vector<16xi32>
      %eq3A_1890 = arith.cmpi eq, %select_n3A_680, %eq3A_1889 : vector<16xi32>
      %jit3A_1891 = arith.constant 0.000000e+00 : f32
      %broadcast_in_dim3A_1892 = vector.broadcast %jit3A_1891 : f32 to vector<16xf32>
      %select_n3A_1893 = arith.select %eq3A_1890, %div3A_1324, %broadcast_in_dim3A_1892 : vector<16xi1>, vector<16xf32>
      %add3A_1894 = arith.constant 3008 : i32
      %add3A_1895 = arith.addi %add3A_48, %add3A_1894 : i32
      %swap3A_1896 = arith.index_cast %add3A_1895 : i32 to index
      %swap3A_1897 = tpu.vector_load %arg5[%swap3A_1896] {strides = array<i32>} : memref<8192xf32, #tpu.memory_space<vmem>>, vector<16xf32>,
      %swap3A_1898 = vector.shape_cast %swap3A_1897 : vector<16xf32> to vector<16xf32>
      %swap3A_1899 = vector.shape_cast %select_n3A_1893 : vector<16xf32> to vector<16xf32>
      tpu.vector_store %arg5[%swap3A_1896], %swap3A_1899 {strides = array<i32>} : memref<8192xf32, #tpu.memory_space<vmem>>, vector<16xf32>,
      %eq3A_1900 = arith.constant 48 : i32
      %eq3A_1901 = vector.broadcast %eq3A_1900 : i32 to vector<16xi32>
      %eq3A_1902 = arith.cmpi eq, %select_n3A_680, %eq3A_1901 : vector<16xi32>
      %jit3A_1903 = arith.constant 0.000000e+00 : f32
      %broadcast_in_dim3A_1904 = vector.broadcast %jit3A_1903 : f32 to vector<16xf32>
      %select_n3A_1905 = arith.select %eq3A_1902, %div3A_1324, %broadcast_in_dim3A_1904 : vector<16xi1>, vector<16xf32>
      %add3A_1906 = arith.constant 3072 : i32
      %add3A_1907 = arith.addi %add3A_48, %add3A_1906 : i32
      %swap3A_1908 = arith.index_cast %add3A_1907 : i32 to index
      %swap3A_1909 = tpu.vector_load %arg5[%swap3A_1908] {strides = array<i32>} : memref<8192xf32, #tpu.memory_space<vmem>>, vector<16xf32>,
      %swap3A_1910 = vector.shape_cast %swap3A_1909 : vector<16xf32> to vector<16xf32>
      %swap3A_1911 = vector.shape_cast %select_n3A_1905 : vector<16xf32> to vector<16xf32>
      tpu.vector_store %arg5[%swap3A_1908], %swap3A_1911 {strides = array<i32>} : memref<8192xf32, #tpu.memory_space<vmem>>, vector<16xf32>,
      %eq3A_1912 = arith.constant 49 : i32
      %eq3A_1913 = vector.broadcast %eq3A_1912 : i32 to vector<16xi32>
      %eq3A_1914 = arith.cmpi eq, %select_n3A_680, %eq3A_1913 : vector<16xi32>
      %jit3A_1915 = arith.constant 0.000000e+00 : f32
      %broadcast_in_dim3A_1916 = vector.broadcast %jit3A_1915 : f32 to vector<16xf32>
      %select_n3A_1917 = arith.select %eq3A_1914, %div3A_1324, %broadcast_in_dim3A_1916 : vector<16xi1>, vector<16xf32>
      %add3A_1918 = arith.constant 3136 : i32
      %add3A_1919 = arith.addi %add3A_48, %add3A_1918 : i32
      %swap3A_1920 = arith.index_cast %add3A_1919 : i32 to index
      %swap3A_1921 = tpu.vector_load %arg5[%swap3A_1920] {strides = array<i32>} : memref<8192xf32, #tpu.memory_space<vmem>>, vector<16xf32>,
      %swap3A_1922 = vector.shape_cast %swap3A_1921 : vector<16xf32> to vector<16xf32>
      %swap3A_1923 = vector.shape_cast %select_n3A_1917 : vector<16xf32> to vector<16xf32>
      tpu.vector_store %arg5[%swap3A_1920], %swap3A_1923 {strides = array<i32>} : memref<8192xf32, #tpu.memory_space<vmem>>, vector<16xf32>,
      %eq3A_1924 = arith.constant 50 : i32
      %eq3A_1925 = vector.broadcast %eq3A_1924 : i32 to vector<16xi32>
      %eq3A_1926 = arith.cmpi eq, %select_n3A_680, %eq3A_1925 : vector<16xi32>
      %jit3A_1927 = arith.constant 0.000000e+00 : f32
      %broadcast_in_dim3A_1928 = vector.broadcast %jit3A_1927 : f32 to vector<16xf32>
      %select_n3A_1929 = arith.select %eq3A_1926, %div3A_1324, %broadcast_in_dim3A_1928 : vector<16xi1>, vector<16xf32>
      %add3A_1930 = arith.constant 3200 : i32
      %add3A_1931 = arith.addi %add3A_48, %add3A_1930 : i32
      %swap3A_1932 = arith.index_cast %add3A_1931 : i32 to index
      %swap3A_1933 = tpu.vector_load %arg5[%swap3A_1932] {strides = array<i32>} : memref<8192xf32, #tpu.memory_space<vmem>>, vector<16xf32>,
      %swap3A_1934 = vector.shape_cast %swap3A_1933 : vector<16xf32> to vector<16xf32>
      %swap3A_1935 = vector.shape_cast %select_n3A_1929 : vector<16xf32> to vector<16xf32>
      tpu.vector_store %arg5[%swap3A_1932], %swap3A_1935 {strides = array<i32>} : memref<8192xf32, #tpu.memory_space<vmem>>, vector<16xf32>,
      %eq3A_1936 = arith.constant 51 : i32
      %eq3A_1937 = vector.broadcast %eq3A_1936 : i32 to vector<16xi32>
      %eq3A_1938 = arith.cmpi eq, %select_n3A_680, %eq3A_1937 : vector<16xi32>
      %jit3A_1939 = arith.constant 0.000000e+00 : f32
      %broadcast_in_dim3A_1940 = vector.broadcast %jit3A_1939 : f32 to vector<16xf32>
      %select_n3A_1941 = arith.select %eq3A_1938, %div3A_1324, %broadcast_in_dim3A_1940 : vector<16xi1>, vector<16xf32>
      %add3A_1942 = arith.constant 3264 : i32
      %add3A_1943 = arith.addi %add3A_48, %add3A_1942 : i32
      %swap3A_1944 = arith.index_cast %add3A_1943 : i32 to index
      %swap3A_1945 = tpu.vector_load %arg5[%swap3A_1944] {strides = array<i32>} : memref<8192xf32, #tpu.memory_space<vmem>>, vector<16xf32>,
      %swap3A_1946 = vector.shape_cast %swap3A_1945 : vector<16xf32> to vector<16xf32>
      %swap3A_1947 = vector.shape_cast %select_n3A_1941 : vector<16xf32> to vector<16xf32>
      tpu.vector_store %arg5[%swap3A_1944], %swap3A_1947 {strides = array<i32>} : memref<8192xf32, #tpu.memory_space<vmem>>, vector<16xf32>,
      %eq3A_1948 = arith.constant 52 : i32
      %eq3A_1949 = vector.broadcast %eq3A_1948 : i32 to vector<16xi32>
      %eq3A_1950 = arith.cmpi eq, %select_n3A_680, %eq3A_1949 : vector<16xi32>
      %jit3A_1951 = arith.constant 0.000000e+00 : f32
      %broadcast_in_dim3A_1952 = vector.broadcast %jit3A_1951 : f32 to vector<16xf32>
      %select_n3A_1953 = arith.select %eq3A_1950, %div3A_1324, %broadcast_in_dim3A_1952 : vector<16xi1>, vector<16xf32>
      %add3A_1954 = arith.constant 3328 : i32
      %add3A_1955 = arith.addi %add3A_48, %add3A_1954 : i32
      %swap3A_1956 = arith.index_cast %add3A_1955 : i32 to index
      %swap3A_1957 = tpu.vector_load %arg5[%swap3A_1956] {strides = array<i32>} : memref<8192xf32, #tpu.memory_space<vmem>>, vector<16xf32>,
      %swap3A_1958 = vector.shape_cast %swap3A_1957 : vector<16xf32> to vector<16xf32>
      %swap3A_1959 = vector.shape_cast %select_n3A_1953 : vector<16xf32> to vector<16xf32>
      tpu.vector_store %arg5[%swap3A_1956], %swap3A_1959 {strides = array<i32>} : memref<8192xf32, #tpu.memory_space<vmem>>, vector<16xf32>,
      %eq3A_1960 = arith.constant 53 : i32
      %eq3A_1961 = vector.broadcast %eq3A_1960 : i32 to vector<16xi32>
      %eq3A_1962 = arith.cmpi eq, %select_n3A_680, %eq3A_1961 : vector<16xi32>
      %jit3A_1963 = arith.constant 0.000000e+00 : f32
      %broadcast_in_dim3A_1964 = vector.broadcast %jit3A_1963 : f32 to vector<16xf32>
      %select_n3A_1965 = arith.select %eq3A_1962, %div3A_1324, %broadcast_in_dim3A_1964 : vector<16xi1>, vector<16xf32>
      %add3A_1966 = arith.constant 3392 : i32
      %add3A_1967 = arith.addi %add3A_48, %add3A_1966 : i32
      %swap3A_1968 = arith.index_cast %add3A_1967 : i32 to index
      %swap3A_1969 = tpu.vector_load %arg5[%swap3A_1968] {strides = array<i32>} : memref<8192xf32, #tpu.memory_space<vmem>>, vector<16xf32>,
      %swap3A_1970 = vector.shape_cast %swap3A_1969 : vector<16xf32> to vector<16xf32>
      %swap3A_1971 = vector.shape_cast %select_n3A_1965 : vector<16xf32> to vector<16xf32>
      tpu.vector_store %arg5[%swap3A_1968], %swap3A_1971 {strides = array<i32>} : memref<8192xf32, #tpu.memory_space<vmem>>, vector<16xf32>,
      %eq3A_1972 = arith.constant 54 : i32
      %eq3A_1973 = vector.broadcast %eq3A_1972 : i32 to vector<16xi32>
      %eq3A_1974 = arith.cmpi eq, %select_n3A_680, %eq3A_1973 : vector<16xi32>
      %jit3A_1975 = arith.constant 0.000000e+00 : f32
      %broadcast_in_dim3A_1976 = vector.broadcast %jit3A_1975 : f32 to vector<16xf32>
      %select_n3A_1977 = arith.select %eq3A_1974, %div3A_1324, %broadcast_in_dim3A_1976 : vector<16xi1>, vector<16xf32>
      %add3A_1978 = arith.constant 3456 : i32
      %add3A_1979 = arith.addi %add3A_48, %add3A_1978 : i32
      %swap3A_1980 = arith.index_cast %add3A_1979 : i32 to index
      %swap3A_1981 = tpu.vector_load %arg5[%swap3A_1980] {strides = array<i32>} : memref<8192xf32, #tpu.memory_space<vmem>>, vector<16xf32>,
      %swap3A_1982 = vector.shape_cast %swap3A_1981 : vector<16xf32> to vector<16xf32>
      %swap3A_1983 = vector.shape_cast %select_n3A_1977 : vector<16xf32> to vector<16xf32>
      tpu.vector_store %arg5[%swap3A_1980], %swap3A_1983 {strides = array<i32>} : memref<8192xf32, #tpu.memory_space<vmem>>, vector<16xf32>,
      %eq3A_1984 = arith.constant 55 : i32
      %eq3A_1985 = vector.broadcast %eq3A_1984 : i32 to vector<16xi32>
      %eq3A_1986 = arith.cmpi eq, %select_n3A_680, %eq3A_1985 : vector<16xi32>
      %jit3A_1987 = arith.constant 0.000000e+00 : f32
      %broadcast_in_dim3A_1988 = vector.broadcast %jit3A_1987 : f32 to vector<16xf32>
      %select_n3A_1989 = arith.select %eq3A_1986, %div3A_1324, %broadcast_in_dim3A_1988 : vector<16xi1>, vector<16xf32>
      %add3A_1990 = arith.constant 3520 : i32
      %add3A_1991 = arith.addi %add3A_48, %add3A_1990 : i32
      %swap3A_1992 = arith.index_cast %add3A_1991 : i32 to index
      %swap3A_1993 = tpu.vector_load %arg5[%swap3A_1992] {strides = array<i32>} : memref<8192xf32, #tpu.memory_space<vmem>>, vector<16xf32>,
      %swap3A_1994 = vector.shape_cast %swap3A_1993 : vector<16xf32> to vector<16xf32>
      %swap3A_1995 = vector.shape_cast %select_n3A_1989 : vector<16xf32> to vector<16xf32>
      tpu.vector_store %arg5[%swap3A_1992], %swap3A_1995 {strides = array<i32>} : memref<8192xf32, #tpu.memory_space<vmem>>, vector<16xf32>,
      %eq3A_1996 = arith.constant 56 : i32
      %eq3A_1997 = vector.broadcast %eq3A_1996 : i32 to vector<16xi32>
      %eq3A_1998 = arith.cmpi eq, %select_n3A_680, %eq3A_1997 : vector<16xi32>
      %jit3A_1999 = arith.constant 0.000000e+00 : f32
      %broadcast_in_dim3A_2000 = vector.broadcast %jit3A_1999 : f32 to vector<16xf32>
      %select_n3A_2001 = arith.select %eq3A_1998, %div3A_1324, %broadcast_in_dim3A_2000 : vector<16xi1>, vector<16xf32>
      %add3A_2002 = arith.constant 3584 : i32
      %add3A_2003 = arith.addi %add3A_48, %add3A_2002 : i32
      %swap3A_2004 = arith.index_cast %add3A_2003 : i32 to index
      %swap3A_2005 = tpu.vector_load %arg5[%swap3A_2004] {strides = array<i32>} : memref<8192xf32, #tpu.memory_space<vmem>>, vector<16xf32>,
      %swap3A_2006 = vector.shape_cast %swap3A_2005 : vector<16xf32> to vector<16xf32>
      %swap3A_2007 = vector.shape_cast %select_n3A_2001 : vector<16xf32> to vector<16xf32>
      tpu.vector_store %arg5[%swap3A_2004], %swap3A_2007 {strides = array<i32>} : memref<8192xf32, #tpu.memory_space<vmem>>, vector<16xf32>,
      %eq3A_2008 = arith.constant 57 : i32
      %eq3A_2009 = vector.broadcast %eq3A_2008 : i32 to vector<16xi32>
      %eq3A_2010 = arith.cmpi eq, %select_n3A_680, %eq3A_2009 : vector<16xi32>
      %jit3A_2011 = arith.constant 0.000000e+00 : f32
      %broadcast_in_dim3A_2012 = vector.broadcast %jit3A_2011 : f32 to vector<16xf32>
      %select_n3A_2013 = arith.select %eq3A_2010, %div3A_1324, %broadcast_in_dim3A_2012 : vector<16xi1>, vector<16xf32>
      %add3A_2014 = arith.constant 3648 : i32
      %add3A_2015 = arith.addi %add3A_48, %add3A_2014 : i32
      %swap3A_2016 = arith.index_cast %add3A_2015 : i32 to index
      %swap3A_2017 = tpu.vector_load %arg5[%swap3A_2016] {strides = array<i32>} : memref<8192xf32, #tpu.memory_space<vmem>>, vector<16xf32>,
      %swap3A_2018 = vector.shape_cast %swap3A_2017 : vector<16xf32> to vector<16xf32>
      %swap3A_2019 = vector.shape_cast %select_n3A_2013 : vector<16xf32> to vector<16xf32>
      tpu.vector_store %arg5[%swap3A_2016], %swap3A_2019 {strides = array<i32>} : memref<8192xf32, #tpu.memory_space<vmem>>, vector<16xf32>,
      %eq3A_2020 = arith.constant 58 : i32
      %eq3A_2021 = vector.broadcast %eq3A_2020 : i32 to vector<16xi32>
      %eq3A_2022 = arith.cmpi eq, %select_n3A_680, %eq3A_2021 : vector<16xi32>
      %jit3A_2023 = arith.constant 0.000000e+00 : f32
      %broadcast_in_dim3A_2024 = vector.broadcast %jit3A_2023 : f32 to vector<16xf32>
      %select_n3A_2025 = arith.select %eq3A_2022, %div3A_1324, %broadcast_in_dim3A_2024 : vector<16xi1>, vector<16xf32>
      %add3A_2026 = arith.constant 3712 : i32
      %add3A_2027 = arith.addi %add3A_48, %add3A_2026 : i32
      %swap3A_2028 = arith.index_cast %add3A_2027 : i32 to index
      %swap3A_2029 = tpu.vector_load %arg5[%swap3A_2028] {strides = array<i32>} : memref<8192xf32, #tpu.memory_space<vmem>>, vector<16xf32>,
      %swap3A_2030 = vector.shape_cast %swap3A_2029 : vector<16xf32> to vector<16xf32>
      %swap3A_2031 = vector.shape_cast %select_n3A_2025 : vector<16xf32> to vector<16xf32>
      tpu.vector_store %arg5[%swap3A_2028], %swap3A_2031 {strides = array<i32>} : memref<8192xf32, #tpu.memory_space<vmem>>, vector<16xf32>,
      %eq3A_2032 = arith.constant 59 : i32
      %eq3A_2033 = vector.broadcast %eq3A_2032 : i32 to vector<16xi32>
      %eq3A_2034 = arith.cmpi eq, %select_n3A_680, %eq3A_2033 : vector<16xi32>
      %jit3A_2035 = arith.constant 0.000000e+00 : f32
      %broadcast_in_dim3A_2036 = vector.broadcast %jit3A_2035 : f32 to vector<16xf32>
      %select_n3A_2037 = arith.select %eq3A_2034, %div3A_1324, %broadcast_in_dim3A_2036 : vector<16xi1>, vector<16xf32>
      %add3A_2038 = arith.constant 3776 : i32
      %add3A_2039 = arith.addi %add3A_48, %add3A_2038 : i32
      %swap3A_2040 = arith.index_cast %add3A_2039 : i32 to index
      %swap3A_2041 = tpu.vector_load %arg5[%swap3A_2040] {strides = array<i32>} : memref<8192xf32, #tpu.memory_space<vmem>>, vector<16xf32>,
      %swap3A_2042 = vector.shape_cast %swap3A_2041 : vector<16xf32> to vector<16xf32>
      %swap3A_2043 = vector.shape_cast %select_n3A_2037 : vector<16xf32> to vector<16xf32>
      tpu.vector_store %arg5[%swap3A_2040], %swap3A_2043 {strides = array<i32>} : memref<8192xf32, #tpu.memory_space<vmem>>, vector<16xf32>,
      %eq3A_2044 = arith.constant 60 : i32
      %eq3A_2045 = vector.broadcast %eq3A_2044 : i32 to vector<16xi32>
      %eq3A_2046 = arith.cmpi eq, %select_n3A_680, %eq3A_2045 : vector<16xi32>
      %jit3A_2047 = arith.constant 0.000000e+00 : f32
      %broadcast_in_dim3A_2048 = vector.broadcast %jit3A_2047 : f32 to vector<16xf32>
      %select_n3A_2049 = arith.select %eq3A_2046, %div3A_1324, %broadcast_in_dim3A_2048 : vector<16xi1>, vector<16xf32>
      %add3A_2050 = arith.constant 3840 : i32
      %add3A_2051 = arith.addi %add3A_48, %add3A_2050 : i32
      %swap3A_2052 = arith.index_cast %add3A_2051 : i32 to index
      %swap3A_2053 = tpu.vector_load %arg5[%swap3A_2052] {strides = array<i32>} : memref<8192xf32, #tpu.memory_space<vmem>>, vector<16xf32>,
      %swap3A_2054 = vector.shape_cast %swap3A_2053 : vector<16xf32> to vector<16xf32>
      %swap3A_2055 = vector.shape_cast %select_n3A_2049 : vector<16xf32> to vector<16xf32>
      tpu.vector_store %arg5[%swap3A_2052], %swap3A_2055 {strides = array<i32>} : memref<8192xf32, #tpu.memory_space<vmem>>, vector<16xf32>,
      %eq3A_2056 = arith.constant 61 : i32
      %eq3A_2057 = vector.broadcast %eq3A_2056 : i32 to vector<16xi32>
      %eq3A_2058 = arith.cmpi eq, %select_n3A_680, %eq3A_2057 : vector<16xi32>
      %jit3A_2059 = arith.constant 0.000000e+00 : f32
      %broadcast_in_dim3A_2060 = vector.broadcast %jit3A_2059 : f32 to vector<16xf32>
      %select_n3A_2061 = arith.select %eq3A_2058, %div3A_1324, %broadcast_in_dim3A_2060 : vector<16xi1>, vector<16xf32>
      %add3A_2062 = arith.constant 3904 : i32
      %add3A_2063 = arith.addi %add3A_48, %add3A_2062 : i32
      %swap3A_2064 = arith.index_cast %add3A_2063 : i32 to index
      %swap3A_2065 = tpu.vector_load %arg5[%swap3A_2064] {strides = array<i32>} : memref<8192xf32, #tpu.memory_space<vmem>>, vector<16xf32>,
      %swap3A_2066 = vector.shape_cast %swap3A_2065 : vector<16xf32> to vector<16xf32>
      %swap3A_2067 = vector.shape_cast %select_n3A_2061 : vector<16xf32> to vector<16xf32>
      tpu.vector_store %arg5[%swap3A_2064], %swap3A_2067 {strides = array<i32>} : memref<8192xf32, #tpu.memory_space<vmem>>, vector<16xf32>,
      %eq3A_2068 = arith.constant 62 : i32
      %eq3A_2069 = vector.broadcast %eq3A_2068 : i32 to vector<16xi32>
      %eq3A_2070 = arith.cmpi eq, %select_n3A_680, %eq3A_2069 : vector<16xi32>
      %jit3A_2071 = arith.constant 0.000000e+00 : f32
      %broadcast_in_dim3A_2072 = vector.broadcast %jit3A_2071 : f32 to vector<16xf32>
      %select_n3A_2073 = arith.select %eq3A_2070, %div3A_1324, %broadcast_in_dim3A_2072 : vector<16xi1>, vector<16xf32>
      %add3A_2074 = arith.constant 3968 : i32
      %add3A_2075 = arith.addi %add3A_48, %add3A_2074 : i32
      %swap3A_2076 = arith.index_cast %add3A_2075 : i32 to index
      %swap3A_2077 = tpu.vector_load %arg5[%swap3A_2076] {strides = array<i32>} : memref<8192xf32, #tpu.memory_space<vmem>>, vector<16xf32>,
      %swap3A_2078 = vector.shape_cast %swap3A_2077 : vector<16xf32> to vector<16xf32>
      %swap3A_2079 = vector.shape_cast %select_n3A_2073 : vector<16xf32> to vector<16xf32>
      tpu.vector_store %arg5[%swap3A_2076], %swap3A_2079 {strides = array<i32>} : memref<8192xf32, #tpu.memory_space<vmem>>, vector<16xf32>,
      %eq3A_2080 = arith.constant 63 : i32
      %eq3A_2081 = vector.broadcast %eq3A_2080 : i32 to vector<16xi32>
      %eq3A_2082 = arith.cmpi eq, %select_n3A_680, %eq3A_2081 : vector<16xi32>
      %jit3A_2083 = arith.constant 0.000000e+00 : f32
      %broadcast_in_dim3A_2084 = vector.broadcast %jit3A_2083 : f32 to vector<16xf32>
      %select_n3A_2085 = arith.select %eq3A_2082, %div3A_1324, %broadcast_in_dim3A_2084 : vector<16xi1>, vector<16xf32>
      %add3A_2086 = arith.constant 4032 : i32
      %add3A_2087 = arith.addi %add3A_48, %add3A_2086 : i32
      %swap3A_2088 = arith.index_cast %add3A_2087 : i32 to index
      %swap3A_2089 = tpu.vector_load %arg5[%swap3A_2088] {strides = array<i32>} : memref<8192xf32, #tpu.memory_space<vmem>>, vector<16xf32>,
      %swap3A_2090 = vector.shape_cast %swap3A_2089 : vector<16xf32> to vector<16xf32>
      %swap3A_2091 = vector.shape_cast %select_n3A_2085 : vector<16xf32> to vector<16xf32>
      tpu.vector_store %arg5[%swap3A_2088], %swap3A_2091 {strides = array<i32>} : memref<8192xf32, #tpu.memory_space<vmem>>, vector<16xf32>,
      %scan3A_2092 = arith.constant 0 : i32
      scf.yield %scan3A_2092 : i32
    }
    %scan3A_9 = arith.constant 8 : i32
    "tpu.region"() ({
      %run_scoped3A = tpu.sem_alloc : memref<!tpu.dma_semaphore, #tpu.memory_space<semaphore_mem>>
      %dma_start3A = tpu.memref_slice %arg3[%mul3A_2] : memref<262144xf32, #tpu.memory_space<hbm>> -> memref<8192xf32, #tpu.memory_space<hbm>>
      %dma_start3A_10 = tpu.memref_slice %arg3[%mul3A_2] : memref<262144xf32, #tpu.memory_space<hbm>> -> memref<8192xf32, #tpu.memory_space<hbm>>
      tpu.enqueue_dma source(%arg5 : memref<8192xf32, #tpu.memory_space<vmem>>) target(%dma_start3A_10 : memref<8192xf32, #tpu.memory_space<hbm>>) target_semaphore(%run_scoped3A : memref<!tpu.dma_semaphore, #tpu.memory_space<semaphore_mem>>)
      %dma_wait3A = tpu.memref_slice %arg3[%mul3A_2] : memref<262144xf32, #tpu.memory_space<hbm>> -> memref<8192xf32, #tpu.memory_space<hbm>>
      %dma_wait3A_11 = tpu.memref_slice %arg3[%mul3A_2] : memref<262144xf32, #tpu.memory_space<hbm>> -> memref<8192xf32, #tpu.memory_space<hbm>>
      tpu.wait_dma2 semaphore(%run_scoped3A : memref<!tpu.dma_semaphore, #tpu.memory_space<semaphore_mem>>) src(%arg5 : memref<8192xf32, #tpu.memory_space<vmem>>) dst(%dma_wait3A_11 : memref<8192xf32, #tpu.memory_space<hbm>>)
      tpu.yield
    }) : () -> ()
    return
  }
}

module attributes {stable_mosaic.version = 14 : i64} {
  func.func @_tc_body(%arg0: i32, %arg1: memref<4x4096x128xf32, #tpu.memory_space<vmem>>, %arg2: memref<4x4096x128xf32, #tpu.memory_space<vmem>>, %arg3: memref<1x4x256x64xf32, #tpu.memory_space<vmem>>, %arg4: memref<4x64x64xf32, #tpu.memory_space<vmem>>) attributes {dimension_semantics = [#tpu.dimension_semantics<arbitrary>], iteration_bounds = array<i64: 16>, scalar_prefetch = 0 : i64, scratch_operands = 0 : i64, tpu.core_type = #tpu.core_type<tc>, window_params = [{transform_indices = @transform_0, window_bounds = array<i64: 4, 4096, 128>}, {transform_indices = @transform_1, window_bounds = array<i64: 4, 4096, 128>}, {transform_indices = @transform_2, window_bounds = array<i64: 1, 4, 256, 64>}, {transform_indices = @transform_3, window_bounds = array<i64: 4, 64, 64>}]} {
    %get3A = arith.constant 0 : index
    %get3A_0 = arith.constant 0 : index
    %get3A_1 = arith.constant 0 : index
    %get3A_2 = vector.load %arg1[%get3A, %get3A_0, %get3A_1] : memref<4x4096x128xf32, #tpu.memory_space<vmem>>, vector<1x4096x128xf32>
    %get3A_3 = vector.shape_cast %get3A_2 : vector<1x4096x128xf32> to vector<4096x128xf32>
    %reshape3A = vector.shape_cast %get3A_3 : vector<4096x128xf32> to vector<64x64x128xf32>
    %reduce_sum3A = arith.constant dense<0.000000e+00> : vector<64x128xf32>
    %reduce_sum3A_4 = vector.multi_reduction <add>, %reshape3A, %reduce_sum3A [1] : vector<64x64x128xf32> to vector<64x128xf32>
    %get3A_5 = arith.constant 0 : index
    %get3A_6 = arith.constant 0 : index
    %get3A_7 = arith.constant 0 : index
    %get3A_8 = vector.load %arg2[%get3A_5, %get3A_6, %get3A_7] : memref<4x4096x128xf32, #tpu.memory_space<vmem>>, vector<1x4096x128xf32>
    %get3A_9 = vector.shape_cast %get3A_8 : vector<1x4096x128xf32> to vector<4096x128xf32>
    %reshape3A_10 = vector.shape_cast %get3A_9 : vector<4096x128xf32> to vector<64x64x128xf32>
    %reduce_sum3A_11 = arith.constant dense<0.000000e+00> : vector<64x128xf32>
    %reduce_sum3A_12 = vector.multi_reduction <add>, %reshape3A_10, %reduce_sum3A_11 [1] : vector<64x64x128xf32> to vector<64x128xf32>
    %get3A_13 = arith.constant 0 : index
    %get3A_14 = arith.constant 0 : index
    %get3A_15 = arith.constant 0 : index
    %get3A_16 = arith.constant 0 : index
    %get3A_17 = vector.load %arg3[%get3A_13, %get3A_14, %get3A_15, %get3A_16] : memref<1x4x256x64xf32, #tpu.memory_space<vmem>>, vector<1x1x256x64xf32>
    %get3A_18 = vector.shape_cast %get3A_17 : vector<1x1x256x64xf32> to vector<256x64xf32>
    %slice3A = vector.extract_strided_slice %get3A_18 {offsets = [0, 0], sizes = [128, 64], strides = [1, 1]} : vector<256x64xf32> to vector<128x64xf32>
    %dot_general3A = arith.constant dense<0.000000e+00> : vector<64x64xf32>
    %dot_general3A_19 = tpu.matmul %reduce_sum3A_4, %slice3A, %dot_general3A {dimension_numbers = #tpu.dot_dimension_numbers<[1], [0], [0], [1], [0, 0, 1, 1], [], []>, transpose_lhs_hint = false} : vector<64x128xf32>, vector<128x64xf32>, vector<64x64xf32> -> vector<64x64xf32>
    %slice3A_20 = vector.extract_strided_slice %get3A_18 {offsets = [128, 0], sizes = [128, 64], strides = [1, 1]} : vector<256x64xf32> to vector<128x64xf32>
    %dot_general3A_21 = arith.constant dense<0.000000e+00> : vector<64x64xf32>
    %dot_general3A_22 = tpu.matmul %reduce_sum3A_12, %slice3A_20, %dot_general3A_21 {dimension_numbers = #tpu.dot_dimension_numbers<[1], [0], [0], [1], [0, 0, 1, 1], [], []>, transpose_lhs_hint = false} : vector<64x128xf32>, vector<128x64xf32>, vector<64x64xf32> -> vector<64x64xf32>
    %add3A = arith.addf %dot_general3A_19, %dot_general3A_22 : vector<64x64xf32>
    %max3A = arith.constant 0.000000e+00 : f32
    %max3A_23 = vector.broadcast %max3A : f32 to vector<64x64xf32>
    %max3A_24 = arith.maximumf %add3A, %max3A_23 : vector<64x64xf32>
    %transpose3A = tpu.transpose %max3A_24, [1, 0] : vector<64x64xf32> -> vector<64x64xf32>
    %swap3A = arith.constant 0 : index
    %swap3A_25 = arith.constant 0 : index
    %swap3A_26 = arith.constant 0 : index
    %swap3A_27 = vector.load %arg4[%swap3A, %swap3A_25, %swap3A_26] : memref<4x64x64xf32, #tpu.memory_space<vmem>>, vector<1x64x64xf32>
    %swap3A_28 = vector.shape_cast %swap3A_27 : vector<1x64x64xf32> to vector<64x64xf32>
    %swap3A_29 = vector.shape_cast %transpose3A : vector<64x64xf32> to vector<1x64x64xf32>
    tpu.vector_store %arg4[%swap3A, %swap3A_25, %swap3A_26], %swap3A_29 {strides = array<i32>} : memref<4x64x64xf32, #tpu.memory_space<vmem>>, vector<1x64x64xf32>,
    %get3A_30 = arith.constant 1 : index
    %get3A_31 = arith.constant 0 : index
    %get3A_32 = arith.constant 0 : index
    %get3A_33 = vector.load %arg1[%get3A_30, %get3A_31, %get3A_32] : memref<4x4096x128xf32, #tpu.memory_space<vmem>>, vector<1x4096x128xf32>
    %get3A_34 = vector.shape_cast %get3A_33 : vector<1x4096x128xf32> to vector<4096x128xf32>
    %reshape3A_35 = vector.shape_cast %get3A_34 : vector<4096x128xf32> to vector<64x64x128xf32>
    %reduce_sum3A_36 = arith.constant dense<0.000000e+00> : vector<64x128xf32>
    %reduce_sum3A_37 = vector.multi_reduction <add>, %reshape3A_35, %reduce_sum3A_36 [1] : vector<64x64x128xf32> to vector<64x128xf32>
    %get3A_38 = arith.constant 1 : index
    %get3A_39 = arith.constant 0 : index
    %get3A_40 = arith.constant 0 : index
    %get3A_41 = vector.load %arg2[%get3A_38, %get3A_39, %get3A_40] : memref<4x4096x128xf32, #tpu.memory_space<vmem>>, vector<1x4096x128xf32>
    %get3A_42 = vector.shape_cast %get3A_41 : vector<1x4096x128xf32> to vector<4096x128xf32>
    %reshape3A_43 = vector.shape_cast %get3A_42 : vector<4096x128xf32> to vector<64x64x128xf32>
    %reduce_sum3A_44 = arith.constant dense<0.000000e+00> : vector<64x128xf32>
    %reduce_sum3A_45 = vector.multi_reduction <add>, %reshape3A_43, %reduce_sum3A_44 [1] : vector<64x64x128xf32> to vector<64x128xf32>
    %get3A_46 = arith.constant 0 : index
    %get3A_47 = arith.constant 1 : index
    %get3A_48 = arith.constant 0 : index
    %get3A_49 = arith.constant 0 : index
    %get3A_50 = vector.load %arg3[%get3A_46, %get3A_47, %get3A_48, %get3A_49] : memref<1x4x256x64xf32, #tpu.memory_space<vmem>>, vector<1x1x256x64xf32>
    %get3A_51 = vector.shape_cast %get3A_50 : vector<1x1x256x64xf32> to vector<256x64xf32>
    %slice3A_52 = vector.extract_strided_slice %get3A_51 {offsets = [0, 0], sizes = [128, 64], strides = [1, 1]} : vector<256x64xf32> to vector<128x64xf32>
    %dot_general3A_53 = arith.constant dense<0.000000e+00> : vector<64x64xf32>
    %dot_general3A_54 = tpu.matmul %reduce_sum3A_37, %slice3A_52, %dot_general3A_53 {dimension_numbers = #tpu.dot_dimension_numbers<[1], [0], [0], [1], [0, 0, 1, 1], [], []>, transpose_lhs_hint = false} : vector<64x128xf32>, vector<128x64xf32>, vector<64x64xf32> -> vector<64x64xf32>
    %slice3A_55 = vector.extract_strided_slice %get3A_51 {offsets = [128, 0], sizes = [128, 64], strides = [1, 1]} : vector<256x64xf32> to vector<128x64xf32>
    %dot_general3A_56 = arith.constant dense<0.000000e+00> : vector<64x64xf32>
    %dot_general3A_57 = tpu.matmul %reduce_sum3A_45, %slice3A_55, %dot_general3A_56 {dimension_numbers = #tpu.dot_dimension_numbers<[1], [0], [0], [1], [0, 0, 1, 1], [], []>, transpose_lhs_hint = false} : vector<64x128xf32>, vector<128x64xf32>, vector<64x64xf32> -> vector<64x64xf32>
    %add3A_58 = arith.addf %dot_general3A_54, %dot_general3A_57 : vector<64x64xf32>
    %max3A_59 = arith.constant 0.000000e+00 : f32
    %max3A_60 = vector.broadcast %max3A_59 : f32 to vector<64x64xf32>
    %max3A_61 = arith.maximumf %add3A_58, %max3A_60 : vector<64x64xf32>
    %transpose3A_62 = tpu.transpose %max3A_61, [1, 0] : vector<64x64xf32> -> vector<64x64xf32>
    %swap3A_63 = arith.constant 1 : index
    %swap3A_64 = arith.constant 0 : index
    %swap3A_65 = arith.constant 0 : index
    %swap3A_66 = vector.load %arg4[%swap3A_63, %swap3A_64, %swap3A_65] : memref<4x64x64xf32, #tpu.memory_space<vmem>>, vector<1x64x64xf32>
    %swap3A_67 = vector.shape_cast %swap3A_66 : vector<1x64x64xf32> to vector<64x64xf32>
    %swap3A_68 = vector.shape_cast %transpose3A_62 : vector<64x64xf32> to vector<1x64x64xf32>
    tpu.vector_store %arg4[%swap3A_63, %swap3A_64, %swap3A_65], %swap3A_68 {strides = array<i32>} : memref<4x64x64xf32, #tpu.memory_space<vmem>>, vector<1x64x64xf32>,
    %get3A_69 = arith.constant 2 : index
    %get3A_70 = arith.constant 0 : index
    %get3A_71 = arith.constant 0 : index
    %get3A_72 = vector.load %arg1[%get3A_69, %get3A_70, %get3A_71] : memref<4x4096x128xf32, #tpu.memory_space<vmem>>, vector<1x4096x128xf32>
    %get3A_73 = vector.shape_cast %get3A_72 : vector<1x4096x128xf32> to vector<4096x128xf32>
    %reshape3A_74 = vector.shape_cast %get3A_73 : vector<4096x128xf32> to vector<64x64x128xf32>
    %reduce_sum3A_75 = arith.constant dense<0.000000e+00> : vector<64x128xf32>
    %reduce_sum3A_76 = vector.multi_reduction <add>, %reshape3A_74, %reduce_sum3A_75 [1] : vector<64x64x128xf32> to vector<64x128xf32>
    %get3A_77 = arith.constant 2 : index
    %get3A_78 = arith.constant 0 : index
    %get3A_79 = arith.constant 0 : index
    %get3A_80 = vector.load %arg2[%get3A_77, %get3A_78, %get3A_79] : memref<4x4096x128xf32, #tpu.memory_space<vmem>>, vector<1x4096x128xf32>
    %get3A_81 = vector.shape_cast %get3A_80 : vector<1x4096x128xf32> to vector<4096x128xf32>
    %reshape3A_82 = vector.shape_cast %get3A_81 : vector<4096x128xf32> to vector<64x64x128xf32>
    %reduce_sum3A_83 = arith.constant dense<0.000000e+00> : vector<64x128xf32>
    %reduce_sum3A_84 = vector.multi_reduction <add>, %reshape3A_82, %reduce_sum3A_83 [1] : vector<64x64x128xf32> to vector<64x128xf32>
    %get3A_85 = arith.constant 0 : index
    %get3A_86 = arith.constant 2 : index
    %get3A_87 = arith.constant 0 : index
    %get3A_88 = arith.constant 0 : index
    %get3A_89 = vector.load %arg3[%get3A_85, %get3A_86, %get3A_87, %get3A_88] : memref<1x4x256x64xf32, #tpu.memory_space<vmem>>, vector<1x1x256x64xf32>
    %get3A_90 = vector.shape_cast %get3A_89 : vector<1x1x256x64xf32> to vector<256x64xf32>
    %slice3A_91 = vector.extract_strided_slice %get3A_90 {offsets = [0, 0], sizes = [128, 64], strides = [1, 1]} : vector<256x64xf32> to vector<128x64xf32>
    %dot_general3A_92 = arith.constant dense<0.000000e+00> : vector<64x64xf32>
    %dot_general3A_93 = tpu.matmul %reduce_sum3A_76, %slice3A_91, %dot_general3A_92 {dimension_numbers = #tpu.dot_dimension_numbers<[1], [0], [0], [1], [0, 0, 1, 1], [], []>, transpose_lhs_hint = false} : vector<64x128xf32>, vector<128x64xf32>, vector<64x64xf32> -> vector<64x64xf32>
    %slice3A_94 = vector.extract_strided_slice %get3A_90 {offsets = [128, 0], sizes = [128, 64], strides = [1, 1]} : vector<256x64xf32> to vector<128x64xf32>
    %dot_general3A_95 = arith.constant dense<0.000000e+00> : vector<64x64xf32>
    %dot_general3A_96 = tpu.matmul %reduce_sum3A_84, %slice3A_94, %dot_general3A_95 {dimension_numbers = #tpu.dot_dimension_numbers<[1], [0], [0], [1], [0, 0, 1, 1], [], []>, transpose_lhs_hint = false} : vector<64x128xf32>, vector<128x64xf32>, vector<64x64xf32> -> vector<64x64xf32>
    %add3A_97 = arith.addf %dot_general3A_93, %dot_general3A_96 : vector<64x64xf32>
    %max3A_98 = arith.constant 0.000000e+00 : f32
    %max3A_99 = vector.broadcast %max3A_98 : f32 to vector<64x64xf32>
    %max3A_100 = arith.maximumf %add3A_97, %max3A_99 : vector<64x64xf32>
    %transpose3A_101 = tpu.transpose %max3A_100, [1, 0] : vector<64x64xf32> -> vector<64x64xf32>
    %swap3A_102 = arith.constant 2 : index
    %swap3A_103 = arith.constant 0 : index
    %swap3A_104 = arith.constant 0 : index
    %swap3A_105 = vector.load %arg4[%swap3A_102, %swap3A_103, %swap3A_104] : memref<4x64x64xf32, #tpu.memory_space<vmem>>, vector<1x64x64xf32>
    %swap3A_106 = vector.shape_cast %swap3A_105 : vector<1x64x64xf32> to vector<64x64xf32>
    %swap3A_107 = vector.shape_cast %transpose3A_101 : vector<64x64xf32> to vector<1x64x64xf32>
    tpu.vector_store %arg4[%swap3A_102, %swap3A_103, %swap3A_104], %swap3A_107 {strides = array<i32>} : memref<4x64x64xf32, #tpu.memory_space<vmem>>, vector<1x64x64xf32>,
    %get3A_108 = arith.constant 3 : index
    %get3A_109 = arith.constant 0 : index
    %get3A_110 = arith.constant 0 : index
    %get3A_111 = vector.load %arg1[%get3A_108, %get3A_109, %get3A_110] : memref<4x4096x128xf32, #tpu.memory_space<vmem>>, vector<1x4096x128xf32>
    %get3A_112 = vector.shape_cast %get3A_111 : vector<1x4096x128xf32> to vector<4096x128xf32>
    %reshape3A_113 = vector.shape_cast %get3A_112 : vector<4096x128xf32> to vector<64x64x128xf32>
    %reduce_sum3A_114 = arith.constant dense<0.000000e+00> : vector<64x128xf32>
    %reduce_sum3A_115 = vector.multi_reduction <add>, %reshape3A_113, %reduce_sum3A_114 [1] : vector<64x64x128xf32> to vector<64x128xf32>
    %get3A_116 = arith.constant 3 : index
    %get3A_117 = arith.constant 0 : index
    %get3A_118 = arith.constant 0 : index
    %get3A_119 = vector.load %arg2[%get3A_116, %get3A_117, %get3A_118] : memref<4x4096x128xf32, #tpu.memory_space<vmem>>, vector<1x4096x128xf32>
    %get3A_120 = vector.shape_cast %get3A_119 : vector<1x4096x128xf32> to vector<4096x128xf32>
    %reshape3A_121 = vector.shape_cast %get3A_120 : vector<4096x128xf32> to vector<64x64x128xf32>
    %reduce_sum3A_122 = arith.constant dense<0.000000e+00> : vector<64x128xf32>
    %reduce_sum3A_123 = vector.multi_reduction <add>, %reshape3A_121, %reduce_sum3A_122 [1] : vector<64x64x128xf32> to vector<64x128xf32>
    %get3A_124 = arith.constant 0 : index
    %get3A_125 = arith.constant 3 : index
    %get3A_126 = arith.constant 0 : index
    %get3A_127 = arith.constant 0 : index
    %get3A_128 = vector.load %arg3[%get3A_124, %get3A_125, %get3A_126, %get3A_127] : memref<1x4x256x64xf32, #tpu.memory_space<vmem>>, vector<1x1x256x64xf32>
    %get3A_129 = vector.shape_cast %get3A_128 : vector<1x1x256x64xf32> to vector<256x64xf32>
    %slice3A_130 = vector.extract_strided_slice %get3A_129 {offsets = [0, 0], sizes = [128, 64], strides = [1, 1]} : vector<256x64xf32> to vector<128x64xf32>
    %dot_general3A_131 = arith.constant dense<0.000000e+00> : vector<64x64xf32>
    %dot_general3A_132 = tpu.matmul %reduce_sum3A_115, %slice3A_130, %dot_general3A_131 {dimension_numbers = #tpu.dot_dimension_numbers<[1], [0], [0], [1], [0, 0, 1, 1], [], []>, transpose_lhs_hint = false} : vector<64x128xf32>, vector<128x64xf32>, vector<64x64xf32> -> vector<64x64xf32>
    %slice3A_133 = vector.extract_strided_slice %get3A_129 {offsets = [128, 0], sizes = [128, 64], strides = [1, 1]} : vector<256x64xf32> to vector<128x64xf32>
    %dot_general3A_134 = arith.constant dense<0.000000e+00> : vector<64x64xf32>
    %dot_general3A_135 = tpu.matmul %reduce_sum3A_123, %slice3A_133, %dot_general3A_134 {dimension_numbers = #tpu.dot_dimension_numbers<[1], [0], [0], [1], [0, 0, 1, 1], [], []>, transpose_lhs_hint = false} : vector<64x128xf32>, vector<128x64xf32>, vector<64x64xf32> -> vector<64x64xf32>
    %add3A_136 = arith.addf %dot_general3A_132, %dot_general3A_135 : vector<64x64xf32>
    %max3A_137 = arith.constant 0.000000e+00 : f32
    %max3A_138 = vector.broadcast %max3A_137 : f32 to vector<64x64xf32>
    %max3A_139 = arith.maximumf %add3A_136, %max3A_138 : vector<64x64xf32>
    %transpose3A_140 = tpu.transpose %max3A_139, [1, 0] : vector<64x64xf32> -> vector<64x64xf32>
    %swap3A_141 = arith.constant 3 : index
    %swap3A_142 = arith.constant 0 : index
    %swap3A_143 = arith.constant 0 : index
    %swap3A_144 = vector.load %arg4[%swap3A_141, %swap3A_142, %swap3A_143] : memref<4x64x64xf32, #tpu.memory_space<vmem>>, vector<1x64x64xf32>
    %swap3A_145 = vector.shape_cast %swap3A_144 : vector<1x64x64xf32> to vector<64x64xf32>
    %swap3A_146 = vector.shape_cast %transpose3A_140 : vector<64x64xf32> to vector<1x64x64xf32>
    tpu.vector_store %arg4[%swap3A_141, %swap3A_142, %swap3A_143], %swap3A_146 {strides = array<i32>} : memref<4x64x64xf32, #tpu.memory_space<vmem>>, vector<1x64x64xf32>,
    return
  }
  func.func @transform_0(%arg0: i32) -> (i32, i32, i32) {
    %c0_i32 = arith.constant 0 : i32
    %c0_i32_0 = arith.constant 0 : i32
    %c0_i32_1 = arith.constant 0 : i32
    return %arg0, %c0_i32, %c0_i32_0 : i32, i32, i32
  }
  func.func @transform_1(%arg0: i32) -> (i32, i32, i32) {
    %c0_i32 = arith.constant 0 : i32
    %c0_i32_0 = arith.constant 0 : i32
    %c0_i32_1 = arith.constant 0 : i32
    return %arg0, %c0_i32, %c0_i32_0 : i32, i32, i32
  }
  func.func @transform_2(%arg0: i32) -> (i32, i32, i32, i32) {
    %jit3A = arith.constant 8 : i32
    %eq3A = arith.constant 0 : i32
    %eq3A_0 = arith.cmpi eq, %jit3A, %eq3A : i32
    %jit3A_1 = arith.constant 1 : i32
    %select_n3A = arith.select %eq3A_0, %jit3A_1, %jit3A : i32
    %rem3A = arith.remsi %arg0, %select_n3A : i32
    %ne3A = arith.constant 0 : i32
    %ne3A_2 = arith.cmpi ne, %rem3A, %ne3A : i32
    %lt3A = arith.constant 0 : i32
    %lt3A_3 = arith.cmpi slt, %rem3A, %lt3A : i32
    %lt3A_4 = arith.constant 0 : i32
    %lt3A_5 = arith.cmpi slt, %select_n3A, %lt3A_4 : i32
    %ne3A_6 = arith.xori %lt3A_3, %lt3A_5 : i1
    %and3A = arith.andi %ne3A_6, %ne3A_2 : i1
    %add3A = arith.addi %rem3A, %select_n3A : i32
    %select_n3A_7 = arith.select %and3A, %add3A, %rem3A : i32
    %c0_i32 = arith.constant 0 : i32
    %c0_i32_8 = arith.constant 0 : i32
    %c0_i32_9 = arith.constant 0 : i32
    %c0_i32_10 = arith.constant 0 : i32
    return %c0_i32, %select_n3A_7, %c0_i32_8, %c0_i32_9 : i32, i32, i32, i32
  }
  func.func @transform_3(%arg0: i32) -> (i32, i32, i32) {
    %c0_i32 = arith.constant 0 : i32
    %c0_i32_0 = arith.constant 0 : i32
    %c0_i32_1 = arith.constant 0 : i32
    return %arg0, %c0_i32, %c0_i32_0 : i32, i32, i32
  }
}

module attributes {stable_mosaic.version = 14 : i64} {
  func.func @_tr_body(%arg0: i32, %arg1: memref<16x64x64xf32, #tpu.memory_space<vmem>>, %arg2: memref<16x64x64xf32, #tpu.memory_space<vmem>>) attributes {dimension_semantics = [#tpu.dimension_semantics<arbitrary>], iteration_bounds = array<i64: 4>, scalar_prefetch = 0 : i64, scratch_operands = 0 : i64, tpu.core_type = #tpu.core_type<tc>, window_params = [{transform_indices = @transform_0, window_bounds = array<i64: 16, 64, 64>}, {transform_indices = @transform_1, window_bounds = array<i64: 16, 64, 64>}]} {
    %get3A = arith.constant 0 : index
    %get3A_0 = arith.constant 0 : index
    %get3A_1 = arith.constant 0 : index
    %get3A_2 = vector.load %arg1[%get3A, %get3A_0, %get3A_1] : memref<16x64x64xf32, #tpu.memory_space<vmem>>, vector<1x64x64xf32>
    %get3A_3 = vector.shape_cast %get3A_2 : vector<1x64x64xf32> to vector<64x64xf32>
    %transpose3A = tpu.transpose %get3A_3, [1, 0] : vector<64x64xf32> -> vector<64x64xf32>
    %swap3A = arith.constant 0 : index
    %swap3A_4 = arith.constant 0 : index
    %swap3A_5 = arith.constant 0 : index
    %swap3A_6 = vector.load %arg2[%swap3A, %swap3A_4, %swap3A_5] : memref<16x64x64xf32, #tpu.memory_space<vmem>>, vector<1x64x64xf32>
    %swap3A_7 = vector.shape_cast %swap3A_6 : vector<1x64x64xf32> to vector<64x64xf32>
    %swap3A_8 = vector.shape_cast %transpose3A : vector<64x64xf32> to vector<1x64x64xf32>
    tpu.vector_store %arg2[%swap3A, %swap3A_4, %swap3A_5], %swap3A_8 {strides = array<i32>} : memref<16x64x64xf32, #tpu.memory_space<vmem>>, vector<1x64x64xf32>,
    %get3A_9 = arith.constant 1 : index
    %get3A_10 = arith.constant 0 : index
    %get3A_11 = arith.constant 0 : index
    %get3A_12 = vector.load %arg1[%get3A_9, %get3A_10, %get3A_11] : memref<16x64x64xf32, #tpu.memory_space<vmem>>, vector<1x64x64xf32>
    %get3A_13 = vector.shape_cast %get3A_12 : vector<1x64x64xf32> to vector<64x64xf32>
    %transpose3A_14 = tpu.transpose %get3A_13, [1, 0] : vector<64x64xf32> -> vector<64x64xf32>
    %swap3A_15 = arith.constant 1 : index
    %swap3A_16 = arith.constant 0 : index
    %swap3A_17 = arith.constant 0 : index
    %swap3A_18 = vector.load %arg2[%swap3A_15, %swap3A_16, %swap3A_17] : memref<16x64x64xf32, #tpu.memory_space<vmem>>, vector<1x64x64xf32>
    %swap3A_19 = vector.shape_cast %swap3A_18 : vector<1x64x64xf32> to vector<64x64xf32>
    %swap3A_20 = vector.shape_cast %transpose3A_14 : vector<64x64xf32> to vector<1x64x64xf32>
    tpu.vector_store %arg2[%swap3A_15, %swap3A_16, %swap3A_17], %swap3A_20 {strides = array<i32>} : memref<16x64x64xf32, #tpu.memory_space<vmem>>, vector<1x64x64xf32>,
    %get3A_21 = arith.constant 2 : index
    %get3A_22 = arith.constant 0 : index
    %get3A_23 = arith.constant 0 : index
    %get3A_24 = vector.load %arg1[%get3A_21, %get3A_22, %get3A_23] : memref<16x64x64xf32, #tpu.memory_space<vmem>>, vector<1x64x64xf32>
    %get3A_25 = vector.shape_cast %get3A_24 : vector<1x64x64xf32> to vector<64x64xf32>
    %transpose3A_26 = tpu.transpose %get3A_25, [1, 0] : vector<64x64xf32> -> vector<64x64xf32>
    %swap3A_27 = arith.constant 2 : index
    %swap3A_28 = arith.constant 0 : index
    %swap3A_29 = arith.constant 0 : index
    %swap3A_30 = vector.load %arg2[%swap3A_27, %swap3A_28, %swap3A_29] : memref<16x64x64xf32, #tpu.memory_space<vmem>>, vector<1x64x64xf32>
    %swap3A_31 = vector.shape_cast %swap3A_30 : vector<1x64x64xf32> to vector<64x64xf32>
    %swap3A_32 = vector.shape_cast %transpose3A_26 : vector<64x64xf32> to vector<1x64x64xf32>
    tpu.vector_store %arg2[%swap3A_27, %swap3A_28, %swap3A_29], %swap3A_32 {strides = array<i32>} : memref<16x64x64xf32, #tpu.memory_space<vmem>>, vector<1x64x64xf32>,
    %get3A_33 = arith.constant 3 : index
    %get3A_34 = arith.constant 0 : index
    %get3A_35 = arith.constant 0 : index
    %get3A_36 = vector.load %arg1[%get3A_33, %get3A_34, %get3A_35] : memref<16x64x64xf32, #tpu.memory_space<vmem>>, vector<1x64x64xf32>
    %get3A_37 = vector.shape_cast %get3A_36 : vector<1x64x64xf32> to vector<64x64xf32>
    %transpose3A_38 = tpu.transpose %get3A_37, [1, 0] : vector<64x64xf32> -> vector<64x64xf32>
    %swap3A_39 = arith.constant 3 : index
    %swap3A_40 = arith.constant 0 : index
    %swap3A_41 = arith.constant 0 : index
    %swap3A_42 = vector.load %arg2[%swap3A_39, %swap3A_40, %swap3A_41] : memref<16x64x64xf32, #tpu.memory_space<vmem>>, vector<1x64x64xf32>
    %swap3A_43 = vector.shape_cast %swap3A_42 : vector<1x64x64xf32> to vector<64x64xf32>
    %swap3A_44 = vector.shape_cast %transpose3A_38 : vector<64x64xf32> to vector<1x64x64xf32>
    tpu.vector_store %arg2[%swap3A_39, %swap3A_40, %swap3A_41], %swap3A_44 {strides = array<i32>} : memref<16x64x64xf32, #tpu.memory_space<vmem>>, vector<1x64x64xf32>,
    %get3A_45 = arith.constant 4 : index
    %get3A_46 = arith.constant 0 : index
    %get3A_47 = arith.constant 0 : index
    %get3A_48 = vector.load %arg1[%get3A_45, %get3A_46, %get3A_47] : memref<16x64x64xf32, #tpu.memory_space<vmem>>, vector<1x64x64xf32>
    %get3A_49 = vector.shape_cast %get3A_48 : vector<1x64x64xf32> to vector<64x64xf32>
    %transpose3A_50 = tpu.transpose %get3A_49, [1, 0] : vector<64x64xf32> -> vector<64x64xf32>
    %swap3A_51 = arith.constant 4 : index
    %swap3A_52 = arith.constant 0 : index
    %swap3A_53 = arith.constant 0 : index
    %swap3A_54 = vector.load %arg2[%swap3A_51, %swap3A_52, %swap3A_53] : memref<16x64x64xf32, #tpu.memory_space<vmem>>, vector<1x64x64xf32>
    %swap3A_55 = vector.shape_cast %swap3A_54 : vector<1x64x64xf32> to vector<64x64xf32>
    %swap3A_56 = vector.shape_cast %transpose3A_50 : vector<64x64xf32> to vector<1x64x64xf32>
    tpu.vector_store %arg2[%swap3A_51, %swap3A_52, %swap3A_53], %swap3A_56 {strides = array<i32>} : memref<16x64x64xf32, #tpu.memory_space<vmem>>, vector<1x64x64xf32>,
    %get3A_57 = arith.constant 5 : index
    %get3A_58 = arith.constant 0 : index
    %get3A_59 = arith.constant 0 : index
    %get3A_60 = vector.load %arg1[%get3A_57, %get3A_58, %get3A_59] : memref<16x64x64xf32, #tpu.memory_space<vmem>>, vector<1x64x64xf32>
    %get3A_61 = vector.shape_cast %get3A_60 : vector<1x64x64xf32> to vector<64x64xf32>
    %transpose3A_62 = tpu.transpose %get3A_61, [1, 0] : vector<64x64xf32> -> vector<64x64xf32>
    %swap3A_63 = arith.constant 5 : index
    %swap3A_64 = arith.constant 0 : index
    %swap3A_65 = arith.constant 0 : index
    %swap3A_66 = vector.load %arg2[%swap3A_63, %swap3A_64, %swap3A_65] : memref<16x64x64xf32, #tpu.memory_space<vmem>>, vector<1x64x64xf32>
    %swap3A_67 = vector.shape_cast %swap3A_66 : vector<1x64x64xf32> to vector<64x64xf32>
    %swap3A_68 = vector.shape_cast %transpose3A_62 : vector<64x64xf32> to vector<1x64x64xf32>
    tpu.vector_store %arg2[%swap3A_63, %swap3A_64, %swap3A_65], %swap3A_68 {strides = array<i32>} : memref<16x64x64xf32, #tpu.memory_space<vmem>>, vector<1x64x64xf32>,
    %get3A_69 = arith.constant 6 : index
    %get3A_70 = arith.constant 0 : index
    %get3A_71 = arith.constant 0 : index
    %get3A_72 = vector.load %arg1[%get3A_69, %get3A_70, %get3A_71] : memref<16x64x64xf32, #tpu.memory_space<vmem>>, vector<1x64x64xf32>
    %get3A_73 = vector.shape_cast %get3A_72 : vector<1x64x64xf32> to vector<64x64xf32>
    %transpose3A_74 = tpu.transpose %get3A_73, [1, 0] : vector<64x64xf32> -> vector<64x64xf32>
    %swap3A_75 = arith.constant 6 : index
    %swap3A_76 = arith.constant 0 : index
    %swap3A_77 = arith.constant 0 : index
    %swap3A_78 = vector.load %arg2[%swap3A_75, %swap3A_76, %swap3A_77] : memref<16x64x64xf32, #tpu.memory_space<vmem>>, vector<1x64x64xf32>
    %swap3A_79 = vector.shape_cast %swap3A_78 : vector<1x64x64xf32> to vector<64x64xf32>
    %swap3A_80 = vector.shape_cast %transpose3A_74 : vector<64x64xf32> to vector<1x64x64xf32>
    tpu.vector_store %arg2[%swap3A_75, %swap3A_76, %swap3A_77], %swap3A_80 {strides = array<i32>} : memref<16x64x64xf32, #tpu.memory_space<vmem>>, vector<1x64x64xf32>,
    %get3A_81 = arith.constant 7 : index
    %get3A_82 = arith.constant 0 : index
    %get3A_83 = arith.constant 0 : index
    %get3A_84 = vector.load %arg1[%get3A_81, %get3A_82, %get3A_83] : memref<16x64x64xf32, #tpu.memory_space<vmem>>, vector<1x64x64xf32>
    %get3A_85 = vector.shape_cast %get3A_84 : vector<1x64x64xf32> to vector<64x64xf32>
    %transpose3A_86 = tpu.transpose %get3A_85, [1, 0] : vector<64x64xf32> -> vector<64x64xf32>
    %swap3A_87 = arith.constant 7 : index
    %swap3A_88 = arith.constant 0 : index
    %swap3A_89 = arith.constant 0 : index
    %swap3A_90 = vector.load %arg2[%swap3A_87, %swap3A_88, %swap3A_89] : memref<16x64x64xf32, #tpu.memory_space<vmem>>, vector<1x64x64xf32>
    %swap3A_91 = vector.shape_cast %swap3A_90 : vector<1x64x64xf32> to vector<64x64xf32>
    %swap3A_92 = vector.shape_cast %transpose3A_86 : vector<64x64xf32> to vector<1x64x64xf32>
    tpu.vector_store %arg2[%swap3A_87, %swap3A_88, %swap3A_89], %swap3A_92 {strides = array<i32>} : memref<16x64x64xf32, #tpu.memory_space<vmem>>, vector<1x64x64xf32>,
    %get3A_93 = arith.constant 8 : index
    %get3A_94 = arith.constant 0 : index
    %get3A_95 = arith.constant 0 : index
    %get3A_96 = vector.load %arg1[%get3A_93, %get3A_94, %get3A_95] : memref<16x64x64xf32, #tpu.memory_space<vmem>>, vector<1x64x64xf32>
    %get3A_97 = vector.shape_cast %get3A_96 : vector<1x64x64xf32> to vector<64x64xf32>
    %transpose3A_98 = tpu.transpose %get3A_97, [1, 0] : vector<64x64xf32> -> vector<64x64xf32>
    %swap3A_99 = arith.constant 8 : index
    %swap3A_100 = arith.constant 0 : index
    %swap3A_101 = arith.constant 0 : index
    %swap3A_102 = vector.load %arg2[%swap3A_99, %swap3A_100, %swap3A_101] : memref<16x64x64xf32, #tpu.memory_space<vmem>>, vector<1x64x64xf32>
    %swap3A_103 = vector.shape_cast %swap3A_102 : vector<1x64x64xf32> to vector<64x64xf32>
    %swap3A_104 = vector.shape_cast %transpose3A_98 : vector<64x64xf32> to vector<1x64x64xf32>
    tpu.vector_store %arg2[%swap3A_99, %swap3A_100, %swap3A_101], %swap3A_104 {strides = array<i32>} : memref<16x64x64xf32, #tpu.memory_space<vmem>>, vector<1x64x64xf32>,
    %get3A_105 = arith.constant 9 : index
    %get3A_106 = arith.constant 0 : index
    %get3A_107 = arith.constant 0 : index
    %get3A_108 = vector.load %arg1[%get3A_105, %get3A_106, %get3A_107] : memref<16x64x64xf32, #tpu.memory_space<vmem>>, vector<1x64x64xf32>
    %get3A_109 = vector.shape_cast %get3A_108 : vector<1x64x64xf32> to vector<64x64xf32>
    %transpose3A_110 = tpu.transpose %get3A_109, [1, 0] : vector<64x64xf32> -> vector<64x64xf32>
    %swap3A_111 = arith.constant 9 : index
    %swap3A_112 = arith.constant 0 : index
    %swap3A_113 = arith.constant 0 : index
    %swap3A_114 = vector.load %arg2[%swap3A_111, %swap3A_112, %swap3A_113] : memref<16x64x64xf32, #tpu.memory_space<vmem>>, vector<1x64x64xf32>
    %swap3A_115 = vector.shape_cast %swap3A_114 : vector<1x64x64xf32> to vector<64x64xf32>
    %swap3A_116 = vector.shape_cast %transpose3A_110 : vector<64x64xf32> to vector<1x64x64xf32>
    tpu.vector_store %arg2[%swap3A_111, %swap3A_112, %swap3A_113], %swap3A_116 {strides = array<i32>} : memref<16x64x64xf32, #tpu.memory_space<vmem>>, vector<1x64x64xf32>,
    %get3A_117 = arith.constant 10 : index
    %get3A_118 = arith.constant 0 : index
    %get3A_119 = arith.constant 0 : index
    %get3A_120 = vector.load %arg1[%get3A_117, %get3A_118, %get3A_119] : memref<16x64x64xf32, #tpu.memory_space<vmem>>, vector<1x64x64xf32>
    %get3A_121 = vector.shape_cast %get3A_120 : vector<1x64x64xf32> to vector<64x64xf32>
    %transpose3A_122 = tpu.transpose %get3A_121, [1, 0] : vector<64x64xf32> -> vector<64x64xf32>
    %swap3A_123 = arith.constant 10 : index
    %swap3A_124 = arith.constant 0 : index
    %swap3A_125 = arith.constant 0 : index
    %swap3A_126 = vector.load %arg2[%swap3A_123, %swap3A_124, %swap3A_125] : memref<16x64x64xf32, #tpu.memory_space<vmem>>, vector<1x64x64xf32>
    %swap3A_127 = vector.shape_cast %swap3A_126 : vector<1x64x64xf32> to vector<64x64xf32>
    %swap3A_128 = vector.shape_cast %transpose3A_122 : vector<64x64xf32> to vector<1x64x64xf32>
    tpu.vector_store %arg2[%swap3A_123, %swap3A_124, %swap3A_125], %swap3A_128 {strides = array<i32>} : memref<16x64x64xf32, #tpu.memory_space<vmem>>, vector<1x64x64xf32>,
    %get3A_129 = arith.constant 11 : index
    %get3A_130 = arith.constant 0 : index
    %get3A_131 = arith.constant 0 : index
    %get3A_132 = vector.load %arg1[%get3A_129, %get3A_130, %get3A_131] : memref<16x64x64xf32, #tpu.memory_space<vmem>>, vector<1x64x64xf32>
    %get3A_133 = vector.shape_cast %get3A_132 : vector<1x64x64xf32> to vector<64x64xf32>
    %transpose3A_134 = tpu.transpose %get3A_133, [1, 0] : vector<64x64xf32> -> vector<64x64xf32>
    %swap3A_135 = arith.constant 11 : index
    %swap3A_136 = arith.constant 0 : index
    %swap3A_137 = arith.constant 0 : index
    %swap3A_138 = vector.load %arg2[%swap3A_135, %swap3A_136, %swap3A_137] : memref<16x64x64xf32, #tpu.memory_space<vmem>>, vector<1x64x64xf32>
    %swap3A_139 = vector.shape_cast %swap3A_138 : vector<1x64x64xf32> to vector<64x64xf32>
    %swap3A_140 = vector.shape_cast %transpose3A_134 : vector<64x64xf32> to vector<1x64x64xf32>
    tpu.vector_store %arg2[%swap3A_135, %swap3A_136, %swap3A_137], %swap3A_140 {strides = array<i32>} : memref<16x64x64xf32, #tpu.memory_space<vmem>>, vector<1x64x64xf32>,
    %get3A_141 = arith.constant 12 : index
    %get3A_142 = arith.constant 0 : index
    %get3A_143 = arith.constant 0 : index
    %get3A_144 = vector.load %arg1[%get3A_141, %get3A_142, %get3A_143] : memref<16x64x64xf32, #tpu.memory_space<vmem>>, vector<1x64x64xf32>
    %get3A_145 = vector.shape_cast %get3A_144 : vector<1x64x64xf32> to vector<64x64xf32>
    %transpose3A_146 = tpu.transpose %get3A_145, [1, 0] : vector<64x64xf32> -> vector<64x64xf32>
    %swap3A_147 = arith.constant 12 : index
    %swap3A_148 = arith.constant 0 : index
    %swap3A_149 = arith.constant 0 : index
    %swap3A_150 = vector.load %arg2[%swap3A_147, %swap3A_148, %swap3A_149] : memref<16x64x64xf32, #tpu.memory_space<vmem>>, vector<1x64x64xf32>
    %swap3A_151 = vector.shape_cast %swap3A_150 : vector<1x64x64xf32> to vector<64x64xf32>
    %swap3A_152 = vector.shape_cast %transpose3A_146 : vector<64x64xf32> to vector<1x64x64xf32>
    tpu.vector_store %arg2[%swap3A_147, %swap3A_148, %swap3A_149], %swap3A_152 {strides = array<i32>} : memref<16x64x64xf32, #tpu.memory_space<vmem>>, vector<1x64x64xf32>,
    %get3A_153 = arith.constant 13 : index
    %get3A_154 = arith.constant 0 : index
    %get3A_155 = arith.constant 0 : index
    %get3A_156 = vector.load %arg1[%get3A_153, %get3A_154, %get3A_155] : memref<16x64x64xf32, #tpu.memory_space<vmem>>, vector<1x64x64xf32>
    %get3A_157 = vector.shape_cast %get3A_156 : vector<1x64x64xf32> to vector<64x64xf32>
    %transpose3A_158 = tpu.transpose %get3A_157, [1, 0] : vector<64x64xf32> -> vector<64x64xf32>
    %swap3A_159 = arith.constant 13 : index
    %swap3A_160 = arith.constant 0 : index
    %swap3A_161 = arith.constant 0 : index
    %swap3A_162 = vector.load %arg2[%swap3A_159, %swap3A_160, %swap3A_161] : memref<16x64x64xf32, #tpu.memory_space<vmem>>, vector<1x64x64xf32>
    %swap3A_163 = vector.shape_cast %swap3A_162 : vector<1x64x64xf32> to vector<64x64xf32>
    %swap3A_164 = vector.shape_cast %transpose3A_158 : vector<64x64xf32> to vector<1x64x64xf32>
    tpu.vector_store %arg2[%swap3A_159, %swap3A_160, %swap3A_161], %swap3A_164 {strides = array<i32>} : memref<16x64x64xf32, #tpu.memory_space<vmem>>, vector<1x64x64xf32>,
    %get3A_165 = arith.constant 14 : index
    %get3A_166 = arith.constant 0 : index
    %get3A_167 = arith.constant 0 : index
    %get3A_168 = vector.load %arg1[%get3A_165, %get3A_166, %get3A_167] : memref<16x64x64xf32, #tpu.memory_space<vmem>>, vector<1x64x64xf32>
    %get3A_169 = vector.shape_cast %get3A_168 : vector<1x64x64xf32> to vector<64x64xf32>
    %transpose3A_170 = tpu.transpose %get3A_169, [1, 0] : vector<64x64xf32> -> vector<64x64xf32>
    %swap3A_171 = arith.constant 14 : index
    %swap3A_172 = arith.constant 0 : index
    %swap3A_173 = arith.constant 0 : index
    %swap3A_174 = vector.load %arg2[%swap3A_171, %swap3A_172, %swap3A_173] : memref<16x64x64xf32, #tpu.memory_space<vmem>>, vector<1x64x64xf32>
    %swap3A_175 = vector.shape_cast %swap3A_174 : vector<1x64x64xf32> to vector<64x64xf32>
    %swap3A_176 = vector.shape_cast %transpose3A_170 : vector<64x64xf32> to vector<1x64x64xf32>
    tpu.vector_store %arg2[%swap3A_171, %swap3A_172, %swap3A_173], %swap3A_176 {strides = array<i32>} : memref<16x64x64xf32, #tpu.memory_space<vmem>>, vector<1x64x64xf32>,
    %get3A_177 = arith.constant 15 : index
    %get3A_178 = arith.constant 0 : index
    %get3A_179 = arith.constant 0 : index
    %get3A_180 = vector.load %arg1[%get3A_177, %get3A_178, %get3A_179] : memref<16x64x64xf32, #tpu.memory_space<vmem>>, vector<1x64x64xf32>
    %get3A_181 = vector.shape_cast %get3A_180 : vector<1x64x64xf32> to vector<64x64xf32>
    %transpose3A_182 = tpu.transpose %get3A_181, [1, 0] : vector<64x64xf32> -> vector<64x64xf32>
    %swap3A_183 = arith.constant 15 : index
    %swap3A_184 = arith.constant 0 : index
    %swap3A_185 = arith.constant 0 : index
    %swap3A_186 = vector.load %arg2[%swap3A_183, %swap3A_184, %swap3A_185] : memref<16x64x64xf32, #tpu.memory_space<vmem>>, vector<1x64x64xf32>
    %swap3A_187 = vector.shape_cast %swap3A_186 : vector<1x64x64xf32> to vector<64x64xf32>
    %swap3A_188 = vector.shape_cast %transpose3A_182 : vector<64x64xf32> to vector<1x64x64xf32>
    tpu.vector_store %arg2[%swap3A_183, %swap3A_184, %swap3A_185], %swap3A_188 {strides = array<i32>} : memref<16x64x64xf32, #tpu.memory_space<vmem>>, vector<1x64x64xf32>,
    return
  }
  func.func @transform_0(%arg0: i32) -> (i32, i32, i32) {
    %c0_i32 = arith.constant 0 : i32
    %c0_i32_0 = arith.constant 0 : i32
    %c0_i32_1 = arith.constant 0 : i32
    return %arg0, %c0_i32, %c0_i32_0 : i32, i32, i32
  }
  func.func @transform_1(%arg0: i32) -> (i32, i32, i32) {
    %c0_i32 = arith.constant 0 : i32
    %c0_i32_0 = arith.constant 0 : i32
    %c0_i32_1 = arith.constant 0 : i32
    return %arg0, %c0_i32, %c0_i32_0 : i32, i32, i32
  }
}

</mosaic_0001>

<sc_bundles>
// kernel: kernel.5.cloned.1.call-start
scs
__scs_entry_jumppad:
0x0: {  	(pc) =	sbr.rel $0x88, $3  }
0x1: {  	(tag) =	ssettag $0x0;
	lr =	simm.s32 $0x1  }
0x2: {  	[smem:$0x3F9E] =	sst lr;
	_ =	strace $0xD0000000  }
0x3: {  	_ = 	snop  }
0x4: {  	_ = 	snop  }
0x5: {  	_ = 	snop  }
0x6: {  	_ = 	snop  }
0x7: {  	_ = 	snop  }
__scs_overlays_trampoline_lowered:
0x8: {  	[smem:$0x3FAD] =	sst s0  }
0x9: {  	[smem:$0x3FAE] =	sst s1  }
0xa: {  	[smem:$0x3FAF] =	sst s2  }
0xb: {  	[smem:$0x3FB0] =	sst s3  }
0xc: {  	[smem:$0x3FB1] =	sst s4  }
0xd: {  	[smem:$0x3FB2] =	sst s5  }
0xe: {  	[smem:$0x3FB3] =	sst s6  }
0xf: {  	[smem:$0x3FB4] =	sst s7  }
0x10: {  	[smem:$0x3FB5] =	sst s8  }
0x11: {  	[smem:$0x3FB6] =	sst s9;
	s0 =	simm.s32 @!p0 $0x0  }
0x12: {  	s1 =	sld [smem:$0x3F9C];
	s0 =	simm.s32 @p0 $0x1  }
0x13: {  	[smem:$0x3FB7] =	sst s0;
	s0 =	simm.s32 @!p1 $0x0  }
0x14: {  	s2 =	sld [smem:$0x3F9B];
	s0 =	simm.s32 @p1 $0x1  }
0x15: {  	[smem:$0x3FB8] =	sst s0;
	s0 =	simm.s32 @!p2 $0x0  }
0x16: {  	s3 =	sld [smem:$0x3FDB];
	s0 =	simm.s32 @p2 $0x1  }
0x17: {  	s4 =	simm.s32 $0x1BF5;
	[smem:$0x3FBA] =	sst s0  }
0x18: {  	s0 =	sld [smem:$0x3F9D];
	_ =	swait.ge [sflag:s4], $0x0  }
0x19: {  	s7 =	sld [smem:$0x3F9E]  }
0x1a: {  	s8 =	sadd.s32 $0xFFFFE003, lr  }
0x1b: {  	s9 =	sadd.s32 $0xFFFFFEF7, lr;
	s5 =	simm.s32 $0xFFFFFFFF;
	p2 =	slt.u32 s8, $0xFFFFF086  }
0x1c: {  	p1 =	slt.u32 s9, $0xF7A;
	s5 =	simm.s32 @!p2 $0x0  }
0x1d: {  	s5 =	simm.s32 @p1 $0x1;
	p0 =	seq.s32 s7, s2  }
0x1e: {  	s7 =	smul.u32 @!p0 $0xF7A, s2;
	p2 =	seq.s32 @!p0 s5, $0x0  }
0x1f: {  	s9 =	smul.u32 $0xF7A, s1;
	s8 =	simm.s32 @!p0 $0x1BF5;
	p2 =	por !p2, p0  }
0x20: {  	[sflag:s8] =	ssyncset.s32 @!p0 $0xFFFFF086;
	s6 =	sadd.s32 @!p0 s3, s7;
	s7 =	simm.s32 @!p0 $0x108  }
0x21: {  	s3 =	sadd.s32 s3, s9;
	s6 =	sadd.s32 @!p0 $0x88, s6;
	s7 =	simm.s32 @p2 $0x1082  }
0x22: {  	[simem:s7], [sflag:s8] =	dma.local @!p0 [hbm:s6], $0xF7A  }
0x23: {  	s9 =	sor.u32 $0xD0000000, s2;
	s6 =	simm.s32 $0x108;
	_ =	swait.ge @!p0 [sflag:s8], $0x0  }
0x24: {  	s3 =	sadd.s32 $0x88, s3;
	s6 =	simm.s32 @!p1 $0x1082;
	[sflag:s4] =	ssyncset.s32 $0xFFFFF086  }
0x25: {  	[simem:s6], [sflag:s4] =	dma.local [hbm:s3], $0xF7A  }
0x26: {  	[smem:$0x3F9E] =	sst s1;
	(tag) =	ssettag s2;
	_ =	strace s9  }
0x27: {  	s1 =	sld [smem:$0x3FAE]  }
0x28: {  	s2 =	sld [smem:$0x3FAF]  }
0x29: {  	s4 =	sld [smem:$0x3FB1]  }
0x2a: {  	p0 =	seq.s32 s5, $0x0;
	s5 =	sld [smem:$0x3FB2]  }
0x2b: {  	s6 =	sld [smem:$0x3FB3]  }
0x2c: {  	s7 =	sld [smem:$0x3FB4]  }
0x2d: {  	s3 =	simm.s32 $0x108;
	s8 =	sld [smem:$0x3FB5]  }
0x2e: {  	s3 =	simm.s32 @!p0 $0x1082;
	s9 =	sld [smem:$0x3FB6]  }
0x2f: {  	lr =	sadd.s32 s0, s3;
	s0 =	sld [smem:$0x3FAD]  }
0x30: {  	s3 =	sld [smem:$0x3FB0]  }
0x31: {  	[smem:$0x3FB9] =	sst s10  }
0x32: {  	s10 =	sld [smem:$0x3FB7];
	_ =	sdelay $0x3  }
0x33: {  	p0 =	seq.s32 s10, $0x1;
	s10 =	sld [smem:$0x3FB9];
	_ =	sdelay $0x3  }
0x34: {  	[smem:$0x3FB9] =	sst s10  }
0x35: {  	s10 =	sld [smem:$0x3FB8];
	_ =	sdelay $0x3  }
0x36: {  	p1 =	seq.s32 s10, $0x1;
	s10 =	sld [smem:$0x3FB9];
	_ =	sdelay $0x3  }
0x37: {  	[smem:$0x3FB9] =	sst s10  }
0x38: {  	s10 =	sld [smem:$0x3FBA]  }
0x39: {  	_ = 	snop;
	(pc) =	sbr.ind lr, $3  }
0x3a: {  	_ = 	snop  }
0x3b: {  	_ = 	snop  }
0x3c: {  	p2 =	seq.s32 s10, $0x1;
	s10 =	sld [smem:$0x3FB9]  }
0x3d: {  	_ =	shalt  }
0x3e: {  	_ =	shalt  }
0x3f: {  	_ =	shalt  }
0x40: {  	_ =	shalt  }
0x41: {  	_ =	shalt  }
0x42: {  	_ =	shalt  }
0x43: {  	_ =	shalt  }
0x44: {  	_ =	shalt  }
0x45: {  	_ =	shalt  }
0x46: {  	_ =	shalt  }
0x47: {  	_ =	shalt  }
0x48: {  	_ =	shalt  }
0x49: {  	_ =	shalt  }
0x4a: {  	_ =	shalt  }
0x4b: {  	_ =	shalt  }
0x4c: {  	_ =	shalt  }
0x4d: {  	_ =	shalt  }
0x4e: {  	_ =	shalt  }
0x4f: {  	_ =	shalt  }
0x50: {  	_ =	shalt  }
0x51: {  	_ =	shalt  }
0x52: {  	_ =	shalt  }
0x53: {  	_ =	shalt  }
0x54: {  	_ =	shalt  }
0x55: {  	_ =	shalt  }
0x56: {  	_ =	shalt  }
0x57: {  	_ =	shalt  }
0x58: {  	_ =	shalt  }
0x59: {  	_ =	shalt  }
0x5a: {  	_ =	shalt  }
0x5b: {  	_ =	shalt  }
0x5c: {  	_ =	shalt  }
0x5d: {  	_ =	shalt  }
0x5e: {  	_ =	shalt  }
0x5f: {  	_ =	shalt  }
0x60: {  	_ =	shalt  }
0x61: {  	_ =	shalt  }
0x62: {  	_ =	shalt  }
0x63: {  	_ =	shalt  }
0x64: {  	_ =	shalt  }
0x65: {  	_ =	shalt  }
0x66: {  	_ =	shalt  }
0x67: {  	_ =	shalt  }
0x68: {  	_ =	shalt  }
0x69: {  	_ =	shalt  }
0x6a: {  	_ =	shalt  }
0x6b: {  	_ =	shalt  }
0x6c: {  	_ =	shalt  }
0x6d: {  	_ =	shalt  }
0x6e: {  	_ =	shalt  }
0x6f: {  	_ =	shalt  }
0x70: {  	_ =	shalt  }
0x71: {  	_ =	shalt  }
0x72: {  	_ =	shalt  }
0x73: {  	_ =	shalt  }
0x74: {  	_ =	shalt  }
0x75: {  	_ =	shalt  }
0x76: {  	_ =	shalt  }
0x77: {  	_ =	shalt  }
0x78: {  	_ =	shalt  }
0x79: {  	_ =	shalt  }
0x7a: {  	_ =	shalt  }
0x7b: {  	_ =	shalt  }
0x7c: {  	_ =	shalt  }
0x7d: {  	_ =	shalt  }
0x7e: {  	_ =	shalt  }
0x7f: {  	_ =	shalt  }
0x80: {  	_ =	shalt  }
0x81: {  	_ =	shalt  }
0x82: {  	_ =	shalt  }
0x83: {  	_ =	shalt  }
0x84: {  	_ =	shalt  }
0x85: {  	_ =	shalt  }
0x86: {  	_ =	shalt  }
0x87: {  	_ =	shalt  }
.Lfunc_end0:
.L_simem_size_0:
called_computation_lowered:
.L_overlay_start_0:
0x88: {  	s2 =	sld [smem:$0x3FD9]  }
0x89: {  	s3 =	sld [smem:$0x3FFE];
	_ =	sdelay $0x1  }
0x8a: {  	s1 =	srdreg.scid  }
0x8b: {  	s0 =	sand.u32 $0x1, s1  }
0x8c: {  	s17 =	sshll.u32 s0, $0xA;
	s2 =	sadd.s32 s3, s2  }
0x8d: {  	s2 =	sadd.s32 s2, s17  }
0x8e: {  	[smem:$0x3FC5] =	sst s2  }
0x8f: {  	_ = 	snop  }
0x90: {  	s2 =	sld [smem:$0x3FD0];
	(tm) =	ssettm $0x1  }
0x91: {  	s18 =	sld [smem:$0x3FFB];
	_ =	sdelay $0x3  }
0x92: {  	_ =	strace s18  }
0x93: {  	s3 =	sld [smem:$0x3FFC];
	_ =	sdelay $0x3  }
0x94: {  	_ =	strace s3  }
0x95: {  	s3 =	sld [smem:$0x3FFD];
	_ =	sdelay $0x3  }
0x96: {  	_ =	strace s3  }
0x97: {  	_ =	strace $0x8FFFFFFF  }
0x98: {  	s19 =	sld [smem:$0x3FDB];
	_ =	sdelay $0x1  }
0x99: {  	s4 =	simm.s32 $_scs_section_size  }
0x9a: {  	s5 =	simm.s32 $_size__tile_overlayer_lowered;
	s6 =	simm.s32 $_tile_overlayer_lowered  }
0x9b: {  	s22 =	simm.s32 $0x1BFF;
	s21 =	sshll.u32 s6, $0x1;
	s3 =	sadd.s32 s4, s19  }
0x9c: {  	s7 =	simm.s32 $0x0;
	s20 =	sshll.u32 s5, $0x1;
	s5 =	sadd.s32 s21, s3  }
0x9d: {  	[timem:s7], [sflag:s22] =	dma.local [hbm:s5], s20  }
0x9e: {  	_ =	swait.ge [sflag:s22], s20  }
0x9f: {  	s4 =	ssub.s32 $0x0, s20;
	[sflag:s22] =	ssyncset.done $0x0  }
0xa0: {  	[sflag:s22] =	ssyncadd.s32 s4;
	_ =	sdelay $0x1  }
0xa1: {  	s23 =	simm.s32 $0x1B8B  }
0xa2: {  	_ =	swait.ge [sflag:s23], $0x1  }
0xa3: {  	[sflag:s23] =	ssyncset.done $0x0  }
0xa4: {  	s25 =	simm.s32 $0x1B8E;
	s24 =	sld [smem:$0x3FFE];
	[sflag:s23] =	ssyncadd.s32 $0xFFFFFFFF  }
0xa5: {  	s26 =	simm.s32 $execute0_lowered;
	[smem:$0x3FD2] =	sst s25  }
0xa6: {  	s5 =	sshll.u32 s26, $0x1;
	_ =	strace $0x80000046;
	[dreg:$0x1] =	wrdreg $0xFFFFFFFF  }
0xa7: {  	s28 =	simm.s32 $_size_execute0_lowered;
	s3 =	sadd.s32 s3, s5;
	[dreg:$0x0] =	wrdreg $0x0  }
0xa8: {  	s5 =	sshll.u32 s28, $0x1;
	[dreg:$0x2] =	wrdreg s3  }
0xa9: {  	[dreg:$0x3] =	wrdreg s5  }
0xaa: {  	[dreg:$0x4] =	wrdreg $0xC0  }
0xab: {  	_ =	task [dreg:s7], $0x5FFFF  }
0xac: {  	[dreg:$0x1] =	wrdreg $0xFFFFFFFF  }
0xad: {  	[dreg:$0x0] =	wrdreg $0x60  }
0xae: {  	[dreg:$0x2] =	wrdreg s2  }
0xaf: {  	[dreg:$0x3] =	wrdreg s24  }
0xb0: {  	[dreg:$0x4] =	wrdreg $0x9  }
0xb1: {  	_ =	task.clear_ibuf [dreg:s7], $0x5FFFF;
	_ =	strace $0x90000046  }
0xb2: {  	s29 =	simm.s32 $0x9;
	_ =	strace $0x80000048  }
0xb3: {  	_ =	swait.ge [sflag:s29], $0x1  }
0xb4: {  	[sflag:s29] =	ssyncadd.s32 $0xFFFFFFFF  }
0xb5: {  	_ =	strace $0x90000048  }
0xb6: {  	_ =	sfence  }
0xb7: {  	s30 =	sld [smem:$0x0];
	_ =	sdelay $0x2  }
0xb8: {  	s31 =	sshll.u32 s1, $0xD;
	s1 =	sshrl.u32 s1, $0x2  }
0xb9: {  	s3 =	sand.u32 $0x4000, s31;
	s1 =	sadd.s32 s1, s30  }
0xba: {  	s0 =	sor.u32 s3, s0;
	s1 =	sshll.u32 s1, $0x11  }
0xbb: {  	s0 =	sor.u32 s1, s0  }
0xbc: {  	s0 =	sadd.s32 $0x8F2B, s0  }
0xbd: {  	[sflag:s0] =	ssyncadd.remote.s32 $0x1  }
0xbe: {  	_ =	sfence.sel $0xFFFF  }
0xbf: {  	[dreg:$0x0] =	wrdreg $0xFFFFFFFF;
	(pc) =	sbr.abs _section_cstart, $3  }
0xc0: {  	[dreg:$0x1] =	wrdreg $0xFFFFFFFF  }
0xc1: {  	_ =	task.clear_ibuf [dreg:s7], $0x2FFFF;
	_ =	strace $0x9FFFFFFF  }
0xc2: {  	(tm) =	ssettm $0x7FFFFFFF  }
0xc3: {  	_ =	shalt  }
tec
execute0_lowered:
.L_overlay_start_1:
0x0: {  	(tag) =	ssettag $0x1  }
0x1: {  	s0 =	rddreg [dreg:$0x0]  }
0x2: {  	s1 =	rddreg [dreg:$0x1];
	s2 =	srdreg.scid  }
0x3: {  	s5 =	simm.s32 $0x0;
	s3 =	stileid.u32;
	s2 =	sand.u32 $0x1, s2  }
0x4: {  	s3 =	sshll.u32 s3, $0xB;
	[smem:$0x7FF] =	sst s5;
	s4 =	sshll.u32 s2, $0xA  }
0x5: {  	s2 =	ssub.s32 $0x2, s2;
	_ =	strace $0x80000047;
	s3 =	sor.u32 s4, s3  }
0x6: {  	s29 =	sshrl.u32 s2, $0x1;
	s1 =	sadd.s32 s3, s1;
	s0 =	sadd.s32 s0, s3  }
0x7: {  	s2 =	ssub.s32 s2, s29;
	[dreg:$0x14] =	wrdreg s0;
	s30 =	sadd.s32 $0x400, s1  }
0x8: {  	s31 =	smax.u32 s2, $0x1;
	[dreg:$0x15] =	wrdreg s30  }
0x9: {  	s2 =	simm.s32 $0x1;
	s1 =	simm.s32 $0x0;
	[dreg:$0x16] =	wrdreg s31  }
.LBB2_1:
0xa: {  	[dreg:$0x17] =	wrdreg s1  }
0xb: {  	s0 =	rddreg [dreg:$0x14]  }
0xc: {  	[tilespmem:s5], [sflag:$0x1] =	stream.linear.gather [hbm4b:s0+s5], $0x2000, $0x38;
	[tilespmem:$0x4000] =	vst v63  }
0xd: {  	s11 =	sand.u32 $0x1000, s5;
	_ =	swait.ge [sflag:s2], $0x2000  }
0xe: {  	s12 =	sor.u32 s5, s11;
	[sflag:s2] =	ssyncset.done $0x0  }
0xf: {  	s18 =	sand.u32 $0x30, s5;
	s3 =	sor.u32 $0x40, s12;
	[sflag:s2] =	ssyncadd.s32 $0xFFFFE000  }
0x10: {  	s0 =	sor.u32 s18, s11;
	v62 =	vld [tilespmem:s3+$0x0]  }
0x11: {  	v4 =	vld [tilespmem:s0+$0x0];
	_ =	sdelay $0x1  }
0x12: {  	v63 =	vld [tilespmem:s0+$0x80]  }
0x13: {  	s19 =	sor.u32 $0xC0, s12  }
0x14: {  	v61 =	vld [tilespmem:s19+$0x0]  }
0x15: {  	vm1 =	vgt.f32 v62, v4  }
0x16: {  	v58 =	vld [tilespmem:s0+$0x100];
	v1 =	vsel vm1, v62, v4  }
0x17: {  	s20 =	sor.u32 $0x140, s12;
	vm2 =	vgt.f32 v63, v1  }
0x18: {  	v59 =	vld [tilespmem:s20+$0x0];
	v1 =	vsel vm2, v63, v1  }
0x19: {  	vm3 =	vgt.f32 v61, v1  }
0x1a: {  	v57 =	vld [tilespmem:s0+$0x180];
	v1 =	vsel vm3, v61, v1  }
0x1b: {  	s21 =	sor.u32 $0x1C0, s12;
	vm4 =	vgt.f32 v58, v1  }
0x1c: {  	v60 =	vld [tilespmem:s21+$0x0];
	v1 =	vsel vm4, v58, v1  }
0x1d: {  	vm5 =	vgt.f32 v59, v1  }
0x1e: {  	v55 =	vld [tilespmem:s0+$0x200];
	v1 =	vsel vm5, v59, v1  }
0x1f: {  	s22 =	sor.u32 $0x240, s12;
	vm6 =	vgt.f32 v57, v1  }
0x20: {  	v56 =	vld [tilespmem:s22+$0x0];
	v1 =	vsel vm6, v57, v1  }
0x21: {  	vm7 =	vgt.f32 v60, v1  }
0x22: {  	v53 =	vld [tilespmem:s0+$0x280];
	v1 =	vsel vm7, v60, v1  }
0x23: {  	s23 =	sor.u32 $0x2C0, s12;
	vm8 =	vgt.f32 v55, v1  }
0x24: {  	v54 =	vld [tilespmem:s23+$0x0];
	v1 =	vsel vm8, v55, v1  }
0x25: {  	vm9 =	vgt.f32 v56, v1  }
0x26: {  	v51 =	vld [tilespmem:s0+$0x300];
	v1 =	vsel vm9, v56, v1  }
0x27: {  	s24 =	sor.u32 $0x340, s12;
	vm10 =	vgt.f32 v53, v1  }
0x28: {  	v52 =	vld [tilespmem:s24+$0x0];
	v1 =	vsel vm10, v53, v1  }
0x29: {  	vm11 =	vgt.f32 v54, v1  }
0x2a: {  	v49 =	vld [tilespmem:s0+$0x380];
	v1 =	vsel vm11, v54, v1  }
0x2b: {  	s25 =	sor.u32 $0x3C0, s12;
	vm12 =	vgt.f32 v51, v1  }
0x2c: {  	v50 =	vld [tilespmem:s25+$0x0];
	v1 =	vsel vm12, v51, v1  }
0x2d: {  	vm13 =	vgt.f32 v52, v1  }
0x2e: {  	v47 =	vld [tilespmem:s0+$0x400];
	v1 =	vsel vm13, v52, v1  }
0x2f: {  	s26 =	sor.u32 $0x440, s12;
	vm14 =	vgt.f32 v49, v1  }
0x30: {  	v48 =	vld [tilespmem:s26+$0x0];
	v1 =	vsel vm14, v49, v1  }
0x31: {  	vm15 =	vgt.f32 v50, v1  }
0x32: {  	v45 =	vld [tilespmem:s0+$0x480];
	v1 =	vsel vm15, v50, v1  }
0x33: {  	v0 =	vimm.s32 $0x0;
	s28 =	sor.u32 $0x4C0, s12;
	vm0 =	vgt.f32 v47, v1  }
0x34: {  	v46 =	vld [tilespmem:s28+$0x0];
	v0 =	vsel vm0, $0xFFFFFFFF, v0;
	v1 =	vsel vm0, v47, v1  }
0x35: {  	[tilespmem:$0x1FCE0] =	vst v0;
	vm0 =	vgt.f32 v48, v1;
	v0 =	vimm.s32 $0x0  }
0x36: {  	v43 =	vld [tilespmem:s0+$0x500];
	v0 =	vsel vm0, $0xFFFFFFFF, v0;
	v1 =	vsel vm0, v48, v1  }
0x37: {  	s29 =	sor.u32 $0x540, s12;
	[tilespmem:$0x1FCF0] =	vst v0;
	vm0 =	vgt.f32 v45, v1;
	v0 =	vimm.s32 $0x0  }
0x38: {  	v44 =	vld [tilespmem:s29+$0x0];
	v0 =	vsel vm0, $0xFFFFFFFF, v0;
	v1 =	vsel vm0, v45, v1  }
0x39: {  	[tilespmem:$0x1FD00] =	vst v0;
	vm0 =	vgt.f32 v46, v1;
	v0 =	vimm.s32 $0x0  }
0x3a: {  	v41 =	vld [tilespmem:s0+$0x580];
	v0 =	vsel vm0, $0xFFFFFFFF, v0;
	v1 =	vsel vm0, v46, v1  }
0x3b: {  	s13 =	sor.u32 $0x5C0, s12;
	[tilespmem:$0x1FD10] =	vst v0;
	vm0 =	vgt.f32 v43, v1;
	v0 =	vimm.s32 $0x0  }
0x3c: {  	v42 =	vld [tilespmem:s13+$0x0];
	v0 =	vsel vm0, $0xFFFFFFFF, v0;
	v1 =	vsel vm0, v43, v1  }
0x3d: {  	[tilespmem:$0x1FD20] =	vst v0;
	vm0 =	vgt.f32 v44, v1;
	v0 =	vimm.s32 $0x0  }
0x3e: {  	v39 =	vld [tilespmem:s0+$0x600];
	v0 =	vsel vm0, $0xFFFFFFFF, v0;
	v1 =	vsel vm0, v44, v1  }
0x3f: {  	s14 =	sor.u32 $0x640, s12;
	[tilespmem:$0x1FD30] =	vst v0;
	vm0 =	vgt.f32 v41, v1;
	v0 =	vimm.s32 $0x0  }
0x40: {  	v40 =	vld [tilespmem:s14+$0x0];
	v0 =	vsel vm0, $0xFFFFFFFF, v0;
	v1 =	vsel vm0, v41, v1  }
0x41: {  	[tilespmem:$0x1FD40] =	vst v0;
	vm0 =	vgt.f32 v42, v1;
	v0 =	vimm.s32 $0x0  }
0x42: {  	v37 =	vld [tilespmem:s0+$0x680];
	v0 =	vsel vm0, $0xFFFFFFFF, v0;
	v1 =	vsel vm0, v42, v1  }
0x43: {  	s15 =	sor.u32 $0x6C0, s12;
	[tilespmem:$0x1FD50] =	vst v0;
	vm0 =	vgt.f32 v39, v1;
	v0 =	vimm.s32 $0x0  }
0x44: {  	v38 =	vld [tilespmem:s15+$0x0];
	v0 =	vsel vm0, $0xFFFFFFFF, v0;
	v1 =	vsel vm0, v39, v1  }
0x45: {  	[tilespmem:$0x1FD60] =	vst v0;
	vm0 =	vgt.f32 v40, v1;
	v0 =	vimm.s32 $0x0  }
0x46: {  	v35 =	vld [tilespmem:s0+$0x700];
	v0 =	vsel vm0, $0xFFFFFFFF, v0;
	v1 =	vsel vm0, v40, v1  }
0x47: {  	s16 =	sor.u32 $0x740, s12;
	[tilespmem:$0x1FD70] =	vst v0;
	vm0 =	vgt.f32 v37, v1;
	v0 =	vimm.s32 $0x0  }
0x48: {  	v36 =	vld [tilespmem:s16+$0x0];
	v0 =	vsel vm0, $0xFFFFFFFF, v0;
	v1 =	vsel vm0, v37, v1  }
0x49: {  	[tilespmem:$0x1FD80] =	vst v0;
	vm0 =	vgt.f32 v38, v1;
	v0 =	vimm.s32 $0x0  }
0x4a: {  	v33 =	vld [tilespmem:s0+$0x780];
	v0 =	vsel vm0, $0xFFFFFFFF, v0;
	v1 =	vsel vm0, v38, v1  }
0x4b: {  	s17 =	sor.u32 $0x7C0, s12;
	[tilespmem:$0x1FD90] =	vst v0;
	vm0 =	vgt.f32 v35, v1;
	v0 =	vimm.s32 $0x0  }
0x4c: {  	v34 =	vld [tilespmem:s17+$0x0];
	v0 =	vsel vm0, $0xFFFFFFFF, v0;
	v1 =	vsel vm0, v35, v1  }
0x4d: {  	[tilespmem:$0x1FDA0] =	vst v0;
	vm0 =	vgt.f32 v36, v1;
	v0 =	vimm.s32 $0x0  }
0x4e: {  	v31 =	vld [tilespmem:s0+$0x800];
	v0 =	vsel vm0, $0xFFFFFFFF, v0;
	v1 =	vsel vm0, v36, v1  }
0x4f: {  	s18 =	sor.u32 $0x840, s12;
	[tilespmem:$0x1FDB0] =	vst v0;
	vm0 =	vgt.f32 v33, v1;
	v0 =	vimm.s32 $0x0  }
0x50: {  	v32 =	vld [tilespmem:s18+$0x0];
	v0 =	vsel vm0, $0xFFFFFFFF, v0;
	v1 =	vsel vm0, v33, v1  }
0x51: {  	[tilespmem:$0x1FDC0] =	vst v0;
	vm0 =	vgt.f32 v34, v1;
	v0 =	vimm.s32 $0x0  }
0x52: {  	v29 =	vld [tilespmem:s0+$0x880];
	v0 =	vsel vm0, $0xFFFFFFFF, v0;
	v1 =	vsel vm0, v34, v1  }
0x53: {  	[dreg:$0x1a] =	wrdreg s19;
	s19 =	sor.u32 $0x8C0, s12;
	[tilespmem:$0x1FDD0] =	vst v0;
	vm0 =	vgt.f32 v31, v1;
	v0 =	vimm.s32 $0x0  }
0x54: {  	v30 =	vld [tilespmem:s19+$0x0];
	v0 =	vsel vm0, $0xFFFFFFFF, v0;
	v1 =	vsel vm0, v31, v1  }
0x55: {  	[tilespmem:$0x1FDE0] =	vst v0;
	vm0 =	vgt.f32 v32, v1;
	v0 =	vimm.s32 $0x0  }
0x56: {  	v27 =	vld [tilespmem:s0+$0x900];
	v0 =	vsel vm0, $0xFFFFFFFF, v0;
	v1 =	vsel vm0, v32, v1  }
0x57: {  	[dreg:$0x18] =	wrdreg s20;
	s20 =	sor.u32 $0x940, s12;
	[tilespmem:$0x1FDF0] =	vst v0;
	vm0 =	vgt.f32 v29, v1;
	v0 =	vimm.s32 $0x0  }
0x58: {  	v28 =	vld [tilespmem:s20+$0x0];
	v0 =	vsel vm0, $0xFFFFFFFF, v0;
	v1 =	vsel vm0, v29, v1  }
0x59: {  	[tilespmem:$0x1FE00] =	vst v0;
	vm0 =	vgt.f32 v30, v1;
	v0 =	vimm.s32 $0x0  }
0x5a: {  	v25 =	vld [tilespmem:s0+$0x980];
	v0 =	vsel vm0, $0xFFFFFFFF, v0;
	v1 =	vsel vm0, v30, v1  }
0x5b: {  	[dreg:$0x1b] =	wrdreg s21;
	s21 =	sor.u32 $0x9C0, s12;
	[tilespmem:$0x1FE10] =	vst v0;
	vm0 =	vgt.f32 v27, v1;
	v0 =	vimm.s32 $0x0  }
0x5c: {  	v26 =	vld [tilespmem:s21+$0x0];
	v0 =	vsel vm0, $0xFFFFFFFF, v0;
	v1 =	vsel vm0, v27, v1  }
0x5d: {  	[tilespmem:$0x1FE20] =	vst v0;
	vm0 =	vgt.f32 v28, v1;
	v0 =	vimm.s32 $0x0  }
0x5e: {  	v23 =	vld [tilespmem:s0+$0xA00];
	v0 =	vsel vm0, $0xFFFFFFFF, v0;
	v1 =	vsel vm0, v28, v1  }
0x5f: {  	[smem:$0x7F7] =	sst s22;
	s22 =	sor.u32 $0xA40, s12;
	[tilespmem:$0x1FE40] =	vst v0;
	vm0 =	vgt.f32 v25, v1;
	v0 =	vimm.s32 $0x0  }
0x60: {  	v24 =	vld [tilespmem:s22+$0x0];
	v0 =	vsel vm0, $0xFFFFFFFF, v0;
	v1 =	vsel vm0, v25, v1  }
0x61: {  	[tilespmem:$0x1FE50] =	vst v0;
	vm0 =	vgt.f32 v26, v1;
	v0 =	vimm.s32 $0x0  }
0x62: {  	v21 =	vld [tilespmem:s0+$0xA80];
	v0 =	vsel vm0, $0xFFFFFFFF, v0;
	v1 =	vsel vm0, v26, v1  }
0x63: {  	[smem:$0x7F8] =	sst s23;
	s23 =	sor.u32 $0xAC0, s12;
	[tilespmem:$0x1FE70] =	vst v0;
	vm0 =	vgt.f32 v23, v1;
	v0 =	vimm.s32 $0x0  }
0x64: {  	v22 =	vld [tilespmem:s23+$0x0];
	v0 =	vsel vm0, $0xFFFFFFFF, v0;
	v1 =	vsel vm0, v23, v1  }
0x65: {  	[tilespmem:$0x1FE80] =	vst v0;
	vm0 =	vgt.f32 v24, v1;
	v0 =	vimm.s32 $0x0  }
0x66: {  	v19 =	vld [tilespmem:s0+$0xB00];
	v0 =	vsel vm0, $0xFFFFFFFF, v0;
	v1 =	vsel vm0, v24, v1  }
0x67: {  	[smem:$0x7F9] =	sst s24;
	s24 =	sor.u32 $0xB40, s12;
	[tilespmem:$0x1FE90] =	vst v0;
	vm0 =	vgt.f32 v21, v1;
	v0 =	vimm.s32 $0x0  }
0x68: {  	v20 =	vld [tilespmem:s24+$0x0];
	v0 =	vsel vm0, $0xFFFFFFFF, v0;
	v1 =	vsel vm0, v21, v1  }
0x69: {  	[tilespmem:$0x1FEA0] =	vst v0;
	vm0 =	vgt.f32 v22, v1;
	v0 =	vimm.s32 $0x0  }
0x6a: {  	s30 =	sand.u32 $0x3, s5;
	v17 =	vld [tilespmem:s0+$0xB80];
	v0 =	vsel vm0, $0xFFFFFFFF, v0;
	v1 =	vsel vm0, v22, v1  }
0x6b: {  	[smem:$0x7FA] =	sst s25;
	s2 =	sshll.u32 s30, $0x4;
	s25 =	sor.u32 $0xBC0, s12;
	[tilespmem:$0x1FEB0] =	vst v0;
	vm0 =	vgt.f32 v19, v1;
	v0 =	vimm.s32 $0x0  }
0x6c: {  	s10 =	sadd.s32 $0x0, s2;
	v18 =	vld [tilespmem:s25+$0x0];
	v0 =	vsel vm0, $0xFFFFFFFF, v0;
	v1 =	vsel vm0, v19, v1  }
0x6d: {  	[smem:$0x7FB] =	sst s26;
	s26 =	sor.u32 $0xC00, s10;
	[tilespmem:$0x1FEC0] =	vst v0;
	vm0 =	vgt.f32 v20, v1;
	v0 =	vimm.s32 $0x0  }
0x6e: {  	v15 =	vld [tilespmem:s26+$0x0];
	v0 =	vsel vm0, $0xFFFFFFFF, v0;
	v1 =	vsel vm0, v20, v1  }
0x6f: {  	[smem:$0x7FC] =	sst s28;
	s28 =	sor.u32 $0xC40, s5;
	[tilespmem:$0x1FED0] =	vst v0;
	vm0 =	vgt.f32 v17, v1;
	v0 =	vimm.s32 $0x0  }
0x70: {  	v16 =	vld [tilespmem:s28+$0x0];
	v0 =	vsel vm0, $0xFFFFFFFF, v0;
	v1 =	vsel vm0, v17, v1  }
0x71: {  	[smem:$0x7FD] =	sst s29;
	s29 =	sor.u32 $0xC80, s10;
	[tilespmem:$0x1FEE0] =	vst v0;
	vm0 =	vgt.f32 v18, v1;
	v0 =	vimm.s32 $0x0  }
0x72: {  	v13 =	vld [tilespmem:s29+$0x0];
	v0 =	vsel vm0, $0xFFFFFFFF, v0;
	v1 =	vsel vm0, v18, v1  }
0x73: {  	s30 =	sor.u32 $0xCC0, s5;
	[tilespmem:$0x1FEF0] =	vst v0;
	vm0 =	vgt.f32 v15, v1;
	v0 =	vimm.s32 $0x0  }
0x74: {  	v14 =	vld [tilespmem:s30+$0x0];
	v0 =	vsel vm0, $0xFFFFFFFF, v0;
	v1 =	vsel vm0, v15, v1  }
0x75: {  	s12 =	sor.u32 $0xD00, s10;
	[tilespmem:$0x1FF00] =	vst v0;
	vm0 =	vgt.f32 v16, v1;
	v0 =	vimm.s32 $0x0  }
0x76: {  	v11 =	vld [tilespmem:s12+$0x0];
	v0 =	vsel vm0, $0xFFFFFFFF, v0;
	v1 =	vsel vm0, v16, v1  }
0x77: {  	s11 =	sor.u32 $0xD40, s5;
	[tilespmem:$0x1FF10] =	vst v0;
	vm0 =	vgt.f32 v13, v1;
	v0 =	vimm.s32 $0x0  }
0x78: {  	v12 =	vld [tilespmem:s11+$0x0];
	v0 =	vsel vm0, $0xFFFFFFFF, v0;
	v1 =	vsel vm0, v13, v1  }
0x79: {  	s9 =	sor.u32 $0xD80, s10;
	[tilespmem:$0x1FF20] =	vst v0;
	vm0 =	vgt.f32 v14, v1;
	v0 =	vimm.s32 $0x0  }
0x7a: {  	v10 =	vld [tilespmem:s9+$0x0];
	v0 =	vsel vm0, $0xFFFFFFFF, v0;
	v1 =	vsel vm0, v14, v1  }
0x7b: {  	s8 =	sor.u32 $0xDC0, s5;
	[tilespmem:$0x1FF30] =	vst v0;
	vm0 =	vgt.f32 v11, v1;
	v0 =	vimm.s32 $0x0  }
0x7c: {  	v9 =	vld [tilespmem:s8+$0x0];
	v0 =	vsel vm0, $0xFFFFFFFF, v0;
	v1 =	vsel vm0, v11, v1  }
0x7d: {  	s7 =	sor.u32 $0xE00, s10;
	[tilespmem:$0x1FF40] =	vst v0;
	vm0 =	vgt.f32 v12, v1;
	v0 =	vimm.s32 $0x0  }
0x7e: {  	s1 =	simm.s32 $0x0;
	v7 =	vld [tilespmem:s7+$0x0];
	v0 =	vsel vm0, $0xFFFFFFFF, v0;
	v1 =	vsel vm0, v12, v1  }
0x7f: {  	s5 =	sor.u32 $0xE40, s1;
	[tilespmem:$0x1FF50] =	vst v0;
	vm0 =	vgt.f32 v10, v1;
	v0 =	vimm.s32 $0x0  }
0x80: {  	v8 =	vld [tilespmem:s5+$0x0];
	v0 =	vsel vm0, $0xFFFFFFFF, v0;
	v1 =	vsel vm0, v10, v1  }
0x81: {  	[tilespmem:$0x1FF60] =	vst v0;
	vm0 =	vgt.f32 v9, v1;
	v0 =	vimm.s32 $0x0  }
0x82: {  	v0 =	vsel vm0, $0xFFFFFFFF, v0;
	v2 =	vsel vm0, v9, v1  }
0x83: {  	[dreg:$0x1f] =	wrdreg s3;
	s3 =	sor.u32 $0xE80, s10;
	[tilespmem:$0x1FF70] =	vst v0;
	vm0 =	vgt.f32 v7, v2;
	v0 =	vimm.s32 $0x0  }
0x84: {  	v1 =	vld [tilespmem:s3+$0x0];
	v0 =	vsel vm0, $0xFFFFFFFF, v0;
	v2 =	vsel vm0, v7, v2  }
0x85: {  	s4 =	sor.u32 $0xEC0, s1;
	[tilespmem:$0x1FF80] =	vst v0;
	vm0 =	vgt.f32 v8, v2;
	v0 =	vimm.s32 $0x0  }
0x86: {  	v6 =	vld [tilespmem:s4+$0x0];
	s2 =	sor.u32 $0xF00, s10;
	v0 =	vsel vm0, $0xFFFFFFFF, v0  }
0x87: {  	[tilespmem:$0x1FF90] =	vst v0;
	v0 =	vsel vm0, v8, v2;
	v2 =	vld [tilespmem:s2+$0x0];
	_ =	sdelay $0x1  }
0x88: {  	v3 =	vimm.s32 $0x0;
	vm0 =	vgt.f32 v1, v0  }
0x89: {  	v3 =	vsel vm0, $0xFFFFFFFF, v3;
	v0 =	vsel vm0, v1, v0  }
0x8a: {  	[tilespmem:$0x1FFA0] =	vst v3;
	vm0 =	vgt.f32 v6, v0;
	v3 =	vimm.s32 $0x0  }
0x8b: {  	s6 =	sor.u32 $0xF40, s1;
	v3 =	vsel vm0, $0xFFFFFFFF, v3;
	[tilespmem:$0x1FE30] =	vst v2  }
0x8c: {  	v5 =	vld [tilespmem:s6+$0x0];
	s31 =	sor.u32 $0xF80, s10;
	[tilespmem:$0x1FFB0] =	vst v3;
	v3 =	vsel vm0, v6, v0  }
0x8d: {  	v0 =	vld [tilespmem:s31+$0x0];
	[tilespmem:$0x1FCD0] =	vst v4;
	v4 =	vimm.s32 $0x0;
	vm0 =	vgt.f32 v2, v3  }
0x8e: {  	v4 =	vsel vm0, $0xFFFFFFFF, v4  }
0x8f: {  	[tilespmem:$0x1FFC0] =	vst v4  }
0x90: {  	v4 =	vld [tilespmem:$0x1FCD0];
	_ =	sdelay $0x3  }
0x91: {  	s10 =	sor.u32 $0xFC0, s1;
	v3 =	vsel vm0, v2, v3  }
0x92: {  	vm0 =	vgt.f32 v5, v3;
	v2 =	vld [tilespmem:s10+$0x0];
	[tilespmem:$0x1FCD0] =	vst v4;
	v4 =	vimm.s32 $0x0  }
0x93: {  	v4 =	vsel vm0, $0xFFFFFFFF, v4  }
0x94: {  	[tilespmem:$0x1FFD0] =	vst v4  }
0x95: {  	v4 =	vld [tilespmem:$0x1FCD0];
	_ =	sdelay $0x3  }
0x96: {  	v3 =	vsel vm0, v5, v3;
	[tilespmem:$0x1FE60] =	vst v0  }
0x97: {  	vm0 =	vgt.f32 v0, v3;
	[tilespmem:$0x1FCD0] =	vst v4;
	v4 =	vimm.s32 $0x0  }
0x98: {  	v4 =	vsel vm0, $0xFFFFFFFF, v4  }
0x99: {  	[tilespmem:$0x1FFE0] =	vst v4  }
0x9a: {  	v4 =	vld [tilespmem:$0x1FCD0];
	_ =	sdelay $0x1  }
0x9b: {  	v3 =	vsel vm0, v0, v3  }
0x9c: {  	v0 =	vimm.s32 $0x0;
	vm0 =	vgt.f32 v2, v3  }
0x9d: {  	v0 =	vsel vm0, $0xFFFFFFFF, v0;
	v3 =	vsel vm0, v2, v3  }
0x9e: {  	[tilespmem:$0x1FFF0] =	vst v0;
	v0 =	vsub.f32 v4, v3;
	_ =	sdelay $0x1  }
0x9f: {  	v62 =	vsub.f32 v62, v3;
	v0 =	vmul.f32 $1.428571460e+00, v0  }
0xa0: {  	v63 =	vsub.f32 v63, v3  }
0xa1: {  	v62 =	vmul.f32 $1.428571460e+00, v62;
	v0 =	vmul.f32 $1.442695020e+00, v0  }
0xa2: {  	v63 =	vmul.f32 $1.428571460e+00, v63  }
0xa3: {  	(erf) = vpow2.f32 v0;
	v0 =	vsub.f32 v61, v3;
	v61 =	vmul.f32 $1.442695020e+00, v62  }
0xa4: {  	v58 =	vsub.f32 v58, v3;
	v4 =	vmul.f32 $1.442695020e+00, v63  }
0xa5: {  	(erf) = vpow2.f32 v61;
	v0 =	vmul.f32 $1.428571460e+00, v0  }
0xa6: {  	v59 =	vsub.f32 v59, v3;
	v60 =	vsub.f32 v60, v3;
	v58 =	vmul.f32 $1.428571460e+00, v58  }
0xa7: {  	v55 =	vsub.f32 v55, v3;
	(erf) = vpow2.f32 v4;
	v0 =	vmul.f32 $1.442695020e+00, v0  }
0xa8: {  	v56 =	vsub.f32 v56, v3;
	v53 =	vsub.f32 v53, v3;
	v59 =	vmul.f32 $1.428571460e+00, v59  }
0xa9: {  	v4 =	vmul.f32 $1.442695020e+00, v58;
	(erf) = vpow2.f32 v0;
	v0 =	vsub.f32 v57, v3  }
0xaa: {  	v54 =	vsub.f32 v54, v3;
	v51 =	vsub.f32 v51, v3;
	v59 =	vmul.f32 $1.442695020e+00, v59  }
0xab: {  	v52 =	vsub.f32 v52, v3;
	(erf) = vpow2.f32 v4;
	v0 =	vmul.f32 $1.428571460e+00, v0  }
0xac: {  	v49 =	vsub.f32 v49, v3;
	v50 =	vsub.f32 v50, v3;
	v61 =	vmul.f32 $1.428571460e+00, v60;
	v62 =	vpop (erf)  }
0xad: {  	(erf) = vpow2.f32 v59;
	v0 =	vmul.f32 $1.442695020e+00, v0;
	v58 =	vadd.f32 $0.0e+00, v62  }
0xae: {  	v47 =	vsub.f32 v47, v3;
	v48 =	vsub.f32 v48, v3;
	v55 =	vmul.f32 $1.428571460e+00, v55;
	v63 =	vpop (erf)  }
0xaf: {  	v57 =	vmul.f32 $1.442695020e+00, v61;
	(erf) = vpow2.f32 v0;
	v0 =	vadd.f32 v58, v63  }
0xb0: {  	v45 =	vsub.f32 v45, v3;
	v46 =	vsub.f32 v46, v3;
	v56 =	vmul.f32 $1.428571460e+00, v56;
	v4 =	vpop (erf)  }
0xb1: {  	v55 =	vmul.f32 $1.442695020e+00, v55;
	(erf) = vpow2.f32 v57;
	v0 =	vadd.f32 v0, v4  }
0xb2: {  	v43 =	vsub.f32 v43, v3;
	v44 =	vsub.f32 v44, v3;
	v53 =	vmul.f32 $1.428571460e+00, v53;
	v60 =	vpop (erf)  }
0xb3: {  	v56 =	vmul.f32 $1.442695020e+00, v56;
	(erf) = vpow2.f32 v55;
	v0 =	vadd.f32 v0, v60  }
0xb4: {  	v41 =	vsub.f32 v41, v3;
	v42 =	vsub.f32 v42, v3;
	v54 =	vmul.f32 $1.428571460e+00, v54;
	v61 =	vpop (erf)  }
0xb5: {  	v53 =	vmul.f32 $1.442695020e+00, v53;
	(erf) = vpow2.f32 v56;
	v0 =	vadd.f32 v0, v61  }
0xb6: {  	v39 =	vsub.f32 v39, v3;
	v40 =	vsub.f32 v40, v3;
	v51 =	vmul.f32 $1.428571460e+00, v51;
	v62 =	vpop (erf)  }
0xb7: {  	v54 =	vmul.f32 $1.442695020e+00, v54;
	(erf) = vpow2.f32 v53;
	v0 =	vadd.f32 v0, v62  }
0xb8: {  	v37 =	vsub.f32 v37, v3;
	v38 =	vsub.f32 v38, v3;
	v52 =	vmul.f32 $1.428571460e+00, v52;
	v63 =	vpop (erf)  }
0xb9: {  	v51 =	vmul.f32 $1.442695020e+00, v51;
	(erf) = vpow2.f32 v54;
	v0 =	vadd.f32 v0, v63  }
0xba: {  	v35 =	vsub.f32 v35, v3;
	v36 =	vsub.f32 v36, v3;
	v49 =	vmul.f32 $1.428571460e+00, v49;
	v4 =	vpop (erf)  }
0xbb: {  	v52 =	vmul.f32 $1.442695020e+00, v52;
	(erf) = vpow2.f32 v51;
	v0 =	vadd.f32 v0, v4  }
0xbc: {  	v33 =	vsub.f32 v33, v3;
	v34 =	vsub.f32 v34, v3;
	v50 =	vmul.f32 $1.428571460e+00, v50;
	v54 =	vpop (erf)  }
0xbd: {  	v49 =	vmul.f32 $1.442695020e+00, v49;
	(erf) = vpow2.f32 v52;
	v0 =	vadd.f32 v0, v54  }
0xbe: {  	v31 =	vsub.f32 v31, v3;
	v32 =	vsub.f32 v32, v3;
	v47 =	vmul.f32 $1.428571460e+00, v47;
	v55 =	vpop (erf)  }
0xbf: {  	v50 =	vmul.f32 $1.442695020e+00, v50;
	(erf) = vpow2.f32 v49;
	v0 =	vadd.f32 v0, v55  }
0xc0: {  	v29 =	vsub.f32 v29, v3;
	v30 =	vsub.f32 v30, v3;
	v48 =	vmul.f32 $1.428571460e+00, v48;
	v56 =	vpop (erf)  }
0xc1: {  	v47 =	vmul.f32 $1.442695020e+00, v47;
	(erf) = vpow2.f32 v50;
	v0 =	vadd.f32 v0, v56  }
0xc2: {  	v27 =	vsub.f32 v27, v3;
	v28 =	vsub.f32 v28, v3;
	v45 =	vmul.f32 $1.428571460e+00, v45;
	v57 =	vpop (erf)  }
0xc3: {  	v48 =	vmul.f32 $1.442695020e+00, v48;
	(erf) = vpow2.f32 v47;
	v0 =	vadd.f32 v0, v57  }
0xc4: {  	v25 =	vsub.f32 v25, v3;
	v26 =	vsub.f32 v26, v3;
	v46 =	vmul.f32 $1.428571460e+00, v46;
	v58 =	vpop (erf)  }
0xc5: {  	v45 =	vmul.f32 $1.442695020e+00, v45;
	(erf) = vpow2.f32 v48;
	v0 =	vadd.f32 v0, v58  }
0xc6: {  	v23 =	vsub.f32 v23, v3;
	v24 =	vsub.f32 v24, v3;
	v43 =	vmul.f32 $1.428571460e+00, v43;
	v59 =	vpop (erf)  }
0xc7: {  	v46 =	vmul.f32 $1.442695020e+00, v46;
	(erf) = vpow2.f32 v45;
	v0 =	vadd.f32 v0, v59  }
0xc8: {  	v21 =	vsub.f32 v21, v3;
	v22 =	vsub.f32 v22, v3;
	v44 =	vmul.f32 $1.428571460e+00, v44;
	v60 =	vpop (erf)  }
0xc9: {  	v43 =	vmul.f32 $1.442695020e+00, v43;
	(erf) = vpow2.f32 v46;
	v0 =	vadd.f32 v0, v60  }
0xca: {  	v19 =	vsub.f32 v19, v3;
	v20 =	vsub.f32 v20, v3;
	v41 =	vmul.f32 $1.428571460e+00, v41;
	v61 =	vpop (erf)  }
0xcb: {  	v44 =	vmul.f32 $1.442695020e+00, v44;
	(erf) = vpow2.f32 v43;
	v0 =	vadd.f32 v0, v61  }
0xcc: {  	v17 =	vsub.f32 v17, v3;
	v42 =	vmul.f32 $1.428571460e+00, v42;
	v39 =	vmul.f32 $1.428571460e+00, v39;
	v62 =	vpop (erf)  }
0xcd: {  	v41 =	vmul.f32 $1.442695020e+00, v41;
	(erf) = vpow2.f32 v44;
	v0 =	vadd.f32 v0, v62  }
0xce: {  	v18 =	vsub.f32 v18, v3;
	v40 =	vmul.f32 $1.428571460e+00, v40;
	v37 =	vmul.f32 $1.428571460e+00, v37;
	v4 =	vpop (erf)  }
0xcf: {  	v42 =	vmul.f32 $1.442695020e+00, v42;
	(erf) = vpow2.f32 v41;
	v0 =	vadd.f32 v0, v4  }
0xd0: {  	v15 =	vsub.f32 v15, v3;
	v38 =	vmul.f32 $1.428571460e+00, v38;
	v35 =	vmul.f32 $1.428571460e+00, v35;
	v49 =	vpop (erf)  }
0xd1: {  	v39 =	vmul.f32 $1.442695020e+00, v39;
	(erf) = vpow2.f32 v42;
	v0 =	vadd.f32 v0, v49  }
0xd2: {  	v16 =	vsub.f32 v16, v3;
	v36 =	vmul.f32 $1.428571460e+00, v36;
	v33 =	vmul.f32 $1.428571460e+00, v33;
	v50 =	vpop (erf)  }
0xd3: {  	v40 =	vmul.f32 $1.442695020e+00, v40;
	(erf) = vpow2.f32 v39;
	v0 =	vadd.f32 v0, v50  }
0xd4: {  	v13 =	vsub.f32 v13, v3;
	v34 =	vmul.f32 $1.428571460e+00, v34;
	v31 =	vmul.f32 $1.428571460e+00, v31;
	v52 =	vpop (erf)  }
0xd5: {  	v37 =	vmul.f32 $1.442695020e+00, v37;
	(erf) = vpow2.f32 v40;
	v0 =	vadd.f32 v0, v52  }
0xd6: {  	v14 =	vsub.f32 v14, v3;
	v32 =	vmul.f32 $1.428571460e+00, v32;
	v29 =	vmul.f32 $1.428571460e+00, v29;
	v53 =	vpop (erf)  }
0xd7: {  	v38 =	vmul.f32 $1.442695020e+00, v38;
	(erf) = vpow2.f32 v37;
	v0 =	vadd.f32 v0, v53  }
0xd8: {  	v11 =	vsub.f32 v11, v3;
	v30 =	vmul.f32 $1.428571460e+00, v30;
	v27 =	vmul.f32 $1.428571460e+00, v27;
	v55 =	vpop (erf)  }
0xd9: {  	v35 =	vmul.f32 $1.442695020e+00, v35;
	(erf) = vpow2.f32 v38;
	v0 =	vadd.f32 v0, v55  }
0xda: {  	v12 =	vsub.f32 v12, v3;
	v28 =	vmul.f32 $1.428571460e+00, v28;
	v25 =	vmul.f32 $1.428571460e+00, v25;
	v56 =	vpop (erf)  }
0xdb: {  	v36 =	vmul.f32 $1.442695020e+00, v36;
	(erf) = vpow2.f32 v35;
	v0 =	vadd.f32 v0, v56  }
0xdc: {  	v10 =	vsub.f32 v10, v3;
	v26 =	vmul.f32 $1.428571460e+00, v26;
	v23 =	vmul.f32 $1.428571460e+00, v23;
	v58 =	vpop (erf)  }
0xdd: {  	v33 =	vmul.f32 $1.442695020e+00, v33;
	(erf) = vpow2.f32 v36;
	v0 =	vadd.f32 v0, v58  }
0xde: {  	v9 =	vsub.f32 v9, v3;
	v24 =	vmul.f32 $1.428571460e+00, v24;
	v21 =	vmul.f32 $1.428571460e+00, v21;
	v59 =	vpop (erf)  }
0xdf: {  	v34 =	vmul.f32 $1.442695020e+00, v34;
	(erf) = vpow2.f32 v33;
	v0 =	vadd.f32 v0, v59  }
0xe0: {  	v7 =	vsub.f32 v7, v3;
	v22 =	vmul.f32 $1.428571460e+00, v22;
	v19 =	vmul.f32 $1.428571460e+00, v19;
	v61 =	vpop (erf)  }
0xe1: {  	v31 =	vmul.f32 $1.442695020e+00, v31;
	(erf) = vpow2.f32 v34;
	v0 =	vadd.f32 v0, v61  }
0xe2: {  	v20 =	vmul.f32 $1.428571460e+00, v20;
	v32 =	vmul.f32 $1.442695020e+00, v32;
	v63 =	vimm.s32 $0x0;
	v62 =	vpop (erf)  }
0xe3: {  	v43 =	vsel vm1, $0x1, v63;
	(erf) = vpow2.f32 v31;
	v0 =	vadd.f32 v0, v62  }
0xe4: {  	v17 =	vmul.f32 $1.428571460e+00, v17;
	v29 =	vmul.f32 $1.442695020e+00, v29;
	v48 =	vsel vm2, $0x2, v43;
	v4 =	vpop (erf)  }
0xe5: {  	v41 =	vsel vm3, $0x3, v48;
	(erf) = vpow2.f32 v32;
	v0 =	vadd.f32 v0, v4  }
0xe6: {  	v18 =	vmul.f32 $1.428571460e+00, v18;
	v30 =	vmul.f32 $1.442695020e+00, v30;
	v51 =	vsel vm4, $0x4, v41;
	v36 =	vpop (erf)  }
0xe7: {  	v39 =	vsel vm5, $0x5, v51;
	(erf) = vpow2.f32 v29;
	v0 =	vadd.f32 v0, v36  }
0xe8: {  	v8 =	vsub.f32 v8, v3;
	v15 =	vmul.f32 $1.428571460e+00, v15;
	v16 =	vmul.f32 $1.428571460e+00, v16;
	v38 =	vpop (erf)  }
0xe9: {  	v27 =	vmul.f32 $1.442695020e+00, v27;
	(erf) = vpow2.f32 v30;
	v0 =	vadd.f32 v0, v38  }
0xea: {  	v13 =	vmul.f32 $1.428571460e+00, v13;
	v14 =	vmul.f32 $1.428571460e+00, v14;
	v54 =	vsel vm6, $0x6, v39;
	v39 =	vpop (erf)  }
0xeb: {  	v28 =	vmul.f32 $1.442695020e+00, v28;
	(erf) = vpow2.f32 v27;
	v0 =	vadd.f32 v0, v39  }
0xec: {  	v1 =	vsub.f32 v1, v3;
	v11 =	vmul.f32 $1.428571460e+00, v11;
	v12 =	vmul.f32 $1.428571460e+00, v12;
	v42 =	vpop (erf)  }
0xed: {  	v25 =	vmul.f32 $1.442695020e+00, v25;
	(erf) = vpow2.f32 v28;
	v0 =	vadd.f32 v0, v42  }
0xee: {  	v6 =	vsub.f32 v6, v3;
	v10 =	vmul.f32 $1.428571460e+00, v10;
	v9 =	vmul.f32 $1.428571460e+00, v9;
	v44 =	vpop (erf)  }
0xef: {  	v26 =	vmul.f32 $1.442695020e+00, v26;
	(erf) = vpow2.f32 v25;
	v0 =	vadd.f32 v0, v44  }
0xf0: {  	v5 =	vsub.f32 v5, v3;
	v7 =	vmul.f32 $1.428571460e+00, v7;
	v8 =	vmul.f32 $1.428571460e+00, v8;
	v47 =	vpop (erf)  }
0xf1: {  	v23 =	vmul.f32 $1.442695020e+00, v23;
	(erf) = vpow2.f32 v26;
	v0 =	vadd.f32 v0, v47  }
0xf2: {  	v2 =	vsub.f32 v2, v3;
	v1 =	vmul.f32 $1.428571460e+00, v1;
	v6 =	vmul.f32 $1.428571460e+00, v6;
	v49 =	vpop (erf)  }
0xf3: {  	v24 =	vmul.f32 $1.442695020e+00, v24;
	(erf) = vpow2.f32 v23;
	v0 =	vadd.f32 v0, v49  }
0xf4: {  	v5 =	vmul.f32 $1.428571460e+00, v5;
	v21 =	vmul.f32 $1.442695020e+00, v21;
	v37 =	vsel vm7, $0x7, v54;
	v52 =	vpop (erf)  }
0xf5: {  	v57 =	vsel vm8, $0x8, v37;
	(erf) = vpow2.f32 v24;
	v0 =	vadd.f32 v0, v52  }
0xf6: {  	v2 =	vmul.f32 $1.428571460e+00, v2;
	v22 =	vmul.f32 $1.442695020e+00, v22;
	v54 =	vpop (erf)  }
0xf7: {  	v19 =	vmul.f32 $1.442695020e+00, v19;
	(erf) = vpow2.f32 v21;
	v0 =	vadd.f32 v0, v54  }
0xf8: {  	v20 =	vmul.f32 $1.442695020e+00, v20;
	v17 =	vmul.f32 $1.442695020e+00, v17;
	v35 =	vsel vm9, $0x9, v57;
	v57 =	vpop (erf)  }
0xf9: {  	v18 =	vmul.f32 $1.442695020e+00, v18;
	(erf) = vpow2.f32 v22;
	v0 =	vadd.f32 v0, v57  }
0xfa: {  	v15 =	vmul.f32 $1.442695020e+00, v15;
	v16 =	vmul.f32 $1.442695020e+00, v16;
	v59 =	vpop (erf)  }
0xfb: {  	v13 =	vmul.f32 $1.442695020e+00, v13;
	(erf) = vpow2.f32 v19;
	v0 =	vadd.f32 v0, v59  }
0xfc: {  	v14 =	vmul.f32 $1.442695020e+00, v14;
	v11 =	vmul.f32 $1.442695020e+00, v11;
	v62 =	vpop (erf)  }
0xfd: {  	v12 =	vmul.f32 $1.442695020e+00, v12;
	v40 =	vld [tilespmem:$0x1FCE0];
	(erf) = vpow2.f32 v20;
	v0 =	vadd.f32 v0, v62  }
0xfe: {  	v10 =	vmul.f32 $1.442695020e+00, v10;
	v9 =	vmul.f32 $1.442695020e+00, v9;
	v45 =	vld [tilespmem:$0x1FD00];
	v60 =	vsel vm10, $0xA, v35;
	v4 =	vpop (erf)  }
0xff: {  	v43 =	vld [tilespmem:$0x1FCF0];
	v33 =	vsel vm11, $0xB, v60;
	(erf) = vpow2.f32 v17;
	v0 =	vadd.f32 v0, v4  }
0x100: {  	v7 =	vmul.f32 $1.442695020e+00, v7;
	v8 =	vmul.f32 $1.442695020e+00, v8;
	v48 =	vld [tilespmem:$0x1FD10];
	v63 =	vsel vm12, $0xC, v33;
	v26 =	vpop (erf)  }
0x101: {  	v50 =	vld [tilespmem:$0x1FD20];
	v31 =	vsel vm13, $0xD, v63;
	(erf) = vpow2.f32 v18;
	v0 =	vadd.f32 v0, v26  }
0x102: {  	v1 =	vmul.f32 $1.442695020e+00, v1;
	vm13 =	vnez.u8 v40;
	v37 =	vsel vm14, $0xE, v31;
	v53 =	vld [tilespmem:$0x1FD30];
	v28 =	vpop (erf)  }
0x103: {  	v29 =	vsel vm15, $0xF, v37;
	v55 =	vld [tilespmem:$0x1FD40];
	(erf) = vpow2.f32 v15;
	v0 =	vadd.f32 v0, v28  }
0x104: {  	v60 =	vld [tilespmem:$0x1FD60];
	vm14 =	vnez.u8 v43;
	vm15 =	vnez.u8 v45;
	v41 =	vsel vm13, $0x10, v29;
	v31 =	vpop (erf)  }
0x105: {  	v27 =	vsel vm14, $0x11, v41;
	v58 =	vld [tilespmem:$0x1FD50];
	(erf) = vpow2.f32 v16;
	v0 =	vadd.f32 v0, v31  }
0x106: {  	vm4 =	vnez.u8 v48;
	v63 =	vld [tilespmem:$0x1FD70];
	vm5 =	vnez.u8 v50;
	v46 =	vsel vm15, $0x12, v27;
	v33 =	vpop (erf)  }
0x107: {  	v25 =	vsel vm4, $0x13, v46;
	v24 =	vld [tilespmem:$0x1FD80];
	(erf) = vpow2.f32 v13;
	v0 =	vadd.f32 v0, v33  }
0x108: {  	v29 =	vld [tilespmem:$0x1FDA0];
	vm6 =	vnez.u8 v53;
	vm7 =	vnez.u8 v55;
	v51 =	vsel vm5, $0x14, v25;
	v36 =	vpop (erf)  }
0x109: {  	v27 =	vld [tilespmem:$0x1FD90];
	v23 =	vsel vm6, $0x15, v51;
	(erf) = vpow2.f32 v14;
	v0 =	vadd.f32 v0, v36  }
0x10a: {  	v34 =	vld [tilespmem:$0x1FDC0];
	vm9 =	vnez.u8 v60;
	v56 =	vsel vm7, $0x16, v23;
	vm8 =	vnez.u8 v58;
	v38 =	vpop (erf)  }
0x10b: {  	v32 =	vld [tilespmem:$0x1FDB0];
	v21 =	vsel vm8, $0x17, v56;
	(erf) = vpow2.f32 v11;
	v0 =	vadd.f32 v0, v38  }
0x10c: {  	vm10 =	vnez.u8 v63;
	v61 =	vsel vm9, $0x18, v21;
	vm11 =	vnez.u8 v24;
	v41 =	vpop (erf)  }
0x10d: {  	v37 =	vld [tilespmem:$0x1FDD0];
	v19 =	vsel vm10, $0x19, v61;
	(erf) = vpow2.f32 v12;
	v0 =	vadd.f32 v0, v41  }
0x10e: {  	v53 =	vld [tilespmem:$0x1FE30];
	vm13 =	vnez.u8 v29;
	vm12 =	vnez.u8 v27;
	v25 =	vsel vm11, $0x1A, v19;
	v43 =	vpop (erf)  }
0x10f: {  	v17 =	vsel vm12, $0x1B, v25;
	v39 =	vld [tilespmem:$0x1FDE0];
	(erf) = vpow2.f32 v10;
	v0 =	vadd.f32 v0, v43  }
0x110: {  	vm14 =	vnez.u8 v32;
	vm15 =	vnez.u8 v34;
	v30 =	vsel vm13, $0x1C, v17;
	v46 =	vpop (erf)  }
0x111: {  	v42 =	vld [tilespmem:$0x1FDF0];
	v15 =	vsel vm14, $0x1D, v30;
	(erf) = vpow2.f32 v9;
	v0 =	vadd.f32 v0, v46  }
0x112: {  	v6 =	vmul.f32 $1.442695020e+00, v6;
	vm4 =	vnez.u8 v37;
	v58 =	vld [tilespmem:$0x1FE60];
	v35 =	vsel vm15, $0x1E, v15;
	v49 =	vpop (erf)  }
0x113: {  	v44 =	vld [tilespmem:$0x1FE00];
	(erf) = vpow2.f32 v7;
	v4 =	vsub.f32 v53, v3;
	v0 =	vadd.f32 v0, v49  }
0x114: {  	v50 =	vld [tilespmem:$0x1FE20];
	v13 =	vsel vm4, $0x1F, v35;
	vm5 =	vnez.u8 v39;
	(erf) = vpow2.f32 v8;
	v52 =	vpop (erf)  }
0x115: {  	v47 =	vld [tilespmem:$0x1FE10];
	(erf) = vpow2.f32 v1;
	v1 =	vmul.f32 $1.428571460e+00, v4;
	v0 =	vadd.f32 v0, v52  }
0x116: {  	v40 =	vsel vm5, $0x20, v13;
	vm6 =	vnez.u8 v42;
	v55 =	vpop (erf);
	(erf) = vpow2.f32 v6  }
0x117: {  	v6 =	vsub.f32 v58, v3;
	v1 =	vmul.f32 $1.442695020e+00, v1;
	v0 =	vadd.f32 v0, v55  }
0x118: {  	v5 =	vmul.f32 $1.442695020e+00, v5;
	v11 =	vsel vm6, $0x21, v40;
	vm7 =	vnez.u8 v44;
	v54 =	vld [tilespmem:$0x1FE40];
	v57 =	vpop (erf)  }
0x119: {  	v56 =	vld [tilespmem:$0x1FE50];
	(erf) = vpow2.f32 v1;
	v1 =	vmul.f32 $1.428571460e+00, v6;
	v0 =	vadd.f32 v0, v57  }
0x11a: {  	vm9 =	vnez.u8 v50;
	v45 =	vsel vm7, $0x22, v11;
	vm8 =	vnez.u8 v47;
	v59 =	vld [tilespmem:$0x1FE70];
	v3 =	vpop (erf)  }
0x11b: {  	v48 =	vsel vm8, $0x23, v45;
	v1 =	vmul.f32 $1.442695020e+00, v1;
	v0 =	vadd.f32 v0, v3;
	v3 =	vld [tilespmem:$0x1FE80]  }
0x11c: {  	v61 =	vld [tilespmem:$0x1FE90];
	v51 =	vsel vm9, $0x24, v48;
	(erf) = vpow2.f32 v5  }
0x11d: {  	vm10 =	vnez.u8 v54;
	v60 =	vpop (erf);
	(erf) = vpow2.f32 v1;
	v1 =	vmul.f32 $1.442695020e+00, v2;
	v2 =	vld [tilespmem:$0x1FEA0]  }
0x11e: {  	v63 =	vld [tilespmem:$0x1FEB0];
	vm11 =	vnez.u8 v56;
	v7 =	vsel vm10, $0x25, v51  }
0x11f: {  	vm12 =	vnez.u8 v59;
	v4 =	vsel vm11, $0x26, v7  }
0x120: {  	v4 =	vsel vm12, $0x27, v4;
	vm13 =	vnez.u8 v3  }
0x121: {  	vm14 =	vnez.u8 v61;
	v62 =	vpop (erf);
	(erf) = vpow2.f32 v1;
	v1 =	vld [tilespmem:$0x1FEC0];
	v3 =	vsel vm13, $0x28, v4  }
0x122: {  	vm15 =	vnez.u8 v2;
	v0 =	vadd.f32 v0, v60;
	v3 =	vsel vm14, $0x29, v3  }
0x123: {  	vm4 =	vnez.u8 v63;
	v2 =	vsel vm15, $0x2A, v3  }
0x124: {  	v0 =	vadd.f32 v0, v62;
	v2 =	vsel vm4, $0x2B, v2  }
0x125: {  	v3 =	vpop (erf)  }
0x126: {  	vm5 =	vnez.u8 v1;
	v0 =	vadd.f32 v0, v3  }
0x127: {  	v1 =	vsel vm5, $0x2C, v2;
	v2 =	vpop (erf)  }
0x128: {  	v0 =	vadd.f32 v0, v2;
	v2 =	vld [tilespmem:$0x1FEE0];
	_ =	sdelay $0x4  }
0x129: {  	v3 =	vld [tilespmem:$0x1FED0];
	vm7 =	vnez.u8 v2;
	v2 =	vpop (erf)  }
0x12a: {  	v0 =	vadd.f32 v0, v2;
	v2 =	vld [tilespmem:$0x1FF00];
	_ =	sdelay $0x4  }
0x12b: {  	vm6 =	vnez.u8 v3;
	v3 =	vld [tilespmem:$0x1FEF0];
	vm9 =	vnez.u8 v2;
	v2 =	vpop (erf)  }
0x12c: {  	v0 =	vadd.f32 v0, v2;
	v2 =	vld [tilespmem:$0x1FF20];
	_ =	sdelay $0x4  }
0x12d: {  	vm8 =	vnez.u8 v3;
	v3 =	vld [tilespmem:$0x1FF10];
	vm11 =	vnez.u8 v2;
	v2 =	vpop (erf)  }
0x12e: {  	v0 =	vadd.f32 v0, v2;
	v2 =	vld [tilespmem:$0x1FF40];
	_ =	sdelay $0x3  }
0x12f: {  	vm10 =	vnez.u8 v3;
	v3 =	vld [tilespmem:$0x1FF30]  }
0x130: {  	vm13 =	vnez.u8 v2;
	v2 =	vpop (erf)  }
0x131: {  	v0 =	vadd.f32 v0, v2;
	v2 =	vld [tilespmem:$0x1FF60]  }
0x132: {  	v1 =	vsel vm6, $0x2D, v1  }
0x133: {  	v1 =	vsel vm7, $0x2E, v1  }
0x134: {  	v1 =	vsel vm8, $0x2F, v1;
	vm12 =	vnez.u8 v3;
	v3 =	vld [tilespmem:$0x1FF50]  }
0x135: {  	v1 =	vsel vm9, $0x30, v1  }
0x136: {  	v1 =	vsel vm10, $0x31, v1;
	vm15 =	vnez.u8 v2;
	v2 =	vld [tilespmem:$0x1FF70]  }
0x137: {  	v1 =	vsel vm11, $0x32, v1;
	(erf) = vrcp.f32 v0;
	v0 =	vld [tilespmem:$0x1FF80]  }
0x138: {  	v1 =	vsel vm12, $0x33, v1  }
0x139: {  	vm14 =	vnez.u8 v3;
	v1 =	vsel vm13, $0x34, v1  }
0x13a: {  	v1 =	vsel vm14, $0x35, v1  }
0x13b: {  	v1 =	vsel vm15, $0x36, v1;
	vm4 =	vnez.u8 v2  }
0x13c: {  	vm5 =	vnez.u8 v0;
	v1 =	vsel vm4, $0x37, v1  }
0x13d: {  	v0 =	vsel vm5, $0x38, v1;
	v1 =	vld [tilespmem:$0x1FF90];
	_ =	sdelay $0x4  }
0x13e: {  	vm6 =	vnez.u8 v1;
	v1 =	vld [tilespmem:$0x1FFA0];
	_ =	sdelay $0x4  }
0x13f: {  	vm7 =	vnez.u8 v1;
	v1 =	vld [tilespmem:$0x1FFB0];
	_ =	sdelay $0x4  }
0x140: {  	vm8 =	vnez.u8 v1;
	v1 =	vld [tilespmem:$0x1FFC0];
	_ =	sdelay $0x4  }
0x141: {  	vm9 =	vnez.u8 v1;
	v1 =	vld [tilespmem:$0x1FFD0];
	_ =	sdelay $0x4  }
0x142: {  	vm10 =	vnez.u8 v1;
	v1 =	vld [tilespmem:$0x1FFE0];
	_ =	sdelay $0x3  }
0x143: {  	v0 =	vsel vm6, $0x39, v0  }
0x144: {  	v0 =	vsel vm7, $0x3A, v0;
	vm11 =	vnez.u8 v1;
	v1 =	vld [tilespmem:$0x1FFF0]  }
0x145: {  	v0 =	vsel vm8, $0x3B, v0  }
0x146: {  	v0 =	vsel vm9, $0x3C, v0  }
0x147: {  	v0 =	vsel vm10, $0x3D, v0  }
0x148: {  	v0 =	vsel vm11, $0x3E, v0  }
0x149: {  	vm12 =	vnez.u8 v1  }
0x14a: {  	v1 =	vsel vm12, $0x3F, v0  }
0x14b: {  	v0 =	vpop (erf);
	vm0 =	veq.s32 v1, $0x0  }
0x14c: {  	vm13 =	veq.s32 v1, $0x1;
	v2 =	vnsel vm0, $0x0, v0  }
0x14d: {  	s1 =	rddreg [dreg:$0x1f];
	vm14 =	veq.s32 v1, $0x2;
	[tilespmem:s0+$0x2000] =	vst v2;
	v2 =	vnsel vm13, $0x0, v0  }
0x14e: {  	vm15 =	veq.s32 v1, $0x3;
	[tilespmem:s1+$0x2000] =	vst v2;
	v2 =	vnsel vm14, $0x0, v0  }
0x14f: {  	vm4 =	veq.s32 v1, $0x4;
	s1 =	rddreg [dreg:$0x1a];
	[tilespmem:s0+$0x2080] =	vst v2;
	v2 =	vnsel vm15, $0x0, v0  }
0x150: {  	vm5 =	veq.s32 v1, $0x5;
	[tilespmem:s1+$0x2000] =	vst v2;
	v2 =	vnsel vm4, $0x0, v0  }
0x151: {  	vm6 =	veq.s32 v1, $0x6;
	s1 =	rddreg [dreg:$0x18];
	[tilespmem:s0+$0x2100] =	vst v2;
	v2 =	vnsel vm5, $0x0, v0  }
0x152: {  	vm7 =	veq.s32 v1, $0x7;
	[tilespmem:s1+$0x2000] =	vst v2;
	v2 =	vnsel vm6, $0x0, v0  }
0x153: {  	s1 =	rddreg [dreg:$0x1b];
	[tilespmem:s0+$0x2180] =	vst v2;
	v2 =	vnsel vm7, $0x0, v0  }
0x154: {  	vm8 =	veq.s32 v1, $0x8;
	[tilespmem:s1+$0x2000] =	vst v2;
	s1 =	sld [smem:$0x7F7]  }
0x155: {  	vm9 =	veq.s32 v1, $0x9;
	v2 =	vnsel vm8, $0x0, v0  }
0x156: {  	[tilespmem:s0+$0x2200] =	vst v2;
	v2 =	vnsel vm9, $0x0, v0  }
0x157: {  	vm10 =	veq.s32 v1, $0xA;
	[tilespmem:s1+$0x2000] =	vst v2;
	s1 =	sld [smem:$0x7F8]  }
0x158: {  	vm11 =	veq.s32 v1, $0xB;
	v2 =	vnsel vm10, $0x0, v0  }
0x159: {  	[tilespmem:s0+$0x2280] =	vst v2;
	v2 =	vnsel vm11, $0x0, v0  }
0x15a: {  	vm12 =	veq.s32 v1, $0xC;
	[tilespmem:s1+$0x2000] =	vst v2;
	s1 =	sld [smem:$0x7F9]  }
0x15b: {  	vm13 =	veq.s32 v1, $0xD;
	v2 =	vnsel vm12, $0x0, v0  }
0x15c: {  	[tilespmem:s0+$0x2300] =	vst v2;
	v2 =	vnsel vm13, $0x0, v0  }
0x15d: {  	vm14 =	veq.s32 v1, $0xE;
	[tilespmem:s1+$0x2000] =	vst v2;
	s1 =	sld [smem:$0x7FA]  }
0x15e: {  	vm15 =	veq.s32 v1, $0xF;
	v2 =	vnsel vm14, $0x0, v0  }
0x15f: {  	[tilespmem:s0+$0x2380] =	vst v2;
	v2 =	vnsel vm15, $0x0, v0  }
0x160: {  	vm4 =	veq.s32 v1, $0x10;
	[tilespmem:s1+$0x2000] =	vst v2;
	s1 =	sld [smem:$0x7FB]  }
0x161: {  	vm5 =	veq.s32 v1, $0x11;
	v2 =	vnsel vm4, $0x0, v0  }
0x162: {  	[tilespmem:s0+$0x2400] =	vst v2;
	v2 =	vnsel vm5, $0x0, v0  }
0x163: {  	vm6 =	veq.s32 v1, $0x12;
	[tilespmem:s1+$0x2000] =	vst v2;
	s1 =	sld [smem:$0x7FC]  }
0x164: {  	vm7 =	veq.s32 v1, $0x13;
	v2 =	vnsel vm6, $0x0, v0  }
0x165: {  	[tilespmem:s0+$0x2480] =	vst v2;
	v2 =	vnsel vm7, $0x0, v0  }
0x166: {  	vm8 =	veq.s32 v1, $0x14;
	[tilespmem:s1+$0x2000] =	vst v2;
	s1 =	sld [smem:$0x7FD]  }
0x167: {  	vm9 =	veq.s32 v1, $0x15;
	v2 =	vnsel vm8, $0x0, v0  }
0x168: {  	vm10 =	veq.s32 v1, $0x16;
	[tilespmem:s0+$0x2500] =	vst v2;
	v2 =	vnsel vm9, $0x0, v0  }
0x169: {  	vm11 =	veq.s32 v1, $0x17;
	[tilespmem:s1+$0x2000] =	vst v2;
	v2 =	vnsel vm10, $0x0, v0  }
0x16a: {  	vm12 =	veq.s32 v1, $0x18;
	[tilespmem:s0+$0x2580] =	vst v2;
	v2 =	vnsel vm11, $0x0, v0  }
0x16b: {  	vm13 =	veq.s32 v1, $0x19;
	[tilespmem:s13+$0x2000] =	vst v2;
	v2 =	vnsel vm12, $0x0, v0  }
0x16c: {  	vm14 =	veq.s32 v1, $0x1A;
	[tilespmem:s0+$0x2600] =	vst v2;
	v2 =	vnsel vm13, $0x0, v0  }
0x16d: {  	vm15 =	veq.s32 v1, $0x1B;
	[tilespmem:s14+$0x2000] =	vst v2;
	v2 =	vnsel vm14, $0x0, v0  }
0x16e: {  	vm4 =	veq.s32 v1, $0x1C;
	[tilespmem:s0+$0x2680] =	vst v2;
	v2 =	vnsel vm15, $0x0, v0  }
0x16f: {  	vm5 =	veq.s32 v1, $0x1D;
	[tilespmem:s15+$0x2000] =	vst v2;
	v2 =	vnsel vm4, $0x0, v0  }
0x170: {  	vm6 =	veq.s32 v1, $0x1E;
	[tilespmem:s0+$0x2700] =	vst v2;
	v2 =	vnsel vm5, $0x0, v0  }
0x171: {  	vm7 =	veq.s32 v1, $0x1F;
	[tilespmem:s16+$0x2000] =	vst v2;
	v2 =	vnsel vm6, $0x0, v0  }
0x172: {  	vm8 =	veq.s32 v1, $0x20;
	[tilespmem:s0+$0x2780] =	vst v2;
	v2 =	vnsel vm7, $0x0, v0  }
0x173: {  	vm9 =	veq.s32 v1, $0x21;
	[tilespmem:s17+$0x2000] =	vst v2;
	v2 =	vnsel vm8, $0x0, v0  }
0x174: {  	vm10 =	veq.s32 v1, $0x22;
	[tilespmem:s0+$0x2800] =	vst v2;
	v2 =	vnsel vm9, $0x0, v0  }
0x175: {  	vm11 =	veq.s32 v1, $0x23;
	[tilespmem:s18+$0x2000] =	vst v2;
	v2 =	vnsel vm10, $0x0, v0  }
0x176: {  	vm12 =	veq.s32 v1, $0x24;
	[tilespmem:s0+$0x2880] =	vst v2;
	v2 =	vnsel vm11, $0x0, v0  }
0x177: {  	vm13 =	veq.s32 v1, $0x25;
	[tilespmem:s19+$0x2000] =	vst v2;
	v2 =	vnsel vm12, $0x0, v0  }
0x178: {  	vm14 =	veq.s32 v1, $0x26;
	[tilespmem:s0+$0x2900] =	vst v2;
	v2 =	vnsel vm13, $0x0, v0  }
0x179: {  	vm15 =	veq.s32 v1, $0x27;
	[tilespmem:s20+$0x2000] =	vst v2;
	v2 =	vnsel vm14, $0x0, v0  }
0x17a: {  	vm4 =	veq.s32 v1, $0x28;
	[tilespmem:s0+$0x2980] =	vst v2;
	v2 =	vnsel vm15, $0x0, v0  }
0x17b: {  	vm5 =	veq.s32 v1, $0x29;
	[tilespmem:s21+$0x2000] =	vst v2;
	v2 =	vnsel vm4, $0x0, v0  }
0x17c: {  	vm6 =	veq.s32 v1, $0x2A;
	[tilespmem:s0+$0x2A00] =	vst v2;
	v2 =	vnsel vm5, $0x0, v0  }
0x17d: {  	vm7 =	veq.s32 v1, $0x2B;
	[tilespmem:s22+$0x2000] =	vst v2;
	v2 =	vnsel vm6, $0x0, v0  }
0x17e: {  	vm8 =	veq.s32 v1, $0x2C;
	[tilespmem:s0+$0x2A80] =	vst v2;
	v2 =	vnsel vm7, $0x0, v0  }
0x17f: {  	vm9 =	veq.s32 v1, $0x2D;
	[tilespmem:s23+$0x2000] =	vst v2;
	v2 =	vnsel vm8, $0x0, v0  }
0x180: {  	vm10 =	veq.s32 v1, $0x2E;
	[tilespmem:s0+$0x2B00] =	vst v2;
	v2 =	vnsel vm9, $0x0, v0  }
0x181: {  	vm11 =	veq.s32 v1, $0x2F;
	[tilespmem:s24+$0x2000] =	vst v2;
	v2 =	vnsel vm10, $0x0, v0  }
0x182: {  	vm12 =	veq.s32 v1, $0x30;
	[tilespmem:s0+$0x2B80] =	vst v2;
	v2 =	vnsel vm11, $0x0, v0  }
0x183: {  	vm13 =	veq.s32 v1, $0x31;
	[tilespmem:s25+$0x2000] =	vst v2;
	v2 =	vnsel vm12, $0x0, v0  }
0x184: {  	vm14 =	veq.s32 v1, $0x32;
	[tilespmem:s26+$0x2000] =	vst v2;
	v2 =	vnsel vm13, $0x0, v0  }
0x185: {  	vm15 =	veq.s32 v1, $0x33;
	[tilespmem:s28+$0x2000] =	vst v2;
	v2 =	vnsel vm14, $0x0, v0  }
0x186: {  	vm4 =	veq.s32 v1, $0x34;
	[tilespmem:s29+$0x2000] =	vst v2;
	v2 =	vnsel vm15, $0x0, v0  }
0x187: {  	vm5 =	veq.s32 v1, $0x35;
	[tilespmem:s30+$0x2000] =	vst v2;
	v2 =	vnsel vm4, $0x0, v0  }
0x188: {  	vm6 =	veq.s32 v1, $0x36;
	[tilespmem:s12+$0x2000] =	vst v2;
	v2 =	vnsel vm5, $0x0, v0  }
0x189: {  	vm7 =	veq.s32 v1, $0x37;
	[tilespmem:s11+$0x2000] =	vst v2;
	v2 =	vnsel vm6, $0x0, v0  }
0x18a: {  	vm8 =	veq.s32 v1, $0x38;
	[tilespmem:s9+$0x2000] =	vst v2;
	v2 =	vnsel vm7, $0x0, v0  }
0x18b: {  	vm9 =	veq.s32 v1, $0x39;
	[tilespmem:s8+$0x2000] =	vst v2;
	v2 =	vnsel vm8, $0x0, v0  }
0x18c: {  	vm10 =	veq.s32 v1, $0x3A;
	[tilespmem:s7+$0x2000] =	vst v2;
	v2 =	vnsel vm9, $0x0, v0  }
0x18d: {  	vm11 =	veq.s32 v1, $0x3B;
	[tilespmem:s5+$0x2000] =	vst v2;
	v2 =	vnsel vm10, $0x0, v0  }
0x18e: {  	vm12 =	veq.s32 v1, $0x3C;
	[tilespmem:s3+$0x2000] =	vst v2;
	v2 =	vnsel vm11, $0x0, v0  }
0x18f: {  	s1 =	simm.s32 $0x20;
	vm13 =	veq.s32 v1, $0x3D;
	[tilespmem:s4+$0x2000] =	vst v2;
	v2 =	vnsel vm12, $0x0, v0  }
0x190: {  	s13 =	simm.s32 $0x1;
	s0 =	simm.s32 $0x10;
	vm14 =	veq.s32 v1, $0x3E;
	vm15 =	veq.s32 v1, $0x3F;
	v1 =	vnsel vm13, $0x0, v0;
	s12 =	simm.s32 $0x400;
	[tilespmem:s2+$0x2000] =	vst v2  }
0x191: {  	s11 =	simm.s32 $0x410;
	s4 =	sand.u32 $0x30, s0;
	v2 =	vnsel vm14, $0x0, v0;
	s2 =	sand.u32 $0x1000, s12;
	v0 =	vnsel vm15, $0x0, v0;
	[tilespmem:s6+$0x2000] =	vst v1  }
.LBB2_2:
0x192: {  	s0 =	sor.u32 s0, s2;
	[tilespmem:s31+$0x2000] =	vst v2  }
0x193: {  	s9 =	sor.u32 $0x40, s0;
	[tilespmem:s10+$0x2000] =	vst v0  }
0x194: {  	s17 =	sor.u32 s4, s2;
	v3 =	vld [tilespmem:s9+$0x0]  }
0x195: {  	v4 =	vld [tilespmem:s17+$0x0];
	_ =	sdelay $0x1  }
0x196: {  	v5 =	vld [tilespmem:s17+$0x80]  }
0x197: {  	s15 =	sor.u32 $0xC0, s0  }
0x198: {  	v6 =	vld [tilespmem:s15+$0x0]  }
0x199: {  	vm0 =	vgt.f32 v3, v4  }
0x19a: {  	v7 =	vld [tilespmem:s17+$0x100];
	v0 =	vsel vm0, v3, v4  }
0x19b: {  	s16 =	sor.u32 $0x140, s0;
	vm13 =	vgt.f32 v5, v0  }
0x19c: {  	v2 =	vld [tilespmem:s16+$0x0];
	v0 =	vsel vm13, v5, v0  }
0x19d: {  	vm14 =	vgt.f32 v6, v0  }
0x19e: {  	v8 =	vld [tilespmem:s17+$0x180];
	v0 =	vsel vm14, v6, v0  }
0x19f: {  	s18 =	sor.u32 $0x1C0, s0;
	vm15 =	vgt.f32 v7, v0  }
0x1a0: {  	v22 =	vld [tilespmem:s18+$0x0];
	v0 =	vsel vm15, v7, v0  }
0x1a1: {  	vm4 =	vgt.f32 v2, v0  }
0x1a2: {  	v40 =	vld [tilespmem:s17+$0x200];
	v0 =	vsel vm4, v2, v0  }
0x1a3: {  	s19 =	sor.u32 $0x240, s0;
	vm5 =	vgt.f32 v8, v0  }
0x1a4: {  	v49 =	vld [tilespmem:s19+$0x0];
	v0 =	vsel vm5, v8, v0  }
0x1a5: {  	vm6 =	vgt.f32 v22, v0  }
0x1a6: {  	v51 =	vld [tilespmem:s17+$0x280];
	v0 =	vsel vm6, v22, v0  }
0x1a7: {  	s20 =	sor.u32 $0x2C0, s0;
	vm1 =	vgt.f32 v40, v0  }
0x1a8: {  	v53 =	vld [tilespmem:s20+$0x0];
	v0 =	vsel vm1, v40, v0  }
0x1a9: {  	vm2 =	vgt.f32 v49, v0  }
0x1aa: {  	v54 =	vld [tilespmem:s17+$0x300];
	v0 =	vsel vm2, v49, v0  }
0x1ab: {  	s21 =	sor.u32 $0x340, s0;
	vm7 =	vgt.f32 v51, v0  }
0x1ac: {  	v57 =	vld [tilespmem:s21+$0x0];
	v0 =	vsel vm7, v51, v0  }
0x1ad: {  	vm8 =	vgt.f32 v53, v0  }
0x1ae: {  	v59 =	vld [tilespmem:s17+$0x380];
	v0 =	vsel vm8, v53, v0  }
0x1af: {  	s22 =	sor.u32 $0x3C0, s0;
	vm9 =	vgt.f32 v54, v0  }
0x1b0: {  	v63 =	vld [tilespmem:s22+$0x0];
	v0 =	vsel vm9, v54, v0  }
0x1b1: {  	vm10 =	vgt.f32 v57, v0  }
0x1b2: {  	v10 =	vld [tilespmem:s17+$0x400];
	[tilespmem:$0x1FC90] =	vst v2;
	v2 =	vsel vm10, v57, v0  }
0x1b3: {  	s23 =	sor.u32 $0x440, s0;
	vm11 =	vgt.f32 v59, v2  }
0x1b4: {  	v9 =	vld [tilespmem:s23+$0x0];
	v56 =	vsel vm11, v59, v2  }
0x1b5: {  	v1 =	vimm.s32 $0x0;
	vm12 =	vgt.f32 v63, v56  }
0x1b6: {  	v13 =	vld [tilespmem:s17+$0x480];
	[tilespmem:$0x1FCA0] =	vst v8;
	v1 =	vsel vm0, $0x1, v1;
	v8 =	vsel vm12, v63, v56  }
0x1b7: {  	s24 =	sor.u32 $0x4C0, s0;
	v1 =	vsel vm13, $0x2, v1;
	vm13 =	vgt.f32 v10, v8  }
0x1b8: {  	v62 =	vld [tilespmem:s24+$0x0];
	v8 =	vsel vm13, v10, v8  }
0x1b9: {  	v1 =	vsel vm14, $0x3, v1;
	vm14 =	vgt.f32 v9, v8  }
0x1ba: {  	v60 =	vld [tilespmem:s17+$0x500];
	v8 =	vsel vm14, v9, v8  }
0x1bb: {  	s25 =	sor.u32 $0x540, s0;
	v1 =	vsel vm15, $0x4, v1;
	vm15 =	vgt.f32 v13, v8  }
0x1bc: {  	v58 =	vld [tilespmem:s25+$0x0];
	v8 =	vsel vm15, v13, v8  }
0x1bd: {  	v1 =	vsel vm4, $0x5, v1;
	vm4 =	vgt.f32 v62, v8  }
0x1be: {  	v56 =	vld [tilespmem:s17+$0x580];
	v8 =	vsel vm4, v62, v8  }
0x1bf: {  	s26 =	sor.u32 $0x5C0, s0;
	v1 =	vsel vm5, $0x6, v1;
	vm5 =	vgt.f32 v60, v8  }
0x1c0: {  	v55 =	vld [tilespmem:s26+$0x0];
	v1 =	vsel vm6, $0x7, v1;
	v8 =	vsel vm5, v60, v8  }
0x1c1: {  	v1 =	vsel vm1, $0x8, v1;
	vm6 =	vgt.f32 v58, v8  }
0x1c2: {  	v52 =	vld [tilespmem:s17+$0x600];
	v1 =	vsel vm2, $0x9, v1;
	v8 =	vsel vm6, v58, v8  }
0x1c3: {  	s28 =	sor.u32 $0x640, s0;
	v1 =	vsel vm7, $0xA, v1;
	vm7 =	vgt.f32 v56, v8  }
0x1c4: {  	v48 =	vld [tilespmem:s28+$0x0];
	v8 =	vsel vm7, v56, v8  }
0x1c5: {  	v1 =	vsel vm8, $0xB, v1;
	vm8 =	vgt.f32 v55, v8  }
0x1c6: {  	v35 =	vld [tilespmem:s17+$0x680];
	v8 =	vsel vm8, v55, v8  }
0x1c7: {  	s29 =	sor.u32 $0x6C0, s0;
	v1 =	vsel vm9, $0xC, v1;
	vm9 =	vgt.f32 v52, v8  }
0x1c8: {  	v23 =	vld [tilespmem:s29+$0x0];
	v8 =	vsel vm9, v52, v8  }
0x1c9: {  	v1 =	vsel vm10, $0xD, v1;
	vm10 =	vgt.f32 v48, v8  }
0x1ca: {  	s3 =	sand.u32 $0x30, s1;
	s5 =	smov.u32 s1;
	v28 =	vld [tilespmem:s17+$0x700];
	v8 =	vsel vm10, v48, v8  }
0x1cb: {  	s8 =	sadd.s32 $0x10, s1;
	p0 =	sne.s32 s1, $0x70;
	s1 =	sor.u32 $0x740, s0;
	v1 =	vsel vm11, $0xE, v1;
	vm11 =	vgt.f32 v35, v8  }
0x1cc: {  	v45 =	vld [tilespmem:s1+$0x0];
	v8 =	vsel vm11, v35, v8  }
0x1cd: {  	v1 =	vsel vm12, $0xF, v1;
	vm12 =	vgt.f32 v23, v8  }
0x1ce: {  	v29 =	vld [tilespmem:s17+$0x780];
	v8 =	vsel vm12, v23, v8  }
0x1cf: {  	s7 =	sor.u32 $0x7C0, s0;
	v1 =	vsel vm13, $0x10, v1;
	vm13 =	vgt.f32 v28, v8  }
0x1d0: {  	v17 =	vld [tilespmem:s7+$0x0];
	v8 =	vsel vm13, v28, v8  }
0x1d1: {  	v1 =	vsel vm14, $0x11, v1;
	vm14 =	vgt.f32 v45, v8  }
0x1d2: {  	v24 =	vld [tilespmem:s17+$0x800];
	v8 =	vsel vm14, v45, v8  }
0x1d3: {  	s14 =	smov.u32 s3;
	s3 =	sor.u32 $0x840, s0;
	v1 =	vsel vm15, $0x12, v1;
	vm15 =	vgt.f32 v29, v8  }
0x1d4: {  	v41 =	vld [tilespmem:s3+$0x0];
	v8 =	vsel vm15, v29, v8  }
0x1d5: {  	v1 =	vsel vm4, $0x13, v1;
	vm4 =	vgt.f32 v17, v8  }
0x1d6: {  	v25 =	vld [tilespmem:s17+$0x880];
	v8 =	vsel vm4, v17, v8  }
0x1d7: {  	s4 =	sor.u32 $0x8C0, s0;
	v1 =	vsel vm5, $0x14, v1;
	vm5 =	vgt.f32 v24, v8  }
0x1d8: {  	v0 =	vld [tilespmem:s4+$0x0];
	v8 =	vsel vm5, v24, v8  }
0x1d9: {  	v1 =	vsel vm6, $0x15, v1;
	vm6 =	vgt.f32 v41, v8  }
0x1da: {  	v18 =	vld [tilespmem:s17+$0x900];
	v8 =	vsel vm6, v41, v8  }
0x1db: {  	[dreg:$0x4] =	wrdreg s5;
	s5 =	sor.u32 $0x940, s0;
	v1 =	vsel vm7, $0x16, v1;
	vm7 =	vgt.f32 v25, v8  }
0x1dc: {  	v36 =	vld [tilespmem:s5+$0x0];
	v8 =	vsel vm7, v25, v8  }
0x1dd: {  	v1 =	vsel vm8, $0x17, v1;
	vm8 =	vgt.f32 v0, v8  }
0x1de: {  	v19 =	vld [tilespmem:s17+$0x980];
	v8 =	vsel vm8, v0, v8  }
0x1df: {  	s6 =	sor.u32 $0x9C0, s0;
	v1 =	vsel vm9, $0x18, v1;
	vm9 =	vgt.f32 v18, v8  }
0x1e0: {  	[tilespmem:$0x1FCB0] =	vst v0;
	v0 =	vld [tilespmem:s6+$0x0];
	v8 =	vsel vm9, v18, v8  }
0x1e1: {  	v1 =	vsel vm10, $0x19, v1;
	vm10 =	vgt.f32 v36, v8  }
0x1e2: {  	v14 =	vld [tilespmem:s17+$0xA00];
	v8 =	vsel vm10, v36, v8  }
0x1e3: {  	s2 =	sor.u32 $0xA40, s0;
	v1 =	vsel vm11, $0x1A, v1;
	vm11 =	vgt.f32 v19, v8  }
0x1e4: {  	v30 =	vld [tilespmem:s2+$0x0];
	v8 =	vsel vm11, v19, v8  }
0x1e5: {  	v1 =	vsel vm12, $0x1B, v1;
	vm12 =	vgt.f32 v0, v8  }
0x1e6: {  	v15 =	vld [tilespmem:s17+$0xA80];
	v11 =	vsel vm12, v0, v8  }
0x1e7: {  	[dreg:$0x3] =	wrdreg s8;
	s8 =	sor.u32 $0xAC0, s0;
	v1 =	vsel vm13, $0x1C, v1;
	vm13 =	vgt.f32 v14, v11  }
0x1e8: {  	v8 =	vld [tilespmem:s8+$0x0];
	v12 =	vsel vm13, v14, v11  }
0x1e9: {  	v1 =	vsel vm14, $0x1D, v1;
	vm14 =	vgt.f32 v30, v12  }
0x1ea: {  	v11 =	vld [tilespmem:s17+$0xB00];
	v12 =	vsel vm14, v30, v12  }
0x1eb: {  	[dreg:$0x5] =	wrdreg s14;
	s14 =	sor.u32 $0xB40, s0;
	v1 =	vsel vm15, $0x1E, v1;
	vm15 =	vgt.f32 v15, v12  }
0x1ec: {  	v26 =	vld [tilespmem:s14+$0x0];
	v12 =	vsel vm15, v15, v12  }
0x1ed: {  	v1 =	vsel vm4, $0x1F, v1;
	vm4 =	vgt.f32 v8, v12  }
0x1ee: {  	[dreg:$0x6] =	wrdreg s9;
	s9 =	sand.u32 $0x3, s13;
	v16 =	vld [tilespmem:s17+$0xB80];
	v20 =	vsel vm4, v8, v12  }
0x1ef: {  	[dreg:$0x8] =	wrdreg s16;
	s16 =	sor.u32 $0xBC0, s0;
	s9 =	sshll.u32 s9, $0x4;
	v1 =	vsel vm5, $0x20, v1;
	vm5 =	vgt.f32 v11, v20  }
0x1f0: {  	s30 =	sadd.s32 s9, s12;
	v12 =	vld [tilespmem:s16+$0x0];
	v21 =	vsel vm5, v11, v20  }
0x1f1: {  	[dreg:$0x9] =	wrdreg s18;
	s18 =	sor.u32 $0xC00, s30;
	v1 =	vsel vm6, $0x21, v1;
	vm6 =	vgt.f32 v26, v21  }
0x1f2: {  	v20 =	vld [tilespmem:s18+$0x0];
	v21 =	vsel vm6, v26, v21  }
0x1f3: {  	[dreg:$0xa] =	wrdreg s19;
	s19 =	sor.u32 $0xC40, s11;
	v1 =	vsel vm7, $0x22, v1;
	vm7 =	vgt.f32 v16, v21  }
0x1f4: {  	v42 =	vld [tilespmem:s19+$0x0];
	v21 =	vsel vm7, v16, v21  }
0x1f5: {  	[dreg:$0xb] =	wrdreg s20;
	s20 =	sor.u32 $0xC80, s30;
	v1 =	vsel vm8, $0x23, v1;
	vm8 =	vgt.f32 v12, v21  }
0x1f6: {  	v31 =	vld [tilespmem:s20+$0x0];
	v27 =	vsel vm8, v12, v21  }
0x1f7: {  	[dreg:$0xc] =	wrdreg s21;
	s21 =	sor.u32 $0xCC0, s11;
	v1 =	vsel vm9, $0x24, v1;
	vm9 =	vgt.f32 v20, v27  }
0x1f8: {  	v21 =	vld [tilespmem:s21+$0x0];
	v27 =	vsel vm9, v20, v27  }
0x1f9: {  	[dreg:$0xd] =	wrdreg s22;
	s22 =	sor.u32 $0xD00, s30;
	v1 =	vsel vm10, $0x25, v1;
	vm10 =	vgt.f32 v42, v27  }
0x1fa: {  	v32 =	vld [tilespmem:s22+$0x0];
	v27 =	vsel vm10, v42, v27  }
0x1fb: {  	[dreg:$0xe] =	wrdreg s23;
	s23 =	sor.u32 $0xD40, s11;
	v1 =	vsel vm11, $0x26, v1;
	vm11 =	vgt.f32 v31, v27  }
0x1fc: {  	v46 =	vld [tilespmem:s23+$0x0];
	v27 =	vsel vm11, v31, v27  }
0x1fd: {  	[dreg:$0xf] =	wrdreg s24;
	s24 =	sor.u32 $0xD80, s30;
	v1 =	vsel vm12, $0x27, v1;
	vm12 =	vgt.f32 v21, v27  }
0x1fe: {  	v37 =	vld [tilespmem:s24+$0x0];
	v33 =	vsel vm12, v21, v27  }
0x1ff: {  	[dreg:$0x10] =	wrdreg s25;
	s25 =	sor.u32 $0xDC0, s11;
	v1 =	vsel vm13, $0x28, v1;
	vm13 =	vgt.f32 v32, v33  }
0x200: {  	v27 =	vld [tilespmem:s25+$0x0];
	v34 =	vsel vm13, v32, v33  }
0x201: {  	[dreg:$0x11] =	wrdreg s26;
	s26 =	sor.u32 $0xE00, s30;
	v1 =	vsel vm14, $0x29, v1;
	vm14 =	vgt.f32 v46, v34  }
0x202: {  	v33 =	vld [tilespmem:s26+$0x0];
	v34 =	vsel vm14, v46, v34  }
0x203: {  	[dreg:$0x12] =	wrdreg s28;
	s28 =	sor.u32 $0xE40, s11;
	v1 =	vsel vm15, $0x2A, v1;
	vm15 =	vgt.f32 v37, v34  }
0x204: {  	v43 =	vld [tilespmem:s28+$0x0];
	v34 =	vsel vm15, v37, v34  }
0x205: {  	[dreg:$0x13] =	wrdreg s29;
	s29 =	sor.u32 $0xE80, s30;
	v1 =	vsel vm4, $0x2B, v1;
	vm4 =	vgt.f32 v27, v34  }
0x206: {  	v38 =	vld [tilespmem:s29+$0x0];
	v39 =	vsel vm4, v27, v34  }
0x207: {  	[dreg:$0x7] =	wrdreg s15;
	s15 =	sor.u32 $0xEC0, s11;
	v1 =	vsel vm5, $0x2C, v1;
	vm5 =	vgt.f32 v33, v39  }
0x208: {  	v34 =	vld [tilespmem:s15+$0x0];
	v39 =	vsel vm5, v33, v39  }
0x209: {  	s0 =	sor.u32 $0xF00, s30;
	v1 =	vsel vm6, $0x2D, v1;
	vm6 =	vgt.f32 v43, v39  }
0x20a: {  	v44 =	vld [tilespmem:s0+$0x0];
	v39 =	vsel vm6, v43, v39  }
0x20b: {  	s9 =	sor.u32 $0xF40, s11;
	v1 =	vsel vm7, $0x2E, v1;
	vm7 =	vgt.f32 v38, v39  }
0x20c: {  	v50 =	vld [tilespmem:s9+$0x0];
	v39 =	vsel vm7, v38, v39  }
0x20d: {  	s31 =	sor.u32 $0xF80, s30;
	v1 =	vsel vm8, $0x2F, v1;
	vm8 =	vgt.f32 v34, v39  }
0x20e: {  	v47 =	vld [tilespmem:s31+$0x0];
	v61 =	vsel vm8, v34, v39  }
0x20f: {  	s10 =	sor.u32 $0xFC0, s11;
	v1 =	vsel vm9, $0x30, v1;
	vm9 =	vgt.f32 v44, v61  }
0x210: {  	v39 =	vld [tilespmem:s10+$0x0];
	v61 =	vsel vm9, v44, v61  }
0x211: {  	v1 =	vsel vm10, $0x31, v1;
	vm10 =	vgt.f32 v50, v61  }
0x212: {  	v61 =	vsel vm10, v50, v61  }
0x213: {  	v1 =	vsel vm11, $0x32, v1;
	vm11 =	vgt.f32 v47, v61  }
0x214: {  	v61 =	vsel vm11, v47, v61  }
0x215: {  	v1 =	vsel vm12, $0x33, v1;
	vm12 =	vgt.f32 v39, v61  }
0x216: {  	v61 =	vsel vm12, v39, v61  }
0x217: {  	v4 =	vsub.f32 v4, v61;
	_ =	sdelay $0x1  }
0x218: {  	[tilespmem:$0x1FCC0] =	vst v0;
	v0 =	vsub.f32 v3, v61;
	v3 =	vsub.f32 v6, v61;
	v6 =	vld [tilespmem:$0x1FC90];
	v4 =	vmul.f32 $1.428571460e+00, v4  }
0x219: {  	v2 =	vsub.f32 v5, v61  }
0x21a: {  	v5 =	vsub.f32 v7, v61;
	v7 =	vld [tilespmem:$0x1FCA0];
	v0 =	vmul.f32 $1.428571460e+00, v0;
	v4 =	vmul.f32 $1.442695020e+00, v4  }
0x21b: {  	v2 =	vmul.f32 $1.428571460e+00, v2  }
0x21c: {  	v22 =	vsub.f32 v22, v61;
	v0 =	vmul.f32 $1.442695020e+00, v0;
	(erf) = vpow2.f32 v4  }
0x21d: {  	v3 =	vmul.f32 $1.428571460e+00, v3;
	v5 =	vmul.f32 $1.428571460e+00, v5;
	v6 =	vsub.f32 v6, v61  }
0x21e: {  	v40 =	vsub.f32 v40, v61;
	v2 =	vmul.f32 $1.442695020e+00, v2;
	(erf) = vpow2.f32 v0  }
0x21f: {  	v3 =	vmul.f32 $1.442695020e+00, v3;
	v7 =	vsub.f32 v7, v61;
	v4 =	vmul.f32 $1.428571460e+00, v6  }
0x220: {  	v6 =	vsub.f32 v49, v61;
	v0 =	vmul.f32 $1.442695020e+00, v5;
	(erf) = vpow2.f32 v2  }
0x221: {  	v5 =	vmul.f32 $1.428571460e+00, v7;
	v7 =	vsub.f32 v51, v61;
	v49 =	vsub.f32 v53, v61  }
0x222: {  	v51 =	vsub.f32 v57, v61;
	v4 =	vmul.f32 $1.442695020e+00, v4;
	(erf) = vpow2.f32 v3  }
0x223: {  	v57 =	vmul.f32 $1.428571460e+00, v6;
	v6 =	vsub.f32 v59, v61;
	v59 =	vmul.f32 $1.428571460e+00, v7  }
0x224: {  	v53 =	vsub.f32 v63, v61;
	v2 =	vmul.f32 $1.442695020e+00, v5;
	(erf) = vpow2.f32 v0  }
0x225: {  	v5 =	vmul.f32 $1.428571460e+00, v22;
	v22 =	vsub.f32 v54, v61;
	v63 =	vmul.f32 $1.428571460e+00, v49;
	v54 =	vpop (erf)  }
0x226: {  	v0 =	vmul.f32 $1.442695020e+00, v57;
	(erf) = vpow2.f32 v4;
	v57 =	vadd.f32 $0.0e+00, v54  }
0x227: {  	v3 =	vmul.f32 $1.442695020e+00, v5;
	v5 =	vmul.f32 $1.442695020e+00, v59;
	v59 =	vpop (erf)  }
0x228: {  	v40 =	vmul.f32 $1.428571460e+00, v40;
	(erf) = vpow2.f32 v2;
	v2 =	vadd.f32 v57, v59  }
0x229: {  	v7 =	vsub.f32 v10, v61;
	v10 =	vmul.f32 $1.442695020e+00, v63;
	v63 =	vmul.f32 $1.428571460e+00, v51;
	v54 =	vpop (erf)  }
0x22a: {  	v40 =	vmul.f32 $1.442695020e+00, v40;
	(erf) = vpow2.f32 v3;
	v2 =	vadd.f32 v2, v54  }
0x22b: {  	v57 =	vmul.f32 $1.428571460e+00, v53;
	v59 =	vpop (erf)  }
0x22c: {  	(erf) = vpow2.f32 v40;
	v2 =	vadd.f32 v2, v59  }
0x22d: {  	v22 =	vmul.f32 $1.428571460e+00, v22;
	v3 =	vmul.f32 $1.442695020e+00, v63;
	v63 =	vpop (erf)  }
0x22e: {  	(erf) = vpow2.f32 v0;
	v0 =	vadd.f32 v2, v63  }
0x22f: {  	v51 =	vsub.f32 v62, v61;
	v4 =	vmul.f32 $1.442695020e+00, v22;
	v22 =	vmul.f32 $1.442695020e+00, v57;
	v57 =	vpop (erf)  }
0x230: {  	(erf) = vpow2.f32 v5;
	v0 =	vadd.f32 v0, v57  }
0x231: {  	v62 =	vsub.f32 v60, v61;
	v59 =	vmul.f32 $1.428571460e+00, v51;
	v60 =	vpop (erf)  }
0x232: {  	v49 =	vsub.f32 v58, v61;
	(erf) = vpow2.f32 v10;
	v0 =	vadd.f32 v0, v60  }
0x233: {  	v58 =	vsub.f32 v56, v61;
	v7 =	vmul.f32 $1.428571460e+00, v7;
	v63 =	vsub.f32 v55, v61;
	v56 =	vpop (erf)  }
0x234: {  	v6 =	vmul.f32 $1.428571460e+00, v6;
	(erf) = vpow2.f32 v4;
	v0 =	vadd.f32 v0, v56  }
0x235: {  	v2 =	vmul.f32 $1.442695020e+00, v7;
	v7 =	vmul.f32 $1.442695020e+00, v59;
	v59 =	vpop (erf)  }
0x236: {  	v6 =	vmul.f32 $1.442695020e+00, v6;
	(erf) = vpow2.f32 v3;
	v0 =	vadd.f32 v0, v59  }
0x237: {  	v60 =	vmul.f32 $1.428571460e+00, v63;
	v63 =	vpop (erf)  }
0x238: {  	v9 =	vsub.f32 v9, v61;
	(erf) = vpow2.f32 v6;
	v0 =	vadd.f32 v0, v63  }
0x239: {  	v13 =	vsub.f32 v13, v61;
	v51 =	vpop (erf)  }
0x23a: {  	v9 =	vmul.f32 $1.428571460e+00, v9;
	(erf) = vpow2.f32 v22;
	v0 =	vadd.f32 v0, v51  }
0x23b: {  	v54 =	vmul.f32 $1.428571460e+00, v13;
	v57 =	vsub.f32 v52, v61;
	v53 =	vpop (erf)  }
0x23c: {  	v9 =	vmul.f32 $1.442695020e+00, v9;
	(erf) = vpow2.f32 v2;
	v0 =	vadd.f32 v0, v53  }
0x23d: {  	v62 =	vmul.f32 $1.428571460e+00, v62;
	v5 =	vmul.f32 $1.442695020e+00, v54;
	v56 =	vpop (erf)  }
0x23e: {  	v55 =	vmul.f32 $1.428571460e+00, v49;
	(erf) = vpow2.f32 v9;
	v0 =	vadd.f32 v0, v56  }
0x23f: {  	v49 =	vmul.f32 $1.442695020e+00, v62;
	v62 =	vmul.f32 $1.428571460e+00, v57;
	v57 =	vpop (erf)  }
0x240: {  	(erf) = vpow2.f32 v5;
	v0 =	vadd.f32 v0, v57  }
0x241: {  	v40 =	vmul.f32 $1.442695020e+00, v60;
	v60 =	vpop (erf)  }
0x242: {  	(erf) = vpow2.f32 v7;
	v0 =	vadd.f32 v0, v60  }
0x243: {  	v48 =	vsub.f32 v48, v61;
	v58 =	vmul.f32 $1.428571460e+00, v58;
	v59 =	vsub.f32 v24, v61;
	v24 =	vpop (erf)  }
0x244: {  	v4 =	vmul.f32 $1.442695020e+00, v55;
	(erf) = vpow2.f32 v49;
	v0 =	vadd.f32 v0, v24  }
0x245: {  	v35 =	vsub.f32 v35, v61;
	v54 =	vsub.f32 v45, v61;
	v45 =	vpop (erf)  }
0x246: {  	v3 =	vmul.f32 $1.442695020e+00, v58;
	(erf) = vpow2.f32 v4;
	v0 =	vadd.f32 v0, v45  }
0x247: {  	v29 =	vsub.f32 v29, v61;
	v35 =	vmul.f32 $1.428571460e+00, v35;
	v51 =	vpop (erf)  }
0x248: {  	v48 =	vmul.f32 $1.428571460e+00, v48;
	(erf) = vpow2.f32 v3;
	v0 =	vadd.f32 v0, v51  }
0x249: {  	v52 =	vsub.f32 v28, v61;
	v28 =	vmul.f32 $1.442695020e+00, v35;
	v58 =	vmul.f32 $1.428571460e+00, v29;
	v53 =	vpop (erf)  }
0x24a: {  	v6 =	vmul.f32 $1.442695020e+00, v62;
	(erf) = vpow2.f32 v40;
	v0 =	vadd.f32 v0, v53  }
0x24b: {  	v23 =	vsub.f32 v23, v61;
	v35 =	vmul.f32 $1.428571460e+00, v54;
	v63 =	vmul.f32 $1.428571460e+00, v59;
	v54 =	vpop (erf)  }
0x24c: {  	v10 =	vmul.f32 $1.442695020e+00, v48;
	(erf) = vpow2.f32 v6;
	v0 =	vadd.f32 v0, v54  }
0x24d: {  	v5 =	vmul.f32 $1.442695020e+00, v58;
	v58 =	vpop (erf)  }
0x24e: {  	v2 =	vmul.f32 $1.428571460e+00, v23;
	(erf) = vpow2.f32 v10;
	v0 =	vadd.f32 v0, v58  }
0x24f: {  	v17 =	vsub.f32 v17, v61;
	v55 =	vmul.f32 $1.428571460e+00, v52;
	v7 =	vmul.f32 $1.442695020e+00, v63;
	v63 =	vpop (erf)  }
0x250: {  	v2 =	vmul.f32 $1.442695020e+00, v2;
	(erf) = vpow2.f32 v28;
	v0 =	vadd.f32 v0, v63  }
0x251: {  	v19 =	vsub.f32 v19, v61;
	v15 =	vsub.f32 v15, v61;
	v28 =	vpop (erf)  }
0x252: {  	v9 =	vmul.f32 $1.442695020e+00, v55;
	(erf) = vpow2.f32 v2;
	v0 =	vadd.f32 v0, v28  }
0x253: {  	v48 =	vld [tilespmem:$0x1FCB0];
	v29 =	vsub.f32 v25, v61;
	v60 =	vsub.f32 v30, v61;
	v30 =	vpop (erf)  }
0x254: {  	v22 =	vmul.f32 $1.442695020e+00, v35;
	(erf) = vpow2.f32 v9;
	v0 =	vadd.f32 v0, v30  }
0x255: {  	v17 =	vmul.f32 $1.428571460e+00, v17;
	v52 =	vsub.f32 v36, v61;
	v23 =	vmul.f32 $1.428571460e+00, v29;
	v36 =	vpop (erf)  }
0x256: {  	v29 =	vsub.f32 v11, v61;
	v55 =	vld [tilespmem:$0x1FCC0];
	(erf) = vpow2.f32 v22;
	v11 =	vadd.f32 v0, v36  }
0x257: {  	v8 =	vsub.f32 v8, v61;
	v17 =	vmul.f32 $1.442695020e+00, v17;
	v62 =	vsub.f32 v41, v61;
	v45 =	vpop (erf)  }
0x258: {  	v25 =	vsub.f32 v48, v61;
	(erf) = vpow2.f32 v5;
	v48 =	vadd.f32 v11, v45  }
0x259: {  	v41 =	vmul.f32 $1.428571460e+00, v62;
	v57 =	vsub.f32 v14, v61;
	v24 =	vmul.f32 $1.428571460e+00, v52;
	v52 =	vpop (erf)  }
0x25a: {  	v26 =	vsub.f32 v26, v61;
	(erf) = vpow2.f32 v17;
	v5 =	vadd.f32 v48, v52  }
0x25b: {  	v4 =	vmul.f32 $1.442695020e+00, v41;
	v3 =	vmul.f32 $1.428571460e+00, v25;
	v25 =	vsub.f32 v55, v61;
	v54 =	vpop (erf)  }
0x25c: {  	v62 =	vmul.f32 $1.428571460e+00, v57;
	(erf) = vpow2.f32 v7;
	v5 =	vadd.f32 v5, v54  }
0x25d: {  	v49 =	vsub.f32 v18, v61;
	v59 =	vmul.f32 $1.428571460e+00, v25;
	v25 =	vmul.f32 $1.428571460e+00, v60;
	v57 =	vpop (erf)  }
0x25e: {  	v23 =	vmul.f32 $1.442695020e+00, v23;
	(erf) = vpow2.f32 v4;
	v58 =	vadd.f32 v5, v57  }
0x25f: {  	v12 =	vsub.f32 v12, v61;
	v15 =	vmul.f32 $1.428571460e+00, v15;
	v13 =	vmul.f32 $1.428571460e+00, v49;
	v60 =	vpop (erf)  }
0x260: {  	v3 =	vmul.f32 $1.442695020e+00, v3;
	(erf) = vpow2.f32 v23;
	v4 =	vadd.f32 v58, v60  }
0x261: {  	v21 =	vsub.f32 v21, v61;
	v35 =	vmul.f32 $1.428571460e+00, v29;
	v2 =	vmul.f32 $1.442695020e+00, v25;
	v25 =	vpop (erf)  }
0x262: {  	v13 =	vmul.f32 $1.442695020e+00, v13;
	(erf) = vpow2.f32 v3;
	v3 =	vadd.f32 v4, v25  }
0x263: {  	v33 =	vsub.f32 v33, v61;
	v8 =	vmul.f32 $1.428571460e+00, v8;
	v56 =	vmul.f32 $1.428571460e+00, v19;
	v29 =	vpop (erf)  }
0x264: {  	v24 =	vmul.f32 $1.442695020e+00, v24;
	(erf) = vpow2.f32 v13;
	v3 =	vadd.f32 v3, v29  }
0x265: {  	v38 =	vsub.f32 v38, v61;
	v15 =	vmul.f32 $1.442695020e+00, v15;
	v9 =	vmul.f32 $1.442695020e+00, v35;
	v35 =	vpop (erf)  }
0x266: {  	v6 =	vmul.f32 $1.442695020e+00, v56;
	(erf) = vpow2.f32 v24;
	v3 =	vadd.f32 v3, v35  }
0x267: {  	v41 =	vsub.f32 v16, v61;
	v40 =	vmul.f32 $1.428571460e+00, v26;
	v26 =	vsub.f32 v37, v61;
	v37 =	vpop (erf)  }
0x268: {  	v18 =	vmul.f32 $1.442695020e+00, v59;
	(erf) = vpow2.f32 v6;
	v3 =	vadd.f32 v3, v37  }
0x269: {  	v8 =	vmul.f32 $1.442695020e+00, v8;
	v55 =	vsub.f32 v31, v61;
	v53 =	vsub.f32 v42, v61;
	v42 =	vpop (erf)  }
0x26a: {  	v10 =	vmul.f32 $1.442695020e+00, v62;
	(erf) = vpow2.f32 v18;
	v3 =	vadd.f32 v3, v42  }
0x26b: {  	v31 =	vsub.f32 v27, v61;
	v51 =	vsub.f32 v20, v61;
	v56 =	vmul.f32 $1.428571460e+00, v53;
	v48 =	vpop (erf)  }
0x26c: {  	v49 =	vmul.f32 $1.428571460e+00, v41;
	(erf) = vpow2.f32 v10;
	v3 =	vadd.f32 v3, v48  }
0x26d: {  	v59 =	vsub.f32 v32, v61;
	v62 =	vsub.f32 v46, v61;
	v14 =	vmul.f32 $1.428571460e+00, v51;
	v52 =	vpop (erf)  }
0x26e: {  	v63 =	vmul.f32 $1.428571460e+00, v21;
	(erf) = vpow2.f32 v2;
	v2 =	vadd.f32 v3, v52  }
0x26f: {  	v46 =	vsub.f32 v44, v61;
	v7 =	vmul.f32 $1.442695020e+00, v14;
	v5 =	vmul.f32 $1.442695020e+00, v56;
	v56 =	vpop (erf)  }
0x270: {  	v14 =	vmul.f32 $1.428571460e+00, v59;
	(erf) = vpow2.f32 v15;
	v2 =	vadd.f32 v2, v56  }
0x271: {  	v36 =	vsub.f32 v43, v61;
	v11 =	vmul.f32 $1.442695020e+00, v49;
	v45 =	vsub.f32 v34, v61;
	v59 =	vpop (erf)  }
0x272: {  	v49 =	vsub.f32 v50, v61;
	(erf) = vpow2.f32 v8;
	v2 =	vadd.f32 v2, v59  }
0x273: {  	v54 =	vsub.f32 v47, v61;
	v58 =	vsub.f32 v39, v61;
	v61 =	vpop (erf)  }
0x274: {  	v0 =	vmul.f32 $1.442695020e+00, v40;
	(erf) = vpow2.f32 v9;
	v15 =	vadd.f32 v2, v61  }
0x275: {  	v28 =	vmul.f32 $1.442695020e+00, v63;
	v63 =	vpop (erf)  }
0x276: {  	v12 =	vmul.f32 $1.428571460e+00, v12;
	(erf) = vpow2.f32 v0;
	v0 =	vadd.f32 v15, v63  }
0x277: {  	v2 =	vpop (erf)  }
0x278: {  	v12 =	vmul.f32 $1.442695020e+00, v12;
	(erf) = vpow2.f32 v11;
	v0 =	vadd.f32 v0, v2  }
0x279: {  	v2 =	vpop (erf)  }
0x27a: {  	(erf) = vpow2.f32 v12;
	v0 =	vadd.f32 v0, v2  }
0x27b: {  	v2 =	vpop (erf)  }
0x27c: {  	v17 =	vmul.f32 $1.428571460e+00, v55;
	(erf) = vpow2.f32 v7;
	v0 =	vadd.f32 v0, v2  }
0x27d: {  	v2 =	vpop (erf)  }
0x27e: {  	v17 =	vmul.f32 $1.442695020e+00, v17;
	(erf) = vpow2.f32 v5;
	v0 =	vadd.f32 v0, v2  }
0x27f: {  	v2 =	vpop (erf)  }
0x280: {  	(erf) = vpow2.f32 v17;
	v0 =	vadd.f32 v0, v2  }
0x281: {  	v20 =	vmul.f32 $1.428571460e+00, v62;
	v2 =	vpop (erf)  }
0x282: {  	v14 =	vmul.f32 $1.442695020e+00, v14;
	(erf) = vpow2.f32 v28;
	v0 =	vadd.f32 v0, v2  }
0x283: {  	v32 =	vmul.f32 $1.428571460e+00, v26;
	v2 =	vpop (erf)  }
0x284: {  	v30 =	vmul.f32 $1.442695020e+00, v20;
	(erf) = vpow2.f32 v14;
	v0 =	vadd.f32 v0, v2  }
0x285: {  	v20 =	vmul.f32 $1.428571460e+00, v31;
	v2 =	vpop (erf)  }
0x286: {  	v13 =	vmul.f32 $1.442695020e+00, v32;
	(erf) = vpow2.f32 v30;
	v0 =	vadd.f32 v0, v2  }
0x287: {  	v16 =	vmul.f32 $1.428571460e+00, v33;
	v2 =	vpop (erf)  }
0x288: {  	v20 =	vmul.f32 $1.442695020e+00, v20;
	(erf) = vpow2.f32 v13;
	v0 =	vadd.f32 v0, v2  }
0x289: {  	v40 =	vmul.f32 $1.442695020e+00, v16;
	v2 =	vpop (erf)  }
0x28a: {  	v41 =	vmul.f32 $1.428571460e+00, v36;
	(erf) = vpow2.f32 v20;
	v0 =	vadd.f32 v0, v2  }
0x28b: {  	v43 =	vmul.f32 $1.428571460e+00, v38;
	v2 =	vpop (erf)  }
0x28c: {  	v16 =	vmul.f32 $1.442695020e+00, v41;
	(erf) = vpow2.f32 v40;
	v0 =	vadd.f32 v0, v2  }
0x28d: {  	v22 =	vmul.f32 $1.442695020e+00, v43;
	v2 =	vpop (erf)  }
0x28e: {  	v50 =	vmul.f32 $1.428571460e+00, v45;
	(erf) = vpow2.f32 v16;
	v0 =	vadd.f32 v0, v2  }
0x28f: {  	v51 =	vmul.f32 $1.428571460e+00, v46;
	v2 =	vpop (erf)  }
0x290: {  	v3 =	vmul.f32 $1.442695020e+00, v50;
	(erf) = vpow2.f32 v22;
	v0 =	vadd.f32 v0, v2  }
0x291: {  	v55 =	vmul.f32 $1.442695020e+00, v51;
	v2 =	vpop (erf)  }
0x292: {  	v53 =	vmul.f32 $1.428571460e+00, v49;
	(erf) = vpow2.f32 v3;
	v0 =	vadd.f32 v0, v2  }
0x293: {  	v24 =	vmul.f32 $1.428571460e+00, v54;
	v2 =	vpop (erf)  }
0x294: {  	v57 =	vmul.f32 $1.442695020e+00, v53;
	(erf) = vpow2.f32 v55;
	v0 =	vadd.f32 v0, v2  }
0x295: {  	v60 =	vmul.f32 $1.442695020e+00, v24;
	v2 =	vpop (erf)  }
0x296: {  	v23 =	vmul.f32 $1.428571460e+00, v58;
	(erf) = vpow2.f32 v57;
	v0 =	vadd.f32 v0, v2  }
0x297: {  	v2 =	vpop (erf)  }
0x298: {  	v62 =	vmul.f32 $1.442695020e+00, v23;
	(erf) = vpow2.f32 v60;
	v0 =	vadd.f32 v0, v2  }
0x299: {  	v2 =	vpop (erf)  }
0x29a: {  	(erf) = vpow2.f32 v62;
	v0 =	vadd.f32 v0, v2  }
0x29b: {  	v2 =	vpop (erf)  }
0x29c: {  	v0 =	vadd.f32 v0, v2  }
0x29d: {  	v2 =	vpop (erf)  }
0x29e: {  	v0 =	vadd.f32 v0, v2  }
0x29f: {  	v2 =	vpop (erf)  }
0x2a0: {  	v0 =	vadd.f32 v0, v2  }
0x2a1: {  	v2 =	vpop (erf)  }
0x2a2: {  	v0 =	vadd.f32 v0, v2  }
0x2a3: {  	v1 =	vsel vm13, $0x34, v1;
	v2 =	vpop (erf)  }
0x2a4: {  	v1 =	vsel vm14, $0x35, v1;
	v0 =	vadd.f32 v0, v2  }
0x2a5: {  	v1 =	vsel vm15, $0x36, v1  }
0x2a6: {  	v1 =	vsel vm4, $0x37, v1;
	(erf) = vrcp.f32 v0  }
0x2a7: {  	v1 =	vsel vm5, $0x38, v1  }
0x2a8: {  	v1 =	vsel vm6, $0x39, v1  }
0x2a9: {  	v1 =	vsel vm7, $0x3A, v1  }
0x2aa: {  	v1 =	vsel vm8, $0x3B, v1  }
0x2ab: {  	v1 =	vsel vm9, $0x3C, v1  }
0x2ac: {  	v1 =	vsel vm10, $0x3D, v1  }
0x2ad: {  	v1 =	vsel vm11, $0x3E, v1  }
0x2ae: {  	v1 =	vsel vm12, $0x3F, v1  }
0x2af: {  	vm0 =	veq.s32 v1, $0x0;
	v0 =	vpop (erf)  }
0x2b0: {  	vm13 =	veq.s32 v1, $0x1;
	v2 =	vnsel vm0, $0x0, v0  }
0x2b1: {  	s30 =	rddreg [dreg:$0x6];
	vm14 =	veq.s32 v1, $0x2;
	v3 =	vnsel vm13, $0x0, v0;
	[tilespmem:s17+$0x2000] =	vst v2  }
0x2b2: {  	vm15 =	veq.s32 v1, $0x3;
	v2 =	vnsel vm14, $0x0, v0;
	[tilespmem:s30+$0x2000] =	vst v3  }
0x2b3: {  	vm4 =	veq.s32 v1, $0x4;
	v3 =	vnsel vm15, $0x0, v0;
	s30 =	rddreg [dreg:$0x7];
	[tilespmem:s17+$0x2080] =	vst v2  }
0x2b4: {  	vm5 =	veq.s32 v1, $0x5;
	v2 =	vnsel vm4, $0x0, v0;
	[tilespmem:s30+$0x2000] =	vst v3  }
0x2b5: {  	vm6 =	veq.s32 v1, $0x6;
	v3 =	vnsel vm5, $0x0, v0;
	s30 =	rddreg [dreg:$0x8];
	[tilespmem:s17+$0x2100] =	vst v2  }
0x2b6: {  	vm7 =	veq.s32 v1, $0x7;
	v2 =	vnsel vm6, $0x0, v0;
	[tilespmem:s30+$0x2000] =	vst v3  }
0x2b7: {  	vm8 =	veq.s32 v1, $0x8;
	v3 =	vnsel vm7, $0x0, v0;
	s30 =	rddreg [dreg:$0x9];
	[tilespmem:s17+$0x2180] =	vst v2  }
0x2b8: {  	vm9 =	veq.s32 v1, $0x9;
	v2 =	vnsel vm8, $0x0, v0;
	[tilespmem:s30+$0x2000] =	vst v3  }
0x2b9: {  	vm10 =	veq.s32 v1, $0xA;
	v3 =	vnsel vm9, $0x0, v0;
	s30 =	rddreg [dreg:$0xa];
	[tilespmem:s17+$0x2200] =	vst v2  }
0x2ba: {  	vm11 =	veq.s32 v1, $0xB;
	v2 =	vnsel vm10, $0x0, v0;
	[tilespmem:s30+$0x2000] =	vst v3  }
0x2bb: {  	vm12 =	veq.s32 v1, $0xC;
	v3 =	vnsel vm11, $0x0, v0;
	s30 =	rddreg [dreg:$0xb];
	[tilespmem:s17+$0x2280] =	vst v2  }
0x2bc: {  	vm13 =	veq.s32 v1, $0xD;
	v2 =	vnsel vm12, $0x0, v0;
	[tilespmem:s30+$0x2000] =	vst v3  }
0x2bd: {  	vm14 =	veq.s32 v1, $0xE;
	v3 =	vnsel vm13, $0x0, v0;
	s30 =	rddreg [dreg:$0xc];
	[tilespmem:s17+$0x2300] =	vst v2  }
0x2be: {  	vm15 =	veq.s32 v1, $0xF;
	v2 =	vnsel vm14, $0x0, v0;
	[tilespmem:s30+$0x2000] =	vst v3  }
0x2bf: {  	vm4 =	veq.s32 v1, $0x10;
	v3 =	vnsel vm15, $0x0, v0;
	s30 =	rddreg [dreg:$0xd];
	[tilespmem:s17+$0x2380] =	vst v2  }
0x2c0: {  	vm5 =	veq.s32 v1, $0x11;
	v2 =	vnsel vm4, $0x0, v0;
	[tilespmem:s30+$0x2000] =	vst v3  }
0x2c1: {  	vm6 =	veq.s32 v1, $0x12;
	v3 =	vnsel vm5, $0x0, v0;
	s30 =	rddreg [dreg:$0xe];
	[tilespmem:s17+$0x2400] =	vst v2  }
0x2c2: {  	vm7 =	veq.s32 v1, $0x13;
	v2 =	vnsel vm6, $0x0, v0;
	[tilespmem:s30+$0x2000] =	vst v3  }
0x2c3: {  	vm8 =	veq.s32 v1, $0x14;
	v3 =	vnsel vm7, $0x0, v0;
	s30 =	rddreg [dreg:$0xf];
	[tilespmem:s17+$0x2480] =	vst v2  }
0x2c4: {  	vm9 =	veq.s32 v1, $0x15;
	v2 =	vnsel vm8, $0x0, v0;
	[tilespmem:s30+$0x2000] =	vst v3  }
0x2c5: {  	vm10 =	veq.s32 v1, $0x16;
	v3 =	vnsel vm9, $0x0, v0;
	s30 =	rddreg [dreg:$0x10];
	[tilespmem:s17+$0x2500] =	vst v2  }
0x2c6: {  	vm11 =	veq.s32 v1, $0x17;
	v2 =	vnsel vm10, $0x0, v0;
	[tilespmem:s30+$0x2000] =	vst v3  }
0x2c7: {  	vm12 =	veq.s32 v1, $0x18;
	v3 =	vnsel vm11, $0x0, v0;
	s30 =	rddreg [dreg:$0x11];
	[tilespmem:s17+$0x2580] =	vst v2  }
0x2c8: {  	vm13 =	veq.s32 v1, $0x19;
	v2 =	vnsel vm12, $0x0, v0;
	[tilespmem:s30+$0x2000] =	vst v3  }
0x2c9: {  	vm14 =	veq.s32 v1, $0x1A;
	v3 =	vnsel vm13, $0x0, v0;
	s30 =	rddreg [dreg:$0x12];
	[tilespmem:s17+$0x2600] =	vst v2  }
0x2ca: {  	vm15 =	veq.s32 v1, $0x1B;
	v2 =	vnsel vm14, $0x0, v0;
	[tilespmem:s30+$0x2000] =	vst v3  }
0x2cb: {  	vm4 =	veq.s32 v1, $0x1C;
	v3 =	vnsel vm15, $0x0, v0;
	s30 =	rddreg [dreg:$0x13];
	[tilespmem:s17+$0x2680] =	vst v2  }
0x2cc: {  	vm5 =	veq.s32 v1, $0x1D;
	v2 =	vnsel vm4, $0x0, v0;
	[tilespmem:s30+$0x2000] =	vst v3  }
0x2cd: {  	vm6 =	veq.s32 v1, $0x1E;
	v3 =	vnsel vm5, $0x0, v0;
	[tilespmem:s17+$0x2700] =	vst v2  }
0x2ce: {  	vm7 =	veq.s32 v1, $0x1F;
	v2 =	vnsel vm6, $0x0, v0;
	[tilespmem:s1+$0x2000] =	vst v3  }
0x2cf: {  	vm8 =	veq.s32 v1, $0x20;
	v3 =	vnsel vm7, $0x0, v0;
	[tilespmem:s17+$0x2780] =	vst v2  }
0x2d0: {  	vm9 =	veq.s32 v1, $0x21;
	v2 =	vnsel vm8, $0x0, v0;
	[tilespmem:s7+$0x2000] =	vst v3  }
0x2d1: {  	vm10 =	veq.s32 v1, $0x22;
	v3 =	vnsel vm9, $0x0, v0;
	[tilespmem:s17+$0x2800] =	vst v2  }
0x2d2: {  	vm11 =	veq.s32 v1, $0x23;
	v2 =	vnsel vm10, $0x0, v0;
	[tilespmem:s3+$0x2000] =	vst v3  }
0x2d3: {  	vm12 =	veq.s32 v1, $0x24;
	v3 =	vnsel vm11, $0x0, v0;
	[tilespmem:s17+$0x2880] =	vst v2  }
0x2d4: {  	vm13 =	veq.s32 v1, $0x25;
	v2 =	vnsel vm12, $0x0, v0;
	[tilespmem:s4+$0x2000] =	vst v3  }
0x2d5: {  	vm14 =	veq.s32 v1, $0x26;
	v3 =	vnsel vm13, $0x0, v0;
	[tilespmem:s17+$0x2900] =	vst v2  }
0x2d6: {  	vm15 =	veq.s32 v1, $0x27;
	v2 =	vnsel vm14, $0x0, v0;
	[tilespmem:s5+$0x2000] =	vst v3  }
0x2d7: {  	vm4 =	veq.s32 v1, $0x28;
	v3 =	vnsel vm15, $0x0, v0;
	[tilespmem:s17+$0x2980] =	vst v2  }
0x2d8: {  	vm5 =	veq.s32 v1, $0x29;
	v2 =	vnsel vm4, $0x0, v0;
	[tilespmem:s6+$0x2000] =	vst v3  }
0x2d9: {  	vm6 =	veq.s32 v1, $0x2A;
	v3 =	vnsel vm5, $0x0, v0;
	[tilespmem:s17+$0x2A00] =	vst v2  }
0x2da: {  	vm7 =	veq.s32 v1, $0x2B;
	v2 =	vnsel vm6, $0x0, v0;
	[tilespmem:s2+$0x2000] =	vst v3  }
0x2db: {  	vm8 =	veq.s32 v1, $0x2C;
	v3 =	vnsel vm7, $0x0, v0;
	[tilespmem:s17+$0x2A80] =	vst v2  }
0x2dc: {  	vm9 =	veq.s32 v1, $0x2D;
	v2 =	vnsel vm8, $0x0, v0;
	[tilespmem:s8+$0x2000] =	vst v3  }
0x2dd: {  	vm10 =	veq.s32 v1, $0x2E;
	v3 =	vnsel vm9, $0x0, v0;
	[tilespmem:s17+$0x2B00] =	vst v2  }
0x2de: {  	vm11 =	veq.s32 v1, $0x2F;
	v2 =	vnsel vm10, $0x0, v0;
	[tilespmem:s14+$0x2000] =	vst v3  }
0x2df: {  	vm12 =	veq.s32 v1, $0x30;
	v3 =	vnsel vm11, $0x0, v0;
	[tilespmem:s17+$0x2B80] =	vst v2  }
0x2e0: {  	vm13 =	veq.s32 v1, $0x31;
	v2 =	vnsel vm12, $0x0, v0;
	[tilespmem:s16+$0x2000] =	vst v3  }
0x2e1: {  	vm14 =	veq.s32 v1, $0x32;
	v3 =	vnsel vm13, $0x0, v0;
	[tilespmem:s18+$0x2000] =	vst v2  }
0x2e2: {  	vm15 =	veq.s32 v1, $0x33;
	v2 =	vnsel vm14, $0x0, v0;
	[tilespmem:s19+$0x2000] =	vst v3  }
0x2e3: {  	vm4 =	veq.s32 v1, $0x34;
	v3 =	vnsel vm15, $0x0, v0;
	[tilespmem:s20+$0x2000] =	vst v2  }
0x2e4: {  	vm5 =	veq.s32 v1, $0x35;
	v2 =	vnsel vm4, $0x0, v0;
	[tilespmem:s21+$0x2000] =	vst v3  }
0x2e5: {  	vm6 =	veq.s32 v1, $0x36;
	v3 =	vnsel vm5, $0x0, v0;
	[tilespmem:s22+$0x2000] =	vst v2  }
0x2e6: {  	vm7 =	veq.s32 v1, $0x37;
	v2 =	vnsel vm6, $0x0, v0;
	[tilespmem:s23+$0x2000] =	vst v3  }
0x2e7: {  	vm8 =	veq.s32 v1, $0x38;
	v3 =	vnsel vm7, $0x0, v0;
	[tilespmem:s24+$0x2000] =	vst v2  }
0x2e8: {  	vm9 =	veq.s32 v1, $0x39;
	v2 =	vnsel vm8, $0x0, v0;
	[tilespmem:s25+$0x2000] =	vst v3  }
0x2e9: {  	vm10 =	veq.s32 v1, $0x3A;
	v3 =	vnsel vm9, $0x0, v0;
	[tilespmem:s26+$0x2000] =	vst v2  }
.Ltmp0:
0x2ea: {  	vm11 =	veq.s32 v1, $0x3B;
	v2 =	vnsel vm10, $0x0, v0;
	[tilespmem:s28+$0x2000] =	vst v3;
	(pc) =	sbr.rel @p0 .LBB2_2-.Ltmp0, $4  }
0x2eb: {  	vm12 =	veq.s32 v1, $0x3C;
	v3 =	vnsel vm11, $0x0, v0;
	[tilespmem:s29+$0x2000] =	vst v2  }
0x2ec: {  	s1 =	rddreg [dreg:$0x3];
	vm13 =	veq.s32 v1, $0x3D;
	v2 =	vnsel vm12, $0x0, v0;
	[tilespmem:s15+$0x2000] =	vst v3  }
0x2ed: {  	s13 =	sadd.s32 $0x1, s13;
	s12 =	sadd.s32 $0x400, s12;
	s4 =	rddreg [dreg:$0x5];
	vm14 =	veq.s32 v1, $0x3E;
	vm15 =	veq.s32 v1, $0x3F;
	v3 =	vnsel vm13, $0x0, v0;
	[tilespmem:s0+$0x2000] =	vst v2  }
0x2ee: {  	s11 =	sadd.s32 $0x410, s11;
	s2 =	sand.u32 $0x1000, s12;
	s0 =	rddreg [dreg:$0x4];
	v2 =	vnsel vm14, $0x0, v0;
	v0 =	vnsel vm15, $0x0, v0;
	[tilespmem:s9+$0x2000] =	vst v3  }
0x2ef: {  	s1 =	sor.u32 s0, s2;
	[tilespmem:s31+$0x2000] =	vst v2  }
0x2f0: {  	s3 =	sor.u32 $0x40, s1;
	[tilespmem:s10+$0x2000] =	vst v0  }
0x2f1: {  	s0 =	sor.u32 s4, s2;
	v62 =	vld [tilespmem:s3+$0x0]  }
0x2f2: {  	v4 =	vld [tilespmem:s0+$0x0];
	_ =	sdelay $0x1  }
0x2f3: {  	v63 =	vld [tilespmem:s0+$0x80]  }
0x2f4: {  	s30 =	sor.u32 $0xC0, s1  }
0x2f5: {  	v61 =	vld [tilespmem:s30+$0x0]  }
0x2f6: {  	vm1 =	vgt.f32 v62, v4  }
0x2f7: {  	v58 =	vld [tilespmem:s0+$0x100];
	v1 =	vsel vm1, v62, v4  }
0x2f8: {  	s31 =	sor.u32 $0x140, s1;
	vm2 =	vgt.f32 v63, v1  }
0x2f9: {  	v59 =	vld [tilespmem:s31+$0x0];
	v1 =	vsel vm2, v63, v1  }
0x2fa: {  	vm3 =	vgt.f32 v61, v1  }
0x2fb: {  	v57 =	vld [tilespmem:s0+$0x180];
	v1 =	vsel vm3, v61, v1  }
0x2fc: {  	[dreg:$0x1d] =	wrdreg s3;
	s3 =	sor.u32 $0x1C0, s1;
	vm4 =	vgt.f32 v58, v1  }
0x2fd: {  	v60 =	vld [tilespmem:s3+$0x0];
	v1 =	vsel vm4, v58, v1  }
0x2fe: {  	vm5 =	vgt.f32 v59, v1  }
0x2ff: {  	v55 =	vld [tilespmem:s0+$0x200];
	v1 =	vsel vm5, v59, v1  }
0x300: {  	s4 =	sor.u32 $0x240, s1;
	vm6 =	vgt.f32 v57, v1  }
0x301: {  	v56 =	vld [tilespmem:s4+$0x0];
	v1 =	vsel vm6, v57, v1  }
0x302: {  	vm7 =	vgt.f32 v60, v1  }
0x303: {  	v53 =	vld [tilespmem:s0+$0x280];
	v1 =	vsel vm7, v60, v1  }
0x304: {  	s5 =	sor.u32 $0x2C0, s1;
	vm8 =	vgt.f32 v55, v1  }
0x305: {  	v54 =	vld [tilespmem:s5+$0x0];
	v1 =	vsel vm8, v55, v1  }
0x306: {  	vm9 =	vgt.f32 v56, v1  }
0x307: {  	v51 =	vld [tilespmem:s0+$0x300];
	v1 =	vsel vm9, v56, v1  }
0x308: {  	s6 =	sor.u32 $0x340, s1;
	vm10 =	vgt.f32 v53, v1  }
0x309: {  	v52 =	vld [tilespmem:s6+$0x0];
	v1 =	vsel vm10, v53, v1  }
0x30a: {  	vm11 =	vgt.f32 v54, v1  }
0x30b: {  	v49 =	vld [tilespmem:s0+$0x380];
	v1 =	vsel vm11, v54, v1  }
0x30c: {  	s7 =	sor.u32 $0x3C0, s1;
	vm12 =	vgt.f32 v51, v1  }
0x30d: {  	v50 =	vld [tilespmem:s7+$0x0];
	v1 =	vsel vm12, v51, v1  }
0x30e: {  	vm13 =	vgt.f32 v52, v1  }
0x30f: {  	v47 =	vld [tilespmem:s0+$0x400];
	v1 =	vsel vm13, v52, v1  }
0x310: {  	s8 =	sor.u32 $0x440, s1;
	vm14 =	vgt.f32 v49, v1  }
0x311: {  	v48 =	vld [tilespmem:s8+$0x0];
	v1 =	vsel vm14, v49, v1  }
0x312: {  	vm15 =	vgt.f32 v50, v1  }
0x313: {  	v45 =	vld [tilespmem:s0+$0x480];
	v1 =	vsel vm15, v50, v1  }
0x314: {  	s9 =	sor.u32 $0x4C0, s1;
	vm0 =	vgt.f32 v47, v1  }
0x315: {  	v27 =	vimm.s32 $0x0;
	v46 =	vld [tilespmem:s9+$0x0];
	v1 =	vsel vm0, v47, v1  }
0x316: {  	v0 =	vsel vm0, $0xFFFFFFFF, v27;
	vm0 =	vgt.f32 v48, v1  }
0x317: {  	v28 =	vimm.s32 $0x0;
	v43 =	vld [tilespmem:s0+$0x500];
	v1 =	vsel vm0, v48, v1  }
0x318: {  	s10 =	sor.u32 $0x540, s1;
	[tilespmem:$0x1F970] =	vst v0;
	v0 =	vsel vm0, $0xFFFFFFFF, v28;
	vm0 =	vgt.f32 v45, v1  }
0x319: {  	v29 =	vimm.s32 $0x0;
	v44 =	vld [tilespmem:s10+$0x0];
	v1 =	vsel vm0, v45, v1  }
0x31a: {  	[tilespmem:$0x1F980] =	vst v0;
	v0 =	vsel vm0, $0xFFFFFFFF, v29;
	vm0 =	vgt.f32 v46, v1  }
0x31b: {  	v30 =	vimm.s32 $0x0;
	v41 =	vld [tilespmem:s0+$0x580];
	v1 =	vsel vm0, v46, v1  }
0x31c: {  	s15 =	sor.u32 $0x5C0, s1;
	[tilespmem:$0x1F990] =	vst v0;
	v0 =	vsel vm0, $0xFFFFFFFF, v30;
	vm0 =	vgt.f32 v43, v1  }
0x31d: {  	v31 =	vimm.s32 $0x0;
	v42 =	vld [tilespmem:s15+$0x0];
	v1 =	vsel vm0, v43, v1  }
0x31e: {  	[tilespmem:$0x1F9A0] =	vst v0;
	v0 =	vsel vm0, $0xFFFFFFFF, v31;
	vm0 =	vgt.f32 v44, v1  }
0x31f: {  	v32 =	vimm.s32 $0x0;
	v39 =	vld [tilespmem:s0+$0x600];
	v1 =	vsel vm0, v44, v1  }
0x320: {  	s16 =	sor.u32 $0x640, s1;
	[tilespmem:$0x1F9B0] =	vst v0;
	v0 =	vsel vm0, $0xFFFFFFFF, v32;
	vm0 =	vgt.f32 v41, v1  }
0x321: {  	v33 =	vimm.s32 $0x0;
	v40 =	vld [tilespmem:s16+$0x0];
	v1 =	vsel vm0, v41, v1  }
0x322: {  	[tilespmem:$0x1F9C0] =	vst v0;
	v0 =	vsel vm0, $0xFFFFFFFF, v33;
	vm0 =	vgt.f32 v42, v1  }
0x323: {  	v34 =	vimm.s32 $0x0;
	v37 =	vld [tilespmem:s0+$0x680];
	v1 =	vsel vm0, v42, v1  }
0x324: {  	s17 =	sor.u32 $0x6C0, s1;
	[tilespmem:$0x1F9D0] =	vst v0;
	v0 =	vsel vm0, $0xFFFFFFFF, v34;
	vm0 =	vgt.f32 v39, v1  }
0x325: {  	v35 =	vimm.s32 $0x0;
	v38 =	vld [tilespmem:s17+$0x0];
	v1 =	vsel vm0, v39, v1  }
0x326: {  	[tilespmem:$0x1F9E0] =	vst v0;
	v0 =	vsel vm0, $0xFFFFFFFF, v35;
	vm0 =	vgt.f32 v40, v1  }
0x327: {  	v36 =	vimm.s32 $0x0;
	v35 =	vld [tilespmem:s0+$0x700];
	v1 =	vsel vm0, v40, v1  }
0x328: {  	s18 =	sor.u32 $0x740, s1;
	[tilespmem:$0x1F9F0] =	vst v0;
	v0 =	vsel vm0, $0xFFFFFFFF, v36;
	vm0 =	vgt.f32 v37, v1  }
0x329: {  	v5 =	vimm.s32 $0x0;
	v36 =	vld [tilespmem:s18+$0x0];
	v1 =	vsel vm0, v37, v1  }
0x32a: {  	[tilespmem:$0x1FA00] =	vst v0;
	v0 =	vsel vm0, $0xFFFFFFFF, v5;
	vm0 =	vgt.f32 v38, v1  }
0x32b: {  	v6 =	vimm.s32 $0x0;
	v33 =	vld [tilespmem:s0+$0x780];
	v1 =	vsel vm0, v38, v1  }
0x32c: {  	s19 =	sor.u32 $0x7C0, s1;
	[tilespmem:$0x1FA10] =	vst v0;
	v0 =	vsel vm0, $0xFFFFFFFF, v6;
	vm0 =	vgt.f32 v35, v1  }
0x32d: {  	v7 =	vimm.s32 $0x0;
	v34 =	vld [tilespmem:s19+$0x0];
	v1 =	vsel vm0, v35, v1  }
0x32e: {  	[tilespmem:$0x1FA20] =	vst v0;
	v0 =	vsel vm0, $0xFFFFFFFF, v7;
	vm0 =	vgt.f32 v36, v1  }
0x32f: {  	v8 =	vimm.s32 $0x0;
	v31 =	vld [tilespmem:s0+$0x800];
	v1 =	vsel vm0, v36, v1  }
0x330: {  	s20 =	sor.u32 $0x840, s1;
	[tilespmem:$0x1FA30] =	vst v0;
	v0 =	vsel vm0, $0xFFFFFFFF, v8;
	vm0 =	vgt.f32 v33, v1  }
0x331: {  	v9 =	vimm.s32 $0x0;
	v32 =	vld [tilespmem:s20+$0x0];
	v1 =	vsel vm0, v33, v1  }
0x332: {  	[tilespmem:$0x1FA40] =	vst v0;
	v0 =	vsel vm0, $0xFFFFFFFF, v9;
	vm0 =	vgt.f32 v34, v1  }
0x333: {  	v10 =	vimm.s32 $0x0;
	v29 =	vld [tilespmem:s0+$0x880];
	v1 =	vsel vm0, v34, v1  }
0x334: {  	s21 =	sor.u32 $0x8C0, s1;
	[tilespmem:$0x1FA50] =	vst v0;
	v0 =	vsel vm0, $0xFFFFFFFF, v10;
	vm0 =	vgt.f32 v31, v1  }
0x335: {  	v11 =	vimm.s32 $0x0;
	v30 =	vld [tilespmem:s21+$0x0];
	v1 =	vsel vm0, v31, v1  }
0x336: {  	[tilespmem:$0x1FA60] =	vst v0;
	v0 =	vsel vm0, $0xFFFFFFFF, v11;
	vm0 =	vgt.f32 v32, v1  }
0x337: {  	v12 =	vimm.s32 $0x0;
	v27 =	vld [tilespmem:s0+$0x900];
	v1 =	vsel vm0, v32, v1  }
0x338: {  	s22 =	sor.u32 $0x940, s1;
	[tilespmem:$0x1FA70] =	vst v0;
	v0 =	vsel vm0, $0xFFFFFFFF, v12;
	vm0 =	vgt.f32 v29, v1  }
0x339: {  	v13 =	vimm.s32 $0x0;
	v28 =	vld [tilespmem:s22+$0x0];
	v1 =	vsel vm0, v29, v1  }
0x33a: {  	[tilespmem:$0x1FA80] =	vst v0;
	v0 =	vsel vm0, $0xFFFFFFFF, v13;
	vm0 =	vgt.f32 v30, v1  }
0x33b: {  	v14 =	vimm.s32 $0x0;
	v25 =	vld [tilespmem:s0+$0x980];
	v1 =	vsel vm0, v30, v1  }
0x33c: {  	s23 =	sor.u32 $0x9C0, s1;
	[tilespmem:$0x1FA90] =	vst v0;
	v0 =	vsel vm0, $0xFFFFFFFF, v14;
	vm0 =	vgt.f32 v27, v1  }
0x33d: {  	v15 =	vimm.s32 $0x0;
	v26 =	vld [tilespmem:s23+$0x0];
	v1 =	vsel vm0, v27, v1  }
0x33e: {  	[tilespmem:$0x1FAA0] =	vst v0;
	v0 =	vsel vm0, $0xFFFFFFFF, v15;
	vm0 =	vgt.f32 v28, v1  }
0x33f: {  	v16 =	vimm.s32 $0x0;
	v23 =	vld [tilespmem:s0+$0xA00];
	v1 =	vsel vm0, v28, v1  }
0x340: {  	s24 =	sor.u32 $0xA40, s1;
	[tilespmem:$0x1FAB0] =	vst v0;
	v0 =	vsel vm0, $0xFFFFFFFF, v16;
	vm0 =	vgt.f32 v25, v1  }
0x341: {  	v17 =	vimm.s32 $0x0;
	v24 =	vld [tilespmem:s24+$0x0];
	v1 =	vsel vm0, v25, v1  }
0x342: {  	[tilespmem:$0x1FAD0] =	vst v0;
	v0 =	vsel vm0, $0xFFFFFFFF, v17;
	vm0 =	vgt.f32 v26, v1  }
0x343: {  	v18 =	vimm.s32 $0x0;
	v21 =	vld [tilespmem:s0+$0xA80];
	v1 =	vsel vm0, v26, v1  }
0x344: {  	s25 =	sor.u32 $0xAC0, s1;
	[tilespmem:$0x1FAE0] =	vst v0;
	v0 =	vsel vm0, $0xFFFFFFFF, v18;
	vm0 =	vgt.f32 v23, v1  }
0x345: {  	v19 =	vimm.s32 $0x0;
	v22 =	vld [tilespmem:s25+$0x0];
	v1 =	vsel vm0, v23, v1  }
0x346: {  	[tilespmem:$0x1FB00] =	vst v0;
	v0 =	vsel vm0, $0xFFFFFFFF, v19;
	vm0 =	vgt.f32 v24, v1  }
0x347: {  	v20 =	vimm.s32 $0x0;
	v19 =	vld [tilespmem:s0+$0xB00];
	v1 =	vsel vm0, v24, v1  }
0x348: {  	s26 =	sor.u32 $0xB40, s1;
	[tilespmem:$0x1FB10] =	vst v0;
	v0 =	vsel vm0, $0xFFFFFFFF, v20;
	vm0 =	vgt.f32 v21, v1  }
0x349: {  	v5 =	vimm.s32 $0x0;
	v20 =	vld [tilespmem:s26+$0x0];
	v1 =	vsel vm0, v21, v1  }
0x34a: {  	[tilespmem:$0x1FB20] =	vst v0;
	v0 =	vsel vm0, $0xFFFFFFFF, v5;
	vm0 =	vgt.f32 v22, v1  }
0x34b: {  	s14 =	sand.u32 $0x3, s13;
	v6 =	vimm.s32 $0x0;
	v17 =	vld [tilespmem:s0+$0xB80];
	v1 =	vsel vm0, v22, v1  }
0x34c: {  	s2 =	sshll.u32 s14, $0x4;
	s13 =	sor.u32 $0xBC0, s1;
	[tilespmem:$0x1FB30] =	vst v0;
	v0 =	vsel vm0, $0xFFFFFFFF, v6;
	vm0 =	vgt.f32 v19, v1  }
0x34d: {  	s2 =	sadd.s32 s2, s12;
	v7 =	vimm.s32 $0x0;
	v18 =	vld [tilespmem:s13+$0x0];
	v1 =	vsel vm0, v19, v1  }
0x34e: {  	s12 =	sor.u32 $0xC00, s2;
	[tilespmem:$0x1FB40] =	vst v0;
	v0 =	vsel vm0, $0xFFFFFFFF, v7;
	vm0 =	vgt.f32 v20, v1  }
0x34f: {  	v8 =	vimm.s32 $0x0;
	v15 =	vld [tilespmem:s12+$0x0];
	v1 =	vsel vm0, v20, v1  }
0x350: {  	s28 =	sor.u32 $0xC40, s11;
	[tilespmem:$0x1FB50] =	vst v0;
	v0 =	vsel vm0, $0xFFFFFFFF, v8;
	vm0 =	vgt.f32 v17, v1  }
0x351: {  	v9 =	vimm.s32 $0x0;
	v16 =	vld [tilespmem:s28+$0x0];
	v1 =	vsel vm0, v17, v1  }
0x352: {  	s29 =	sor.u32 $0xC80, s2;
	[tilespmem:$0x1FB60] =	vst v0;
	v0 =	vsel vm0, $0xFFFFFFFF, v9;
	vm0 =	vgt.f32 v18, v1  }
0x353: {  	v10 =	vimm.s32 $0x0;
	v13 =	vld [tilespmem:s29+$0x0];
	v1 =	vsel vm0, v18, v1  }
0x354: {  	[dreg:$0x1e] =	wrdreg s30;
	s30 =	sor.u32 $0xCC0, s11;
	[tilespmem:$0x1FB70] =	vst v0;
	v0 =	vsel vm0, $0xFFFFFFFF, v10;
	vm0 =	vgt.f32 v15, v1  }
0x355: {  	v11 =	vimm.s32 $0x0;
	v14 =	vld [tilespmem:s30+$0x0];
	v1 =	vsel vm0, v15, v1  }
0x356: {  	[dreg:$0x19] =	wrdreg s31;
	s31 =	sor.u32 $0xD00, s2;
	[tilespmem:$0x1FB80] =	vst v0;
	v0 =	vsel vm0, $0xFFFFFFFF, v11;
	vm0 =	vgt.f32 v16, v1  }
0x357: {  	v12 =	vimm.s32 $0x0;
	v11 =	vld [tilespmem:s31+$0x0];
	v1 =	vsel vm0, v16, v1  }
0x358: {  	[smem:$0x7F6] =	sst s10;
	s10 =	sor.u32 $0xD40, s11;
	[tilespmem:$0x1FB90] =	vst v0;
	v0 =	vsel vm0, $0xFFFFFFFF, v12;
	vm0 =	vgt.f32 v13, v1  }
0x359: {  	v5 =	vimm.s32 $0x0;
	v12 =	vld [tilespmem:s10+$0x0];
	v1 =	vsel vm0, v13, v1  }
0x35a: {  	[smem:$0x7F5] =	sst s9;
	s9 =	sor.u32 $0xD80, s2;
	[tilespmem:$0x1FBA0] =	vst v0;
	v0 =	vsel vm0, $0xFFFFFFFF, v5;
	vm0 =	vgt.f32 v14, v1  }
0x35b: {  	v6 =	vimm.s32 $0x0;
	v10 =	vld [tilespmem:s9+$0x0];
	v1 =	vsel vm0, v14, v1  }
0x35c: {  	[smem:$0x7F4] =	sst s8;
	s8 =	sor.u32 $0xDC0, s11;
	[tilespmem:$0x1FBB0] =	vst v0;
	v0 =	vsel vm0, $0xFFFFFFFF, v6;
	vm0 =	vgt.f32 v11, v1  }
0x35d: {  	v7 =	vimm.s32 $0x0;
	v9 =	vld [tilespmem:s8+$0x0];
	v1 =	vsel vm0, v11, v1  }
0x35e: {  	[smem:$0x7F3] =	sst s7;
	s7 =	sor.u32 $0xE00, s2;
	[tilespmem:$0x1FBC0] =	vst v0;
	v0 =	vsel vm0, $0xFFFFFFFF, v7;
	vm0 =	vgt.f32 v12, v1  }
0x35f: {  	v8 =	vimm.s32 $0x0;
	v7 =	vld [tilespmem:s7+$0x0];
	v1 =	vsel vm0, v12, v1  }
0x360: {  	[smem:$0x7F2] =	sst s6;
	s6 =	sor.u32 $0xE40, s11;
	[tilespmem:$0x1FBD0] =	vst v0;
	v0 =	vsel vm0, $0xFFFFFFFF, v8;
	vm0 =	vgt.f32 v10, v1  }
0x361: {  	v5 =	vimm.s32 $0x0;
	v8 =	vld [tilespmem:s6+$0x0];
	v1 =	vsel vm0, v10, v1  }
0x362: {  	[tilespmem:$0x1FBE0] =	vst v0;
	v0 =	vsel vm0, $0xFFFFFFFF, v5;
	vm0 =	vgt.f32 v9, v1  }
0x363: {  	v6 =	vimm.s32 $0x0;
	v5 =	vsel vm0, v9, v1  }
0x364: {  	[smem:$0x7F1] =	sst s5;
	s5 =	sor.u32 $0xE80, s2;
	[tilespmem:$0x1FBF0] =	vst v0;
	v0 =	vsel vm0, $0xFFFFFFFF, v6;
	vm0 =	vgt.f32 v7, v5  }
0x365: {  	v1 =	vld [tilespmem:s5+$0x0];
	v6 =	vimm.s32 $0x0;
	v2 =	vsel vm0, v7, v5  }
0x366: {  	[smem:$0x7F0] =	sst s4;
	s4 =	sor.u32 $0xEC0, s11;
	[tilespmem:$0x1FC00] =	vst v0;
	v0 =	vsel vm0, $0xFFFFFFFF, v6;
	v5 =	vimm.s32 $0x0;
	vm0 =	vgt.f32 v8, v2  }
0x367: {  	[dreg:$0x1c] =	wrdreg s3;
	s3 =	sor.u32 $0xF00, s2;
	v6 =	vld [tilespmem:s4+$0x0];
	[tilespmem:$0x1FC10] =	vst v0;
	v0 =	vsel vm0, $0xFFFFFFFF, v5  }
0x368: {  	[tilespmem:$0x1FC20] =	vst v0;
	v0 =	vsel vm0, v8, v2;
	v2 =	vld [tilespmem:s3+$0x0];
	_ =	sdelay $0x1  }
0x369: {  	v3 =	vimm.s32 $0x0;
	vm0 =	vgt.f32 v1, v0  }
0x36a: {  	v3 =	vsel vm0, $0xFFFFFFFF, v3;
	v0 =	vsel vm0, v1, v0  }
0x36b: {  	[tilespmem:$0x1FC30] =	vst v3;
	vm0 =	vgt.f32 v6, v0;
	v3 =	vimm.s32 $0x0  }
0x36c: {  	s1 =	sor.u32 $0xF40, s11;
	v3 =	vsel vm0, $0xFFFFFFFF, v3;
	[tilespmem:$0x1FAC0] =	vst v2  }
0x36d: {  	s2 =	sor.u32 $0xF80, s2;
	v5 =	vld [tilespmem:s1+$0x0];
	[tilespmem:$0x1FC40] =	vst v3;
	v3 =	vsel vm0, v6, v0  }
0x36e: {  	v0 =	vld [tilespmem:s2+$0x0];
	[tilespmem:$0x1FCD0] =	vst v4;
	v4 =	vimm.s32 $0x0;
	vm0 =	vgt.f32 v2, v3  }
0x36f: {  	v4 =	vsel vm0, $0xFFFFFFFF, v4  }
0x370: {  	[tilespmem:$0x1FC50] =	vst v4  }
0x371: {  	v4 =	vld [tilespmem:$0x1FCD0];
	_ =	sdelay $0x3  }
0x372: {  	s11 =	sor.u32 $0xFC0, s11;
	v3 =	vsel vm0, v2, v3  }
0x373: {  	vm0 =	vgt.f32 v5, v3;
	v2 =	vld [tilespmem:s11+$0x0];
	[tilespmem:$0x1FCD0] =	vst v4;
	v4 =	vimm.s32 $0x0  }
0x374: {  	v4 =	vsel vm0, $0xFFFFFFFF, v4  }
0x375: {  	[tilespmem:$0x1FC60] =	vst v4  }
0x376: {  	v4 =	vld [tilespmem:$0x1FCD0];
	_ =	sdelay $0x3  }
0x377: {  	v3 =	vsel vm0, v5, v3;
	[tilespmem:$0x1FAF0] =	vst v0  }
0x378: {  	vm0 =	vgt.f32 v0, v3;
	[tilespmem:$0x1FCD0] =	vst v4;
	v4 =	vimm.s32 $0x0  }
0x379: {  	v4 =	vsel vm0, $0xFFFFFFFF, v4  }
0x37a: {  	[tilespmem:$0x1FC70] =	vst v4  }
0x37b: {  	v4 =	vld [tilespmem:$0x1FCD0];
	_ =	sdelay $0x1  }
0x37c: {  	v3 =	vsel vm0, v0, v3  }
0x37d: {  	vm0 =	vgt.f32 v2, v3  }
0x37e: {  	v3 =	vsel vm0, v2, v3  }
0x37f: {  	v0 =	vimm.s32 $0x0;
	v4 =	vsub.f32 v4, v3  }
0x380: {  	v0 =	vsel vm0, $0xFFFFFFFF, v0  }
0x381: {  	[tilespmem:$0x1FC80] =	vst v0;
	v62 =	vsub.f32 v62, v3;
	v0 =	vmul.f32 $1.428571460e+00, v4  }
0x382: {  	v63 =	vsub.f32 v63, v3  }
0x383: {  	v58 =	vsub.f32 v58, v3;
	v62 =	vmul.f32 $1.428571460e+00, v62;
	v0 =	vmul.f32 $1.442695020e+00, v0  }
0x384: {  	v59 =	vsub.f32 v59, v3;
	v55 =	vsub.f32 v55, v3;
	v63 =	vmul.f32 $1.428571460e+00, v63  }
0x385: {  	(erf) = vpow2.f32 v0;
	v0 =	vsub.f32 v61, v3;
	v61 =	vmul.f32 $1.442695020e+00, v62  }
0x386: {  	v56 =	vsub.f32 v56, v3;
	v53 =	vsub.f32 v53, v3;
	v4 =	vmul.f32 $1.442695020e+00, v63  }
0x387: {  	v54 =	vsub.f32 v54, v3;
	(erf) = vpow2.f32 v61;
	v0 =	vmul.f32 $1.428571460e+00, v0  }
0x388: {  	v51 =	vsub.f32 v51, v3;
	v52 =	vsub.f32 v52, v3;
	v58 =	vmul.f32 $1.428571460e+00, v58  }
0x389: {  	v49 =	vsub.f32 v49, v3;
	(erf) = vpow2.f32 v4;
	v0 =	vmul.f32 $1.442695020e+00, v0  }
0x38a: {  	v50 =	vsub.f32 v50, v3;
	v47 =	vsub.f32 v47, v3;
	v59 =	vmul.f32 $1.428571460e+00, v59  }
0x38b: {  	v62 =	vmul.f32 $1.442695020e+00, v58;
	v61 =	vsub.f32 v57, v3;
	(erf) = vpow2.f32 v0  }
0x38c: {  	v48 =	vsub.f32 v48, v3;
	v59 =	vmul.f32 $1.442695020e+00, v59;
	v63 =	vsub.f32 v60, v3  }
0x38d: {  	v45 =	vsub.f32 v45, v3;
	v0 =	vmul.f32 $1.428571460e+00, v61;
	(erf) = vpow2.f32 v62  }
0x38e: {  	v46 =	vsub.f32 v46, v3;
	v43 =	vsub.f32 v43, v3;
	v4 =	vmul.f32 $1.428571460e+00, v63;
	v60 =	vpop (erf)  }
0x38f: {  	(erf) = vpow2.f32 v59;
	v0 =	vmul.f32 $1.442695020e+00, v0;
	v58 =	vadd.f32 $0.0e+00, v60  }
0x390: {  	v44 =	vsub.f32 v44, v3;
	v41 =	vsub.f32 v41, v3;
	v55 =	vmul.f32 $1.428571460e+00, v55;
	v61 =	vpop (erf)  }
0x391: {  	v57 =	vmul.f32 $1.442695020e+00, v4;
	(erf) = vpow2.f32 v0;
	v62 =	vadd.f32 v58, v61  }
0x392: {  	v42 =	vsub.f32 v42, v3;
	v39 =	vsub.f32 v39, v3;
	v56 =	vmul.f32 $1.428571460e+00, v56;
	v63 =	vpop (erf)  }
0x393: {  	v55 =	vmul.f32 $1.442695020e+00, v55;
	(erf) = vpow2.f32 v57;
	v0 =	vadd.f32 v62, v63  }
0x394: {  	v40 =	vsub.f32 v40, v3;
	v37 =	vsub.f32 v37, v3;
	v53 =	vmul.f32 $1.428571460e+00, v53;
	v4 =	vpop (erf)  }
0x395: {  	v56 =	vmul.f32 $1.442695020e+00, v56;
	(erf) = vpow2.f32 v55;
	v0 =	vadd.f32 v0, v4  }
0x396: {  	v38 =	vsub.f32 v38, v3;
	v35 =	vsub.f32 v35, v3;
	v54 =	vmul.f32 $1.428571460e+00, v54;
	v57 =	vpop (erf)  }
0x397: {  	v53 =	vmul.f32 $1.442695020e+00, v53;
	(erf) = vpow2.f32 v56;
	v0 =	vadd.f32 v0, v57  }
0x398: {  	v36 =	vsub.f32 v36, v3;
	v33 =	vsub.f32 v33, v3;
	v51 =	vmul.f32 $1.428571460e+00, v51;
	v58 =	vpop (erf)  }
0x399: {  	v54 =	vmul.f32 $1.442695020e+00, v54;
	(erf) = vpow2.f32 v53;
	v0 =	vadd.f32 v0, v58  }
0x39a: {  	v34 =	vsub.f32 v34, v3;
	v31 =	vsub.f32 v31, v3;
	v52 =	vmul.f32 $1.428571460e+00, v52;
	v59 =	vpop (erf)  }
0x39b: {  	v51 =	vmul.f32 $1.442695020e+00, v51;
	(erf) = vpow2.f32 v54;
	v0 =	vadd.f32 v0, v59  }
0x39c: {  	v32 =	vsub.f32 v32, v3;
	v29 =	vsub.f32 v29, v3;
	v49 =	vmul.f32 $1.428571460e+00, v49;
	v60 =	vpop (erf)  }
0x39d: {  	v52 =	vmul.f32 $1.442695020e+00, v52;
	(erf) = vpow2.f32 v51;
	v0 =	vadd.f32 v0, v60  }
0x39e: {  	v30 =	vsub.f32 v30, v3;
	v27 =	vsub.f32 v27, v3;
	v50 =	vmul.f32 $1.428571460e+00, v50;
	v61 =	vpop (erf)  }
0x39f: {  	v49 =	vmul.f32 $1.442695020e+00, v49;
	(erf) = vpow2.f32 v52;
	v0 =	vadd.f32 v0, v61  }
0x3a0: {  	v28 =	vsub.f32 v28, v3;
	v25 =	vsub.f32 v25, v3;
	v47 =	vmul.f32 $1.428571460e+00, v47;
	v62 =	vpop (erf)  }
0x3a1: {  	v50 =	vmul.f32 $1.442695020e+00, v50;
	(erf) = vpow2.f32 v49;
	v0 =	vadd.f32 v0, v62  }
0x3a2: {  	v26 =	vsub.f32 v26, v3;
	v23 =	vsub.f32 v23, v3;
	v48 =	vmul.f32 $1.428571460e+00, v48;
	v63 =	vpop (erf)  }
0x3a3: {  	v47 =	vmul.f32 $1.442695020e+00, v47;
	(erf) = vpow2.f32 v50;
	v0 =	vadd.f32 v0, v63  }
0x3a4: {  	v24 =	vsub.f32 v24, v3;
	v21 =	vsub.f32 v21, v3;
	v45 =	vmul.f32 $1.428571460e+00, v45;
	v4 =	vpop (erf)  }
0x3a5: {  	v48 =	vmul.f32 $1.442695020e+00, v48;
	(erf) = vpow2.f32 v47;
	v0 =	vadd.f32 v0, v4  }
0x3a6: {  	v22 =	vsub.f32 v22, v3;
	v46 =	vmul.f32 $1.428571460e+00, v46;
	v43 =	vmul.f32 $1.428571460e+00, v43;
	v49 =	vpop (erf)  }
0x3a7: {  	v45 =	vmul.f32 $1.442695020e+00, v45;
	(erf) = vpow2.f32 v48;
	v0 =	vadd.f32 v0, v49  }
0x3a8: {  	v19 =	vsub.f32 v19, v3;
	v44 =	vmul.f32 $1.428571460e+00, v44;
	v41 =	vmul.f32 $1.428571460e+00, v41;
	v50 =	vpop (erf)  }
0x3a9: {  	v46 =	vmul.f32 $1.442695020e+00, v46;
	(erf) = vpow2.f32 v45;
	v0 =	vadd.f32 v0, v50  }
0x3aa: {  	v20 =	vsub.f32 v20, v3;
	v42 =	vmul.f32 $1.428571460e+00, v42;
	v39 =	vmul.f32 $1.428571460e+00, v39;
	v51 =	vpop (erf)  }
0x3ab: {  	v43 =	vmul.f32 $1.442695020e+00, v43;
	(erf) = vpow2.f32 v46;
	v0 =	vadd.f32 v0, v51  }
0x3ac: {  	v17 =	vsub.f32 v17, v3;
	v40 =	vmul.f32 $1.428571460e+00, v40;
	v37 =	vmul.f32 $1.428571460e+00, v37;
	v52 =	vpop (erf)  }
0x3ad: {  	v44 =	vmul.f32 $1.442695020e+00, v44;
	(erf) = vpow2.f32 v43;
	v0 =	vadd.f32 v0, v52  }
0x3ae: {  	v18 =	vsub.f32 v18, v3;
	v38 =	vmul.f32 $1.428571460e+00, v38;
	v35 =	vmul.f32 $1.428571460e+00, v35;
	v53 =	vpop (erf)  }
0x3af: {  	v41 =	vmul.f32 $1.442695020e+00, v41;
	(erf) = vpow2.f32 v44;
	v0 =	vadd.f32 v0, v53  }
0x3b0: {  	v15 =	vsub.f32 v15, v3;
	v36 =	vmul.f32 $1.428571460e+00, v36;
	v33 =	vmul.f32 $1.428571460e+00, v33;
	v55 =	vpop (erf)  }
0x3b1: {  	v42 =	vmul.f32 $1.442695020e+00, v42;
	(erf) = vpow2.f32 v41;
	v0 =	vadd.f32 v0, v55  }
0x3b2: {  	v16 =	vsub.f32 v16, v3;
	v34 =	vmul.f32 $1.428571460e+00, v34;
	v31 =	vmul.f32 $1.428571460e+00, v31;
	v57 =	vpop (erf)  }
0x3b3: {  	v39 =	vmul.f32 $1.442695020e+00, v39;
	(erf) = vpow2.f32 v42;
	v0 =	vadd.f32 v0, v57  }
0x3b4: {  	v13 =	vsub.f32 v13, v3;
	v32 =	vmul.f32 $1.428571460e+00, v32;
	v29 =	vmul.f32 $1.428571460e+00, v29;
	v58 =	vpop (erf)  }
0x3b5: {  	v40 =	vmul.f32 $1.442695020e+00, v40;
	(erf) = vpow2.f32 v39;
	v0 =	vadd.f32 v0, v58  }
0x3b6: {  	v14 =	vsub.f32 v14, v3;
	v30 =	vmul.f32 $1.428571460e+00, v30;
	v27 =	vmul.f32 $1.428571460e+00, v27;
	v60 =	vpop (erf)  }
0x3b7: {  	v37 =	vmul.f32 $1.442695020e+00, v37;
	(erf) = vpow2.f32 v40;
	v0 =	vadd.f32 v0, v60  }
0x3b8: {  	v28 =	vmul.f32 $1.428571460e+00, v28;
	v38 =	vmul.f32 $1.442695020e+00, v38;
	v54 =	vimm.s32 $0x0;
	v61 =	vpop (erf)  }
0x3b9: {  	v43 =	vsel vm1, $0x1, v54;
	(erf) = vpow2.f32 v37;
	v0 =	vadd.f32 v0, v61  }
0x3ba: {  	v25 =	vmul.f32 $1.428571460e+00, v25;
	v35 =	vmul.f32 $1.442695020e+00, v35;
	v56 =	vsel vm2, $0x2, v43;
	v63 =	vpop (erf)  }
0x3bb: {  	v41 =	vsel vm3, $0x3, v56;
	(erf) = vpow2.f32 v38;
	v0 =	vadd.f32 v0, v63  }
0x3bc: {  	v11 =	vsub.f32 v11, v3;
	v26 =	vmul.f32 $1.428571460e+00, v26;
	v23 =	vmul.f32 $1.428571460e+00, v23;
	v4 =	vpop (erf)  }
0x3bd: {  	v36 =	vmul.f32 $1.442695020e+00, v36;
	(erf) = vpow2.f32 v35;
	v0 =	vadd.f32 v0, v4  }
0x3be: {  	v24 =	vmul.f32 $1.428571460e+00, v24;
	v21 =	vmul.f32 $1.428571460e+00, v21;
	v59 =	vsel vm4, $0x4, v41;
	v41 =	vpop (erf)  }
0x3bf: {  	v33 =	vmul.f32 $1.442695020e+00, v33;
	(erf) = vpow2.f32 v36;
	v0 =	vadd.f32 v0, v41  }
0x3c0: {  	v12 =	vsub.f32 v12, v3;
	v22 =	vmul.f32 $1.428571460e+00, v22;
	v19 =	vmul.f32 $1.428571460e+00, v19;
	v42 =	vpop (erf)  }
0x3c1: {  	v34 =	vmul.f32 $1.442695020e+00, v34;
	(erf) = vpow2.f32 v33;
	v0 =	vadd.f32 v0, v42  }
0x3c2: {  	v10 =	vsub.f32 v10, v3;
	v20 =	vmul.f32 $1.428571460e+00, v20;
	v17 =	vmul.f32 $1.428571460e+00, v17;
	v44 =	vpop (erf)  }
0x3c3: {  	v31 =	vmul.f32 $1.442695020e+00, v31;
	(erf) = vpow2.f32 v34;
	v0 =	vadd.f32 v0, v44  }
0x3c4: {  	v9 =	vsub.f32 v9, v3;
	v18 =	vmul.f32 $1.428571460e+00, v18;
	v15 =	vmul.f32 $1.428571460e+00, v15;
	v45 =	vpop (erf)  }
0x3c5: {  	v32 =	vmul.f32 $1.442695020e+00, v32;
	(erf) = vpow2.f32 v31;
	v0 =	vadd.f32 v0, v45  }
0x3c6: {  	v7 =	vsub.f32 v7, v3;
	v16 =	vmul.f32 $1.428571460e+00, v16;
	v13 =	vmul.f32 $1.428571460e+00, v13;
	v47 =	vpop (erf)  }
0x3c7: {  	v29 =	vmul.f32 $1.442695020e+00, v29;
	(erf) = vpow2.f32 v32;
	v0 =	vadd.f32 v0, v47  }
0x3c8: {  	v8 =	vsub.f32 v8, v3;
	v14 =	vmul.f32 $1.428571460e+00, v14;
	v11 =	vmul.f32 $1.428571460e+00, v11;
	v48 =	vpop (erf)  }
0x3c9: {  	v30 =	vmul.f32 $1.442695020e+00, v30;
	(erf) = vpow2.f32 v29;
	v0 =	vadd.f32 v0, v48  }
0x3ca: {  	v1 =	vsub.f32 v1, v3;
	v12 =	vmul.f32 $1.428571460e+00, v12;
	v10 =	vmul.f32 $1.428571460e+00, v10;
	v50 =	vpop (erf)  }
0x3cb: {  	v27 =	vmul.f32 $1.442695020e+00, v27;
	(erf) = vpow2.f32 v30;
	v0 =	vadd.f32 v0, v50  }
0x3cc: {  	v6 =	vsub.f32 v6, v3;
	v9 =	vmul.f32 $1.428571460e+00, v9;
	v7 =	vmul.f32 $1.428571460e+00, v7;
	v51 =	vpop (erf)  }
0x3cd: {  	v28 =	vmul.f32 $1.442695020e+00, v28;
	(erf) = vpow2.f32 v27;
	v0 =	vadd.f32 v0, v51  }
0x3ce: {  	v5 =	vsub.f32 v5, v3;
	v8 =	vmul.f32 $1.428571460e+00, v8;
	v1 =	vmul.f32 $1.428571460e+00, v1;
	v54 =	vpop (erf)  }
0x3cf: {  	v25 =	vmul.f32 $1.442695020e+00, v25;
	(erf) = vpow2.f32 v28;
	v0 =	vadd.f32 v0, v54  }
0x3d0: {  	v2 =	vsub.f32 v2, v3;
	v6 =	vmul.f32 $1.428571460e+00, v6;
	v26 =	vmul.f32 $1.442695020e+00, v26;
	v56 =	vpop (erf)  }
0x3d1: {  	v39 =	vsel vm5, $0x5, v59;
	(erf) = vpow2.f32 v25;
	v0 =	vadd.f32 v0, v56  }
0x3d2: {  	v5 =	vmul.f32 $1.428571460e+00, v5;
	v23 =	vmul.f32 $1.442695020e+00, v23;
	v62 =	vsel vm6, $0x6, v39;
	v59 =	vpop (erf)  }
0x3d3: {  	v37 =	vsel vm7, $0x7, v62;
	(erf) = vpow2.f32 v26;
	v0 =	vadd.f32 v0, v59  }
0x3d4: {  	v2 =	vmul.f32 $1.428571460e+00, v2;
	v24 =	vmul.f32 $1.442695020e+00, v24;
	v40 =	vsel vm8, $0x8, v37;
	v61 =	vpop (erf)  }
0x3d5: {  	v35 =	vsel vm9, $0x9, v40;
	(erf) = vpow2.f32 v23;
	v0 =	vadd.f32 v0, v61  }
0x3d6: {  	v21 =	vmul.f32 $1.442695020e+00, v21;
	v22 =	vmul.f32 $1.442695020e+00, v22;
	v43 =	vsel vm10, $0xA, v35;
	v28 =	vpop (erf)  }
0x3d7: {  	v33 =	vsel vm11, $0xB, v43;
	(erf) = vpow2.f32 v24;
	v0 =	vadd.f32 v0, v28  }
0x3d8: {  	v19 =	vmul.f32 $1.442695020e+00, v19;
	v20 =	vmul.f32 $1.442695020e+00, v20;
	v30 =	vpop (erf)  }
0x3d9: {  	v17 =	vmul.f32 $1.442695020e+00, v17;
	v52 =	vld [tilespmem:$0x1F970];
	(erf) = vpow2.f32 v21;
	v0 =	vadd.f32 v0, v30  }
0x3da: {  	v18 =	vmul.f32 $1.442695020e+00, v18;
	v15 =	vmul.f32 $1.442695020e+00, v15;
	v55 =	vld [tilespmem:$0x1F980];
	v46 =	vsel vm12, $0xC, v33;
	v33 =	vpop (erf)  }
0x3db: {  	v16 =	vmul.f32 $1.442695020e+00, v16;
	v57 =	vld [tilespmem:$0x1F990];
	(erf) = vpow2.f32 v22;
	v0 =	vadd.f32 v0, v33  }
0x3dc: {  	v13 =	vmul.f32 $1.442695020e+00, v13;
	v14 =	vmul.f32 $1.442695020e+00, v14;
	v62 =	vld [tilespmem:$0x1F9B0];
	v31 =	vsel vm13, $0xD, v46;
	v35 =	vpop (erf)  }
0x3dd: {  	v49 =	vsel vm14, $0xE, v31;
	v60 =	vld [tilespmem:$0x1F9A0];
	(erf) = vpow2.f32 v19;
	v0 =	vadd.f32 v0, v35  }
0x3de: {  	v11 =	vmul.f32 $1.442695020e+00, v11;
	vm13 =	vnez.u8 v52;
	v31 =	vld [tilespmem:$0x1F9D0];
	v29 =	vsel vm15, $0xF, v49;
	v38 =	vpop (erf)  }
0x3df: {  	v53 =	vsel vm13, $0x10, v29;
	v29 =	vld [tilespmem:$0x1F9C0];
	(erf) = vpow2.f32 v20;
	v0 =	vadd.f32 v0, v38  }
0x3e0: {  	v12 =	vmul.f32 $1.442695020e+00, v12;
	v36 =	vld [tilespmem:$0x1F9F0];
	vm14 =	vnez.u8 v55;
	vm15 =	vnez.u8 v57;
	v40 =	vpop (erf)  }
0x3e1: {  	v34 =	vld [tilespmem:$0x1F9E0];
	v27 =	vsel vm14, $0x11, v53;
	(erf) = vpow2.f32 v17;
	v0 =	vadd.f32 v0, v40  }
0x3e2: {  	v39 =	vld [tilespmem:$0x1FA00];
	vm5 =	vnez.u8 v62;
	vm4 =	vnez.u8 v60;
	v58 =	vsel vm15, $0x12, v27;
	v43 =	vpop (erf)  }
0x3e3: {  	v25 =	vsel vm4, $0x13, v58;
	v41 =	vld [tilespmem:$0x1FA10];
	(erf) = vpow2.f32 v18;
	v0 =	vadd.f32 v0, v43  }
0x3e4: {  	vm7 =	vnez.u8 v31;
	v63 =	vsel vm5, $0x14, v25;
	vm6 =	vnez.u8 v29;
	v45 =	vpop (erf)  }
0x3e5: {  	v46 =	vld [tilespmem:$0x1FA30];
	v23 =	vsel vm6, $0x15, v63;
	(erf) = vpow2.f32 v15;
	v0 =	vadd.f32 v0, v45  }
0x3e6: {  	vm9 =	vnez.u8 v36;
	vm8 =	vnez.u8 v34;
	v32 =	vsel vm7, $0x16, v23;
	v44 =	vld [tilespmem:$0x1FA20];
	v48 =	vpop (erf)  }
0x3e7: {  	v49 =	vld [tilespmem:$0x1FA40];
	v21 =	vsel vm8, $0x17, v32;
	(erf) = vpow2.f32 v16;
	v0 =	vadd.f32 v0, v48  }
0x3e8: {  	vm10 =	vnez.u8 v39;
	v25 =	vld [tilespmem:$0x1FB00];
	vm11 =	vnez.u8 v41;
	v37 =	vsel vm9, $0x18, v21;
	v50 =	vpop (erf)  }
0x3e9: {  	v22 =	vld [tilespmem:$0x1FAE0];
	v19 =	vsel vm10, $0x19, v37;
	(erf) = vpow2.f32 v13;
	v0 =	vadd.f32 v0, v50  }
0x3ea: {  	v10 =	vmul.f32 $1.442695020e+00, v10;
	v9 =	vmul.f32 $1.442695020e+00, v9;
	v42 =	vsel vm11, $0x1A, v19;
	v51 =	vld [tilespmem:$0x1FA50];
	v53 =	vpop (erf)  }
0x3eb: {  	vm12 =	vnez.u8 v44;
	v19 =	vld [tilespmem:$0x1FAD0];
	(erf) = vpow2.f32 v14;
	v0 =	vadd.f32 v0, v53  }
0x3ec: {  	vm13 =	vnez.u8 v46;
	vm14 =	vnez.u8 v49;
	v17 =	vsel vm12, $0x1B, v42;
	v54 =	vld [tilespmem:$0x1FA60];
	v55 =	vpop (erf)  }
0x3ed: {  	v47 =	vsel vm13, $0x1C, v17;
	v18 =	vld [tilespmem:$0x1FAC0];
	(erf) = vpow2.f32 v11;
	v0 =	vadd.f32 v0, v55  }
0x3ee: {  	v7 =	vmul.f32 $1.442695020e+00, v7;
	v8 =	vmul.f32 $1.442695020e+00, v8;
	v15 =	vsel vm14, $0x1D, v47;
	v56 =	vld [tilespmem:$0x1FA70];
	v58 =	vpop (erf)  }
0x3ef: {  	vm15 =	vnez.u8 v51;
	v59 =	vld [tilespmem:$0x1FA80];
	(erf) = vpow2.f32 v12;
	v0 =	vadd.f32 v0, v58  }
0x3f0: {  	v1 =	vmul.f32 $1.442695020e+00, v1;
	v6 =	vmul.f32 $1.442695020e+00, v6;
	v52 =	vsel vm15, $0x1E, v15;
	v61 =	vld [tilespmem:$0x1FA90];
	v60 =	vpop (erf)  }
0x3f1: {  	vm4 =	vnez.u8 v54;
	v12 =	vld [tilespmem:$0x1FAA0];
	(erf) = vpow2.f32 v10;
	v0 =	vadd.f32 v0, v60  }
0x3f2: {  	vm11 =	vnez.u8 v22;
	vm12 =	vnez.u8 v25;
	v13 =	vsel vm4, $0x1F, v52;
	v63 =	vpop (erf)  }
0x3f3: {  	v15 =	vld [tilespmem:$0x1FAB0];
	vm5 =	vnez.u8 v56;
	(erf) = vpow2.f32 v9;
	v0 =	vadd.f32 v0, v63  }
0x3f4: {  	vm10 =	vnez.u8 v19;
	v4 =	vsub.f32 v18, v3;
	v57 =	vsel vm5, $0x20, v13;
	v14 =	vpop (erf)  }
0x3f5: {  	vm6 =	vnez.u8 v59;
	(erf) = vpow2.f32 v7;
	v0 =	vadd.f32 v0, v14  }
0x3f6: {  	v24 =	vld [tilespmem:$0x1FAF0];
	v11 =	vsel vm6, $0x21, v57;
	vm7 =	vnez.u8 v61;
	vm8 =	vnez.u8 v12;
	v17 =	vpop (erf)  }
0x3f7: {  	v28 =	vld [tilespmem:$0x1FB10];
	v62 =	vsel vm7, $0x22, v11;
	(erf) = vpow2.f32 v8;
	v0 =	vadd.f32 v0, v17  }
0x3f8: {  	v21 =	vmul.f32 $1.428571460e+00, v4;
	vm9 =	vnez.u8 v15;
	v13 =	vsel vm8, $0x23, v62;
	v20 =	vpop (erf)  }
0x3f9: {  	v30 =	vld [tilespmem:$0x1FB20];
	v16 =	vsel vm9, $0x24, v13;
	(erf) = vpow2.f32 v1;
	v0 =	vadd.f32 v0, v20  }
0x3fa: {  	v33 =	vld [tilespmem:$0x1FB30];
	v1 =	vmul.f32 $1.442695020e+00, v21;
	v7 =	vsel vm10, $0x25, v16;
	(erf) = vpow2.f32 v6;
	v23 =	vpop (erf)  }
0x3fb: {  	v35 =	vld [tilespmem:$0x1FB40];
	v6 =	vsub.f32 v24, v3;
	v4 =	vsel vm11, $0x26, v7;
	v0 =	vadd.f32 v0, v23  }
0x3fc: {  	v5 =	vmul.f32 $1.442695020e+00, v5;
	v36 =	vld [tilespmem:$0x1FB50];
	vm13 =	vnez.u8 v28;
	v4 =	vsel vm12, $0x27, v4;
	v26 =	vpop (erf)  }
0x3fd: {  	v38 =	vld [tilespmem:$0x1FB60];
	(erf) = vpow2.f32 v1;
	v27 =	vmul.f32 $1.428571460e+00, v6;
	v0 =	vadd.f32 v0, v26  }
0x3fe: {  	v32 =	vmul.f32 $1.442695020e+00, v2;
	vm14 =	vnez.u8 v30;
	v3 =	vsel vm13, $0x28, v4;
	v29 =	vpop (erf)  }
0x3ff: {  	v39 =	vld [tilespmem:$0x1FB70];
	(erf) = vpow2.f32 v5;
	v1 =	vmul.f32 $1.442695020e+00, v27;
	v0 =	vadd.f32 v0, v29  }
0x400: {  	v41 =	vld [tilespmem:$0x1FB80];
	vm15 =	vnez.u8 v33;
	v3 =	vsel vm14, $0x29, v3;
	vm4 =	vnez.u8 v35;
	v31 =	vpop (erf)  }
0x401: {  	v42 =	vld [tilespmem:$0x1FB90];
	v2 =	vsel vm15, $0x2A, v3;
	(erf) = vpow2.f32 v1;
	v0 =	vadd.f32 v0, v31  }
0x402: {  	v44 =	vld [tilespmem:$0x1FBA0];
	vm5 =	vnez.u8 v36;
	v2 =	vsel vm4, $0x2B, v2;
	vm6 =	vnez.u8 v38;
	v34 =	vpop (erf)  }
0x403: {  	(erf) = vpow2.f32 v32;
	v1 =	vsel vm5, $0x2C, v2;
	v45 =	vld [tilespmem:$0x1FBB0];
	v0 =	vadd.f32 v0, v34  }
0x404: {  	v47 =	vld [tilespmem:$0x1FBC0];
	vm7 =	vnez.u8 v39;
	v1 =	vsel vm6, $0x2D, v1;
	v37 =	vpop (erf)  }
0x405: {  	vm8 =	vnez.u8 v41;
	v1 =	vsel vm7, $0x2E, v1;
	v48 =	vld [tilespmem:$0x1FBD0];
	v0 =	vadd.f32 v0, v37  }
0x406: {  	vm9 =	vnez.u8 v42;
	v1 =	vsel vm8, $0x2F, v1;
	v40 =	vpop (erf);
	v50 =	vld [tilespmem:$0x1FBE0]  }
0x407: {  	v51 =	vld [tilespmem:$0x1FBF0];
	vm10 =	vnez.u8 v44;
	v1 =	vsel vm9, $0x30, v1;
	v0 =	vadd.f32 v0, v40  }
0x408: {  	v52 =	vld [tilespmem:$0x1FC00];
	v43 =	vpop (erf);
	v1 =	vsel vm10, $0x31, v1;
	vm11 =	vnez.u8 v45  }
0x409: {  	vm12 =	vnez.u8 v47;
	v1 =	vsel vm11, $0x32, v1;
	v53 =	vld [tilespmem:$0x1FC10];
	v0 =	vadd.f32 v0, v43  }
0x40a: {  	v54 =	vld [tilespmem:$0x1FC20];
	v1 =	vsel vm12, $0x33, v1;
	vm13 =	vnez.u8 v48;
	v46 =	vpop (erf)  }
0x40b: {  	v1 =	vsel vm13, $0x34, v1;
	v55 =	vld [tilespmem:$0x1FC30];
	vm14 =	vnez.u8 v50;
	v0 =	vadd.f32 v0, v46  }
0x40c: {  	v56 =	vld [tilespmem:$0x1FC40];
	vm15 =	vnez.u8 v51;
	v49 =	vpop (erf);
	v1 =	vsel vm14, $0x35, v1  }
0x40d: {  	v57 =	vld [tilespmem:$0x1FC50];
	vm4 =	vnez.u8 v52;
	v1 =	vsel vm15, $0x36, v1;
	v0 =	vadd.f32 v0, v49  }
0x40e: {  	v58 =	vld [tilespmem:$0x1FC60];
	vm5 =	vnez.u8 v53;
	v1 =	vsel vm4, $0x37, v1  }
0x40f: {  	v59 =	vld [tilespmem:$0x1FC70];
	vm6 =	vnez.u8 v54;
	(erf) = vrcp.f32 v0;
	v0 =	vsel vm5, $0x38, v1  }
0x410: {  	vm7 =	vnez.u8 v55;
	v0 =	vsel vm6, $0x39, v0  }
0x411: {  	vm8 =	vnez.u8 v56;
	v60 =	vld [tilespmem:$0x1FC80];
	v0 =	vsel vm7, $0x3A, v0  }
0x412: {  	vm9 =	vnez.u8 v57;
	v0 =	vsel vm8, $0x3B, v0  }
0x413: {  	vm10 =	vnez.u8 v58;
	v0 =	vsel vm9, $0x3C, v0  }
0x414: {  	vm11 =	vnez.u8 v59;
	v0 =	vsel vm10, $0x3D, v0  }
0x415: {  	v0 =	vsel vm11, $0x3E, v0  }
0x416: {  	vm12 =	vnez.u8 v60  }
0x417: {  	v1 =	vsel vm12, $0x3F, v0  }
0x418: {  	vm0 =	veq.s32 v1, $0x0;
	v0 =	vpop (erf)  }
0x419: {  	vm13 =	veq.s32 v1, $0x1;
	v61 =	vnsel vm0, $0x0, v0  }
0x41a: {  	s14 =	rddreg [dreg:$0x1d];
	vm14 =	veq.s32 v1, $0x2;
	v62 =	vnsel vm13, $0x0, v0;
	[tilespmem:s0+$0x2000] =	vst v61  }
0x41b: {  	vm15 =	veq.s32 v1, $0x3;
	v63 =	vnsel vm14, $0x0, v0;
	[tilespmem:s14+$0x2000] =	vst v62  }
0x41c: {  	vm4 =	veq.s32 v1, $0x4;
	v4 =	vnsel vm15, $0x0, v0;
	s14 =	rddreg [dreg:$0x1e];
	[tilespmem:s0+$0x2080] =	vst v63  }
0x41d: {  	vm5 =	veq.s32 v1, $0x5;
	v5 =	vnsel vm4, $0x0, v0;
	[tilespmem:s14+$0x2000] =	vst v4  }
0x41e: {  	vm6 =	veq.s32 v1, $0x6;
	v6 =	vnsel vm5, $0x0, v0;
	s14 =	rddreg [dreg:$0x19];
	[tilespmem:s0+$0x2100] =	vst v5  }
0x41f: {  	vm7 =	veq.s32 v1, $0x7;
	v7 =	vnsel vm6, $0x0, v0;
	[tilespmem:s14+$0x2000] =	vst v6  }
0x420: {  	v8 =	vnsel vm7, $0x0, v0;
	s14 =	rddreg [dreg:$0x1c];
	[tilespmem:s0+$0x2180] =	vst v7  }
0x421: {  	vm8 =	veq.s32 v1, $0x8;
	[tilespmem:s14+$0x2000] =	vst v8;
	s14 =	sld [smem:$0x7F0]  }
0x422: {  	vm9 =	veq.s32 v1, $0x9;
	v9 =	vnsel vm8, $0x0, v0  }
0x423: {  	v10 =	vnsel vm9, $0x0, v0;
	[tilespmem:s0+$0x2200] =	vst v9  }
0x424: {  	vm10 =	veq.s32 v1, $0xA;
	[tilespmem:s14+$0x2000] =	vst v10;
	s14 =	sld [smem:$0x7F1]  }
0x425: {  	vm11 =	veq.s32 v1, $0xB;
	v11 =	vnsel vm10, $0x0, v0  }
0x426: {  	v12 =	vnsel vm11, $0x0, v0;
	[tilespmem:s0+$0x2280] =	vst v11  }
0x427: {  	vm12 =	veq.s32 v1, $0xC;
	[tilespmem:s14+$0x2000] =	vst v12;
	s14 =	sld [smem:$0x7F2]  }
0x428: {  	v13 =	vnsel vm12, $0x0, v0;
	vm13 =	veq.s32 v1, $0xD  }
0x429: {  	v14 =	vnsel vm13, $0x0, v0;
	[tilespmem:s0+$0x2300] =	vst v13  }
0x42a: {  	vm14 =	veq.s32 v1, $0xE;
	[tilespmem:s14+$0x2000] =	vst v14;
	s14 =	sld [smem:$0x7F3]  }
0x42b: {  	vm15 =	veq.s32 v1, $0xF;
	v15 =	vnsel vm14, $0x0, v0  }
0x42c: {  	v16 =	vnsel vm15, $0x0, v0;
	[tilespmem:s0+$0x2380] =	vst v15  }
0x42d: {  	vm4 =	veq.s32 v1, $0x10;
	[tilespmem:s14+$0x2000] =	vst v16;
	s14 =	sld [smem:$0x7F4]  }
0x42e: {  	vm5 =	veq.s32 v1, $0x11;
	v17 =	vnsel vm4, $0x0, v0  }
0x42f: {  	v18 =	vnsel vm5, $0x0, v0;
	[tilespmem:s0+$0x2400] =	vst v17  }
0x430: {  	vm6 =	veq.s32 v1, $0x12;
	[tilespmem:s14+$0x2000] =	vst v18;
	s14 =	sld [smem:$0x7F5]  }
0x431: {  	vm7 =	veq.s32 v1, $0x13;
	v19 =	vnsel vm6, $0x0, v0  }
0x432: {  	v20 =	vnsel vm7, $0x0, v0;
	[tilespmem:s0+$0x2480] =	vst v19  }
0x433: {  	vm8 =	veq.s32 v1, $0x14;
	[tilespmem:s14+$0x2000] =	vst v20;
	s14 =	sld [smem:$0x7F6]  }
0x434: {  	vm9 =	veq.s32 v1, $0x15;
	v21 =	vnsel vm8, $0x0, v0  }
0x435: {  	vm10 =	veq.s32 v1, $0x16;
	v22 =	vnsel vm9, $0x0, v0;
	[tilespmem:s0+$0x2500] =	vst v21  }
0x436: {  	vm11 =	veq.s32 v1, $0x17;
	v23 =	vnsel vm10, $0x0, v0;
	[tilespmem:s14+$0x2000] =	vst v22  }
0x437: {  	vm12 =	veq.s32 v1, $0x18;
	v24 =	vnsel vm11, $0x0, v0;
	[tilespmem:s0+$0x2580] =	vst v23  }
0x438: {  	v25 =	vnsel vm12, $0x0, v0;
	vm13 =	veq.s32 v1, $0x19;
	[tilespmem:s15+$0x2000] =	vst v24  }
0x439: {  	vm14 =	veq.s32 v1, $0x1A;
	v26 =	vnsel vm13, $0x0, v0;
	[tilespmem:s0+$0x2600] =	vst v25  }
0x43a: {  	vm15 =	veq.s32 v1, $0x1B;
	v27 =	vnsel vm14, $0x0, v0;
	[tilespmem:s16+$0x2000] =	vst v26  }
0x43b: {  	vm4 =	veq.s32 v1, $0x1C;
	v28 =	vnsel vm15, $0x0, v0;
	[tilespmem:s0+$0x2680] =	vst v27  }
0x43c: {  	vm5 =	veq.s32 v1, $0x1D;
	v29 =	vnsel vm4, $0x0, v0;
	[tilespmem:s17+$0x2000] =	vst v28  }
0x43d: {  	vm6 =	veq.s32 v1, $0x1E;
	v30 =	vnsel vm5, $0x0, v0;
	[tilespmem:s0+$0x2700] =	vst v29  }
0x43e: {  	vm7 =	veq.s32 v1, $0x1F;
	v31 =	vnsel vm6, $0x0, v0;
	[tilespmem:s18+$0x2000] =	vst v30  }
0x43f: {  	vm8 =	veq.s32 v1, $0x20;
	v32 =	vnsel vm7, $0x0, v0;
	[tilespmem:s0+$0x2780] =	vst v31  }
0x440: {  	vm9 =	veq.s32 v1, $0x21;
	v33 =	vnsel vm8, $0x0, v0;
	[tilespmem:s19+$0x2000] =	vst v32  }
0x441: {  	vm10 =	veq.s32 v1, $0x22;
	v34 =	vnsel vm9, $0x0, v0;
	[tilespmem:s0+$0x2800] =	vst v33  }
0x442: {  	vm11 =	veq.s32 v1, $0x23;
	v35 =	vnsel vm10, $0x0, v0;
	[tilespmem:s20+$0x2000] =	vst v34  }
0x443: {  	vm12 =	veq.s32 v1, $0x24;
	v36 =	vnsel vm11, $0x0, v0;
	[tilespmem:s0+$0x2880] =	vst v35  }
0x444: {  	v37 =	vnsel vm12, $0x0, v0;
	vm13 =	veq.s32 v1, $0x25;
	[tilespmem:s21+$0x2000] =	vst v36  }
0x445: {  	vm14 =	veq.s32 v1, $0x26;
	v38 =	vnsel vm13, $0x0, v0;
	[tilespmem:s0+$0x2900] =	vst v37  }
0x446: {  	vm15 =	veq.s32 v1, $0x27;
	v39 =	vnsel vm14, $0x0, v0;
	[tilespmem:s22+$0x2000] =	vst v38  }
0x447: {  	vm4 =	veq.s32 v1, $0x28;
	v40 =	vnsel vm15, $0x0, v0;
	[tilespmem:s0+$0x2980] =	vst v39  }
0x448: {  	vm5 =	veq.s32 v1, $0x29;
	v41 =	vnsel vm4, $0x0, v0;
	[tilespmem:s23+$0x2000] =	vst v40  }
0x449: {  	vm6 =	veq.s32 v1, $0x2A;
	v42 =	vnsel vm5, $0x0, v0;
	[tilespmem:s0+$0x2A00] =	vst v41  }
0x44a: {  	vm7 =	veq.s32 v1, $0x2B;
	v43 =	vnsel vm6, $0x0, v0;
	[tilespmem:s24+$0x2000] =	vst v42  }
0x44b: {  	vm8 =	veq.s32 v1, $0x2C;
	v44 =	vnsel vm7, $0x0, v0;
	[tilespmem:s0+$0x2A80] =	vst v43  }
0x44c: {  	vm9 =	veq.s32 v1, $0x2D;
	v45 =	vnsel vm8, $0x0, v0;
	[tilespmem:s25+$0x2000] =	vst v44  }
0x44d: {  	vm10 =	veq.s32 v1, $0x2E;
	v46 =	vnsel vm9, $0x0, v0;
	[tilespmem:s0+$0x2B00] =	vst v45  }
0x44e: {  	vm11 =	veq.s32 v1, $0x2F;
	v47 =	vnsel vm10, $0x0, v0;
	[tilespmem:s26+$0x2000] =	vst v46  }
0x44f: {  	vm12 =	veq.s32 v1, $0x30;
	v48 =	vnsel vm11, $0x0, v0;
	[tilespmem:s0+$0x2B80] =	vst v47  }
0x450: {  	v49 =	vnsel vm12, $0x0, v0;
	vm13 =	veq.s32 v1, $0x31;
	[tilespmem:s13+$0x2000] =	vst v48  }
0x451: {  	vm14 =	veq.s32 v1, $0x32;
	v50 =	vnsel vm13, $0x0, v0;
	[tilespmem:s12+$0x2000] =	vst v49  }
0x452: {  	vm15 =	veq.s32 v1, $0x33;
	v51 =	vnsel vm14, $0x0, v0;
	[tilespmem:s28+$0x2000] =	vst v50  }
0x453: {  	vm4 =	veq.s32 v1, $0x34;
	v52 =	vnsel vm15, $0x0, v0;
	[tilespmem:s29+$0x2000] =	vst v51  }
0x454: {  	vm5 =	veq.s32 v1, $0x35;
	v53 =	vnsel vm4, $0x0, v0;
	[tilespmem:s30+$0x2000] =	vst v52  }
0x455: {  	vm6 =	veq.s32 v1, $0x36;
	v54 =	vnsel vm5, $0x0, v0;
	[tilespmem:s31+$0x2000] =	vst v53  }
0x456: {  	vm7 =	veq.s32 v1, $0x37;
	v55 =	vnsel vm6, $0x0, v0;
	[tilespmem:s10+$0x2000] =	vst v54  }
0x457: {  	vm8 =	veq.s32 v1, $0x38;
	v56 =	vnsel vm7, $0x0, v0;
	[tilespmem:s9+$0x2000] =	vst v55  }
0x458: {  	vm9 =	veq.s32 v1, $0x39;
	v57 =	vnsel vm8, $0x0, v0;
	[tilespmem:s8+$0x2000] =	vst v56  }
0x459: {  	vm10 =	veq.s32 v1, $0x3A;
	v58 =	vnsel vm9, $0x0, v0;
	[tilespmem:s7+$0x2000] =	vst v57  }
0x45a: {  	vm11 =	veq.s32 v1, $0x3B;
	v59 =	vnsel vm10, $0x0, v0;
	[tilespmem:s6+$0x2000] =	vst v58  }
0x45b: {  	vm12 =	veq.s32 v1, $0x3C;
	v60 =	vnsel vm11, $0x0, v0;
	[tilespmem:s5+$0x2000] =	vst v59  }
0x45c: {  	v61 =	vnsel vm12, $0x0, v0;
	vm13 =	veq.s32 v1, $0x3D;
	[tilespmem:s4+$0x2000] =	vst v60  }
0x45d: {  	vm14 =	veq.s32 v1, $0x3E;
	v62 =	vnsel vm13, $0x0, v0;
	[tilespmem:s3+$0x2000] =	vst v61  }
0x45e: {  	vm15 =	veq.s32 v1, $0x3F;
	v63 =	vnsel vm14, $0x0, v0;
	[tilespmem:s1+$0x2000] =	vst v62  }
0x45f: {  	v0 =	vnsel vm15, $0x0, v0;
	s28 =	rddreg [dreg:$0x15];
	[tilespmem:s2+$0x2000] =	vst v63  }
0x460: {  	s29 =	simm.s32 $0x2000;
	s5 =	simm.s32 $0x0;
	s2 =	simm.s32 $0x1;
	[tilespmem:s11+$0x2000] =	vst v0  }
0x461: {  	[hbm4b:s28+s5] =	stream.linear.scatter [tilespmem:s29], [sflag:$0x1], $0x2000, $0x38;
	[tilespmem:$0x4000] =	vst v63  }
0x462: {  	_ =	swait.ge [sflag:s2], $0x2000  }
0x463: {  	s30 =	rddreg [dreg:$0x17]  }
0x464: {  	s31 =	rddreg [dreg:$0x16];
	s1 =	sadd.s32 $0x1, s30  }
0x465: {  	p0 =	sne.s32 s1, s31  }
.Ltmp1:
0x466: {  	_ = 	snop;
	(pc) =	sbr.rel @p0 .LBB2_1-.Ltmp1, $3  }
0x467: {  	_ =	sdelay $0x1  }
0x468: {  	[sflag:s2] =	ssyncset.done $0x0  }
0x469: {  	[sflag:s2] =	ssyncadd.s32 $0xFFFFE000  }
0x46a: {  	_ =	sfence.sel $0x180000  }
0x46b: {  	[bflag:$0x0] =	sbarrier.arrive $0xFFFF  }
0x46c: {  	_ =	strace $0x90000047  }
0x46d: {  	s0 =	stileid.u32;
	[bflag:$0x2] =	sbarrier.arrive $0xFFFF  }
0x46e: {  	p0 =	sne.s32 s0, $0x0;
	s0 =	rddreg [dreg:$0x2]  }
0x46f: {  	s0 =	sadd.s32 @!p0 $0x100000, s0  }
0x470: {  	[sflag:s0] =	ssyncadd.tile.s32 @!p0 $0x1;
	_ =	shalt  }
.Lfunc_end2:
_tile_overlayer_lowered:
.L_overlay_start_2:
0x471: {  	(tag) =	ssettag $0x2  }
0x472: {  	s0 =	rddreg [dreg:$0x0];
	s2 =	stileid.u32  }
0x473: {  	s1 =	rddreg [dreg:$0x1];
	p0 =	sne.s32 s2, $0x0  }
0x474: {  	s3 =	rddreg [dreg:$0x2];
	[bflag:$0x3] =	sbarrier.arrive $0xFFFF;
	s2 =	simm.s32 @!p0 $0x1C01  }
0x475: {  	[timem:s3], [sflag:s2] =	dma.local @!p0 [hbm:s0], s1  }
0x476: {  	s0 =	simm.s32 @!p0 $0x1  }
0x477: {  	_ =	swait.ge @!p0 [sflag:s0], s1  }
0x478: {  	s1 =	ssub.s32 @!p0 $0x0, s1;
	[sflag:s0] =	ssyncset.done @!p0 $0x0  }
0x479: {  	[sflag:s0] =	ssyncadd.s32 @!p0 s1  }
0x47a: {  	[bflag:$0x3] =	sbarrier.arrive $0xFFFF  }
0x47b: {  	_ =	shalt  }

</sc_bundles>
